<compile_context>
chip_gen: v7x
topology: tpu7x:2x2x1
jax: 0.10.2.dev20260603
libtpu: 0.0.44.dev20260713+nightly
codegen_flags: <defaults>
</compile_context>

<pallas_src>
import functools

import jax
import jax.numpy as jnp
from jax import lax
from jax.experimental import pallas as pl
from jax.experimental.pallas import tpu as pltpu
from jax.experimental.pallas import tpu_sc as plsc

_N = 10000
_E = 160000
_D = 256
_B = 4096
_C = 7

_NC = 2
_NS = 16
_L = 16

_DH = _D // 2
_SPR = _N
_G = 80
_EPW = _E // _NS
_FULL = _EPW // _G

_mesh = plsc.VectorSubcoreMesh(
    core_axis_name="c", subcore_axis_name="s",
    num_cores=_NC, num_subcores=_NS)


@functools.partial(
    pl.kernel,
    out_type=[jax.ShapeDtypeStruct((_N, _DH), jnp.float32),
              jax.ShapeDtypeStruct((_N, _DH), jnp.float32)],
    mesh=_mesh,
    scratch_types=[
        pltpu.VMEM((3, _G), jnp.int32),
        pltpu.VMEM((3, _G), jnp.int32),
        pltpu.VMEM((4, _G), jnp.int32),
        pltpu.VMEM((4, _G, _DH), jnp.float32),
        pltpu.VMEM_SHARED((_SPR, _DH), jnp.float32),
        pltpu.SemaphoreType.DMA((3,)),
        pltpu.SemaphoreType.DMA((3,)),
        pltpu.SemaphoreType.DMA((4,)),
        pltpu.SemaphoreType.DMA((4,)),
        pltpu.SemaphoreType.DMA((4,)),
    ],
)
def _agg(hl_hbm, hr_hbm, src_hbm, dst_hbm, ea_hbm, outl_hbm, outr_hbm,
         srcv, dstv, dscat, mbuf, accs,
         ssrc, sdst, gsem, esem, ssem):
    c = lax.axis_index("c")
    s = lax.axis_index("s")
    wbase = s * _EPW

    def _issue_idx(t, i):
        base = wbase + t * _G
        pltpu.async_copy(src_hbm.at[pl.ds(base, _G)], srcv.at[i], ssrc.at[i])
        pltpu.async_copy(dst_hbm.at[pl.ds(base, _G)], dstv.at[i], sdst.at[i])

    def _wait_idx(i):
        pltpu.make_async_copy(src_hbm.at[pl.ds(0, _G)], srcv.at[i],
                              ssrc.at[i]).wait()
        pltpu.make_async_copy(dst_hbm.at[pl.ds(0, _G)], dstv.at[i],
                              sdst.at[i]).wait()

    def _issue_ea(t, m):
        base = wbase + t * _G

        @pl.when(c == 0)
        def _():
            pltpu.async_copy(ea_hbm.at[pl.ds(base, _G), pl.ds(0, _DH)],
                             mbuf.at[m], esem.at[m])

        @pl.when(c == 1)
        def _():
            pltpu.async_copy(ea_hbm.at[pl.ds(base, _G), pl.ds(_DH, _DH)],
                             mbuf.at[m], esem.at[m])

    def _wait_ea(m):
        pltpu.make_async_copy(ea_hbm.at[pl.ds(0, _G), pl.ds(0, _DH)],
                              mbuf.at[m], esem.at[m]).wait()

    def _issue_gadd(i, m):
        @pl.when(c == 0)
        def _():
            pltpu.async_copy(hl_hbm.at[srcv.at[i]], mbuf.at[m], gsem.at[m],
                             add=True)

        @pl.when(c == 1)
        def _():
            pltpu.async_copy(hr_hbm.at[srcv.at[i]], mbuf.at[m], gsem.at[m],
                             add=True)

    def _wait_gadd(i, m):
        pltpu.make_async_copy(hl_hbm.at[srcv.at[i]], mbuf.at[m],
                              gsem.at[m]).wait()

    def _wait_scat(m):
        pltpu.make_async_copy(mbuf.at[m], accs.at[dscat.at[m]],
                              ssem.at[m]).wait()

    def _compute(m):
        @plsc.parallel_loop(0, _G, 1, unroll=8)
        def _mrow(r):
            for j in range(_DH // _L):
                sl = pl.ds(j * _L, _L)
                mbuf[m, r, sl] = jnp.maximum(mbuf[m, r, sl], 0.0)

    pltpu.sync_copy(src_hbm.at[pl.ds(wbase, _G)], srcv.at[0])
    pltpu.sync_copy(dst_hbm.at[pl.ds(wbase, _G)], dstv.at[0])
    _issue_idx(1, 1)
    _issue_ea(0, 0)
    _issue_ea(1, 1)

    def _zrow(r, carry):
        for j in range(_DH // _L):
            mbuf[3, r, pl.ds(j * _L, _L)] = jnp.zeros((_L,), jnp.float32)
        return carry
    lax.fori_loop(0, _G, _zrow, 0)
    zoff = s * (_SPR // _NS)
    for k in range(7):
        pltpu.sync_copy(mbuf.at[3], accs.at[pl.ds(zoff + k * _G, _G)])
    pltpu.sync_copy(mbuf.at[3, pl.ds(0, 65)],
                    accs.at[pl.ds(zoff + 7 * _G, 65)])
    _wait_ea(0)
    _issue_gadd(0, 0)
    plsc.subcore_barrier()

    def _body(t, carry):
        i0 = lax.rem(t, 3)
        i1 = lax.rem(t + 1, 3)
        i2 = lax.rem(t + 2, 3)
        m0 = lax.rem(t, 4)
        m1 = lax.rem(t + 1, 4)
        m2 = lax.rem(t + 2, 4)

        @pl.when(t + 2 < _FULL)
        def _():
            @pl.when(t >= 2)
            def _():
                _wait_scat(m2)
            _issue_ea(t + 2, m2)
            _issue_idx(t + 2, i2)

        @pl.when(t + 1 < _FULL)
        def _():
            _wait_idx(i1)
            _wait_ea(m1)
            _issue_gadd(i1, m1)

        _wait_gadd(i0, m0)
        _compute(m0)
        for k in range(_G // _L):
            dscat[m0, pl.ds(k * _L, _L)] = dstv[i0, pl.ds(k * _L, _L)]
        pltpu.async_copy(mbuf.at[m0], accs.at[dscat.at[m0]], ssem.at[m0],
                         add=True)
        return carry
    lax.fori_loop(0, _FULL, _body, 0)
    for m in range(4):
        _wait_scat(m)
    plsc.subcore_barrier()

    def _copy_out(out_hbm):
        @pl.when(s < 15)
        def _():
            off = s * 624
            pltpu.sync_copy(accs.at[pl.ds(off, 624)],
                            out_hbm.at[pl.ds(off, 624)])

        @pl.when(s == 15)
        def _():
            pltpu.sync_copy(accs.at[pl.ds(15 * 624, 640)],
                            out_hbm.at[pl.ds(15 * 624, 640)])

    @pl.when(c == 0)
    def _():
        _copy_out(outl_hbm)

    @pl.when(c == 1)
    def _():
        _copy_out(outr_hbm)


_RPW = (2 * _B) // (_NC * _NS)


@functools.partial(
    pl.kernel,
    out_type=[jax.ShapeDtypeStruct((2 * _B, _DH), jnp.float32),
              jax.ShapeDtypeStruct((2 * _B, _DH), jnp.float32)],
    mesh=_mesh,
    scratch_types=[
        pltpu.VMEM((_RPW,), jnp.int32),
        pltpu.VMEM((_RPW, _DH), jnp.float32),
        pltpu.VMEM((_RPW, _DH), jnp.float32),
        pltpu.SemaphoreType.DMA,
        pltpu.SemaphoreType.DMA,
    ],
)
def _pair_gather(hl_hbm, hr_hbm, idx_hbm, outl_hbm, outr_hbm,
                 idxv, rowsl, rowsr, seml, semr):
    c = lax.axis_index("c")
    s = lax.axis_index("s")
    base = (s * _NC + c) * _RPW
    pltpu.sync_copy(idx_hbm.at[pl.ds(base, _RPW)], idxv)
    cl = pltpu.async_copy(hl_hbm.at[idxv], rowsl, seml)
    cr = pltpu.async_copy(hr_hbm.at[idxv], rowsr, semr)
    cl.wait()
    cr.wait()
    pltpu.sync_copy(rowsl, outl_hbm.at[pl.ds(base, _RPW)])
    pltpu.sync_copy(rowsr, outr_hbm.at[pl.ds(base, _RPW)])


_R = 2000


def _mlp_body(relu_out, eps_ref, hl_ref, hr_ref, al_ref, ar_ref,
              w1_ref, b1_ref, w2_ref, b2_ref, outl_ref, outr_ref):
    h = jnp.concatenate([hl_ref[...], hr_ref[...]], axis=1)
    agg = jnp.concatenate([al_ref[...], ar_ref[...]], axis=1)
    z = (1.0 + eps_ref[0, 0]) * h + agg
    z = jnp.maximum(
        jnp.dot(z, w1_ref[...], preferred_element_type=jnp.float32)
        + b1_ref[...], 0.0)
    z = jnp.dot(z, w2_ref[...], preferred_element_type=jnp.float32) + b2_ref[...]
    if relu_out:
        z = jnp.maximum(z, 0.0)
    outl_ref[...] = z[:, :_DH]
    outr_ref[...] = z[:, _DH:]


def _mlp(hl, hr, al, ar, eps, w1, b1, w2, b2, relu_out):
    half = pl.BlockSpec((_R, _DH), lambda i: (i, 0))
    return pl.pallas_call(
        functools.partial(_mlp_body, relu_out),
        grid=(_N // _R,),
        in_specs=[
            pl.BlockSpec(memory_space=pltpu.SMEM),
            half, half, half, half,
            pl.BlockSpec((_D, _D), lambda i: (0, 0)),
            pl.BlockSpec((1, _D), lambda i: (0, 0)),
            pl.BlockSpec((_D, _D), lambda i: (0, 0)),
            pl.BlockSpec((1, _D), lambda i: (0, 0)),
        ],
        out_specs=[half, half],
        out_shape=[jax.ShapeDtypeStruct((_N, _DH), jnp.float32),
                   jax.ShapeDtypeStruct((_N, _DH), jnp.float32)],
    )(jnp.reshape(eps, (1, 1)), hl, hr, al, ar, w1,
      jnp.reshape(b1, (1, _D)), w2, jnp.reshape(b2, (1, _D)))


_CP = 128


def _head_body(rl_ref, rr_ref, wut_ref, wub_ref, wvt_ref, wvb_ref,
               b_ref, lab_ref, logits_ref, loss_ref):
    lp = (jnp.dot(rl_ref[0:_B, :], wut_ref[...],
                  preferred_element_type=jnp.float32)
          + jnp.dot(rr_ref[0:_B, :], wub_ref[...],
                    preferred_element_type=jnp.float32)
          + jnp.dot(rl_ref[_B:2 * _B, :], wvt_ref[...],
                    preferred_element_type=jnp.float32)
          + jnp.dot(rr_ref[_B:2 * _B, :], wvb_ref[...],
                    preferred_element_type=jnp.float32)
          + b_ref[...])
    logits_ref[...] = lp
    lab = lab_ref[...]
    bce = jnp.maximum(lp, 0.0) - lp * lab + jnp.log1p(jnp.exp(-jnp.abs(lp)))
    col = lax.broadcasted_iota(jnp.int32, (_B, _CP), 1)
    bce = jnp.where(col < _C, bce, 0.0)
    loss_ref[...] = jnp.reshape(jnp.sum(bce) / (_B * _C), (1, 1))


def _head(rl, rr, wut, wub, wvt, wvb, b_pad, lab_pad):
    return pl.pallas_call(
        _head_body,
        out_shape=[
            jax.ShapeDtypeStruct((_B, _CP), jnp.float32),
            jax.ShapeDtypeStruct((1, 1), jnp.float32),
        ],
    )(rl, rr, wut, wub, wvt, wvb, b_pad, lab_pad)


def kernel(x, edge_index, edge_attr, ppi, labels,
           eps0, W1_0, b1_0, W2_0, b2_0,
           eps1, W1_1, b1_1, W2_1, b2_1,
           W_out, b_out):
    src = edge_index[0]
    dst = edge_index[1]
    xl = x[:, :_DH]
    xr = x[:, _DH:]

    al0, ar0 = _agg(xl, xr, src, dst, edge_attr)
    hl1, hr1 = _mlp(xl, xr, al0, ar0, eps0, W1_0, b1_0, W2_0, b2_0,
                    relu_out=True)
    al1, ar1 = _agg(hl1, hr1, src, dst, edge_attr)
    hl2, hr2 = _mlp(hl1, hr1, al1, ar1, eps1, W1_1, b1_1, W2_1, b2_1,
                    relu_out=False)

    idx = jnp.concatenate([ppi[:, 0], ppi[:, 1]])
    rl, rr = _pair_gather(hl2, hr2, idx)

    w_pad = jnp.zeros((2 * _D, _CP), jnp.float32).at[:, :_C].set(W_out)
    b_pad = jnp.zeros((1, _CP), jnp.float32).at[0, :_C].set(b_out)
    lab_pad = jnp.zeros((_B, _CP), jnp.float32).at[:, :_C].set(labels)

    logits_pad, loss = _head(rl, rr,
                             w_pad[0:_DH], w_pad[_DH:_D],
                             w_pad[_D:_D + _DH], w_pad[_D + _DH:],
                             b_pad, lab_pad)
    return (logits_pad[:, :_C], loss[0, 0])

# --- scband reference (transcript-rebuilt; emitter-appended) ---
"""Pipeline reference for scband-e2-ppi-42691974922450 (READ-ONLY COPY).

The authoritative reference and input builder live on the scoring server;
editing this copy changes nothing except your own understanding.
"""

import jax, jax.numpy as jnp
import numpy as np

N = 10000
E = 160000
D = 256
B = 4096
C = 7


def setup_inputs(seed: int = 0) -> dict:
    key = jax.random.key(seed)
    ks = jax.random.split(key, 20)
    x = jax.random.normal(ks[0], (N, D), dtype=jnp.float32)
    edge_index = jax.random.randint(ks[1], (2, E), 0, N, dtype=jnp.int32)
    edge_attr = jax.random.normal(ks[2], (E, D), dtype=jnp.float32)
    ppi = jax.random.randint(ks[3], (B, 2), 0, N, dtype=jnp.int32)
    labels = jax.random.uniform(ks[4], (B, C), dtype=jnp.float32)
    s = 1.0 / np.sqrt(D)
    inp = {
        'x': x, 'edge_index': edge_index, 'edge_attr': edge_attr,
        'ppi': ppi, 'labels': labels,
        'eps0': jnp.zeros((), jnp.float32),
        'W1_0': jax.random.normal(ks[5], (D, D), jnp.float32) * s,
        'b1_0': jnp.zeros((D,), jnp.float32),
        'W2_0': jax.random.normal(ks[6], (D, D), jnp.float32) * s,
        'b2_0': jnp.zeros((D,), jnp.float32),
        'eps1': jnp.zeros((), jnp.float32),
        'W1_1': jax.random.normal(ks[7], (D, D), jnp.float32) * s,
        'b1_1': jnp.zeros((D,), jnp.float32),
        'W2_1': jax.random.normal(ks[8], (D, D), jnp.float32) * s,
        'b2_1': jnp.zeros((D,), jnp.float32),
        'W_out': jax.random.normal(ks[9], (2 * D, C), jnp.float32) * (1.0 / np.sqrt(2 * D)),
        'b_out': jnp.zeros((C,), jnp.float32),
    }
    return inp


def _gine_layer(h, edge_attr, src, dst, eps, W1, b1, W2, b2):
    # GINEConv: m_ij = ReLU(h_j + e_ij); agg_i = sum_j m_ij; h_i' = MLP((1+eps)h_i + agg_i)
    m = jax.nn.relu(jnp.take(h, src, axis=0) + edge_attr)
    agg = jnp.zeros_like(h).at[dst].add(m)
    z = (1.0 + eps) * h + agg
    z = jax.nn.relu(z @ W1 + b1) @ W2 + b2
    return z


def reference(x, edge_index, edge_attr, ppi, labels,
              eps0, W1_0, b1_0, W2_0, b2_0,
              eps1, W1_1, b1_1, W2_1, b2_1,
              W_out, b_out):
    src = edge_index[0]
    dst = edge_index[1]
    h = _gine_layer(x, edge_attr, src, dst, eps0, W1_0, b1_0, W2_0, b2_0)
    h = jax.nn.relu(h)
    h = _gine_layer(h, edge_attr, src, dst, eps1, W1_1, b1_1, W2_1, b2_1)
    # PPI pair readout: concat endpoint embeddings -> linear classifier
    h_u = jnp.take(h, ppi[:, 0], axis=0)
    h_v = jnp.take(h, ppi[:, 1], axis=0)
    rep = jnp.concatenate([h_u, h_v], axis=1)
    logits = rep @ W_out + b_out
    # BCEWithLogitsLoss (mean reduction)
    loss = jnp.mean(jnp.maximum(logits, 0.0) - logits * labels + jnp.log1p(jnp.exp(-jnp.abs(logits))))
    return (logits, loss)

if __name__ == "__main__":
    import jax
    _d = setup_inputs()
    print(jax.jit(kernel)(*tuple(_d.values())))

</pallas_src>

<mosaic_0001>
#map = affine_map<(d0, d1) -> (0, 0)>
#map1 = affine_map<(d0, d1) -> (0)>
module attributes {stable_mosaic.version = 14 : i64} {
  func.func @_agg(%arg0: i32, %arg1: i32, %arg2: memref<10000x128xf32, #tpu.memory_space<hbm>>, %arg3: memref<10000x128xf32, #tpu.memory_space<hbm>>, %arg4: memref<160000xi32, #tpu.memory_space<hbm>>, %arg5: memref<160000xi32, #tpu.memory_space<hbm>>, %arg6: memref<160000x256xf32, #tpu.memory_space<hbm>>, %arg7: memref<10000x128xf32, #tpu.memory_space<hbm>>, %arg8: memref<10000x128xf32, #tpu.memory_space<hbm>>, %arg9: memref<3x80xi32, #tpu.memory_space<vmem>>, %arg10: memref<3x80xi32, #tpu.memory_space<vmem>>, %arg11: memref<4x80xi32, #tpu.memory_space<vmem>>, %arg12: memref<4x80x128xf32, #tpu.memory_space<vmem>>, %arg13: memref<10000x128xf32, #tpu.memory_space<vmem_shared>>, %arg14: memref<3x!tpu.dma_semaphore, #tpu.memory_space<semaphore_mem>>, %arg15: memref<3x!tpu.dma_semaphore, #tpu.memory_space<semaphore_mem>>, %arg16: memref<4x!tpu.dma_semaphore, #tpu.memory_space<semaphore_mem>>, %arg17: memref<4x!tpu.dma_semaphore, #tpu.memory_space<semaphore_mem>>, %arg18: memref<4x!tpu.dma_semaphore, #tpu.memory_space<semaphore_mem>>) attributes {dimension_semantics = [#tpu.dimension_semantics<core_parallel>, #tpu.dimension_semantics<subcore_parallel>], iteration_bounds = array<i64: 2, 16>, scalar_prefetch = 0 : i64, scratch_operands = 10 : i64, tpu.core_type = #tpu.core_type<sc_vector_subcore>, window_params = [{transform_indices = #map}, {transform_indices = #map}, {transform_indices = #map1}, {transform_indices = #map1}, {transform_indices = #map}, {transform_indices = #map}, {transform_indices = #map}]} {
    %mul3A = arith.constant 10000 : i32
    %mul3A_0 = arith.muli %arg1, %mul3A : i32
    %run_scoped3A = arith.constant 0 : i32
    "tpu.region"() ({
      %run_scoped3A_182 = tpu.sem_alloc : memref<!tpu.dma_semaphore, #tpu.memory_space<semaphore_mem>>
      %dma_start3A_183 = arith.constant 0 : i32
      %dma_start3A_184 = tpu.memref_slice %arg9[%run_scoped3A, %dma_start3A_183] : memref<3x80xi32, #tpu.memory_space<vmem>> -> memref<1x80xi32, #tpu.memory_space<vmem>>
      %dma_start3A_185 = tpu.memref_squeeze %dma_start3A_184 : memref<1x80xi32, #tpu.memory_space<vmem>> -> memref<80xi32, #tpu.memory_space<vmem>>
      %dma_start3A_186 = tpu.memref_slice %arg4[%mul3A_0] : memref<160000xi32, #tpu.memory_space<hbm>> -> memref<80xi32, #tpu.memory_space<hbm>>
      %dma_start3A_187 = arith.constant 0 : i32
      %dma_start3A_188 = tpu.memref_slice %arg9[%run_scoped3A, %dma_start3A_187] : memref<3x80xi32, #tpu.memory_space<vmem>> -> memref<1x80xi32, #tpu.memory_space<vmem>>
      %dma_start3A_189 = tpu.memref_squeeze %dma_start3A_188 : memref<1x80xi32, #tpu.memory_space<vmem>> -> memref<80xi32, #tpu.memory_space<vmem>>
      %dma_start3A_190 = tpu.memref_slice %arg4[%mul3A_0] : memref<160000xi32, #tpu.memory_space<hbm>> -> memref<80xi32, #tpu.memory_space<hbm>>
      tpu.enqueue_dma source(%dma_start3A_190 : memref<80xi32, #tpu.memory_space<hbm>>) target(%dma_start3A_189 : memref<80xi32, #tpu.memory_space<vmem>>) target_semaphore(%run_scoped3A_182 : memref<!tpu.dma_semaphore, #tpu.memory_space<semaphore_mem>>)
      %dma_wait3A_191 = arith.constant 0 : i32
      %dma_wait3A_192 = tpu.memref_slice %arg9[%run_scoped3A, %dma_wait3A_191] : memref<3x80xi32, #tpu.memory_space<vmem>> -> memref<1x80xi32, #tpu.memory_space<vmem>>
      %dma_wait3A_193 = tpu.memref_squeeze %dma_wait3A_192 : memref<1x80xi32, #tpu.memory_space<vmem>> -> memref<80xi32, #tpu.memory_space<vmem>>
      %dma_wait3A_194 = tpu.memref_slice %arg4[%mul3A_0] : memref<160000xi32, #tpu.memory_space<hbm>> -> memref<80xi32, #tpu.memory_space<hbm>>
      %dma_wait3A_195 = arith.constant 0 : i32
      %dma_wait3A_196 = tpu.memref_slice %arg9[%run_scoped3A, %dma_wait3A_195] : memref<3x80xi32, #tpu.memory_space<vmem>> -> memref<1x80xi32, #tpu.memory_space<vmem>>
      %dma_wait3A_197 = tpu.memref_squeeze %dma_wait3A_196 : memref<1x80xi32, #tpu.memory_space<vmem>> -> memref<80xi32, #tpu.memory_space<vmem>>
      %dma_wait3A_198 = tpu.memref_slice %arg4[%mul3A_0] : memref<160000xi32, #tpu.memory_space<hbm>> -> memref<80xi32, #tpu.memory_space<hbm>>
      tpu.wait_dma2 semaphore(%run_scoped3A_182 : memref<!tpu.dma_semaphore, #tpu.memory_space<semaphore_mem>>) src(%dma_wait3A_198 : memref<80xi32, #tpu.memory_space<hbm>>) dst(%dma_wait3A_197 : memref<80xi32, #tpu.memory_space<vmem>>)
      tpu.yield
    }) : () -> ()
    %run_scoped3A_1 = arith.constant 0 : i32
    "tpu.region"() ({
      %run_scoped3A_182 = tpu.sem_alloc : memref<!tpu.dma_semaphore, #tpu.memory_space<semaphore_mem>>
      %dma_start3A_183 = arith.constant 0 : i32
      %dma_start3A_184 = tpu.memref_slice %arg10[%run_scoped3A_1, %dma_start3A_183] : memref<3x80xi32, #tpu.memory_space<vmem>> -> memref<1x80xi32, #tpu.memory_space<vmem>>
      %dma_start3A_185 = tpu.memref_squeeze %dma_start3A_184 : memref<1x80xi32, #tpu.memory_space<vmem>> -> memref<80xi32, #tpu.memory_space<vmem>>
      %dma_start3A_186 = tpu.memref_slice %arg5[%mul3A_0] : memref<160000xi32, #tpu.memory_space<hbm>> -> memref<80xi32, #tpu.memory_space<hbm>>
      %dma_start3A_187 = arith.constant 0 : i32
      %dma_start3A_188 = tpu.memref_slice %arg10[%run_scoped3A_1, %dma_start3A_187] : memref<3x80xi32, #tpu.memory_space<vmem>> -> memref<1x80xi32, #tpu.memory_space<vmem>>
      %dma_start3A_189 = tpu.memref_squeeze %dma_start3A_188 : memref<1x80xi32, #tpu.memory_space<vmem>> -> memref<80xi32, #tpu.memory_space<vmem>>
      %dma_start3A_190 = tpu.memref_slice %arg5[%mul3A_0] : memref<160000xi32, #tpu.memory_space<hbm>> -> memref<80xi32, #tpu.memory_space<hbm>>
      tpu.enqueue_dma source(%dma_start3A_190 : memref<80xi32, #tpu.memory_space<hbm>>) target(%dma_start3A_189 : memref<80xi32, #tpu.memory_space<vmem>>) target_semaphore(%run_scoped3A_182 : memref<!tpu.dma_semaphore, #tpu.memory_space<semaphore_mem>>)
      %dma_wait3A_191 = arith.constant 0 : i32
      %dma_wait3A_192 = tpu.memref_slice %arg10[%run_scoped3A_1, %dma_wait3A_191] : memref<3x80xi32, #tpu.memory_space<vmem>> -> memref<1x80xi32, #tpu.memory_space<vmem>>
      %dma_wait3A_193 = tpu.memref_squeeze %dma_wait3A_192 : memref<1x80xi32, #tpu.memory_space<vmem>> -> memref<80xi32, #tpu.memory_space<vmem>>
      %dma_wait3A_194 = tpu.memref_slice %arg5[%mul3A_0] : memref<160000xi32, #tpu.memory_space<hbm>> -> memref<80xi32, #tpu.memory_space<hbm>>
      %dma_wait3A_195 = arith.constant 0 : i32
      %dma_wait3A_196 = tpu.memref_slice %arg10[%run_scoped3A_1, %dma_wait3A_195] : memref<3x80xi32, #tpu.memory_space<vmem>> -> memref<1x80xi32, #tpu.memory_space<vmem>>
      %dma_wait3A_197 = tpu.memref_squeeze %dma_wait3A_196 : memref<1x80xi32, #tpu.memory_space<vmem>> -> memref<80xi32, #tpu.memory_space<vmem>>
      %dma_wait3A_198 = tpu.memref_slice %arg5[%mul3A_0] : memref<160000xi32, #tpu.memory_space<hbm>> -> memref<80xi32, #tpu.memory_space<hbm>>
      tpu.wait_dma2 semaphore(%run_scoped3A_182 : memref<!tpu.dma_semaphore, #tpu.memory_space<semaphore_mem>>) src(%dma_wait3A_198 : memref<80xi32, #tpu.memory_space<hbm>>) dst(%dma_wait3A_197 : memref<80xi32, #tpu.memory_space<vmem>>)
      tpu.yield
    }) : () -> ()
    %add3A = arith.constant 80 : i32
    %add3A_2 = arith.addi %mul3A_0, %add3A : i32
    %dma_start3A = arith.constant 1 : i32
    %dma_start3A_3 = arith.constant 1 : i32
    %dma_start3A_4 = arith.constant 0 : i32
    %dma_start3A_5 = tpu.memref_slice %arg9[%dma_start3A, %dma_start3A_4] : memref<3x80xi32, #tpu.memory_space<vmem>> -> memref<1x80xi32, #tpu.memory_space<vmem>>
    %dma_start3A_6 = tpu.memref_squeeze %dma_start3A_5 : memref<1x80xi32, #tpu.memory_space<vmem>> -> memref<80xi32, #tpu.memory_space<vmem>>
    %dma_start3A_7 = tpu.memref_slice %arg4[%add3A_2] : memref<160000xi32, #tpu.memory_space<hbm>> -> memref<80xi32, #tpu.memory_space<hbm>>
    %dma_start3A_8 = tpu.memref_slice %arg14[%dma_start3A_3] : memref<3x!tpu.dma_semaphore, #tpu.memory_space<semaphore_mem>> -> memref<1x!tpu.dma_semaphore, #tpu.memory_space<semaphore_mem>>
    %dma_start3A_9 = tpu.memref_squeeze %dma_start3A_8 : memref<1x!tpu.dma_semaphore, #tpu.memory_space<semaphore_mem>> -> memref<!tpu.dma_semaphore, #tpu.memory_space<semaphore_mem>>
    %dma_start3A_10 = arith.constant 0 : i32
    %dma_start3A_11 = tpu.memref_slice %arg9[%dma_start3A, %dma_start3A_10] : memref<3x80xi32, #tpu.memory_space<vmem>> -> memref<1x80xi32, #tpu.memory_space<vmem>>
    %dma_start3A_12 = tpu.memref_squeeze %dma_start3A_11 : memref<1x80xi32, #tpu.memory_space<vmem>> -> memref<80xi32, #tpu.memory_space<vmem>>
    %dma_start3A_13 = tpu.memref_slice %arg4[%add3A_2] : memref<160000xi32, #tpu.memory_space<hbm>> -> memref<80xi32, #tpu.memory_space<hbm>>
    tpu.enqueue_dma source(%dma_start3A_13 : memref<80xi32, #tpu.memory_space<hbm>>) target(%dma_start3A_12 : memref<80xi32, #tpu.memory_space<vmem>>) target_semaphore(%dma_start3A_9 : memref<!tpu.dma_semaphore, #tpu.memory_space<semaphore_mem>>)
    %dma_start3A_14 = arith.constant 1 : i32
    %dma_start3A_15 = arith.constant 1 : i32
    %dma_start3A_16 = arith.constant 0 : i32
    %dma_start3A_17 = tpu.memref_slice %arg10[%dma_start3A_14, %dma_start3A_16] : memref<3x80xi32, #tpu.memory_space<vmem>> -> memref<1x80xi32, #tpu.memory_space<vmem>>
    %dma_start3A_18 = tpu.memref_squeeze %dma_start3A_17 : memref<1x80xi32, #tpu.memory_space<vmem>> -> memref<80xi32, #tpu.memory_space<vmem>>
    %dma_start3A_19 = tpu.memref_slice %arg5[%add3A_2] : memref<160000xi32, #tpu.memory_space<hbm>> -> memref<80xi32, #tpu.memory_space<hbm>>
    %dma_start3A_20 = tpu.memref_slice %arg15[%dma_start3A_15] : memref<3x!tpu.dma_semaphore, #tpu.memory_space<semaphore_mem>> -> memref<1x!tpu.dma_semaphore, #tpu.memory_space<semaphore_mem>>
    %dma_start3A_21 = tpu.memref_squeeze %dma_start3A_20 : memref<1x!tpu.dma_semaphore, #tpu.memory_space<semaphore_mem>> -> memref<!tpu.dma_semaphore, #tpu.memory_space<semaphore_mem>>
    %dma_start3A_22 = arith.constant 0 : i32
    %dma_start3A_23 = tpu.memref_slice %arg10[%dma_start3A_14, %dma_start3A_22] : memref<3x80xi32, #tpu.memory_space<vmem>> -> memref<1x80xi32, #tpu.memory_space<vmem>>
    %dma_start3A_24 = tpu.memref_squeeze %dma_start3A_23 : memref<1x80xi32, #tpu.memory_space<vmem>> -> memref<80xi32, #tpu.memory_space<vmem>>
    %dma_start3A_25 = tpu.memref_slice %arg5[%add3A_2] : memref<160000xi32, #tpu.memory_space<hbm>> -> memref<80xi32, #tpu.memory_space<hbm>>
    tpu.enqueue_dma source(%dma_start3A_25 : memref<80xi32, #tpu.memory_space<hbm>>) target(%dma_start3A_24 : memref<80xi32, #tpu.memory_space<vmem>>) target_semaphore(%dma_start3A_21 : memref<!tpu.dma_semaphore, #tpu.memory_space<semaphore_mem>>)
    %add3A_26 = arith.constant 0 : i32
    %add3A_27 = arith.addi %mul3A_0, %add3A_26 : i32
    %eq3A = arith.constant 0 : i32
    %eq3A_28 = arith.cmpi eq, %arg0, %eq3A : i32
    %convert_element_type3A = arith.extui %eq3A_28 : i1 to i32
    %cond3A = arith.constant 0 : i32
    %cond3A_29 = arith.cmpi ne, %convert_element_type3A, %cond3A : i32
    scf.if %cond3A_29 {
      %dma_start3A_182 = arith.constant 0 : i32
      %dma_start3A_183 = arith.constant 0 : i32
      %dma_start3A_184 = arith.constant 0 : i32
      %dma_start3A_185 = arith.constant 0 : i32
      %dma_start3A_186 = tpu.memref_slice %arg12[%dma_start3A_182, %dma_start3A_184, %dma_start3A_185] : memref<4x80x128xf32, #tpu.memory_space<vmem>> -> memref<1x80x128xf32, #tpu.memory_space<vmem>>
      %dma_start3A_187 = tpu.memref_squeeze %dma_start3A_186 : memref<1x80x128xf32, #tpu.memory_space<vmem>> -> memref<80x128xf32, #tpu.memory_space<vmem>>
      %dma_start3A_188 = arith.constant 0 : i32
      %dma_start3A_189 = tpu.memref_slice %arg6[%add3A_27, %dma_start3A_188] : memref<160000x256xf32, #tpu.memory_space<hbm>> -> memref<80x128xf32, #tpu.memory_space<hbm>>
      %dma_start3A_190 = tpu.memref_slice %arg17[%dma_start3A_183] : memref<4x!tpu.dma_semaphore, #tpu.memory_space<semaphore_mem>> -> memref<1x!tpu.dma_semaphore, #tpu.memory_space<semaphore_mem>>
      %dma_start3A_191 = tpu.memref_squeeze %dma_start3A_190 : memref<1x!tpu.dma_semaphore, #tpu.memory_space<semaphore_mem>> -> memref<!tpu.dma_semaphore, #tpu.memory_space<semaphore_mem>>
      %dma_start3A_192 = arith.constant 0 : i32
      %dma_start3A_193 = arith.constant 0 : i32
      %dma_start3A_194 = tpu.memref_slice %arg12[%dma_start3A_182, %dma_start3A_192, %dma_start3A_193] : memref<4x80x128xf32, #tpu.memory_space<vmem>> -> memref<1x80x128xf32, #tpu.memory_space<vmem>>
      %dma_start3A_195 = tpu.memref_squeeze %dma_start3A_194 : memref<1x80x128xf32, #tpu.memory_space<vmem>> -> memref<80x128xf32, #tpu.memory_space<vmem>>
      %dma_start3A_196 = arith.constant 0 : i32
      %dma_start3A_197 = tpu.memref_slice %arg6[%add3A_27, %dma_start3A_196] : memref<160000x256xf32, #tpu.memory_space<hbm>> -> memref<80x128xf32, #tpu.memory_space<hbm>>
      tpu.enqueue_dma source(%dma_start3A_197 : memref<80x128xf32, #tpu.memory_space<hbm>>) target(%dma_start3A_195 : memref<80x128xf32, #tpu.memory_space<vmem>>) target_semaphore(%dma_start3A_191 : memref<!tpu.dma_semaphore, #tpu.memory_space<semaphore_mem>>)
    } else {
    }
    %eq3A_30 = arith.constant 1 : i32
    %eq3A_31 = arith.cmpi eq, %arg0, %eq3A_30 : i32
    %convert_element_type3A_32 = arith.extui %eq3A_31 : i1 to i32
    %cond3A_33 = arith.constant 0 : i32
    %cond3A_34 = arith.cmpi ne, %convert_element_type3A_32, %cond3A_33 : i32
    scf.if %cond3A_34 {
      %dma_start3A_182 = arith.constant 0 : i32
      %dma_start3A_183 = arith.constant 0 : i32
      %dma_start3A_184 = arith.constant 0 : i32
      %dma_start3A_185 = arith.constant 0 : i32
      %dma_start3A_186 = tpu.memref_slice %arg12[%dma_start3A_182, %dma_start3A_184, %dma_start3A_185] : memref<4x80x128xf32, #tpu.memory_space<vmem>> -> memref<1x80x128xf32, #tpu.memory_space<vmem>>
      %dma_start3A_187 = tpu.memref_squeeze %dma_start3A_186 : memref<1x80x128xf32, #tpu.memory_space<vmem>> -> memref<80x128xf32, #tpu.memory_space<vmem>>
      %dma_start3A_188 = arith.constant 128 : i32
      %dma_start3A_189 = tpu.memref_slice %arg6[%add3A_27, %dma_start3A_188] : memref<160000x256xf32, #tpu.memory_space<hbm>> -> memref<80x128xf32, #tpu.memory_space<hbm>>
      %dma_start3A_190 = tpu.memref_slice %arg17[%dma_start3A_183] : memref<4x!tpu.dma_semaphore, #tpu.memory_space<semaphore_mem>> -> memref<1x!tpu.dma_semaphore, #tpu.memory_space<semaphore_mem>>
      %dma_start3A_191 = tpu.memref_squeeze %dma_start3A_190 : memref<1x!tpu.dma_semaphore, #tpu.memory_space<semaphore_mem>> -> memref<!tpu.dma_semaphore, #tpu.memory_space<semaphore_mem>>
      %dma_start3A_192 = arith.constant 0 : i32
      %dma_start3A_193 = arith.constant 0 : i32
      %dma_start3A_194 = tpu.memref_slice %arg12[%dma_start3A_182, %dma_start3A_192, %dma_start3A_193] : memref<4x80x128xf32, #tpu.memory_space<vmem>> -> memref<1x80x128xf32, #tpu.memory_space<vmem>>
      %dma_start3A_195 = tpu.memref_squeeze %dma_start3A_194 : memref<1x80x128xf32, #tpu.memory_space<vmem>> -> memref<80x128xf32, #tpu.memory_space<vmem>>
      %dma_start3A_196 = arith.constant 128 : i32
      %dma_start3A_197 = tpu.memref_slice %arg6[%add3A_27, %dma_start3A_196] : memref<160000x256xf32, #tpu.memory_space<hbm>> -> memref<80x128xf32, #tpu.memory_space<hbm>>
      tpu.enqueue_dma source(%dma_start3A_197 : memref<80x128xf32, #tpu.memory_space<hbm>>) target(%dma_start3A_195 : memref<80x128xf32, #tpu.memory_space<vmem>>) target_semaphore(%dma_start3A_191 : memref<!tpu.dma_semaphore, #tpu.memory_space<semaphore_mem>>)
    } else {
    }
    %add3A_35 = arith.constant 80 : i32
    %add3A_36 = arith.addi %mul3A_0, %add3A_35 : i32
    %eq3A_37 = arith.constant 0 : i32
    %eq3A_38 = arith.cmpi eq, %arg0, %eq3A_37 : i32
    %convert_element_type3A_39 = arith.extui %eq3A_38 : i1 to i32
    %cond3A_40 = arith.constant 0 : i32
    %cond3A_41 = arith.cmpi ne, %convert_element_type3A_39, %cond3A_40 : i32
    scf.if %cond3A_41 {
      %dma_start3A_182 = arith.constant 1 : i32
      %dma_start3A_183 = arith.constant 1 : i32
      %dma_start3A_184 = arith.constant 0 : i32
      %dma_start3A_185 = arith.constant 0 : i32
      %dma_start3A_186 = tpu.memref_slice %arg12[%dma_start3A_182, %dma_start3A_184, %dma_start3A_185] : memref<4x80x128xf32, #tpu.memory_space<vmem>> -> memref<1x80x128xf32, #tpu.memory_space<vmem>>
      %dma_start3A_187 = tpu.memref_squeeze %dma_start3A_186 : memref<1x80x128xf32, #tpu.memory_space<vmem>> -> memref<80x128xf32, #tpu.memory_space<vmem>>
      %dma_start3A_188 = arith.constant 0 : i32
      %dma_start3A_189 = tpu.memref_slice %arg6[%add3A_36, %dma_start3A_188] : memref<160000x256xf32, #tpu.memory_space<hbm>> -> memref<80x128xf32, #tpu.memory_space<hbm>>
      %dma_start3A_190 = tpu.memref_slice %arg17[%dma_start3A_183] : memref<4x!tpu.dma_semaphore, #tpu.memory_space<semaphore_mem>> -> memref<1x!tpu.dma_semaphore, #tpu.memory_space<semaphore_mem>>
      %dma_start3A_191 = tpu.memref_squeeze %dma_start3A_190 : memref<1x!tpu.dma_semaphore, #tpu.memory_space<semaphore_mem>> -> memref<!tpu.dma_semaphore, #tpu.memory_space<semaphore_mem>>
      %dma_start3A_192 = arith.constant 0 : i32
      %dma_start3A_193 = arith.constant 0 : i32
      %dma_start3A_194 = tpu.memref_slice %arg12[%dma_start3A_182, %dma_start3A_192, %dma_start3A_193] : memref<4x80x128xf32, #tpu.memory_space<vmem>> -> memref<1x80x128xf32, #tpu.memory_space<vmem>>
      %dma_start3A_195 = tpu.memref_squeeze %dma_start3A_194 : memref<1x80x128xf32, #tpu.memory_space<vmem>> -> memref<80x128xf32, #tpu.memory_space<vmem>>
      %dma_start3A_196 = arith.constant 0 : i32
      %dma_start3A_197 = tpu.memref_slice %arg6[%add3A_36, %dma_start3A_196] : memref<160000x256xf32, #tpu.memory_space<hbm>> -> memref<80x128xf32, #tpu.memory_space<hbm>>
      tpu.enqueue_dma source(%dma_start3A_197 : memref<80x128xf32, #tpu.memory_space<hbm>>) target(%dma_start3A_195 : memref<80x128xf32, #tpu.memory_space<vmem>>) target_semaphore(%dma_start3A_191 : memref<!tpu.dma_semaphore, #tpu.memory_space<semaphore_mem>>)
    } else {
    }
    %eq3A_42 = arith.constant 1 : i32
    %eq3A_43 = arith.cmpi eq, %arg0, %eq3A_42 : i32
    %convert_element_type3A_44 = arith.extui %eq3A_43 : i1 to i32
    %cond3A_45 = arith.constant 0 : i32
    %cond3A_46 = arith.cmpi ne, %convert_element_type3A_44, %cond3A_45 : i32
    scf.if %cond3A_46 {
      %dma_start3A_182 = arith.constant 1 : i32
      %dma_start3A_183 = arith.constant 1 : i32
      %dma_start3A_184 = arith.constant 0 : i32
      %dma_start3A_185 = arith.constant 0 : i32
      %dma_start3A_186 = tpu.memref_slice %arg12[%dma_start3A_182, %dma_start3A_184, %dma_start3A_185] : memref<4x80x128xf32, #tpu.memory_space<vmem>> -> memref<1x80x128xf32, #tpu.memory_space<vmem>>
      %dma_start3A_187 = tpu.memref_squeeze %dma_start3A_186 : memref<1x80x128xf32, #tpu.memory_space<vmem>> -> memref<80x128xf32, #tpu.memory_space<vmem>>
      %dma_start3A_188 = arith.constant 128 : i32
      %dma_start3A_189 = tpu.memref_slice %arg6[%add3A_36, %dma_start3A_188] : memref<160000x256xf32, #tpu.memory_space<hbm>> -> memref<80x128xf32, #tpu.memory_space<hbm>>
      %dma_start3A_190 = tpu.memref_slice %arg17[%dma_start3A_183] : memref<4x!tpu.dma_semaphore, #tpu.memory_space<semaphore_mem>> -> memref<1x!tpu.dma_semaphore, #tpu.memory_space<semaphore_mem>>
      %dma_start3A_191 = tpu.memref_squeeze %dma_start3A_190 : memref<1x!tpu.dma_semaphore, #tpu.memory_space<semaphore_mem>> -> memref<!tpu.dma_semaphore, #tpu.memory_space<semaphore_mem>>
      %dma_start3A_192 = arith.constant 0 : i32
      %dma_start3A_193 = arith.constant 0 : i32
      %dma_start3A_194 = tpu.memref_slice %arg12[%dma_start3A_182, %dma_start3A_192, %dma_start3A_193] : memref<4x80x128xf32, #tpu.memory_space<vmem>> -> memref<1x80x128xf32, #tpu.memory_space<vmem>>
      %dma_start3A_195 = tpu.memref_squeeze %dma_start3A_194 : memref<1x80x128xf32, #tpu.memory_space<vmem>> -> memref<80x128xf32, #tpu.memory_space<vmem>>
      %dma_start3A_196 = arith.constant 128 : i32
      %dma_start3A_197 = tpu.memref_slice %arg6[%add3A_36, %dma_start3A_196] : memref<160000x256xf32, #tpu.memory_space<hbm>> -> memref<80x128xf32, #tpu.memory_space<hbm>>
      tpu.enqueue_dma source(%dma_start3A_197 : memref<80x128xf32, #tpu.memory_space<hbm>>) target(%dma_start3A_195 : memref<80x128xf32, #tpu.memory_space<vmem>>) target_semaphore(%dma_start3A_191 : memref<!tpu.dma_semaphore, #tpu.memory_space<semaphore_mem>>)
    } else {
    }
    %scan3A = arith.constant 0 : i32
    %scan3A_47 = arith.constant 0 : i32
    %scan3A_48 = arith.constant 80 : i32
    %scan3A_49 = arith.addi %scan3A_47, %scan3A_48 : i32
    %scan3A_50 = arith.constant 1 : i32
    scf.for %scan3A_182 = %scan3A_47 to %scan3A_49 step %scan3A_50  : i32 {
      %broadcast_in_dim3A = arith.constant 0.000000e+00 : f32
      %broadcast_in_dim3A_183 = vector.broadcast %broadcast_in_dim3A : f32 to vector<16xf32>
      %swap3A = arith.constant 3 : i32
      %swap3A_184 = arith.index_cast %swap3A : i32 to index
      %swap3A_185 = arith.index_cast %scan3A_182 : i32 to index
      %swap3A_186 = arith.constant 0 : index
      %swap3A_187 = tpu.vector_load %arg12[%swap3A_184, %swap3A_185, %swap3A_186] {strides = array<i32>} : memref<4x80x128xf32, #tpu.memory_space<vmem>>, vector<1x1x16xf32>,
      %swap3A_188 = vector.shape_cast %swap3A_187 : vector<1x1x16xf32> to vector<16xf32>
      %swap3A_189 = vector.shape_cast %broadcast_in_dim3A_183 : vector<16xf32> to vector<1x1x16xf32>
      tpu.vector_store %arg12[%swap3A_184, %swap3A_185, %swap3A_186], %swap3A_189 {strides = array<i32>} : memref<4x80x128xf32, #tpu.memory_space<vmem>>, vector<1x1x16xf32>,
      %broadcast_in_dim3A_190 = arith.constant 0.000000e+00 : f32
      %broadcast_in_dim3A_191 = vector.broadcast %broadcast_in_dim3A_190 : f32 to vector<16xf32>
      %swap3A_192 = arith.constant 3 : i32
      %swap3A_193 = arith.index_cast %swap3A_192 : i32 to index
      %swap3A_194 = arith.index_cast %scan3A_182 : i32 to index
      %swap3A_195 = arith.constant 16 : index
      %swap3A_196 = tpu.vector_load %arg12[%swap3A_193, %swap3A_194, %swap3A_195] {strides = array<i32>} : memref<4x80x128xf32, #tpu.memory_space<vmem>>, vector<1x1x16xf32>,
      %swap3A_197 = vector.shape_cast %swap3A_196 : vector<1x1x16xf32> to vector<16xf32>
      %swap3A_198 = vector.shape_cast %broadcast_in_dim3A_191 : vector<16xf32> to vector<1x1x16xf32>
      tpu.vector_store %arg12[%swap3A_193, %swap3A_194, %swap3A_195], %swap3A_198 {strides = array<i32>} : memref<4x80x128xf32, #tpu.memory_space<vmem>>, vector<1x1x16xf32>,
      %broadcast_in_dim3A_199 = arith.constant 0.000000e+00 : f32
      %broadcast_in_dim3A_200 = vector.broadcast %broadcast_in_dim3A_199 : f32 to vector<16xf32>
      %swap3A_201 = arith.constant 3 : i32
      %swap3A_202 = arith.index_cast %swap3A_201 : i32 to index
      %swap3A_203 = arith.index_cast %scan3A_182 : i32 to index
      %swap3A_204 = arith.constant 32 : index
      %swap3A_205 = tpu.vector_load %arg12[%swap3A_202, %swap3A_203, %swap3A_204] {strides = array<i32>} : memref<4x80x128xf32, #tpu.memory_space<vmem>>, vector<1x1x16xf32>,
      %swap3A_206 = vector.shape_cast %swap3A_205 : vector<1x1x16xf32> to vector<16xf32>
      %swap3A_207 = vector.shape_cast %broadcast_in_dim3A_200 : vector<16xf32> to vector<1x1x16xf32>
      tpu.vector_store %arg12[%swap3A_202, %swap3A_203, %swap3A_204], %swap3A_207 {strides = array<i32>} : memref<4x80x128xf32, #tpu.memory_space<vmem>>, vector<1x1x16xf32>,
      %broadcast_in_dim3A_208 = arith.constant 0.000000e+00 : f32
      %broadcast_in_dim3A_209 = vector.broadcast %broadcast_in_dim3A_208 : f32 to vector<16xf32>
      %swap3A_210 = arith.constant 3 : i32
      %swap3A_211 = arith.index_cast %swap3A_210 : i32 to index
      %swap3A_212 = arith.index_cast %scan3A_182 : i32 to index
      %swap3A_213 = arith.constant 48 : index
      %swap3A_214 = tpu.vector_load %arg12[%swap3A_211, %swap3A_212, %swap3A_213] {strides = array<i32>} : memref<4x80x128xf32, #tpu.memory_space<vmem>>, vector<1x1x16xf32>,
      %swap3A_215 = vector.shape_cast %swap3A_214 : vector<1x1x16xf32> to vector<16xf32>
      %swap3A_216 = vector.shape_cast %broadcast_in_dim3A_209 : vector<16xf32> to vector<1x1x16xf32>
      tpu.vector_store %arg12[%swap3A_211, %swap3A_212, %swap3A_213], %swap3A_216 {strides = array<i32>} : memref<4x80x128xf32, #tpu.memory_space<vmem>>, vector<1x1x16xf32>,
      %broadcast_in_dim3A_217 = arith.constant 0.000000e+00 : f32
      %broadcast_in_dim3A_218 = vector.broadcast %broadcast_in_dim3A_217 : f32 to vector<16xf32>
      %swap3A_219 = arith.constant 3 : i32
      %swap3A_220 = arith.index_cast %swap3A_219 : i32 to index
      %swap3A_221 = arith.index_cast %scan3A_182 : i32 to index
      %swap3A_222 = arith.constant 64 : index
      %swap3A_223 = tpu.vector_load %arg12[%swap3A_220, %swap3A_221, %swap3A_222] {strides = array<i32>} : memref<4x80x128xf32, #tpu.memory_space<vmem>>, vector<1x1x16xf32>,
      %swap3A_224 = vector.shape_cast %swap3A_223 : vector<1x1x16xf32> to vector<16xf32>
      %swap3A_225 = vector.shape_cast %broadcast_in_dim3A_218 : vector<16xf32> to vector<1x1x16xf32>
      tpu.vector_store %arg12[%swap3A_220, %swap3A_221, %swap3A_222], %swap3A_225 {strides = array<i32>} : memref<4x80x128xf32, #tpu.memory_space<vmem>>, vector<1x1x16xf32>,
      %broadcast_in_dim3A_226 = arith.constant 0.000000e+00 : f32
      %broadcast_in_dim3A_227 = vector.broadcast %broadcast_in_dim3A_226 : f32 to vector<16xf32>
      %swap3A_228 = arith.constant 3 : i32
      %swap3A_229 = arith.index_cast %swap3A_228 : i32 to index
      %swap3A_230 = arith.index_cast %scan3A_182 : i32 to index
      %swap3A_231 = arith.constant 80 : index
      %swap3A_232 = tpu.vector_load %arg12[%swap3A_229, %swap3A_230, %swap3A_231] {strides = array<i32>} : memref<4x80x128xf32, #tpu.memory_space<vmem>>, vector<1x1x16xf32>,
      %swap3A_233 = vector.shape_cast %swap3A_232 : vector<1x1x16xf32> to vector<16xf32>
      %swap3A_234 = vector.shape_cast %broadcast_in_dim3A_227 : vector<16xf32> to vector<1x1x16xf32>
      tpu.vector_store %arg12[%swap3A_229, %swap3A_230, %swap3A_231], %swap3A_234 {strides = array<i32>} : memref<4x80x128xf32, #tpu.memory_space<vmem>>, vector<1x1x16xf32>,
      %broadcast_in_dim3A_235 = arith.constant 0.000000e+00 : f32
      %broadcast_in_dim3A_236 = vector.broadcast %broadcast_in_dim3A_235 : f32 to vector<16xf32>
      %swap3A_237 = arith.constant 3 : i32
      %swap3A_238 = arith.index_cast %swap3A_237 : i32 to index
      %swap3A_239 = arith.index_cast %scan3A_182 : i32 to index
      %swap3A_240 = arith.constant 96 : index
      %swap3A_241 = tpu.vector_load %arg12[%swap3A_238, %swap3A_239, %swap3A_240] {strides = array<i32>} : memref<4x80x128xf32, #tpu.memory_space<vmem>>, vector<1x1x16xf32>,
      %swap3A_242 = vector.shape_cast %swap3A_241 : vector<1x1x16xf32> to vector<16xf32>
      %swap3A_243 = vector.shape_cast %broadcast_in_dim3A_236 : vector<16xf32> to vector<1x1x16xf32>
      tpu.vector_store %arg12[%swap3A_238, %swap3A_239, %swap3A_240], %swap3A_243 {strides = array<i32>} : memref<4x80x128xf32, #tpu.memory_space<vmem>>, vector<1x1x16xf32>,
      %broadcast_in_dim3A_244 = arith.constant 0.000000e+00 : f32
      %broadcast_in_dim3A_245 = vector.broadcast %broadcast_in_dim3A_244 : f32 to vector<16xf32>
      %swap3A_246 = arith.constant 3 : i32
      %swap3A_247 = arith.index_cast %swap3A_246 : i32 to index
      %swap3A_248 = arith.index_cast %scan3A_182 : i32 to index
      %swap3A_249 = arith.constant 112 : index
      %swap3A_250 = tpu.vector_load %arg12[%swap3A_247, %swap3A_248, %swap3A_249] {strides = array<i32>} : memref<4x80x128xf32, #tpu.memory_space<vmem>>, vector<1x1x16xf32>,
      %swap3A_251 = vector.shape_cast %swap3A_250 : vector<1x1x16xf32> to vector<16xf32>
      %swap3A_252 = vector.shape_cast %broadcast_in_dim3A_245 : vector<16xf32> to vector<1x1x16xf32>
      tpu.vector_store %arg12[%swap3A_247, %swap3A_248, %swap3A_249], %swap3A_252 {strides = array<i32>} : memref<4x80x128xf32, #tpu.memory_space<vmem>>, vector<1x1x16xf32>,
    }
    %scan3A_51 = arith.constant 80 : i32
    %mul3A_52 = arith.constant 625 : i32
    %mul3A_53 = arith.muli %arg1, %mul3A_52 : i32
    %add3A_54 = arith.constant 0 : i32
    %add3A_55 = arith.addi %mul3A_53, %add3A_54 : i32
    %run_scoped3A_56 = arith.constant 3 : i32
    "tpu.region"() ({
      %run_scoped3A_182 = tpu.sem_alloc : memref<!tpu.dma_semaphore, #tpu.memory_space<semaphore_mem>>
      %dma_start3A_183 = arith.constant 0 : i32
      %dma_start3A_184 = arith.constant 0 : i32
      %dma_start3A_185 = tpu.memref_slice %arg12[%run_scoped3A_56, %dma_start3A_183, %dma_start3A_184] : memref<4x80x128xf32, #tpu.memory_space<vmem>> -> memref<1x80x128xf32, #tpu.memory_space<vmem>>
      %dma_start3A_186 = tpu.memref_squeeze %dma_start3A_185 : memref<1x80x128xf32, #tpu.memory_space<vmem>> -> memref<80x128xf32, #tpu.memory_space<vmem>>
      %dma_start3A_187 = arith.constant 0 : i32
      %dma_start3A_188 = tpu.memref_slice %arg13[%add3A_55, %dma_start3A_187] : memref<10000x128xf32, #tpu.memory_space<vmem_shared>> -> memref<80x128xf32, #tpu.memory_space<vmem_shared>>
      %dma_start3A_189 = arith.constant 0 : i32
      %dma_start3A_190 = tpu.memref_slice %arg13[%add3A_55, %dma_start3A_189] : memref<10000x128xf32, #tpu.memory_space<vmem_shared>> -> memref<80x128xf32, #tpu.memory_space<vmem_shared>>
      %dma_start3A_191 = arith.constant 0 : i32
      %dma_start3A_192 = arith.constant 0 : i32
      %dma_start3A_193 = tpu.memref_slice %arg12[%run_scoped3A_56, %dma_start3A_191, %dma_start3A_192] : memref<4x80x128xf32, #tpu.memory_space<vmem>> -> memref<1x80x128xf32, #tpu.memory_space<vmem>>
      %dma_start3A_194 = tpu.memref_squeeze %dma_start3A_193 : memref<1x80x128xf32, #tpu.memory_space<vmem>> -> memref<80x128xf32, #tpu.memory_space<vmem>>
      tpu.enqueue_dma source(%dma_start3A_194 : memref<80x128xf32, #tpu.memory_space<vmem>>) target(%dma_start3A_190 : memref<80x128xf32, #tpu.memory_space<vmem_shared>>) target_semaphore(%run_scoped3A_182 : memref<!tpu.dma_semaphore, #tpu.memory_space<semaphore_mem>>)
      %dma_wait3A_195 = arith.constant 0 : i32
      %dma_wait3A_196 = arith.constant 0 : i32
      %dma_wait3A_197 = tpu.memref_slice %arg12[%run_scoped3A_56, %dma_wait3A_195, %dma_wait3A_196] : memref<4x80x128xf32, #tpu.memory_space<vmem>> -> memref<1x80x128xf32, #tpu.memory_space<vmem>>
      %dma_wait3A_198 = tpu.memref_squeeze %dma_wait3A_197 : memref<1x80x128xf32, #tpu.memory_space<vmem>> -> memref<80x128xf32, #tpu.memory_space<vmem>>
      %dma_wait3A_199 = arith.constant 0 : i32
      %dma_wait3A_200 = tpu.memref_slice %arg13[%add3A_55, %dma_wait3A_199] : memref<10000x128xf32, #tpu.memory_space<vmem_shared>> -> memref<80x128xf32, #tpu.memory_space<vmem_shared>>
      %dma_wait3A_201 = arith.constant 0 : i32
      %dma_wait3A_202 = tpu.memref_slice %arg13[%add3A_55, %dma_wait3A_201] : memref<10000x128xf32, #tpu.memory_space<vmem_shared>> -> memref<80x128xf32, #tpu.memory_space<vmem_shared>>
      %dma_wait3A_203 = arith.constant 0 : i32
      %dma_wait3A_204 = arith.constant 0 : i32
      %dma_wait3A_205 = tpu.memref_slice %arg12[%run_scoped3A_56, %dma_wait3A_203, %dma_wait3A_204] : memref<4x80x128xf32, #tpu.memory_space<vmem>> -> memref<1x80x128xf32, #tpu.memory_space<vmem>>
      %dma_wait3A_206 = tpu.memref_squeeze %dma_wait3A_205 : memref<1x80x128xf32, #tpu.memory_space<vmem>> -> memref<80x128xf32, #tpu.memory_space<vmem>>
      tpu.wait_dma2 semaphore(%run_scoped3A_182 : memref<!tpu.dma_semaphore, #tpu.memory_space<semaphore_mem>>) src(%dma_wait3A_206 : memref<80x128xf32, #tpu.memory_space<vmem>>) dst(%dma_wait3A_202 : memref<80x128xf32, #tpu.memory_space<vmem_shared>>)
      tpu.yield
    }) : () -> ()
    %add3A_57 = arith.constant 80 : i32
    %add3A_58 = arith.addi %mul3A_53, %add3A_57 : i32
    %run_scoped3A_59 = arith.constant 3 : i32
    "tpu.region"() ({
      %run_scoped3A_182 = tpu.sem_alloc : memref<!tpu.dma_semaphore, #tpu.memory_space<semaphore_mem>>
      %dma_start3A_183 = arith.constant 0 : i32
      %dma_start3A_184 = arith.constant 0 : i32
      %dma_start3A_185 = tpu.memref_slice %arg12[%run_scoped3A_59, %dma_start3A_183, %dma_start3A_184] : memref<4x80x128xf32, #tpu.memory_space<vmem>> -> memref<1x80x128xf32, #tpu.memory_space<vmem>>
      %dma_start3A_186 = tpu.memref_squeeze %dma_start3A_185 : memref<1x80x128xf32, #tpu.memory_space<vmem>> -> memref<80x128xf32, #tpu.memory_space<vmem>>
      %dma_start3A_187 = arith.constant 0 : i32
      %dma_start3A_188 = tpu.memref_slice %arg13[%add3A_58, %dma_start3A_187] : memref<10000x128xf32, #tpu.memory_space<vmem_shared>> -> memref<80x128xf32, #tpu.memory_space<vmem_shared>>
      %dma_start3A_189 = arith.constant 0 : i32
      %dma_start3A_190 = tpu.memref_slice %arg13[%add3A_58, %dma_start3A_189] : memref<10000x128xf32, #tpu.memory_space<vmem_shared>> -> memref<80x128xf32, #tpu.memory_space<vmem_shared>>
      %dma_start3A_191 = arith.constant 0 : i32
      %dma_start3A_192 = arith.constant 0 : i32
      %dma_start3A_193 = tpu.memref_slice %arg12[%run_scoped3A_59, %dma_start3A_191, %dma_start3A_192] : memref<4x80x128xf32, #tpu.memory_space<vmem>> -> memref<1x80x128xf32, #tpu.memory_space<vmem>>
      %dma_start3A_194 = tpu.memref_squeeze %dma_start3A_193 : memref<1x80x128xf32, #tpu.memory_space<vmem>> -> memref<80x128xf32, #tpu.memory_space<vmem>>
      tpu.enqueue_dma source(%dma_start3A_194 : memref<80x128xf32, #tpu.memory_space<vmem>>) target(%dma_start3A_190 : memref<80x128xf32, #tpu.memory_space<vmem_shared>>) target_semaphore(%run_scoped3A_182 : memref<!tpu.dma_semaphore, #tpu.memory_space<semaphore_mem>>)
      %dma_wait3A_195 = arith.constant 0 : i32
      %dma_wait3A_196 = arith.constant 0 : i32
      %dma_wait3A_197 = tpu.memref_slice %arg12[%run_scoped3A_59, %dma_wait3A_195, %dma_wait3A_196] : memref<4x80x128xf32, #tpu.memory_space<vmem>> -> memref<1x80x128xf32, #tpu.memory_space<vmem>>
      %dma_wait3A_198 = tpu.memref_squeeze %dma_wait3A_197 : memref<1x80x128xf32, #tpu.memory_space<vmem>> -> memref<80x128xf32, #tpu.memory_space<vmem>>
      %dma_wait3A_199 = arith.constant 0 : i32
      %dma_wait3A_200 = tpu.memref_slice %arg13[%add3A_58, %dma_wait3A_199] : memref<10000x128xf32, #tpu.memory_space<vmem_shared>> -> memref<80x128xf32, #tpu.memory_space<vmem_shared>>
      %dma_wait3A_201 = arith.constant 0 : i32
      %dma_wait3A_202 = tpu.memref_slice %arg13[%add3A_58, %dma_wait3A_201] : memref<10000x128xf32, #tpu.memory_space<vmem_shared>> -> memref<80x128xf32, #tpu.memory_space<vmem_shared>>
      %dma_wait3A_203 = arith.constant 0 : i32
      %dma_wait3A_204 = arith.constant 0 : i32
      %dma_wait3A_205 = tpu.memref_slice %arg12[%run_scoped3A_59, %dma_wait3A_203, %dma_wait3A_204] : memref<4x80x128xf32, #tpu.memory_space<vmem>> -> memref<1x80x128xf32, #tpu.memory_space<vmem>>
      %dma_wait3A_206 = tpu.memref_squeeze %dma_wait3A_205 : memref<1x80x128xf32, #tpu.memory_space<vmem>> -> memref<80x128xf32, #tpu.memory_space<vmem>>
      tpu.wait_dma2 semaphore(%run_scoped3A_182 : memref<!tpu.dma_semaphore, #tpu.memory_space<semaphore_mem>>) src(%dma_wait3A_206 : memref<80x128xf32, #tpu.memory_space<vmem>>) dst(%dma_wait3A_202 : memref<80x128xf32, #tpu.memory_space<vmem_shared>>)
      tpu.yield
    }) : () -> ()
    %add3A_60 = arith.constant 160 : i32
    %add3A_61 = arith.addi %mul3A_53, %add3A_60 : i32
    %run_scoped3A_62 = arith.constant 3 : i32
    "tpu.region"() ({
      %run_scoped3A_182 = tpu.sem_alloc : memref<!tpu.dma_semaphore, #tpu.memory_space<semaphore_mem>>
      %dma_start3A_183 = arith.constant 0 : i32
      %dma_start3A_184 = arith.constant 0 : i32
      %dma_start3A_185 = tpu.memref_slice %arg12[%run_scoped3A_62, %dma_start3A_183, %dma_start3A_184] : memref<4x80x128xf32, #tpu.memory_space<vmem>> -> memref<1x80x128xf32, #tpu.memory_space<vmem>>
      %dma_start3A_186 = tpu.memref_squeeze %dma_start3A_185 : memref<1x80x128xf32, #tpu.memory_space<vmem>> -> memref<80x128xf32, #tpu.memory_space<vmem>>
      %dma_start3A_187 = arith.constant 0 : i32
      %dma_start3A_188 = tpu.memref_slice %arg13[%add3A_61, %dma_start3A_187] : memref<10000x128xf32, #tpu.memory_space<vmem_shared>> -> memref<80x128xf32, #tpu.memory_space<vmem_shared>>
      %dma_start3A_189 = arith.constant 0 : i32
      %dma_start3A_190 = tpu.memref_slice %arg13[%add3A_61, %dma_start3A_189] : memref<10000x128xf32, #tpu.memory_space<vmem_shared>> -> memref<80x128xf32, #tpu.memory_space<vmem_shared>>
      %dma_start3A_191 = arith.constant 0 : i32
      %dma_start3A_192 = arith.constant 0 : i32
      %dma_start3A_193 = tpu.memref_slice %arg12[%run_scoped3A_62, %dma_start3A_191, %dma_start3A_192] : memref<4x80x128xf32, #tpu.memory_space<vmem>> -> memref<1x80x128xf32, #tpu.memory_space<vmem>>
      %dma_start3A_194 = tpu.memref_squeeze %dma_start3A_193 : memref<1x80x128xf32, #tpu.memory_space<vmem>> -> memref<80x128xf32, #tpu.memory_space<vmem>>
      tpu.enqueue_dma source(%dma_start3A_194 : memref<80x128xf32, #tpu.memory_space<vmem>>) target(%dma_start3A_190 : memref<80x128xf32, #tpu.memory_space<vmem_shared>>) target_semaphore(%run_scoped3A_182 : memref<!tpu.dma_semaphore, #tpu.memory_space<semaphore_mem>>)
      %dma_wait3A_195 = arith.constant 0 : i32
      %dma_wait3A_196 = arith.constant 0 : i32
      %dma_wait3A_197 = tpu.memref_slice %arg12[%run_scoped3A_62, %dma_wait3A_195, %dma_wait3A_196] : memref<4x80x128xf32, #tpu.memory_space<vmem>> -> memref<1x80x128xf32, #tpu.memory_space<vmem>>
      %dma_wait3A_198 = tpu.memref_squeeze %dma_wait3A_197 : memref<1x80x128xf32, #tpu.memory_space<vmem>> -> memref<80x128xf32, #tpu.memory_space<vmem>>
      %dma_wait3A_199 = arith.constant 0 : i32
      %dma_wait3A_200 = tpu.memref_slice %arg13[%add3A_61, %dma_wait3A_199] : memref<10000x128xf32, #tpu.memory_space<vmem_shared>> -> memref<80x128xf32, #tpu.memory_space<vmem_shared>>
      %dma_wait3A_201 = arith.constant 0 : i32
      %dma_wait3A_202 = tpu.memref_slice %arg13[%add3A_61, %dma_wait3A_201] : memref<10000x128xf32, #tpu.memory_space<vmem_shared>> -> memref<80x128xf32, #tpu.memory_space<vmem_shared>>
      %dma_wait3A_203 = arith.constant 0 : i32
      %dma_wait3A_204 = arith.constant 0 : i32
      %dma_wait3A_205 = tpu.memref_slice %arg12[%run_scoped3A_62, %dma_wait3A_203, %dma_wait3A_204] : memref<4x80x128xf32, #tpu.memory_space<vmem>> -> memref<1x80x128xf32, #tpu.memory_space<vmem>>
      %dma_wait3A_206 = tpu.memref_squeeze %dma_wait3A_205 : memref<1x80x128xf32, #tpu.memory_space<vmem>> -> memref<80x128xf32, #tpu.memory_space<vmem>>
      tpu.wait_dma2 semaphore(%run_scoped3A_182 : memref<!tpu.dma_semaphore, #tpu.memory_space<semaphore_mem>>) src(%dma_wait3A_206 : memref<80x128xf32, #tpu.memory_space<vmem>>) dst(%dma_wait3A_202 : memref<80x128xf32, #tpu.memory_space<vmem_shared>>)
      tpu.yield
    }) : () -> ()
    %add3A_63 = arith.constant 240 : i32
    %add3A_64 = arith.addi %mul3A_53, %add3A_63 : i32
    %run_scoped3A_65 = arith.constant 3 : i32
    "tpu.region"() ({
      %run_scoped3A_182 = tpu.sem_alloc : memref<!tpu.dma_semaphore, #tpu.memory_space<semaphore_mem>>
      %dma_start3A_183 = arith.constant 0 : i32
      %dma_start3A_184 = arith.constant 0 : i32
      %dma_start3A_185 = tpu.memref_slice %arg12[%run_scoped3A_65, %dma_start3A_183, %dma_start3A_184] : memref<4x80x128xf32, #tpu.memory_space<vmem>> -> memref<1x80x128xf32, #tpu.memory_space<vmem>>
      %dma_start3A_186 = tpu.memref_squeeze %dma_start3A_185 : memref<1x80x128xf32, #tpu.memory_space<vmem>> -> memref<80x128xf32, #tpu.memory_space<vmem>>
      %dma_start3A_187 = arith.constant 0 : i32
      %dma_start3A_188 = tpu.memref_slice %arg13[%add3A_64, %dma_start3A_187] : memref<10000x128xf32, #tpu.memory_space<vmem_shared>> -> memref<80x128xf32, #tpu.memory_space<vmem_shared>>
      %dma_start3A_189 = arith.constant 0 : i32
      %dma_start3A_190 = tpu.memref_slice %arg13[%add3A_64, %dma_start3A_189] : memref<10000x128xf32, #tpu.memory_space<vmem_shared>> -> memref<80x128xf32, #tpu.memory_space<vmem_shared>>
      %dma_start3A_191 = arith.constant 0 : i32
      %dma_start3A_192 = arith.constant 0 : i32
      %dma_start3A_193 = tpu.memref_slice %arg12[%run_scoped3A_65, %dma_start3A_191, %dma_start3A_192] : memref<4x80x128xf32, #tpu.memory_space<vmem>> -> memref<1x80x128xf32, #tpu.memory_space<vmem>>
      %dma_start3A_194 = tpu.memref_squeeze %dma_start3A_193 : memref<1x80x128xf32, #tpu.memory_space<vmem>> -> memref<80x128xf32, #tpu.memory_space<vmem>>
      tpu.enqueue_dma source(%dma_start3A_194 : memref<80x128xf32, #tpu.memory_space<vmem>>) target(%dma_start3A_190 : memref<80x128xf32, #tpu.memory_space<vmem_shared>>) target_semaphore(%run_scoped3A_182 : memref<!tpu.dma_semaphore, #tpu.memory_space<semaphore_mem>>)
      %dma_wait3A_195 = arith.constant 0 : i32
      %dma_wait3A_196 = arith.constant 0 : i32
      %dma_wait3A_197 = tpu.memref_slice %arg12[%run_scoped3A_65, %dma_wait3A_195, %dma_wait3A_196] : memref<4x80x128xf32, #tpu.memory_space<vmem>> -> memref<1x80x128xf32, #tpu.memory_space<vmem>>
      %dma_wait3A_198 = tpu.memref_squeeze %dma_wait3A_197 : memref<1x80x128xf32, #tpu.memory_space<vmem>> -> memref<80x128xf32, #tpu.memory_space<vmem>>
      %dma_wait3A_199 = arith.constant 0 : i32
      %dma_wait3A_200 = tpu.memref_slice %arg13[%add3A_64, %dma_wait3A_199] : memref<10000x128xf32, #tpu.memory_space<vmem_shared>> -> memref<80x128xf32, #tpu.memory_space<vmem_shared>>
      %dma_wait3A_201 = arith.constant 0 : i32
      %dma_wait3A_202 = tpu.memref_slice %arg13[%add3A_64, %dma_wait3A_201] : memref<10000x128xf32, #tpu.memory_space<vmem_shared>> -> memref<80x128xf32, #tpu.memory_space<vmem_shared>>
      %dma_wait3A_203 = arith.constant 0 : i32
      %dma_wait3A_204 = arith.constant 0 : i32
      %dma_wait3A_205 = tpu.memref_slice %arg12[%run_scoped3A_65, %dma_wait3A_203, %dma_wait3A_204] : memref<4x80x128xf32, #tpu.memory_space<vmem>> -> memref<1x80x128xf32, #tpu.memory_space<vmem>>
      %dma_wait3A_206 = tpu.memref_squeeze %dma_wait3A_205 : memref<1x80x128xf32, #tpu.memory_space<vmem>> -> memref<80x128xf32, #tpu.memory_space<vmem>>
      tpu.wait_dma2 semaphore(%run_scoped3A_182 : memref<!tpu.dma_semaphore, #tpu.memory_space<semaphore_mem>>) src(%dma_wait3A_206 : memref<80x128xf32, #tpu.memory_space<vmem>>) dst(%dma_wait3A_202 : memref<80x128xf32, #tpu.memory_space<vmem_shared>>)
      tpu.yield
    }) : () -> ()
    %add3A_66 = arith.constant 320 : i32
    %add3A_67 = arith.addi %mul3A_53, %add3A_66 : i32
    %run_scoped3A_68 = arith.constant 3 : i32
    "tpu.region"() ({
      %run_scoped3A_182 = tpu.sem_alloc : memref<!tpu.dma_semaphore, #tpu.memory_space<semaphore_mem>>
      %dma_start3A_183 = arith.constant 0 : i32
      %dma_start3A_184 = arith.constant 0 : i32
      %dma_start3A_185 = tpu.memref_slice %arg12[%run_scoped3A_68, %dma_start3A_183, %dma_start3A_184] : memref<4x80x128xf32, #tpu.memory_space<vmem>> -> memref<1x80x128xf32, #tpu.memory_space<vmem>>
      %dma_start3A_186 = tpu.memref_squeeze %dma_start3A_185 : memref<1x80x128xf32, #tpu.memory_space<vmem>> -> memref<80x128xf32, #tpu.memory_space<vmem>>
      %dma_start3A_187 = arith.constant 0 : i32
      %dma_start3A_188 = tpu.memref_slice %arg13[%add3A_67, %dma_start3A_187] : memref<10000x128xf32, #tpu.memory_space<vmem_shared>> -> memref<80x128xf32, #tpu.memory_space<vmem_shared>>
      %dma_start3A_189 = arith.constant 0 : i32
      %dma_start3A_190 = tpu.memref_slice %arg13[%add3A_67, %dma_start3A_189] : memref<10000x128xf32, #tpu.memory_space<vmem_shared>> -> memref<80x128xf32, #tpu.memory_space<vmem_shared>>
      %dma_start3A_191 = arith.constant 0 : i32
      %dma_start3A_192 = arith.constant 0 : i32
      %dma_start3A_193 = tpu.memref_slice %arg12[%run_scoped3A_68, %dma_start3A_191, %dma_start3A_192] : memref<4x80x128xf32, #tpu.memory_space<vmem>> -> memref<1x80x128xf32, #tpu.memory_space<vmem>>
      %dma_start3A_194 = tpu.memref_squeeze %dma_start3A_193 : memref<1x80x128xf32, #tpu.memory_space<vmem>> -> memref<80x128xf32, #tpu.memory_space<vmem>>
      tpu.enqueue_dma source(%dma_start3A_194 : memref<80x128xf32, #tpu.memory_space<vmem>>) target(%dma_start3A_190 : memref<80x128xf32, #tpu.memory_space<vmem_shared>>) target_semaphore(%run_scoped3A_182 : memref<!tpu.dma_semaphore, #tpu.memory_space<semaphore_mem>>)
      %dma_wait3A_195 = arith.constant 0 : i32
      %dma_wait3A_196 = arith.constant 0 : i32
      %dma_wait3A_197 = tpu.memref_slice %arg12[%run_scoped3A_68, %dma_wait3A_195, %dma_wait3A_196] : memref<4x80x128xf32, #tpu.memory_space<vmem>> -> memref<1x80x128xf32, #tpu.memory_space<vmem>>
      %dma_wait3A_198 = tpu.memref_squeeze %dma_wait3A_197 : memref<1x80x128xf32, #tpu.memory_space<vmem>> -> memref<80x128xf32, #tpu.memory_space<vmem>>
      %dma_wait3A_199 = arith.constant 0 : i32
      %dma_wait3A_200 = tpu.memref_slice %arg13[%add3A_67, %dma_wait3A_199] : memref<10000x128xf32, #tpu.memory_space<vmem_shared>> -> memref<80x128xf32, #tpu.memory_space<vmem_shared>>
      %dma_wait3A_201 = arith.constant 0 : i32
      %dma_wait3A_202 = tpu.memref_slice %arg13[%add3A_67, %dma_wait3A_201] : memref<10000x128xf32, #tpu.memory_space<vmem_shared>> -> memref<80x128xf32, #tpu.memory_space<vmem_shared>>
      %dma_wait3A_203 = arith.constant 0 : i32
      %dma_wait3A_204 = arith.constant 0 : i32
      %dma_wait3A_205 = tpu.memref_slice %arg12[%run_scoped3A_68, %dma_wait3A_203, %dma_wait3A_204] : memref<4x80x128xf32, #tpu.memory_space<vmem>> -> memref<1x80x128xf32, #tpu.memory_space<vmem>>
      %dma_wait3A_206 = tpu.memref_squeeze %dma_wait3A_205 : memref<1x80x128xf32, #tpu.memory_space<vmem>> -> memref<80x128xf32, #tpu.memory_space<vmem>>
      tpu.wait_dma2 semaphore(%run_scoped3A_182 : memref<!tpu.dma_semaphore, #tpu.memory_space<semaphore_mem>>) src(%dma_wait3A_206 : memref<80x128xf32, #tpu.memory_space<vmem>>) dst(%dma_wait3A_202 : memref<80x128xf32, #tpu.memory_space<vmem_shared>>)
      tpu.yield
    }) : () -> ()
    %add3A_69 = arith.constant 400 : i32
    %add3A_70 = arith.addi %mul3A_53, %add3A_69 : i32
    %run_scoped3A_71 = arith.constant 3 : i32
    "tpu.region"() ({
      %run_scoped3A_182 = tpu.sem_alloc : memref<!tpu.dma_semaphore, #tpu.memory_space<semaphore_mem>>
      %dma_start3A_183 = arith.constant 0 : i32
      %dma_start3A_184 = arith.constant 0 : i32
      %dma_start3A_185 = tpu.memref_slice %arg12[%run_scoped3A_71, %dma_start3A_183, %dma_start3A_184] : memref<4x80x128xf32, #tpu.memory_space<vmem>> -> memref<1x80x128xf32, #tpu.memory_space<vmem>>
      %dma_start3A_186 = tpu.memref_squeeze %dma_start3A_185 : memref<1x80x128xf32, #tpu.memory_space<vmem>> -> memref<80x128xf32, #tpu.memory_space<vmem>>
      %dma_start3A_187 = arith.constant 0 : i32
      %dma_start3A_188 = tpu.memref_slice %arg13[%add3A_70, %dma_start3A_187] : memref<10000x128xf32, #tpu.memory_space<vmem_shared>> -> memref<80x128xf32, #tpu.memory_space<vmem_shared>>
      %dma_start3A_189 = arith.constant 0 : i32
      %dma_start3A_190 = tpu.memref_slice %arg13[%add3A_70, %dma_start3A_189] : memref<10000x128xf32, #tpu.memory_space<vmem_shared>> -> memref<80x128xf32, #tpu.memory_space<vmem_shared>>
      %dma_start3A_191 = arith.constant 0 : i32
      %dma_start3A_192 = arith.constant 0 : i32
      %dma_start3A_193 = tpu.memref_slice %arg12[%run_scoped3A_71, %dma_start3A_191, %dma_start3A_192] : memref<4x80x128xf32, #tpu.memory_space<vmem>> -> memref<1x80x128xf32, #tpu.memory_space<vmem>>
      %dma_start3A_194 = tpu.memref_squeeze %dma_start3A_193 : memref<1x80x128xf32, #tpu.memory_space<vmem>> -> memref<80x128xf32, #tpu.memory_space<vmem>>
      tpu.enqueue_dma source(%dma_start3A_194 : memref<80x128xf32, #tpu.memory_space<vmem>>) target(%dma_start3A_190 : memref<80x128xf32, #tpu.memory_space<vmem_shared>>) target_semaphore(%run_scoped3A_182 : memref<!tpu.dma_semaphore, #tpu.memory_space<semaphore_mem>>)
      %dma_wait3A_195 = arith.constant 0 : i32
      %dma_wait3A_196 = arith.constant 0 : i32
      %dma_wait3A_197 = tpu.memref_slice %arg12[%run_scoped3A_71, %dma_wait3A_195, %dma_wait3A_196] : memref<4x80x128xf32, #tpu.memory_space<vmem>> -> memref<1x80x128xf32, #tpu.memory_space<vmem>>
      %dma_wait3A_198 = tpu.memref_squeeze %dma_wait3A_197 : memref<1x80x128xf32, #tpu.memory_space<vmem>> -> memref<80x128xf32, #tpu.memory_space<vmem>>
      %dma_wait3A_199 = arith.constant 0 : i32
      %dma_wait3A_200 = tpu.memref_slice %arg13[%add3A_70, %dma_wait3A_199] : memref<10000x128xf32, #tpu.memory_space<vmem_shared>> -> memref<80x128xf32, #tpu.memory_space<vmem_shared>>
      %dma_wait3A_201 = arith.constant 0 : i32
      %dma_wait3A_202 = tpu.memref_slice %arg13[%add3A_70, %dma_wait3A_201] : memref<10000x128xf32, #tpu.memory_space<vmem_shared>> -> memref<80x128xf32, #tpu.memory_space<vmem_shared>>
      %dma_wait3A_203 = arith.constant 0 : i32
      %dma_wait3A_204 = arith.constant 0 : i32
      %dma_wait3A_205 = tpu.memref_slice %arg12[%run_scoped3A_71, %dma_wait3A_203, %dma_wait3A_204] : memref<4x80x128xf32, #tpu.memory_space<vmem>> -> memref<1x80x128xf32, #tpu.memory_space<vmem>>
      %dma_wait3A_206 = tpu.memref_squeeze %dma_wait3A_205 : memref<1x80x128xf32, #tpu.memory_space<vmem>> -> memref<80x128xf32, #tpu.memory_space<vmem>>
      tpu.wait_dma2 semaphore(%run_scoped3A_182 : memref<!tpu.dma_semaphore, #tpu.memory_space<semaphore_mem>>) src(%dma_wait3A_206 : memref<80x128xf32, #tpu.memory_space<vmem>>) dst(%dma_wait3A_202 : memref<80x128xf32, #tpu.memory_space<vmem_shared>>)
      tpu.yield
    }) : () -> ()
    %add3A_72 = arith.constant 480 : i32
    %add3A_73 = arith.addi %mul3A_53, %add3A_72 : i32
    %run_scoped3A_74 = arith.constant 3 : i32
    "tpu.region"() ({
      %run_scoped3A_182 = tpu.sem_alloc : memref<!tpu.dma_semaphore, #tpu.memory_space<semaphore_mem>>
      %dma_start3A_183 = arith.constant 0 : i32
      %dma_start3A_184 = arith.constant 0 : i32
      %dma_start3A_185 = tpu.memref_slice %arg12[%run_scoped3A_74, %dma_start3A_183, %dma_start3A_184] : memref<4x80x128xf32, #tpu.memory_space<vmem>> -> memref<1x80x128xf32, #tpu.memory_space<vmem>>
      %dma_start3A_186 = tpu.memref_squeeze %dma_start3A_185 : memref<1x80x128xf32, #tpu.memory_space<vmem>> -> memref<80x128xf32, #tpu.memory_space<vmem>>
      %dma_start3A_187 = arith.constant 0 : i32
      %dma_start3A_188 = tpu.memref_slice %arg13[%add3A_73, %dma_start3A_187] : memref<10000x128xf32, #tpu.memory_space<vmem_shared>> -> memref<80x128xf32, #tpu.memory_space<vmem_shared>>
      %dma_start3A_189 = arith.constant 0 : i32
      %dma_start3A_190 = tpu.memref_slice %arg13[%add3A_73, %dma_start3A_189] : memref<10000x128xf32, #tpu.memory_space<vmem_shared>> -> memref<80x128xf32, #tpu.memory_space<vmem_shared>>
      %dma_start3A_191 = arith.constant 0 : i32
      %dma_start3A_192 = arith.constant 0 : i32
      %dma_start3A_193 = tpu.memref_slice %arg12[%run_scoped3A_74, %dma_start3A_191, %dma_start3A_192] : memref<4x80x128xf32, #tpu.memory_space<vmem>> -> memref<1x80x128xf32, #tpu.memory_space<vmem>>
      %dma_start3A_194 = tpu.memref_squeeze %dma_start3A_193 : memref<1x80x128xf32, #tpu.memory_space<vmem>> -> memref<80x128xf32, #tpu.memory_space<vmem>>
      tpu.enqueue_dma source(%dma_start3A_194 : memref<80x128xf32, #tpu.memory_space<vmem>>) target(%dma_start3A_190 : memref<80x128xf32, #tpu.memory_space<vmem_shared>>) target_semaphore(%run_scoped3A_182 : memref<!tpu.dma_semaphore, #tpu.memory_space<semaphore_mem>>)
      %dma_wait3A_195 = arith.constant 0 : i32
      %dma_wait3A_196 = arith.constant 0 : i32
      %dma_wait3A_197 = tpu.memref_slice %arg12[%run_scoped3A_74, %dma_wait3A_195, %dma_wait3A_196] : memref<4x80x128xf32, #tpu.memory_space<vmem>> -> memref<1x80x128xf32, #tpu.memory_space<vmem>>
      %dma_wait3A_198 = tpu.memref_squeeze %dma_wait3A_197 : memref<1x80x128xf32, #tpu.memory_space<vmem>> -> memref<80x128xf32, #tpu.memory_space<vmem>>
      %dma_wait3A_199 = arith.constant 0 : i32
      %dma_wait3A_200 = tpu.memref_slice %arg13[%add3A_73, %dma_wait3A_199] : memref<10000x128xf32, #tpu.memory_space<vmem_shared>> -> memref<80x128xf32, #tpu.memory_space<vmem_shared>>
      %dma_wait3A_201 = arith.constant 0 : i32
      %dma_wait3A_202 = tpu.memref_slice %arg13[%add3A_73, %dma_wait3A_201] : memref<10000x128xf32, #tpu.memory_space<vmem_shared>> -> memref<80x128xf32, #tpu.memory_space<vmem_shared>>
      %dma_wait3A_203 = arith.constant 0 : i32
      %dma_wait3A_204 = arith.constant 0 : i32
      %dma_wait3A_205 = tpu.memref_slice %arg12[%run_scoped3A_74, %dma_wait3A_203, %dma_wait3A_204] : memref<4x80x128xf32, #tpu.memory_space<vmem>> -> memref<1x80x128xf32, #tpu.memory_space<vmem>>
      %dma_wait3A_206 = tpu.memref_squeeze %dma_wait3A_205 : memref<1x80x128xf32, #tpu.memory_space<vmem>> -> memref<80x128xf32, #tpu.memory_space<vmem>>
      tpu.wait_dma2 semaphore(%run_scoped3A_182 : memref<!tpu.dma_semaphore, #tpu.memory_space<semaphore_mem>>) src(%dma_wait3A_206 : memref<80x128xf32, #tpu.memory_space<vmem>>) dst(%dma_wait3A_202 : memref<80x128xf32, #tpu.memory_space<vmem_shared>>)
      tpu.yield
    }) : () -> ()
    %add3A_75 = arith.constant 560 : i32
    %add3A_76 = arith.addi %mul3A_53, %add3A_75 : i32
    %run_scoped3A_77 = arith.constant 3 : i32
    "tpu.region"() ({
      %run_scoped3A_182 = tpu.sem_alloc : memref<!tpu.dma_semaphore, #tpu.memory_space<semaphore_mem>>
      %dma_start3A_183 = arith.constant 0 : i32
      %dma_start3A_184 = arith.constant 0 : i32
      %dma_start3A_185 = tpu.memref_slice %arg12[%run_scoped3A_77, %dma_start3A_183, %dma_start3A_184] : memref<4x80x128xf32, #tpu.memory_space<vmem>> -> memref<1x65x128xf32, #tpu.memory_space<vmem>>
      %dma_start3A_186 = tpu.memref_squeeze %dma_start3A_185 : memref<1x65x128xf32, #tpu.memory_space<vmem>> -> memref<65x128xf32, #tpu.memory_space<vmem>>
      %dma_start3A_187 = arith.constant 0 : i32
      %dma_start3A_188 = tpu.memref_slice %arg13[%add3A_76, %dma_start3A_187] : memref<10000x128xf32, #tpu.memory_space<vmem_shared>> -> memref<65x128xf32, #tpu.memory_space<vmem_shared>>
      %dma_start3A_189 = arith.constant 0 : i32
      %dma_start3A_190 = tpu.memref_slice %arg13[%add3A_76, %dma_start3A_189] : memref<10000x128xf32, #tpu.memory_space<vmem_shared>> -> memref<65x128xf32, #tpu.memory_space<vmem_shared>>
      %dma_start3A_191 = arith.constant 0 : i32
      %dma_start3A_192 = arith.constant 0 : i32
      %dma_start3A_193 = tpu.memref_slice %arg12[%run_scoped3A_77, %dma_start3A_191, %dma_start3A_192] : memref<4x80x128xf32, #tpu.memory_space<vmem>> -> memref<1x65x128xf32, #tpu.memory_space<vmem>>
      %dma_start3A_194 = tpu.memref_squeeze %dma_start3A_193 : memref<1x65x128xf32, #tpu.memory_space<vmem>> -> memref<65x128xf32, #tpu.memory_space<vmem>>
      tpu.enqueue_dma source(%dma_start3A_194 : memref<65x128xf32, #tpu.memory_space<vmem>>) target(%dma_start3A_190 : memref<65x128xf32, #tpu.memory_space<vmem_shared>>) target_semaphore(%run_scoped3A_182 : memref<!tpu.dma_semaphore, #tpu.memory_space<semaphore_mem>>)
      %dma_wait3A_195 = arith.constant 0 : i32
      %dma_wait3A_196 = arith.constant 0 : i32
      %dma_wait3A_197 = tpu.memref_slice %arg12[%run_scoped3A_77, %dma_wait3A_195, %dma_wait3A_196] : memref<4x80x128xf32, #tpu.memory_space<vmem>> -> memref<1x65x128xf32, #tpu.memory_space<vmem>>
      %dma_wait3A_198 = tpu.memref_squeeze %dma_wait3A_197 : memref<1x65x128xf32, #tpu.memory_space<vmem>> -> memref<65x128xf32, #tpu.memory_space<vmem>>
      %dma_wait3A_199 = arith.constant 0 : i32
      %dma_wait3A_200 = tpu.memref_slice %arg13[%add3A_76, %dma_wait3A_199] : memref<10000x128xf32, #tpu.memory_space<vmem_shared>> -> memref<65x128xf32, #tpu.memory_space<vmem_shared>>
      %dma_wait3A_201 = arith.constant 0 : i32
      %dma_wait3A_202 = tpu.memref_slice %arg13[%add3A_76, %dma_wait3A_201] : memref<10000x128xf32, #tpu.memory_space<vmem_shared>> -> memref<65x128xf32, #tpu.memory_space<vmem_shared>>
      %dma_wait3A_203 = arith.constant 0 : i32
      %dma_wait3A_204 = arith.constant 0 : i32
      %dma_wait3A_205 = tpu.memref_slice %arg12[%run_scoped3A_77, %dma_wait3A_203, %dma_wait3A_204] : memref<4x80x128xf32, #tpu.memory_space<vmem>> -> memref<1x65x128xf32, #tpu.memory_space<vmem>>
      %dma_wait3A_206 = tpu.memref_squeeze %dma_wait3A_205 : memref<1x65x128xf32, #tpu.memory_space<vmem>> -> memref<65x128xf32, #tpu.memory_space<vmem>>
      tpu.wait_dma2 semaphore(%run_scoped3A_182 : memref<!tpu.dma_semaphore, #tpu.memory_space<semaphore_mem>>) src(%dma_wait3A_206 : memref<65x128xf32, #tpu.memory_space<vmem>>) dst(%dma_wait3A_202 : memref<65x128xf32, #tpu.memory_space<vmem_shared>>)
      tpu.yield
    }) : () -> ()
    %dma_wait3A = arith.constant 0 : i32
    %dma_wait3A_78 = arith.constant 0 : i32
    %dma_wait3A_79 = arith.constant 0 : i32
    %dma_wait3A_80 = arith.constant 0 : i32
    %dma_wait3A_81 = tpu.memref_slice %arg12[%dma_wait3A, %dma_wait3A_79, %dma_wait3A_80] : memref<4x80x128xf32, #tpu.memory_space<vmem>> -> memref<1x80x128xf32, #tpu.memory_space<vmem>>
    %dma_wait3A_82 = tpu.memref_squeeze %dma_wait3A_81 : memref<1x80x128xf32, #tpu.memory_space<vmem>> -> memref<80x128xf32, #tpu.memory_space<vmem>>
    %dma_wait3A_83 = arith.constant 0 : i32
    %dma_wait3A_84 = arith.constant 0 : i32
    %dma_wait3A_85 = tpu.memref_slice %arg6[%dma_wait3A_83, %dma_wait3A_84] : memref<160000x256xf32, #tpu.memory_space<hbm>> -> memref<80x128xf32, #tpu.memory_space<hbm>>
    %dma_wait3A_86 = tpu.memref_slice %arg17[%dma_wait3A_78] : memref<4x!tpu.dma_semaphore, #tpu.memory_space<semaphore_mem>> -> memref<1x!tpu.dma_semaphore, #tpu.memory_space<semaphore_mem>>
    %dma_wait3A_87 = tpu.memref_squeeze %dma_wait3A_86 : memref<1x!tpu.dma_semaphore, #tpu.memory_space<semaphore_mem>> -> memref<!tpu.dma_semaphore, #tpu.memory_space<semaphore_mem>>
    %dma_wait3A_88 = arith.constant 0 : i32
    %dma_wait3A_89 = arith.constant 0 : i32
    %dma_wait3A_90 = tpu.memref_slice %arg12[%dma_wait3A, %dma_wait3A_88, %dma_wait3A_89] : memref<4x80x128xf32, #tpu.memory_space<vmem>> -> memref<1x80x128xf32, #tpu.memory_space<vmem>>
    %dma_wait3A_91 = tpu.memref_squeeze %dma_wait3A_90 : memref<1x80x128xf32, #tpu.memory_space<vmem>> -> memref<80x128xf32, #tpu.memory_space<vmem>>
    %dma_wait3A_92 = arith.constant 0 : i32
    %dma_wait3A_93 = arith.constant 0 : i32
    %dma_wait3A_94 = tpu.memref_slice %arg6[%dma_wait3A_92, %dma_wait3A_93] : memref<160000x256xf32, #tpu.memory_space<hbm>> -> memref<80x128xf32, #tpu.memory_space<hbm>>
    tpu.wait_dma2 semaphore(%dma_wait3A_87 : memref<!tpu.dma_semaphore, #tpu.memory_space<semaphore_mem>>) src(%dma_wait3A_94 : memref<80x128xf32, #tpu.memory_space<hbm>>) dst(%dma_wait3A_91 : memref<80x128xf32, #tpu.memory_space<vmem>>)
    %eq3A_95 = arith.constant 0 : i32
    %eq3A_96 = arith.cmpi eq, %arg0, %eq3A_95 : i32
    %convert_element_type3A_97 = arith.extui %eq3A_96 : i1 to i32
    %cond3A_98 = arith.constant 0 : i32
    %cond3A_99 = arith.cmpi ne, %convert_element_type3A_97, %cond3A_98 : i32
    scf.if %cond3A_99 {
      %dma_start3A_182 = arith.constant 0 : i32
      %dma_start3A_183 = arith.constant 0 : i32
      %dma_start3A_184 = arith.constant 0 : i32
      %dma_start3A_185 = arith.constant 0 : i32
      %dma_start3A_186 = arith.constant 0 : i32
      %dma_start3A_187 = tpu.memref_slice %arg12[%dma_start3A_183, %dma_start3A_185, %dma_start3A_186] : memref<4x80x128xf32, #tpu.memory_space<vmem>> -> memref<1x80x128xf32, #tpu.memory_space<vmem>>
      %dma_start3A_188 = tpu.memref_squeeze %dma_start3A_187 : memref<1x80x128xf32, #tpu.memory_space<vmem>> -> memref<80x128xf32, #tpu.memory_space<vmem>>
      %dma_start3A_189 = arith.constant 0 : i32
      %dma_start3A_190 = tpu.memref_slice %arg9[%dma_start3A_182, %dma_start3A_189] : memref<3x80xi32, #tpu.memory_space<vmem>> -> memref<1x80xi32, #tpu.memory_space<vmem>>
      %dma_start3A_191 = tpu.memref_squeeze %dma_start3A_190 : memref<1x80xi32, #tpu.memory_space<vmem>> -> memref<80xi32, #tpu.memory_space<vmem>>
      %dma_start3A_192 = arith.constant 0 : i32
      %dma_start3A_193 = arith.constant 0 : i32
      %dma_start3A_194 = tpu.memref_slice %arg2[%dma_start3A_192, %dma_start3A_193] : memref<10000x128xf32, #tpu.memory_space<hbm>> -> memref<10000x128xf32, #tpu.memory_space<hbm>>
      %dma_start3A_195 = tpu.memref_slice %arg16[%dma_start3A_184] : memref<4x!tpu.dma_semaphore, #tpu.memory_space<semaphore_mem>> -> memref<1x!tpu.dma_semaphore, #tpu.memory_space<semaphore_mem>>
      %dma_start3A_196 = tpu.memref_squeeze %dma_start3A_195 : memref<1x!tpu.dma_semaphore, #tpu.memory_space<semaphore_mem>> -> memref<!tpu.dma_semaphore, #tpu.memory_space<semaphore_mem>>
      tpu.enqueue_indirect_dma source(%dma_start3A_194 : memref<10000x128xf32, #tpu.memory_space<hbm>>) target(%dma_start3A_188 : memref<80x128xf32, #tpu.memory_space<vmem>>) offsets(%dma_start3A_191 : memref<80xi32, #tpu.memory_space<vmem>>) semaphore(%dma_start3A_196 : memref<!tpu.dma_semaphore, #tpu.memory_space<semaphore_mem>>) {add = true}
    } else {
    }
    %eq3A_100 = arith.constant 1 : i32
    %eq3A_101 = arith.cmpi eq, %arg0, %eq3A_100 : i32
    %convert_element_type3A_102 = arith.extui %eq3A_101 : i1 to i32
    %cond3A_103 = arith.constant 0 : i32
    %cond3A_104 = arith.cmpi ne, %convert_element_type3A_102, %cond3A_103 : i32
    scf.if %cond3A_104 {
      %dma_start3A_182 = arith.constant 0 : i32
      %dma_start3A_183 = arith.constant 0 : i32
      %dma_start3A_184 = arith.constant 0 : i32
      %dma_start3A_185 = arith.constant 0 : i32
      %dma_start3A_186 = arith.constant 0 : i32
      %dma_start3A_187 = tpu.memref_slice %arg12[%dma_start3A_183, %dma_start3A_185, %dma_start3A_186] : memref<4x80x128xf32, #tpu.memory_space<vmem>> -> memref<1x80x128xf32, #tpu.memory_space<vmem>>
      %dma_start3A_188 = tpu.memref_squeeze %dma_start3A_187 : memref<1x80x128xf32, #tpu.memory_space<vmem>> -> memref<80x128xf32, #tpu.memory_space<vmem>>
      %dma_start3A_189 = arith.constant 0 : i32
      %dma_start3A_190 = tpu.memref_slice %arg9[%dma_start3A_182, %dma_start3A_189] : memref<3x80xi32, #tpu.memory_space<vmem>> -> memref<1x80xi32, #tpu.memory_space<vmem>>
      %dma_start3A_191 = tpu.memref_squeeze %dma_start3A_190 : memref<1x80xi32, #tpu.memory_space<vmem>> -> memref<80xi32, #tpu.memory_space<vmem>>
      %dma_start3A_192 = arith.constant 0 : i32
      %dma_start3A_193 = arith.constant 0 : i32
      %dma_start3A_194 = tpu.memref_slice %arg3[%dma_start3A_192, %dma_start3A_193] : memref<10000x128xf32, #tpu.memory_space<hbm>> -> memref<10000x128xf32, #tpu.memory_space<hbm>>
      %dma_start3A_195 = tpu.memref_slice %arg16[%dma_start3A_184] : memref<4x!tpu.dma_semaphore, #tpu.memory_space<semaphore_mem>> -> memref<1x!tpu.dma_semaphore, #tpu.memory_space<semaphore_mem>>
      %dma_start3A_196 = tpu.memref_squeeze %dma_start3A_195 : memref<1x!tpu.dma_semaphore, #tpu.memory_space<semaphore_mem>> -> memref<!tpu.dma_semaphore, #tpu.memory_space<semaphore_mem>>
      tpu.enqueue_indirect_dma source(%dma_start3A_194 : memref<10000x128xf32, #tpu.memory_space<hbm>>) target(%dma_start3A_188 : memref<80x128xf32, #tpu.memory_space<vmem>>) offsets(%dma_start3A_191 : memref<80xi32, #tpu.memory_space<vmem>>) semaphore(%dma_start3A_196 : memref<!tpu.dma_semaphore, #tpu.memory_space<semaphore_mem>>) {add = true}
    } else {
    }
    %barrier3A = arith.constant 0 : index
    tpu.barrier barrier_id(%barrier3A)
    %scan3A_105 = arith.constant 0 : i32
    %scan3A_106 = arith.constant 0 : i32
    %scan3A_107 = arith.constant 125 : i32
    %scan3A_108 = arith.addi %scan3A_106, %scan3A_107 : i32
    %scan3A_109 = arith.constant 1 : i32
    scf.for %scan3A_182 = %scan3A_106 to %scan3A_108 step %scan3A_109  : i32 {
      %rem3A = arith.constant 3 : i32
      %rem3A_183 = arith.remsi %scan3A_182, %rem3A : i32
      %add3A_184 = arith.constant 1 : i32
      %add3A_185 = arith.addi %scan3A_182, %add3A_184 : i32
      %rem3A_186 = arith.constant 3 : i32
      %rem3A_187 = arith.remsi %add3A_185, %rem3A_186 : i32
      %add3A_188 = arith.constant 2 : i32
      %add3A_189 = arith.addi %scan3A_182, %add3A_188 : i32
      %rem3A_190 = arith.constant 3 : i32
      %rem3A_191 = arith.remsi %add3A_189, %rem3A_190 : i32
      %rem3A_192 = arith.constant 4 : i32
      %rem3A_193 = arith.remsi %scan3A_182, %rem3A_192 : i32
      %add3A_194 = arith.constant 1 : i32
      %add3A_195 = arith.addi %scan3A_182, %add3A_194 : i32
      %rem3A_196 = arith.constant 4 : i32
      %rem3A_197 = arith.remsi %add3A_195, %rem3A_196 : i32
      %add3A_198 = arith.constant 2 : i32
      %add3A_199 = arith.addi %scan3A_182, %add3A_198 : i32
      %rem3A_200 = arith.constant 4 : i32
      %rem3A_201 = arith.remsi %add3A_199, %rem3A_200 : i32
      %add3A_202 = arith.constant 2 : i32
      %add3A_203 = arith.addi %scan3A_182, %add3A_202 : i32
      %lt3A = arith.constant 125 : i32
      %lt3A_204 = arith.cmpi slt, %add3A_203, %lt3A : i32
      %convert_element_type3A_205 = arith.extui %lt3A_204 : i1 to i32
      %cond3A_206 = arith.constant 0 : i32
      %cond3A_207 = arith.cmpi ne, %convert_element_type3A_205, %cond3A_206 : i32
      scf.if %cond3A_207 {
        %ge3A = arith.constant 2 : i32
        %ge3A_284 = arith.cmpi sge, %scan3A_182, %ge3A : i32
        %convert_element_type3A_285 = arith.extui %ge3A_284 : i1 to i32
        %cond3A_286 = arith.constant 0 : i32
        %cond3A_287 = arith.cmpi ne, %convert_element_type3A_285, %cond3A_286 : i32
        scf.if %cond3A_287 {
          %dma_wait3A_328 = arith.constant 0 : i32
          %dma_wait3A_329 = arith.constant 0 : i32
          %dma_wait3A_330 = tpu.memref_slice %arg12[%rem3A_201, %dma_wait3A_328, %dma_wait3A_329] : memref<4x80x128xf32, #tpu.memory_space<vmem>> -> memref<1x80x128xf32, #tpu.memory_space<vmem>>
          %dma_wait3A_331 = tpu.memref_squeeze %dma_wait3A_330 : memref<1x80x128xf32, #tpu.memory_space<vmem>> -> memref<80x128xf32, #tpu.memory_space<vmem>>
          %dma_wait3A_332 = arith.constant 0 : i32
          %dma_wait3A_333 = tpu.memref_slice %arg11[%rem3A_201, %dma_wait3A_332] : memref<4x80xi32, #tpu.memory_space<vmem>> -> memref<1x80xi32, #tpu.memory_space<vmem>>
          %dma_wait3A_334 = tpu.memref_squeeze %dma_wait3A_333 : memref<1x80xi32, #tpu.memory_space<vmem>> -> memref<80xi32, #tpu.memory_space<vmem>>
          %dma_wait3A_335 = arith.constant 0 : i32
          %dma_wait3A_336 = arith.constant 0 : i32
          %dma_wait3A_337 = tpu.memref_slice %arg13[%dma_wait3A_335, %dma_wait3A_336] : memref<10000x128xf32, #tpu.memory_space<vmem_shared>> -> memref<10000x128xf32, #tpu.memory_space<vmem_shared>>
          %dma_wait3A_338 = tpu.memref_slice %arg18[%rem3A_201] : memref<4x!tpu.dma_semaphore, #tpu.memory_space<semaphore_mem>> -> memref<1x!tpu.dma_semaphore, #tpu.memory_space<semaphore_mem>>
          %dma_wait3A_339 = tpu.memref_squeeze %dma_wait3A_338 : memref<1x!tpu.dma_semaphore, #tpu.memory_space<semaphore_mem>> -> memref<!tpu.dma_semaphore, #tpu.memory_space<semaphore_mem>>
          tpu.wait_indirect_dma semaphore(%dma_wait3A_339 : memref<!tpu.dma_semaphore, #tpu.memory_space<semaphore_mem>>) src(%dma_wait3A_331 : memref<80x128xf32, #tpu.memory_space<vmem>>) dst(%dma_wait3A_337 : memref<10000x128xf32, #tpu.memory_space<vmem_shared>>)
        } else {
        }
        %add3A_288 = arith.constant 2 : i32
        %add3A_289 = arith.addi %scan3A_182, %add3A_288 : i32
        %mul3A_290 = arith.constant 80 : i32
        %mul3A_291 = arith.muli %add3A_289, %mul3A_290 : i32
        %add3A_292 = arith.addi %mul3A_0, %mul3A_291 : i32
        %eq3A_293 = arith.constant 0 : i32
        %eq3A_294 = arith.cmpi eq, %arg0, %eq3A_293 : i32
        %convert_element_type3A_295 = arith.extui %eq3A_294 : i1 to i32
        %cond3A_296 = arith.constant 0 : i32
        %cond3A_297 = arith.cmpi ne, %convert_element_type3A_295, %cond3A_296 : i32
        scf.if %cond3A_297 {
          %dma_start3A_328 = arith.constant 0 : i32
          %dma_start3A_329 = arith.constant 0 : i32
          %dma_start3A_330 = tpu.memref_slice %arg12[%rem3A_201, %dma_start3A_328, %dma_start3A_329] : memref<4x80x128xf32, #tpu.memory_space<vmem>> -> memref<1x80x128xf32, #tpu.memory_space<vmem>>
          %dma_start3A_331 = tpu.memref_squeeze %dma_start3A_330 : memref<1x80x128xf32, #tpu.memory_space<vmem>> -> memref<80x128xf32, #tpu.memory_space<vmem>>
          %dma_start3A_332 = arith.constant 0 : i32
          %dma_start3A_333 = tpu.memref_slice %arg6[%add3A_292, %dma_start3A_332] : memref<160000x256xf32, #tpu.memory_space<hbm>> -> memref<80x128xf32, #tpu.memory_space<hbm>>
          %dma_start3A_334 = tpu.memref_slice %arg17[%rem3A_201] : memref<4x!tpu.dma_semaphore, #tpu.memory_space<semaphore_mem>> -> memref<1x!tpu.dma_semaphore, #tpu.memory_space<semaphore_mem>>
          %dma_start3A_335 = tpu.memref_squeeze %dma_start3A_334 : memref<1x!tpu.dma_semaphore, #tpu.memory_space<semaphore_mem>> -> memref<!tpu.dma_semaphore, #tpu.memory_space<semaphore_mem>>
          %dma_start3A_336 = arith.constant 0 : i32
          %dma_start3A_337 = arith.constant 0 : i32
          %dma_start3A_338 = tpu.memref_slice %arg12[%rem3A_201, %dma_start3A_336, %dma_start3A_337] : memref<4x80x128xf32, #tpu.memory_space<vmem>> -> memref<1x80x128xf32, #tpu.memory_space<vmem>>
          %dma_start3A_339 = tpu.memref_squeeze %dma_start3A_338 : memref<1x80x128xf32, #tpu.memory_space<vmem>> -> memref<80x128xf32, #tpu.memory_space<vmem>>
          %dma_start3A_340 = arith.constant 0 : i32
          %dma_start3A_341 = tpu.memref_slice %arg6[%add3A_292, %dma_start3A_340] : memref<160000x256xf32, #tpu.memory_space<hbm>> -> memref<80x128xf32, #tpu.memory_space<hbm>>
          tpu.enqueue_dma source(%dma_start3A_341 : memref<80x128xf32, #tpu.memory_space<hbm>>) target(%dma_start3A_339 : memref<80x128xf32, #tpu.memory_space<vmem>>) target_semaphore(%dma_start3A_335 : memref<!tpu.dma_semaphore, #tpu.memory_space<semaphore_mem>>)
        } else {
        }
        %eq3A_298 = arith.constant 1 : i32
        %eq3A_299 = arith.cmpi eq, %arg0, %eq3A_298 : i32
        %convert_element_type3A_300 = arith.extui %eq3A_299 : i1 to i32
        %cond3A_301 = arith.constant 0 : i32
        %cond3A_302 = arith.cmpi ne, %convert_element_type3A_300, %cond3A_301 : i32
        scf.if %cond3A_302 {
          %dma_start3A_328 = arith.constant 0 : i32
          %dma_start3A_329 = arith.constant 0 : i32
          %dma_start3A_330 = tpu.memref_slice %arg12[%rem3A_201, %dma_start3A_328, %dma_start3A_329] : memref<4x80x128xf32, #tpu.memory_space<vmem>> -> memref<1x80x128xf32, #tpu.memory_space<vmem>>
          %dma_start3A_331 = tpu.memref_squeeze %dma_start3A_330 : memref<1x80x128xf32, #tpu.memory_space<vmem>> -> memref<80x128xf32, #tpu.memory_space<vmem>>
          %dma_start3A_332 = arith.constant 128 : i32
          %dma_start3A_333 = tpu.memref_slice %arg6[%add3A_292, %dma_start3A_332] : memref<160000x256xf32, #tpu.memory_space<hbm>> -> memref<80x128xf32, #tpu.memory_space<hbm>>
          %dma_start3A_334 = tpu.memref_slice %arg17[%rem3A_201] : memref<4x!tpu.dma_semaphore, #tpu.memory_space<semaphore_mem>> -> memref<1x!tpu.dma_semaphore, #tpu.memory_space<semaphore_mem>>
          %dma_start3A_335 = tpu.memref_squeeze %dma_start3A_334 : memref<1x!tpu.dma_semaphore, #tpu.memory_space<semaphore_mem>> -> memref<!tpu.dma_semaphore, #tpu.memory_space<semaphore_mem>>
          %dma_start3A_336 = arith.constant 0 : i32
          %dma_start3A_337 = arith.constant 0 : i32
          %dma_start3A_338 = tpu.memref_slice %arg12[%rem3A_201, %dma_start3A_336, %dma_start3A_337] : memref<4x80x128xf32, #tpu.memory_space<vmem>> -> memref<1x80x128xf32, #tpu.memory_space<vmem>>
          %dma_start3A_339 = tpu.memref_squeeze %dma_start3A_338 : memref<1x80x128xf32, #tpu.memory_space<vmem>> -> memref<80x128xf32, #tpu.memory_space<vmem>>
          %dma_start3A_340 = arith.constant 128 : i32
          %dma_start3A_341 = tpu.memref_slice %arg6[%add3A_292, %dma_start3A_340] : memref<160000x256xf32, #tpu.memory_space<hbm>> -> memref<80x128xf32, #tpu.memory_space<hbm>>
          tpu.enqueue_dma source(%dma_start3A_341 : memref<80x128xf32, #tpu.memory_space<hbm>>) target(%dma_start3A_339 : memref<80x128xf32, #tpu.memory_space<vmem>>) target_semaphore(%dma_start3A_335 : memref<!tpu.dma_semaphore, #tpu.memory_space<semaphore_mem>>)
        } else {
        }
        %add3A_303 = arith.constant 2 : i32
        %add3A_304 = arith.addi %scan3A_182, %add3A_303 : i32
        %mul3A_305 = arith.constant 80 : i32
        %mul3A_306 = arith.muli %add3A_304, %mul3A_305 : i32
        %add3A_307 = arith.addi %mul3A_0, %mul3A_306 : i32
        %dma_start3A_308 = arith.constant 0 : i32
        %dma_start3A_309 = tpu.memref_slice %arg9[%rem3A_191, %dma_start3A_308] : memref<3x80xi32, #tpu.memory_space<vmem>> -> memref<1x80xi32, #tpu.memory_space<vmem>>
        %dma_start3A_310 = tpu.memref_squeeze %dma_start3A_309 : memref<1x80xi32, #tpu.memory_space<vmem>> -> memref<80xi32, #tpu.memory_space<vmem>>
        %dma_start3A_311 = tpu.memref_slice %arg4[%add3A_307] : memref<160000xi32, #tpu.memory_space<hbm>> -> memref<80xi32, #tpu.memory_space<hbm>>
        %dma_start3A_312 = tpu.memref_slice %arg14[%rem3A_191] : memref<3x!tpu.dma_semaphore, #tpu.memory_space<semaphore_mem>> -> memref<1x!tpu.dma_semaphore, #tpu.memory_space<semaphore_mem>>
        %dma_start3A_313 = tpu.memref_squeeze %dma_start3A_312 : memref<1x!tpu.dma_semaphore, #tpu.memory_space<semaphore_mem>> -> memref<!tpu.dma_semaphore, #tpu.memory_space<semaphore_mem>>
        %dma_start3A_314 = arith.constant 0 : i32
        %dma_start3A_315 = tpu.memref_slice %arg9[%rem3A_191, %dma_start3A_314] : memref<3x80xi32, #tpu.memory_space<vmem>> -> memref<1x80xi32, #tpu.memory_space<vmem>>
        %dma_start3A_316 = tpu.memref_squeeze %dma_start3A_315 : memref<1x80xi32, #tpu.memory_space<vmem>> -> memref<80xi32, #tpu.memory_space<vmem>>
        %dma_start3A_317 = tpu.memref_slice %arg4[%add3A_307] : memref<160000xi32, #tpu.memory_space<hbm>> -> memref<80xi32, #tpu.memory_space<hbm>>
        tpu.enqueue_dma source(%dma_start3A_317 : memref<80xi32, #tpu.memory_space<hbm>>) target(%dma_start3A_316 : memref<80xi32, #tpu.memory_space<vmem>>) target_semaphore(%dma_start3A_313 : memref<!tpu.dma_semaphore, #tpu.memory_space<semaphore_mem>>)
        %dma_start3A_318 = arith.constant 0 : i32
        %dma_start3A_319 = tpu.memref_slice %arg10[%rem3A_191, %dma_start3A_318] : memref<3x80xi32, #tpu.memory_space<vmem>> -> memref<1x80xi32, #tpu.memory_space<vmem>>
        %dma_start3A_320 = tpu.memref_squeeze %dma_start3A_319 : memref<1x80xi32, #tpu.memory_space<vmem>> -> memref<80xi32, #tpu.memory_space<vmem>>
        %dma_start3A_321 = tpu.memref_slice %arg5[%add3A_307] : memref<160000xi32, #tpu.memory_space<hbm>> -> memref<80xi32, #tpu.memory_space<hbm>>
        %dma_start3A_322 = tpu.memref_slice %arg15[%rem3A_191] : memref<3x!tpu.dma_semaphore, #tpu.memory_space<semaphore_mem>> -> memref<1x!tpu.dma_semaphore, #tpu.memory_space<semaphore_mem>>
        %dma_start3A_323 = tpu.memref_squeeze %dma_start3A_322 : memref<1x!tpu.dma_semaphore, #tpu.memory_space<semaphore_mem>> -> memref<!tpu.dma_semaphore, #tpu.memory_space<semaphore_mem>>
        %dma_start3A_324 = arith.constant 0 : i32
        %dma_start3A_325 = tpu.memref_slice %arg10[%rem3A_191, %dma_start3A_324] : memref<3x80xi32, #tpu.memory_space<vmem>> -> memref<1x80xi32, #tpu.memory_space<vmem>>
        %dma_start3A_326 = tpu.memref_squeeze %dma_start3A_325 : memref<1x80xi32, #tpu.memory_space<vmem>> -> memref<80xi32, #tpu.memory_space<vmem>>
        %dma_start3A_327 = tpu.memref_slice %arg5[%add3A_307] : memref<160000xi32, #tpu.memory_space<hbm>> -> memref<80xi32, #tpu.memory_space<hbm>>
        tpu.enqueue_dma source(%dma_start3A_327 : memref<80xi32, #tpu.memory_space<hbm>>) target(%dma_start3A_326 : memref<80xi32, #tpu.memory_space<vmem>>) target_semaphore(%dma_start3A_323 : memref<!tpu.dma_semaphore, #tpu.memory_space<semaphore_mem>>)
      } else {
      }
      %add3A_208 = arith.constant 1 : i32
      %add3A_209 = arith.addi %scan3A_182, %add3A_208 : i32
      %lt3A_210 = arith.constant 125 : i32
      %lt3A_211 = arith.cmpi slt, %add3A_209, %lt3A_210 : i32
      %convert_element_type3A_212 = arith.extui %lt3A_211 : i1 to i32
      %cond3A_213 = arith.constant 0 : i32
      %cond3A_214 = arith.cmpi ne, %convert_element_type3A_212, %cond3A_213 : i32
      scf.if %cond3A_214 {
        %dma_wait3A_284 = arith.constant 0 : i32
        %dma_wait3A_285 = tpu.memref_slice %arg9[%rem3A_187, %dma_wait3A_284] : memref<3x80xi32, #tpu.memory_space<vmem>> -> memref<1x80xi32, #tpu.memory_space<vmem>>
        %dma_wait3A_286 = tpu.memref_squeeze %dma_wait3A_285 : memref<1x80xi32, #tpu.memory_space<vmem>> -> memref<80xi32, #tpu.memory_space<vmem>>
        %dma_wait3A_287 = arith.constant 0 : i32
        %dma_wait3A_288 = tpu.memref_slice %arg4[%dma_wait3A_287] : memref<160000xi32, #tpu.memory_space<hbm>> -> memref<80xi32, #tpu.memory_space<hbm>>
        %dma_wait3A_289 = tpu.memref_slice %arg14[%rem3A_187] : memref<3x!tpu.dma_semaphore, #tpu.memory_space<semaphore_mem>> -> memref<1x!tpu.dma_semaphore, #tpu.memory_space<semaphore_mem>>
        %dma_wait3A_290 = tpu.memref_squeeze %dma_wait3A_289 : memref<1x!tpu.dma_semaphore, #tpu.memory_space<semaphore_mem>> -> memref<!tpu.dma_semaphore, #tpu.memory_space<semaphore_mem>>
        %dma_wait3A_291 = arith.constant 0 : i32
        %dma_wait3A_292 = tpu.memref_slice %arg9[%rem3A_187, %dma_wait3A_291] : memref<3x80xi32, #tpu.memory_space<vmem>> -> memref<1x80xi32, #tpu.memory_space<vmem>>
        %dma_wait3A_293 = tpu.memref_squeeze %dma_wait3A_292 : memref<1x80xi32, #tpu.memory_space<vmem>> -> memref<80xi32, #tpu.memory_space<vmem>>
        %dma_wait3A_294 = arith.constant 0 : i32
        %dma_wait3A_295 = tpu.memref_slice %arg4[%dma_wait3A_294] : memref<160000xi32, #tpu.memory_space<hbm>> -> memref<80xi32, #tpu.memory_space<hbm>>
        tpu.wait_dma2 semaphore(%dma_wait3A_290 : memref<!tpu.dma_semaphore, #tpu.memory_space<semaphore_mem>>) src(%dma_wait3A_295 : memref<80xi32, #tpu.memory_space<hbm>>) dst(%dma_wait3A_293 : memref<80xi32, #tpu.memory_space<vmem>>)
        %dma_wait3A_296 = arith.constant 0 : i32
        %dma_wait3A_297 = tpu.memref_slice %arg10[%rem3A_187, %dma_wait3A_296] : memref<3x80xi32, #tpu.memory_space<vmem>> -> memref<1x80xi32, #tpu.memory_space<vmem>>
        %dma_wait3A_298 = tpu.memref_squeeze %dma_wait3A_297 : memref<1x80xi32, #tpu.memory_space<vmem>> -> memref<80xi32, #tpu.memory_space<vmem>>
        %dma_wait3A_299 = arith.constant 0 : i32
        %dma_wait3A_300 = tpu.memref_slice %arg5[%dma_wait3A_299] : memref<160000xi32, #tpu.memory_space<hbm>> -> memref<80xi32, #tpu.memory_space<hbm>>
        %dma_wait3A_301 = tpu.memref_slice %arg15[%rem3A_187] : memref<3x!tpu.dma_semaphore, #tpu.memory_space<semaphore_mem>> -> memref<1x!tpu.dma_semaphore, #tpu.memory_space<semaphore_mem>>
        %dma_wait3A_302 = tpu.memref_squeeze %dma_wait3A_301 : memref<1x!tpu.dma_semaphore, #tpu.memory_space<semaphore_mem>> -> memref<!tpu.dma_semaphore, #tpu.memory_space<semaphore_mem>>
        %dma_wait3A_303 = arith.constant 0 : i32
        %dma_wait3A_304 = tpu.memref_slice %arg10[%rem3A_187, %dma_wait3A_303] : memref<3x80xi32, #tpu.memory_space<vmem>> -> memref<1x80xi32, #tpu.memory_space<vmem>>
        %dma_wait3A_305 = tpu.memref_squeeze %dma_wait3A_304 : memref<1x80xi32, #tpu.memory_space<vmem>> -> memref<80xi32, #tpu.memory_space<vmem>>
        %dma_wait3A_306 = arith.constant 0 : i32
        %dma_wait3A_307 = tpu.memref_slice %arg5[%dma_wait3A_306] : memref<160000xi32, #tpu.memory_space<hbm>> -> memref<80xi32, #tpu.memory_space<hbm>>
        tpu.wait_dma2 semaphore(%dma_wait3A_302 : memref<!tpu.dma_semaphore, #tpu.memory_space<semaphore_mem>>) src(%dma_wait3A_307 : memref<80xi32, #tpu.memory_space<hbm>>) dst(%dma_wait3A_305 : memref<80xi32, #tpu.memory_space<vmem>>)
        %dma_wait3A_308 = arith.constant 0 : i32
        %dma_wait3A_309 = arith.constant 0 : i32
        %dma_wait3A_310 = tpu.memref_slice %arg12[%rem3A_197, %dma_wait3A_308, %dma_wait3A_309] : memref<4x80x128xf32, #tpu.memory_space<vmem>> -> memref<1x80x128xf32, #tpu.memory_space<vmem>>
        %dma_wait3A_311 = tpu.memref_squeeze %dma_wait3A_310 : memref<1x80x128xf32, #tpu.memory_space<vmem>> -> memref<80x128xf32, #tpu.memory_space<vmem>>
        %dma_wait3A_312 = arith.constant 0 : i32
        %dma_wait3A_313 = arith.constant 0 : i32
        %dma_wait3A_314 = tpu.memref_slice %arg6[%dma_wait3A_312, %dma_wait3A_313] : memref<160000x256xf32, #tpu.memory_space<hbm>> -> memref<80x128xf32, #tpu.memory_space<hbm>>
        %dma_wait3A_315 = tpu.memref_slice %arg17[%rem3A_197] : memref<4x!tpu.dma_semaphore, #tpu.memory_space<semaphore_mem>> -> memref<1x!tpu.dma_semaphore, #tpu.memory_space<semaphore_mem>>
        %dma_wait3A_316 = tpu.memref_squeeze %dma_wait3A_315 : memref<1x!tpu.dma_semaphore, #tpu.memory_space<semaphore_mem>> -> memref<!tpu.dma_semaphore, #tpu.memory_space<semaphore_mem>>
        %dma_wait3A_317 = arith.constant 0 : i32
        %dma_wait3A_318 = arith.constant 0 : i32
        %dma_wait3A_319 = tpu.memref_slice %arg12[%rem3A_197, %dma_wait3A_317, %dma_wait3A_318] : memref<4x80x128xf32, #tpu.memory_space<vmem>> -> memref<1x80x128xf32, #tpu.memory_space<vmem>>
        %dma_wait3A_320 = tpu.memref_squeeze %dma_wait3A_319 : memref<1x80x128xf32, #tpu.memory_space<vmem>> -> memref<80x128xf32, #tpu.memory_space<vmem>>
        %dma_wait3A_321 = arith.constant 0 : i32
        %dma_wait3A_322 = arith.constant 0 : i32
        %dma_wait3A_323 = tpu.memref_slice %arg6[%dma_wait3A_321, %dma_wait3A_322] : memref<160000x256xf32, #tpu.memory_space<hbm>> -> memref<80x128xf32, #tpu.memory_space<hbm>>
        tpu.wait_dma2 semaphore(%dma_wait3A_316 : memref<!tpu.dma_semaphore, #tpu.memory_space<semaphore_mem>>) src(%dma_wait3A_323 : memref<80x128xf32, #tpu.memory_space<hbm>>) dst(%dma_wait3A_320 : memref<80x128xf32, #tpu.memory_space<vmem>>)
        %eq3A_324 = arith.constant 0 : i32
        %eq3A_325 = arith.cmpi eq, %arg0, %eq3A_324 : i32
        %convert_element_type3A_326 = arith.extui %eq3A_325 : i1 to i32
        %cond3A_327 = arith.constant 0 : i32
        %cond3A_328 = arith.cmpi ne, %convert_element_type3A_326, %cond3A_327 : i32
        scf.if %cond3A_328 {
          %dma_start3A_334 = arith.constant 0 : i32
          %dma_start3A_335 = arith.constant 0 : i32
          %dma_start3A_336 = tpu.memref_slice %arg12[%rem3A_197, %dma_start3A_334, %dma_start3A_335] : memref<4x80x128xf32, #tpu.memory_space<vmem>> -> memref<1x80x128xf32, #tpu.memory_space<vmem>>
          %dma_start3A_337 = tpu.memref_squeeze %dma_start3A_336 : memref<1x80x128xf32, #tpu.memory_space<vmem>> -> memref<80x128xf32, #tpu.memory_space<vmem>>
          %dma_start3A_338 = arith.constant 0 : i32
          %dma_start3A_339 = tpu.memref_slice %arg9[%rem3A_187, %dma_start3A_338] : memref<3x80xi32, #tpu.memory_space<vmem>> -> memref<1x80xi32, #tpu.memory_space<vmem>>
          %dma_start3A_340 = tpu.memref_squeeze %dma_start3A_339 : memref<1x80xi32, #tpu.memory_space<vmem>> -> memref<80xi32, #tpu.memory_space<vmem>>
          %dma_start3A_341 = arith.constant 0 : i32
          %dma_start3A_342 = arith.constant 0 : i32
          %dma_start3A_343 = tpu.memref_slice %arg2[%dma_start3A_341, %dma_start3A_342] : memref<10000x128xf32, #tpu.memory_space<hbm>> -> memref<10000x128xf32, #tpu.memory_space<hbm>>
          %dma_start3A_344 = tpu.memref_slice %arg16[%rem3A_197] : memref<4x!tpu.dma_semaphore, #tpu.memory_space<semaphore_mem>> -> memref<1x!tpu.dma_semaphore, #tpu.memory_space<semaphore_mem>>
          %dma_start3A_345 = tpu.memref_squeeze %dma_start3A_344 : memref<1x!tpu.dma_semaphore, #tpu.memory_space<semaphore_mem>> -> memref<!tpu.dma_semaphore, #tpu.memory_space<semaphore_mem>>
          tpu.enqueue_indirect_dma source(%dma_start3A_343 : memref<10000x128xf32, #tpu.memory_space<hbm>>) target(%dma_start3A_337 : memref<80x128xf32, #tpu.memory_space<vmem>>) offsets(%dma_start3A_340 : memref<80xi32, #tpu.memory_space<vmem>>) semaphore(%dma_start3A_345 : memref<!tpu.dma_semaphore, #tpu.memory_space<semaphore_mem>>) {add = true}
        } else {
        }
        %eq3A_329 = arith.constant 1 : i32
        %eq3A_330 = arith.cmpi eq, %arg0, %eq3A_329 : i32
        %convert_element_type3A_331 = arith.extui %eq3A_330 : i1 to i32
        %cond3A_332 = arith.constant 0 : i32
        %cond3A_333 = arith.cmpi ne, %convert_element_type3A_331, %cond3A_332 : i32
        scf.if %cond3A_333 {
          %dma_start3A_334 = arith.constant 0 : i32
          %dma_start3A_335 = arith.constant 0 : i32
          %dma_start3A_336 = tpu.memref_slice %arg12[%rem3A_197, %dma_start3A_334, %dma_start3A_335] : memref<4x80x128xf32, #tpu.memory_space<vmem>> -> memref<1x80x128xf32, #tpu.memory_space<vmem>>
          %dma_start3A_337 = tpu.memref_squeeze %dma_start3A_336 : memref<1x80x128xf32, #tpu.memory_space<vmem>> -> memref<80x128xf32, #tpu.memory_space<vmem>>
          %dma_start3A_338 = arith.constant 0 : i32
          %dma_start3A_339 = tpu.memref_slice %arg9[%rem3A_187, %dma_start3A_338] : memref<3x80xi32, #tpu.memory_space<vmem>> -> memref<1x80xi32, #tpu.memory_space<vmem>>
          %dma_start3A_340 = tpu.memref_squeeze %dma_start3A_339 : memref<1x80xi32, #tpu.memory_space<vmem>> -> memref<80xi32, #tpu.memory_space<vmem>>
          %dma_start3A_341 = arith.constant 0 : i32
          %dma_start3A_342 = arith.constant 0 : i32
          %dma_start3A_343 = tpu.memref_slice %arg3[%dma_start3A_341, %dma_start3A_342] : memref<10000x128xf32, #tpu.memory_space<hbm>> -> memref<10000x128xf32, #tpu.memory_space<hbm>>
          %dma_start3A_344 = tpu.memref_slice %arg16[%rem3A_197] : memref<4x!tpu.dma_semaphore, #tpu.memory_space<semaphore_mem>> -> memref<1x!tpu.dma_semaphore, #tpu.memory_space<semaphore_mem>>
          %dma_start3A_345 = tpu.memref_squeeze %dma_start3A_344 : memref<1x!tpu.dma_semaphore, #tpu.memory_space<semaphore_mem>> -> memref<!tpu.dma_semaphore, #tpu.memory_space<semaphore_mem>>
          tpu.enqueue_indirect_dma source(%dma_start3A_343 : memref<10000x128xf32, #tpu.memory_space<hbm>>) target(%dma_start3A_337 : memref<80x128xf32, #tpu.memory_space<vmem>>) offsets(%dma_start3A_340 : memref<80xi32, #tpu.memory_space<vmem>>) semaphore(%dma_start3A_345 : memref<!tpu.dma_semaphore, #tpu.memory_space<semaphore_mem>>) {add = true}
        } else {
        }
      } else {
      }
      %dma_wait3A_215 = arith.constant 0 : i32
      %dma_wait3A_216 = arith.constant 0 : i32
      %dma_wait3A_217 = tpu.memref_slice %arg12[%rem3A_193, %dma_wait3A_215, %dma_wait3A_216] : memref<4x80x128xf32, #tpu.memory_space<vmem>> -> memref<1x80x128xf32, #tpu.memory_space<vmem>>
      %dma_wait3A_218 = tpu.memref_squeeze %dma_wait3A_217 : memref<1x80x128xf32, #tpu.memory_space<vmem>> -> memref<80x128xf32, #tpu.memory_space<vmem>>
      %dma_wait3A_219 = arith.constant 0 : i32
      %dma_wait3A_220 = tpu.memref_slice %arg9[%rem3A_183, %dma_wait3A_219] : memref<3x80xi32, #tpu.memory_space<vmem>> -> memref<1x80xi32, #tpu.memory_space<vmem>>
      %dma_wait3A_221 = tpu.memref_squeeze %dma_wait3A_220 : memref<1x80xi32, #tpu.memory_space<vmem>> -> memref<80xi32, #tpu.memory_space<vmem>>
      %dma_wait3A_222 = arith.constant 0 : i32
      %dma_wait3A_223 = arith.constant 0 : i32
      %dma_wait3A_224 = tpu.memref_slice %arg2[%dma_wait3A_222, %dma_wait3A_223] : memref<10000x128xf32, #tpu.memory_space<hbm>> -> memref<10000x128xf32, #tpu.memory_space<hbm>>
      %dma_wait3A_225 = tpu.memref_slice %arg16[%rem3A_193] : memref<4x!tpu.dma_semaphore, #tpu.memory_space<semaphore_mem>> -> memref<1x!tpu.dma_semaphore, #tpu.memory_space<semaphore_mem>>
      %dma_wait3A_226 = tpu.memref_squeeze %dma_wait3A_225 : memref<1x!tpu.dma_semaphore, #tpu.memory_space<semaphore_mem>> -> memref<!tpu.dma_semaphore, #tpu.memory_space<semaphore_mem>>
      tpu.wait_indirect_dma semaphore(%dma_wait3A_226 : memref<!tpu.dma_semaphore, #tpu.memory_space<semaphore_mem>>) src(%dma_wait3A_224 : memref<10000x128xf32, #tpu.memory_space<hbm>>) dst(%dma_wait3A_218 : memref<80x128xf32, #tpu.memory_space<vmem>>)
      %parallel_loop3A = arith.constant 0 : i32
      %parallel_loop3A_227 = arith.constant 80 : i32
      %parallel_loop3A_228 = arith.constant 1 : i32
      scf.for %parallel_loop3A_284 = %parallel_loop3A to %parallel_loop3A_227 step %parallel_loop3A_228  : i32 {
        %parallel_loop3A_285 = arith.index_cast %rem3A_193 : i32 to index
        %parallel_loop3A_286 = arith.index_cast %parallel_loop3A_284 : i32 to index
        %parallel_loop3A_287 = arith.constant 0 : index
        %parallel_loop3A_288 = tpu.vector_load %arg12[%parallel_loop3A_285, %parallel_loop3A_286, %parallel_loop3A_287] {strides = array<i32>} : memref<4x80x128xf32, #tpu.memory_space<vmem>>, vector<1x1x16xf32>,
        %parallel_loop3A_289 = vector.shape_cast %parallel_loop3A_288 : vector<1x1x16xf32> to vector<16xf32>
        %parallel_loop3A_290 = arith.constant 0.000000e+00 : f32
        %parallel_loop3A_291 = vector.broadcast %parallel_loop3A_290 : f32 to vector<16xf32>
        %parallel_loop3A_292 = arith.maximumf %parallel_loop3A_289, %parallel_loop3A_291 : vector<16xf32>
        %parallel_loop3A_293 = arith.index_cast %rem3A_193 : i32 to index
        %parallel_loop3A_294 = arith.index_cast %parallel_loop3A_284 : i32 to index
        %parallel_loop3A_295 = arith.constant 0 : index
        %parallel_loop3A_296 = tpu.vector_load %arg12[%parallel_loop3A_293, %parallel_loop3A_294, %parallel_loop3A_295] {strides = array<i32>} : memref<4x80x128xf32, #tpu.memory_space<vmem>>, vector<1x1x16xf32>,
        %parallel_loop3A_297 = vector.shape_cast %parallel_loop3A_296 : vector<1x1x16xf32> to vector<16xf32>
        %parallel_loop3A_298 = vector.shape_cast %parallel_loop3A_292 : vector<16xf32> to vector<1x1x16xf32>
        tpu.vector_store %arg12[%parallel_loop3A_293, %parallel_loop3A_294, %parallel_loop3A_295], %parallel_loop3A_298 {strides = array<i32>} : memref<4x80x128xf32, #tpu.memory_space<vmem>>, vector<1x1x16xf32>,
        %parallel_loop3A_299 = arith.index_cast %rem3A_193 : i32 to index
        %parallel_loop3A_300 = arith.index_cast %parallel_loop3A_284 : i32 to index
        %parallel_loop3A_301 = arith.constant 16 : index
        %parallel_loop3A_302 = tpu.vector_load %arg12[%parallel_loop3A_299, %parallel_loop3A_300, %parallel_loop3A_301] {strides = array<i32>} : memref<4x80x128xf32, #tpu.memory_space<vmem>>, vector<1x1x16xf32>,
        %parallel_loop3A_303 = vector.shape_cast %parallel_loop3A_302 : vector<1x1x16xf32> to vector<16xf32>
        %parallel_loop3A_304 = arith.constant 0.000000e+00 : f32
        %parallel_loop3A_305 = vector.broadcast %parallel_loop3A_304 : f32 to vector<16xf32>
        %parallel_loop3A_306 = arith.maximumf %parallel_loop3A_303, %parallel_loop3A_305 : vector<16xf32>
        %parallel_loop3A_307 = arith.index_cast %rem3A_193 : i32 to index
        %parallel_loop3A_308 = arith.index_cast %parallel_loop3A_284 : i32 to index
        %parallel_loop3A_309 = arith.constant 16 : index
        %parallel_loop3A_310 = tpu.vector_load %arg12[%parallel_loop3A_307, %parallel_loop3A_308, %parallel_loop3A_309] {strides = array<i32>} : memref<4x80x128xf32, #tpu.memory_space<vmem>>, vector<1x1x16xf32>,
        %parallel_loop3A_311 = vector.shape_cast %parallel_loop3A_310 : vector<1x1x16xf32> to vector<16xf32>
        %parallel_loop3A_312 = vector.shape_cast %parallel_loop3A_306 : vector<16xf32> to vector<1x1x16xf32>
        tpu.vector_store %arg12[%parallel_loop3A_307, %parallel_loop3A_308, %parallel_loop3A_309], %parallel_loop3A_312 {strides = array<i32>} : memref<4x80x128xf32, #tpu.memory_space<vmem>>, vector<1x1x16xf32>,
        %parallel_loop3A_313 = arith.index_cast %rem3A_193 : i32 to index
        %parallel_loop3A_314 = arith.index_cast %parallel_loop3A_284 : i32 to index
        %parallel_loop3A_315 = arith.constant 32 : index
        %parallel_loop3A_316 = tpu.vector_load %arg12[%parallel_loop3A_313, %parallel_loop3A_314, %parallel_loop3A_315] {strides = array<i32>} : memref<4x80x128xf32, #tpu.memory_space<vmem>>, vector<1x1x16xf32>,
        %parallel_loop3A_317 = vector.shape_cast %parallel_loop3A_316 : vector<1x1x16xf32> to vector<16xf32>
        %parallel_loop3A_318 = arith.constant 0.000000e+00 : f32
        %parallel_loop3A_319 = vector.broadcast %parallel_loop3A_318 : f32 to vector<16xf32>
        %parallel_loop3A_320 = arith.maximumf %parallel_loop3A_317, %parallel_loop3A_319 : vector<16xf32>
        %parallel_loop3A_321 = arith.index_cast %rem3A_193 : i32 to index
        %parallel_loop3A_322 = arith.index_cast %parallel_loop3A_284 : i32 to index
        %parallel_loop3A_323 = arith.constant 32 : index
        %parallel_loop3A_324 = tpu.vector_load %arg12[%parallel_loop3A_321, %parallel_loop3A_322, %parallel_loop3A_323] {strides = array<i32>} : memref<4x80x128xf32, #tpu.memory_space<vmem>>, vector<1x1x16xf32>,
        %parallel_loop3A_325 = vector.shape_cast %parallel_loop3A_324 : vector<1x1x16xf32> to vector<16xf32>
        %parallel_loop3A_326 = vector.shape_cast %parallel_loop3A_320 : vector<16xf32> to vector<1x1x16xf32>
        tpu.vector_store %arg12[%parallel_loop3A_321, %parallel_loop3A_322, %parallel_loop3A_323], %parallel_loop3A_326 {strides = array<i32>} : memref<4x80x128xf32, #tpu.memory_space<vmem>>, vector<1x1x16xf32>,
        %parallel_loop3A_327 = arith.index_cast %rem3A_193 : i32 to index
        %parallel_loop3A_328 = arith.index_cast %parallel_loop3A_284 : i32 to index
        %parallel_loop3A_329 = arith.constant 48 : index
        %parallel_loop3A_330 = tpu.vector_load %arg12[%parallel_loop3A_327, %parallel_loop3A_328, %parallel_loop3A_329] {strides = array<i32>} : memref<4x80x128xf32, #tpu.memory_space<vmem>>, vector<1x1x16xf32>,
        %parallel_loop3A_331 = vector.shape_cast %parallel_loop3A_330 : vector<1x1x16xf32> to vector<16xf32>
        %parallel_loop3A_332 = arith.constant 0.000000e+00 : f32
        %parallel_loop3A_333 = vector.broadcast %parallel_loop3A_332 : f32 to vector<16xf32>
        %parallel_loop3A_334 = arith.maximumf %parallel_loop3A_331, %parallel_loop3A_333 : vector<16xf32>
        %parallel_loop3A_335 = arith.index_cast %rem3A_193 : i32 to index
        %parallel_loop3A_336 = arith.index_cast %parallel_loop3A_284 : i32 to index
        %parallel_loop3A_337 = arith.constant 48 : index
        %parallel_loop3A_338 = tpu.vector_load %arg12[%parallel_loop3A_335, %parallel_loop3A_336, %parallel_loop3A_337] {strides = array<i32>} : memref<4x80x128xf32, #tpu.memory_space<vmem>>, vector<1x1x16xf32>,
        %parallel_loop3A_339 = vector.shape_cast %parallel_loop3A_338 : vector<1x1x16xf32> to vector<16xf32>
        %parallel_loop3A_340 = vector.shape_cast %parallel_loop3A_334 : vector<16xf32> to vector<1x1x16xf32>
        tpu.vector_store %arg12[%parallel_loop3A_335, %parallel_loop3A_336, %parallel_loop3A_337], %parallel_loop3A_340 {strides = array<i32>} : memref<4x80x128xf32, #tpu.memory_space<vmem>>, vector<1x1x16xf32>,
        %parallel_loop3A_341 = arith.index_cast %rem3A_193 : i32 to index
        %parallel_loop3A_342 = arith.index_cast %parallel_loop3A_284 : i32 to index
        %parallel_loop3A_343 = arith.constant 64 : index
        %parallel_loop3A_344 = tpu.vector_load %arg12[%parallel_loop3A_341, %parallel_loop3A_342, %parallel_loop3A_343] {strides = array<i32>} : memref<4x80x128xf32, #tpu.memory_space<vmem>>, vector<1x1x16xf32>,
        %parallel_loop3A_345 = vector.shape_cast %parallel_loop3A_344 : vector<1x1x16xf32> to vector<16xf32>
        %parallel_loop3A_346 = arith.constant 0.000000e+00 : f32
        %parallel_loop3A_347 = vector.broadcast %parallel_loop3A_346 : f32 to vector<16xf32>
        %parallel_loop3A_348 = arith.maximumf %parallel_loop3A_345, %parallel_loop3A_347 : vector<16xf32>
        %parallel_loop3A_349 = arith.index_cast %rem3A_193 : i32 to index
        %parallel_loop3A_350 = arith.index_cast %parallel_loop3A_284 : i32 to index
        %parallel_loop3A_351 = arith.constant 64 : index
        %parallel_loop3A_352 = tpu.vector_load %arg12[%parallel_loop3A_349, %parallel_loop3A_350, %parallel_loop3A_351] {strides = array<i32>} : memref<4x80x128xf32, #tpu.memory_space<vmem>>, vector<1x1x16xf32>,
        %parallel_loop3A_353 = vector.shape_cast %parallel_loop3A_352 : vector<1x1x16xf32> to vector<16xf32>
        %parallel_loop3A_354 = vector.shape_cast %parallel_loop3A_348 : vector<16xf32> to vector<1x1x16xf32>
        tpu.vector_store %arg12[%parallel_loop3A_349, %parallel_loop3A_350, %parallel_loop3A_351], %parallel_loop3A_354 {strides = array<i32>} : memref<4x80x128xf32, #tpu.memory_space<vmem>>, vector<1x1x16xf32>,
        %parallel_loop3A_355 = arith.index_cast %rem3A_193 : i32 to index
        %parallel_loop3A_356 = arith.index_cast %parallel_loop3A_284 : i32 to index
        %parallel_loop3A_357 = arith.constant 80 : index
        %parallel_loop3A_358 = tpu.vector_load %arg12[%parallel_loop3A_355, %parallel_loop3A_356, %parallel_loop3A_357] {strides = array<i32>} : memref<4x80x128xf32, #tpu.memory_space<vmem>>, vector<1x1x16xf32>,
        %parallel_loop3A_359 = vector.shape_cast %parallel_loop3A_358 : vector<1x1x16xf32> to vector<16xf32>
        %parallel_loop3A_360 = arith.constant 0.000000e+00 : f32
        %parallel_loop3A_361 = vector.broadcast %parallel_loop3A_360 : f32 to vector<16xf32>
        %parallel_loop3A_362 = arith.maximumf %parallel_loop3A_359, %parallel_loop3A_361 : vector<16xf32>
        %parallel_loop3A_363 = arith.index_cast %rem3A_193 : i32 to index
        %parallel_loop3A_364 = arith.index_cast %parallel_loop3A_284 : i32 to index
        %parallel_loop3A_365 = arith.constant 80 : index
        %parallel_loop3A_366 = tpu.vector_load %arg12[%parallel_loop3A_363, %parallel_loop3A_364, %parallel_loop3A_365] {strides = array<i32>} : memref<4x80x128xf32, #tpu.memory_space<vmem>>, vector<1x1x16xf32>,
        %parallel_loop3A_367 = vector.shape_cast %parallel_loop3A_366 : vector<1x1x16xf32> to vector<16xf32>
        %parallel_loop3A_368 = vector.shape_cast %parallel_loop3A_362 : vector<16xf32> to vector<1x1x16xf32>
        tpu.vector_store %arg12[%parallel_loop3A_363, %parallel_loop3A_364, %parallel_loop3A_365], %parallel_loop3A_368 {strides = array<i32>} : memref<4x80x128xf32, #tpu.memory_space<vmem>>, vector<1x1x16xf32>,
        %parallel_loop3A_369 = arith.index_cast %rem3A_193 : i32 to index
        %parallel_loop3A_370 = arith.index_cast %parallel_loop3A_284 : i32 to index
        %parallel_loop3A_371 = arith.constant 96 : index
        %parallel_loop3A_372 = tpu.vector_load %arg12[%parallel_loop3A_369, %parallel_loop3A_370, %parallel_loop3A_371] {strides = array<i32>} : memref<4x80x128xf32, #tpu.memory_space<vmem>>, vector<1x1x16xf32>,
        %parallel_loop3A_373 = vector.shape_cast %parallel_loop3A_372 : vector<1x1x16xf32> to vector<16xf32>
        %parallel_loop3A_374 = arith.constant 0.000000e+00 : f32
        %parallel_loop3A_375 = vector.broadcast %parallel_loop3A_374 : f32 to vector<16xf32>
        %parallel_loop3A_376 = arith.maximumf %parallel_loop3A_373, %parallel_loop3A_375 : vector<16xf32>
        %parallel_loop3A_377 = arith.index_cast %rem3A_193 : i32 to index
        %parallel_loop3A_378 = arith.index_cast %parallel_loop3A_284 : i32 to index
        %parallel_loop3A_379 = arith.constant 96 : index
        %parallel_loop3A_380 = tpu.vector_load %arg12[%parallel_loop3A_377, %parallel_loop3A_378, %parallel_loop3A_379] {strides = array<i32>} : memref<4x80x128xf32, #tpu.memory_space<vmem>>, vector<1x1x16xf32>,
        %parallel_loop3A_381 = vector.shape_cast %parallel_loop3A_380 : vector<1x1x16xf32> to vector<16xf32>
        %parallel_loop3A_382 = vector.shape_cast %parallel_loop3A_376 : vector<16xf32> to vector<1x1x16xf32>
        tpu.vector_store %arg12[%parallel_loop3A_377, %parallel_loop3A_378, %parallel_loop3A_379], %parallel_loop3A_382 {strides = array<i32>} : memref<4x80x128xf32, #tpu.memory_space<vmem>>, vector<1x1x16xf32>,
        %parallel_loop3A_383 = arith.index_cast %rem3A_193 : i32 to index
        %parallel_loop3A_384 = arith.index_cast %parallel_loop3A_284 : i32 to index
        %parallel_loop3A_385 = arith.constant 112 : index
        %parallel_loop3A_386 = tpu.vector_load %arg12[%parallel_loop3A_383, %parallel_loop3A_384, %parallel_loop3A_385] {strides = array<i32>} : memref<4x80x128xf32, #tpu.memory_space<vmem>>, vector<1x1x16xf32>,
        %parallel_loop3A_387 = vector.shape_cast %parallel_loop3A_386 : vector<1x1x16xf32> to vector<16xf32>
        %parallel_loop3A_388 = arith.constant 0.000000e+00 : f32
        %parallel_loop3A_389 = vector.broadcast %parallel_loop3A_388 : f32 to vector<16xf32>
        %parallel_loop3A_390 = arith.maximumf %parallel_loop3A_387, %parallel_loop3A_389 : vector<16xf32>
        %parallel_loop3A_391 = arith.index_cast %rem3A_193 : i32 to index
        %parallel_loop3A_392 = arith.index_cast %parallel_loop3A_284 : i32 to index
        %parallel_loop3A_393 = arith.constant 112 : index
        %parallel_loop3A_394 = tpu.vector_load %arg12[%parallel_loop3A_391, %parallel_loop3A_392, %parallel_loop3A_393] {strides = array<i32>} : memref<4x80x128xf32, #tpu.memory_space<vmem>>, vector<1x1x16xf32>,
        %parallel_loop3A_395 = vector.shape_cast %parallel_loop3A_394 : vector<1x1x16xf32> to vector<16xf32>
        %parallel_loop3A_396 = vector.shape_cast %parallel_loop3A_390 : vector<16xf32> to vector<1x1x16xf32>
        tpu.vector_store %arg12[%parallel_loop3A_391, %parallel_loop3A_392, %parallel_loop3A_393], %parallel_loop3A_396 {strides = array<i32>} : memref<4x80x128xf32, #tpu.memory_space<vmem>>, vector<1x1x16xf32>,
      } {sc.loop_unroll_factor = 8 : i64, sc.parallel_access}
      %get3A = arith.index_cast %rem3A_183 : i32 to index
      %get3A_229 = arith.constant 0 : index
      %get3A_230 = tpu.vector_load %arg10[%get3A, %get3A_229] {strides = array<i32>} : memref<3x80xi32, #tpu.memory_space<vmem>>, vector<1x16xi32>,
      %get3A_231 = vector.shape_cast %get3A_230 : vector<1x16xi32> to vector<16xi32>
      %swap3A = arith.index_cast %rem3A_193 : i32 to index
      %swap3A_232 = arith.constant 0 : index
      %swap3A_233 = tpu.vector_load %arg11[%swap3A, %swap3A_232] {strides = array<i32>} : memref<4x80xi32, #tpu.memory_space<vmem>>, vector<1x16xi32>,
      %swap3A_234 = vector.shape_cast %swap3A_233 : vector<1x16xi32> to vector<16xi32>
      %swap3A_235 = vector.shape_cast %get3A_231 : vector<16xi32> to vector<1x16xi32>
      tpu.vector_store %arg11[%swap3A, %swap3A_232], %swap3A_235 {strides = array<i32>} : memref<4x80xi32, #tpu.memory_space<vmem>>, vector<1x16xi32>,
      %get3A_236 = arith.index_cast %rem3A_183 : i32 to index
      %get3A_237 = arith.constant 16 : index
      %get3A_238 = tpu.vector_load %arg10[%get3A_236, %get3A_237] {strides = array<i32>} : memref<3x80xi32, #tpu.memory_space<vmem>>, vector<1x16xi32>,
      %get3A_239 = vector.shape_cast %get3A_238 : vector<1x16xi32> to vector<16xi32>
      %swap3A_240 = arith.index_cast %rem3A_193 : i32 to index
      %swap3A_241 = arith.constant 16 : index
      %swap3A_242 = tpu.vector_load %arg11[%swap3A_240, %swap3A_241] {strides = array<i32>} : memref<4x80xi32, #tpu.memory_space<vmem>>, vector<1x16xi32>,
      %swap3A_243 = vector.shape_cast %swap3A_242 : vector<1x16xi32> to vector<16xi32>
      %swap3A_244 = vector.shape_cast %get3A_239 : vector<16xi32> to vector<1x16xi32>
      tpu.vector_store %arg11[%swap3A_240, %swap3A_241], %swap3A_244 {strides = array<i32>} : memref<4x80xi32, #tpu.memory_space<vmem>>, vector<1x16xi32>,
      %get3A_245 = arith.index_cast %rem3A_183 : i32 to index
      %get3A_246 = arith.constant 32 : index
      %get3A_247 = tpu.vector_load %arg10[%get3A_245, %get3A_246] {strides = array<i32>} : memref<3x80xi32, #tpu.memory_space<vmem>>, vector<1x16xi32>,
      %get3A_248 = vector.shape_cast %get3A_247 : vector<1x16xi32> to vector<16xi32>
      %swap3A_249 = arith.index_cast %rem3A_193 : i32 to index
      %swap3A_250 = arith.constant 32 : index
      %swap3A_251 = tpu.vector_load %arg11[%swap3A_249, %swap3A_250] {strides = array<i32>} : memref<4x80xi32, #tpu.memory_space<vmem>>, vector<1x16xi32>,
      %swap3A_252 = vector.shape_cast %swap3A_251 : vector<1x16xi32> to vector<16xi32>
      %swap3A_253 = vector.shape_cast %get3A_248 : vector<16xi32> to vector<1x16xi32>
      tpu.vector_store %arg11[%swap3A_249, %swap3A_250], %swap3A_253 {strides = array<i32>} : memref<4x80xi32, #tpu.memory_space<vmem>>, vector<1x16xi32>,
      %get3A_254 = arith.index_cast %rem3A_183 : i32 to index
      %get3A_255 = arith.constant 48 : index
      %get3A_256 = tpu.vector_load %arg10[%get3A_254, %get3A_255] {strides = array<i32>} : memref<3x80xi32, #tpu.memory_space<vmem>>, vector<1x16xi32>,
      %get3A_257 = vector.shape_cast %get3A_256 : vector<1x16xi32> to vector<16xi32>
      %swap3A_258 = arith.index_cast %rem3A_193 : i32 to index
      %swap3A_259 = arith.constant 48 : index
      %swap3A_260 = tpu.vector_load %arg11[%swap3A_258, %swap3A_259] {strides = array<i32>} : memref<4x80xi32, #tpu.memory_space<vmem>>, vector<1x16xi32>,
      %swap3A_261 = vector.shape_cast %swap3A_260 : vector<1x16xi32> to vector<16xi32>
      %swap3A_262 = vector.shape_cast %get3A_257 : vector<16xi32> to vector<1x16xi32>
      tpu.vector_store %arg11[%swap3A_258, %swap3A_259], %swap3A_262 {strides = array<i32>} : memref<4x80xi32, #tpu.memory_space<vmem>>, vector<1x16xi32>,
      %get3A_263 = arith.index_cast %rem3A_183 : i32 to index
      %get3A_264 = arith.constant 64 : index
      %get3A_265 = tpu.vector_load %arg10[%get3A_263, %get3A_264] {strides = array<i32>} : memref<3x80xi32, #tpu.memory_space<vmem>>, vector<1x16xi32>,
      %get3A_266 = vector.shape_cast %get3A_265 : vector<1x16xi32> to vector<16xi32>
      %swap3A_267 = arith.index_cast %rem3A_193 : i32 to index
      %swap3A_268 = arith.constant 64 : index
      %swap3A_269 = tpu.vector_load %arg11[%swap3A_267, %swap3A_268] {strides = array<i32>} : memref<4x80xi32, #tpu.memory_space<vmem>>, vector<1x16xi32>,
      %swap3A_270 = vector.shape_cast %swap3A_269 : vector<1x16xi32> to vector<16xi32>
      %swap3A_271 = vector.shape_cast %get3A_266 : vector<16xi32> to vector<1x16xi32>
      tpu.vector_store %arg11[%swap3A_267, %swap3A_268], %swap3A_271 {strides = array<i32>} : memref<4x80xi32, #tpu.memory_space<vmem>>, vector<1x16xi32>,
      %dma_start3A_272 = arith.constant 0 : i32
      %dma_start3A_273 = arith.constant 0 : i32
      %dma_start3A_274 = tpu.memref_slice %arg12[%rem3A_193, %dma_start3A_272, %dma_start3A_273] : memref<4x80x128xf32, #tpu.memory_space<vmem>> -> memref<1x80x128xf32, #tpu.memory_space<vmem>>
      %dma_start3A_275 = tpu.memref_squeeze %dma_start3A_274 : memref<1x80x128xf32, #tpu.memory_space<vmem>> -> memref<80x128xf32, #tpu.memory_space<vmem>>
      %dma_start3A_276 = arith.constant 0 : i32
      %dma_start3A_277 = tpu.memref_slice %arg11[%rem3A_193, %dma_start3A_276] : memref<4x80xi32, #tpu.memory_space<vmem>> -> memref<1x80xi32, #tpu.memory_space<vmem>>
      %dma_start3A_278 = tpu.memref_squeeze %dma_start3A_277 : memref<1x80xi32, #tpu.memory_space<vmem>> -> memref<80xi32, #tpu.memory_space<vmem>>
      %dma_start3A_279 = arith.constant 0 : i32
      %dma_start3A_280 = arith.constant 0 : i32
      %dma_start3A_281 = tpu.memref_slice %arg13[%dma_start3A_279, %dma_start3A_280] : memref<10000x128xf32, #tpu.memory_space<vmem_shared>> -> memref<10000x128xf32, #tpu.memory_space<vmem_shared>>
      %dma_start3A_282 = tpu.memref_slice %arg18[%rem3A_193] : memref<4x!tpu.dma_semaphore, #tpu.memory_space<semaphore_mem>> -> memref<1x!tpu.dma_semaphore, #tpu.memory_space<semaphore_mem>>
      %dma_start3A_283 = tpu.memref_squeeze %dma_start3A_282 : memref<1x!tpu.dma_semaphore, #tpu.memory_space<semaphore_mem>> -> memref<!tpu.dma_semaphore, #tpu.memory_space<semaphore_mem>>
      tpu.enqueue_indirect_dma source(%dma_start3A_275 : memref<80x128xf32, #tpu.memory_space<vmem>>) target(%dma_start3A_281 : memref<10000x128xf32, #tpu.memory_space<vmem_shared>>) offsets(%dma_start3A_278 : memref<80xi32, #tpu.memory_space<vmem>>) semaphore(%dma_start3A_283 : memref<!tpu.dma_semaphore, #tpu.memory_space<semaphore_mem>>) {add = true}
    }
    %scan3A_110 = arith.constant 125 : i32
    %dma_wait3A_111 = arith.constant 0 : i32
    %dma_wait3A_112 = arith.constant 0 : i32
    %dma_wait3A_113 = arith.constant 0 : i32
    %dma_wait3A_114 = arith.constant 0 : i32
    %dma_wait3A_115 = arith.constant 0 : i32
    %dma_wait3A_116 = tpu.memref_slice %arg12[%dma_wait3A_111, %dma_wait3A_114, %dma_wait3A_115] : memref<4x80x128xf32, #tpu.memory_space<vmem>> -> memref<1x80x128xf32, #tpu.memory_space<vmem>>
    %dma_wait3A_117 = tpu.memref_squeeze %dma_wait3A_116 : memref<1x80x128xf32, #tpu.memory_space<vmem>> -> memref<80x128xf32, #tpu.memory_space<vmem>>
    %dma_wait3A_118 = arith.constant 0 : i32
    %dma_wait3A_119 = tpu.memref_slice %arg11[%dma_wait3A_112, %dma_wait3A_118] : memref<4x80xi32, #tpu.memory_space<vmem>> -> memref<1x80xi32, #tpu.memory_space<vmem>>
    %dma_wait3A_120 = tpu.memref_squeeze %dma_wait3A_119 : memref<1x80xi32, #tpu.memory_space<vmem>> -> memref<80xi32, #tpu.memory_space<vmem>>
    %dma_wait3A_121 = arith.constant 0 : i32
    %dma_wait3A_122 = arith.constant 0 : i32
    %dma_wait3A_123 = tpu.memref_slice %arg13[%dma_wait3A_121, %dma_wait3A_122] : memref<10000x128xf32, #tpu.memory_space<vmem_shared>> -> memref<10000x128xf32, #tpu.memory_space<vmem_shared>>
    %dma_wait3A_124 = tpu.memref_slice %arg18[%dma_wait3A_113] : memref<4x!tpu.dma_semaphore, #tpu.memory_space<semaphore_mem>> -> memref<1x!tpu.dma_semaphore, #tpu.memory_space<semaphore_mem>>
    %dma_wait3A_125 = tpu.memref_squeeze %dma_wait3A_124 : memref<1x!tpu.dma_semaphore, #tpu.memory_space<semaphore_mem>> -> memref<!tpu.dma_semaphore, #tpu.memory_space<semaphore_mem>>
    tpu.wait_indirect_dma semaphore(%dma_wait3A_125 : memref<!tpu.dma_semaphore, #tpu.memory_space<semaphore_mem>>) src(%dma_wait3A_117 : memref<80x128xf32, #tpu.memory_space<vmem>>) dst(%dma_wait3A_123 : memref<10000x128xf32, #tpu.memory_space<vmem_shared>>)
    %dma_wait3A_126 = arith.constant 1 : i32
    %dma_wait3A_127 = arith.constant 1 : i32
    %dma_wait3A_128 = arith.constant 1 : i32
    %dma_wait3A_129 = arith.constant 0 : i32
    %dma_wait3A_130 = arith.constant 0 : i32
    %dma_wait3A_131 = tpu.memref_slice %arg12[%dma_wait3A_126, %dma_wait3A_129, %dma_wait3A_130] : memref<4x80x128xf32, #tpu.memory_space<vmem>> -> memref<1x80x128xf32, #tpu.memory_space<vmem>>
    %dma_wait3A_132 = tpu.memref_squeeze %dma_wait3A_131 : memref<1x80x128xf32, #tpu.memory_space<vmem>> -> memref<80x128xf32, #tpu.memory_space<vmem>>
    %dma_wait3A_133 = arith.constant 0 : i32
    %dma_wait3A_134 = tpu.memref_slice %arg11[%dma_wait3A_127, %dma_wait3A_133] : memref<4x80xi32, #tpu.memory_space<vmem>> -> memref<1x80xi32, #tpu.memory_space<vmem>>
    %dma_wait3A_135 = tpu.memref_squeeze %dma_wait3A_134 : memref<1x80xi32, #tpu.memory_space<vmem>> -> memref<80xi32, #tpu.memory_space<vmem>>
    %dma_wait3A_136 = arith.constant 0 : i32
    %dma_wait3A_137 = arith.constant 0 : i32
    %dma_wait3A_138 = tpu.memref_slice %arg13[%dma_wait3A_136, %dma_wait3A_137] : memref<10000x128xf32, #tpu.memory_space<vmem_shared>> -> memref<10000x128xf32, #tpu.memory_space<vmem_shared>>
    %dma_wait3A_139 = tpu.memref_slice %arg18[%dma_wait3A_128] : memref<4x!tpu.dma_semaphore, #tpu.memory_space<semaphore_mem>> -> memref<1x!tpu.dma_semaphore, #tpu.memory_space<semaphore_mem>>
    %dma_wait3A_140 = tpu.memref_squeeze %dma_wait3A_139 : memref<1x!tpu.dma_semaphore, #tpu.memory_space<semaphore_mem>> -> memref<!tpu.dma_semaphore, #tpu.memory_space<semaphore_mem>>
    tpu.wait_indirect_dma semaphore(%dma_wait3A_140 : memref<!tpu.dma_semaphore, #tpu.memory_space<semaphore_mem>>) src(%dma_wait3A_132 : memref<80x128xf32, #tpu.memory_space<vmem>>) dst(%dma_wait3A_138 : memref<10000x128xf32, #tpu.memory_space<vmem_shared>>)
    %dma_wait3A_141 = arith.constant 2 : i32
    %dma_wait3A_142 = arith.constant 2 : i32
    %dma_wait3A_143 = arith.constant 2 : i32
    %dma_wait3A_144 = arith.constant 0 : i32
    %dma_wait3A_145 = arith.constant 0 : i32
    %dma_wait3A_146 = tpu.memref_slice %arg12[%dma_wait3A_141, %dma_wait3A_144, %dma_wait3A_145] : memref<4x80x128xf32, #tpu.memory_space<vmem>> -> memref<1x80x128xf32, #tpu.memory_space<vmem>>
    %dma_wait3A_147 = tpu.memref_squeeze %dma_wait3A_146 : memref<1x80x128xf32, #tpu.memory_space<vmem>> -> memref<80x128xf32, #tpu.memory_space<vmem>>
    %dma_wait3A_148 = arith.constant 0 : i32
    %dma_wait3A_149 = tpu.memref_slice %arg11[%dma_wait3A_142, %dma_wait3A_148] : memref<4x80xi32, #tpu.memory_space<vmem>> -> memref<1x80xi32, #tpu.memory_space<vmem>>
    %dma_wait3A_150 = tpu.memref_squeeze %dma_wait3A_149 : memref<1x80xi32, #tpu.memory_space<vmem>> -> memref<80xi32, #tpu.memory_space<vmem>>
    %dma_wait3A_151 = arith.constant 0 : i32
    %dma_wait3A_152 = arith.constant 0 : i32
    %dma_wait3A_153 = tpu.memref_slice %arg13[%dma_wait3A_151, %dma_wait3A_152] : memref<10000x128xf32, #tpu.memory_space<vmem_shared>> -> memref<10000x128xf32, #tpu.memory_space<vmem_shared>>
    %dma_wait3A_154 = tpu.memref_slice %arg18[%dma_wait3A_143] : memref<4x!tpu.dma_semaphore, #tpu.memory_space<semaphore_mem>> -> memref<1x!tpu.dma_semaphore, #tpu.memory_space<semaphore_mem>>
    %dma_wait3A_155 = tpu.memref_squeeze %dma_wait3A_154 : memref<1x!tpu.dma_semaphore, #tpu.memory_space<semaphore_mem>> -> memref<!tpu.dma_semaphore, #tpu.memory_space<semaphore_mem>>
    tpu.wait_indirect_dma semaphore(%dma_wait3A_155 : memref<!tpu.dma_semaphore, #tpu.memory_space<semaphore_mem>>) src(%dma_wait3A_147 : memref<80x128xf32, #tpu.memory_space<vmem>>) dst(%dma_wait3A_153 : memref<10000x128xf32, #tpu.memory_space<vmem_shared>>)
    %dma_wait3A_156 = arith.constant 3 : i32
    %dma_wait3A_157 = arith.constant 3 : i32
    %dma_wait3A_158 = arith.constant 3 : i32
    %dma_wait3A_159 = arith.constant 0 : i32
    %dma_wait3A_160 = arith.constant 0 : i32
    %dma_wait3A_161 = tpu.memref_slice %arg12[%dma_wait3A_156, %dma_wait3A_159, %dma_wait3A_160] : memref<4x80x128xf32, #tpu.memory_space<vmem>> -> memref<1x80x128xf32, #tpu.memory_space<vmem>>
    %dma_wait3A_162 = tpu.memref_squeeze %dma_wait3A_161 : memref<1x80x128xf32, #tpu.memory_space<vmem>> -> memref<80x128xf32, #tpu.memory_space<vmem>>
    %dma_wait3A_163 = arith.constant 0 : i32
    %dma_wait3A_164 = tpu.memref_slice %arg11[%dma_wait3A_157, %dma_wait3A_163] : memref<4x80xi32, #tpu.memory_space<vmem>> -> memref<1x80xi32, #tpu.memory_space<vmem>>
    %dma_wait3A_165 = tpu.memref_squeeze %dma_wait3A_164 : memref<1x80xi32, #tpu.memory_space<vmem>> -> memref<80xi32, #tpu.memory_space<vmem>>
    %dma_wait3A_166 = arith.constant 0 : i32
    %dma_wait3A_167 = arith.constant 0 : i32
    %dma_wait3A_168 = tpu.memref_slice %arg13[%dma_wait3A_166, %dma_wait3A_167] : memref<10000x128xf32, #tpu.memory_space<vmem_shared>> -> memref<10000x128xf32, #tpu.memory_space<vmem_shared>>
    %dma_wait3A_169 = tpu.memref_slice %arg18[%dma_wait3A_158] : memref<4x!tpu.dma_semaphore, #tpu.memory_space<semaphore_mem>> -> memref<1x!tpu.dma_semaphore, #tpu.memory_space<semaphore_mem>>
    %dma_wait3A_170 = tpu.memref_squeeze %dma_wait3A_169 : memref<1x!tpu.dma_semaphore, #tpu.memory_space<semaphore_mem>> -> memref<!tpu.dma_semaphore, #tpu.memory_space<semaphore_mem>>
    tpu.wait_indirect_dma semaphore(%dma_wait3A_170 : memref<!tpu.dma_semaphore, #tpu.memory_space<semaphore_mem>>) src(%dma_wait3A_162 : memref<80x128xf32, #tpu.memory_space<vmem>>) dst(%dma_wait3A_168 : memref<10000x128xf32, #tpu.memory_space<vmem_shared>>)
    %barrier3A_171 = arith.constant 0 : index
    tpu.barrier barrier_id(%barrier3A_171)
    %eq3A_172 = arith.constant 0 : i32
    %eq3A_173 = arith.cmpi eq, %arg0, %eq3A_172 : i32
    %convert_element_type3A_174 = arith.extui %eq3A_173 : i1 to i32
    %cond3A_175 = arith.constant 0 : i32
    %cond3A_176 = arith.cmpi ne, %convert_element_type3A_174, %cond3A_175 : i32
    scf.if %cond3A_176 {
      %lt3A = arith.constant 15 : i32
      %lt3A_182 = arith.cmpi slt, %arg1, %lt3A : i32
      %convert_element_type3A_183 = arith.extui %lt3A_182 : i1 to i32
      %cond3A_184 = arith.constant 0 : i32
      %cond3A_185 = arith.cmpi ne, %convert_element_type3A_183, %cond3A_184 : i32
      scf.if %cond3A_185 {
        %mul3A_191 = arith.constant 624 : i32
        %mul3A_192 = arith.muli %arg1, %mul3A_191 : i32
        "tpu.region"() ({
          %run_scoped3A_193 = tpu.sem_alloc : memref<!tpu.dma_semaphore, #tpu.memory_space<semaphore_mem>>
          %dma_start3A_194 = arith.constant 0 : i32
          %dma_start3A_195 = tpu.memref_slice %arg7[%mul3A_192, %dma_start3A_194] : memref<10000x128xf32, #tpu.memory_space<hbm>> -> memref<624x128xf32, #tpu.memory_space<hbm>>
          %dma_start3A_196 = arith.constant 0 : i32
          %dma_start3A_197 = tpu.memref_slice %arg13[%mul3A_192, %dma_start3A_196] : memref<10000x128xf32, #tpu.memory_space<vmem_shared>> -> memref<624x128xf32, #tpu.memory_space<vmem_shared>>
          tpu.enqueue_dma source(%dma_start3A_197 : memref<624x128xf32, #tpu.memory_space<vmem_shared>>) target(%dma_start3A_195 : memref<624x128xf32, #tpu.memory_space<hbm>>) target_semaphore(%run_scoped3A_193 : memref<!tpu.dma_semaphore, #tpu.memory_space<semaphore_mem>>)
          %dma_wait3A_198 = arith.constant 0 : i32
          %dma_wait3A_199 = tpu.memref_slice %arg7[%mul3A_192, %dma_wait3A_198] : memref<10000x128xf32, #tpu.memory_space<hbm>> -> memref<624x128xf32, #tpu.memory_space<hbm>>
          %dma_wait3A_200 = arith.constant 0 : i32
          %dma_wait3A_201 = tpu.memref_slice %arg13[%mul3A_192, %dma_wait3A_200] : memref<10000x128xf32, #tpu.memory_space<vmem_shared>> -> memref<624x128xf32, #tpu.memory_space<vmem_shared>>
          tpu.wait_dma2 semaphore(%run_scoped3A_193 : memref<!tpu.dma_semaphore, #tpu.memory_space<semaphore_mem>>) src(%dma_wait3A_201 : memref<624x128xf32, #tpu.memory_space<vmem_shared>>) dst(%dma_wait3A_199 : memref<624x128xf32, #tpu.memory_space<hbm>>)
          tpu.yield
        }) : () -> ()
      } else {
      }
      %eq3A_186 = arith.constant 15 : i32
      %eq3A_187 = arith.cmpi eq, %arg1, %eq3A_186 : i32
      %convert_element_type3A_188 = arith.extui %eq3A_187 : i1 to i32
      %cond3A_189 = arith.constant 0 : i32
      %cond3A_190 = arith.cmpi ne, %convert_element_type3A_188, %cond3A_189 : i32
      scf.if %cond3A_190 {
        "tpu.region"() ({
          %run_scoped3A_191 = tpu.sem_alloc : memref<!tpu.dma_semaphore, #tpu.memory_space<semaphore_mem>>
          %dma_start3A_192 = arith.constant 9360 : i32
          %dma_start3A_193 = arith.constant 0 : i32
          %dma_start3A_194 = tpu.memref_slice %arg7[%dma_start3A_192, %dma_start3A_193] : memref<10000x128xf32, #tpu.memory_space<hbm>> -> memref<640x128xf32, #tpu.memory_space<hbm>>
          %dma_start3A_195 = arith.constant 9360 : i32
          %dma_start3A_196 = arith.constant 0 : i32
          %dma_start3A_197 = tpu.memref_slice %arg13[%dma_start3A_195, %dma_start3A_196] : memref<10000x128xf32, #tpu.memory_space<vmem_shared>> -> memref<640x128xf32, #tpu.memory_space<vmem_shared>>
          tpu.enqueue_dma source(%dma_start3A_197 : memref<640x128xf32, #tpu.memory_space<vmem_shared>>) target(%dma_start3A_194 : memref<640x128xf32, #tpu.memory_space<hbm>>) target_semaphore(%run_scoped3A_191 : memref<!tpu.dma_semaphore, #tpu.memory_space<semaphore_mem>>)
          %dma_wait3A_198 = arith.constant 9360 : i32
          %dma_wait3A_199 = arith.constant 0 : i32
          %dma_wait3A_200 = tpu.memref_slice %arg7[%dma_wait3A_198, %dma_wait3A_199] : memref<10000x128xf32, #tpu.memory_space<hbm>> -> memref<640x128xf32, #tpu.memory_space<hbm>>
          %dma_wait3A_201 = arith.constant 9360 : i32
          %dma_wait3A_202 = arith.constant 0 : i32
          %dma_wait3A_203 = tpu.memref_slice %arg13[%dma_wait3A_201, %dma_wait3A_202] : memref<10000x128xf32, #tpu.memory_space<vmem_shared>> -> memref<640x128xf32, #tpu.memory_space<vmem_shared>>
          tpu.wait_dma2 semaphore(%run_scoped3A_191 : memref<!tpu.dma_semaphore, #tpu.memory_space<semaphore_mem>>) src(%dma_wait3A_203 : memref<640x128xf32, #tpu.memory_space<vmem_shared>>) dst(%dma_wait3A_200 : memref<640x128xf32, #tpu.memory_space<hbm>>)
          tpu.yield
        }) : () -> ()
      } else {
      }
    } else {
    }
    %eq3A_177 = arith.constant 1 : i32
    %eq3A_178 = arith.cmpi eq, %arg0, %eq3A_177 : i32
    %convert_element_type3A_179 = arith.extui %eq3A_178 : i1 to i32
    %cond3A_180 = arith.constant 0 : i32
    %cond3A_181 = arith.cmpi ne, %convert_element_type3A_179, %cond3A_180 : i32
    scf.if %cond3A_181 {
      %lt3A = arith.constant 15 : i32
      %lt3A_182 = arith.cmpi slt, %arg1, %lt3A : i32
      %convert_element_type3A_183 = arith.extui %lt3A_182 : i1 to i32
      %cond3A_184 = arith.constant 0 : i32
      %cond3A_185 = arith.cmpi ne, %convert_element_type3A_183, %cond3A_184 : i32
      scf.if %cond3A_185 {
        %mul3A_191 = arith.constant 624 : i32
        %mul3A_192 = arith.muli %arg1, %mul3A_191 : i32
        "tpu.region"() ({
          %run_scoped3A_193 = tpu.sem_alloc : memref<!tpu.dma_semaphore, #tpu.memory_space<semaphore_mem>>
          %dma_start3A_194 = arith.constant 0 : i32
          %dma_start3A_195 = tpu.memref_slice %arg8[%mul3A_192, %dma_start3A_194] : memref<10000x128xf32, #tpu.memory_space<hbm>> -> memref<624x128xf32, #tpu.memory_space<hbm>>
          %dma_start3A_196 = arith.constant 0 : i32
          %dma_start3A_197 = tpu.memref_slice %arg13[%mul3A_192, %dma_start3A_196] : memref<10000x128xf32, #tpu.memory_space<vmem_shared>> -> memref<624x128xf32, #tpu.memory_space<vmem_shared>>
          tpu.enqueue_dma source(%dma_start3A_197 : memref<624x128xf32, #tpu.memory_space<vmem_shared>>) target(%dma_start3A_195 : memref<624x128xf32, #tpu.memory_space<hbm>>) target_semaphore(%run_scoped3A_193 : memref<!tpu.dma_semaphore, #tpu.memory_space<semaphore_mem>>)
          %dma_wait3A_198 = arith.constant 0 : i32
          %dma_wait3A_199 = tpu.memref_slice %arg8[%mul3A_192, %dma_wait3A_198] : memref<10000x128xf32, #tpu.memory_space<hbm>> -> memref<624x128xf32, #tpu.memory_space<hbm>>
          %dma_wait3A_200 = arith.constant 0 : i32
          %dma_wait3A_201 = tpu.memref_slice %arg13[%mul3A_192, %dma_wait3A_200] : memref<10000x128xf32, #tpu.memory_space<vmem_shared>> -> memref<624x128xf32, #tpu.memory_space<vmem_shared>>
          tpu.wait_dma2 semaphore(%run_scoped3A_193 : memref<!tpu.dma_semaphore, #tpu.memory_space<semaphore_mem>>) src(%dma_wait3A_201 : memref<624x128xf32, #tpu.memory_space<vmem_shared>>) dst(%dma_wait3A_199 : memref<624x128xf32, #tpu.memory_space<hbm>>)
          tpu.yield
        }) : () -> ()
      } else {
      }
      %eq3A_186 = arith.constant 15 : i32
      %eq3A_187 = arith.cmpi eq, %arg1, %eq3A_186 : i32
      %convert_element_type3A_188 = arith.extui %eq3A_187 : i1 to i32
      %cond3A_189 = arith.constant 0 : i32
      %cond3A_190 = arith.cmpi ne, %convert_element_type3A_188, %cond3A_189 : i32
      scf.if %cond3A_190 {
        "tpu.region"() ({
          %run_scoped3A_191 = tpu.sem_alloc : memref<!tpu.dma_semaphore, #tpu.memory_space<semaphore_mem>>
          %dma_start3A_192 = arith.constant 9360 : i32
          %dma_start3A_193 = arith.constant 0 : i32
          %dma_start3A_194 = tpu.memref_slice %arg8[%dma_start3A_192, %dma_start3A_193] : memref<10000x128xf32, #tpu.memory_space<hbm>> -> memref<640x128xf32, #tpu.memory_space<hbm>>
          %dma_start3A_195 = arith.constant 9360 : i32
          %dma_start3A_196 = arith.constant 0 : i32
          %dma_start3A_197 = tpu.memref_slice %arg13[%dma_start3A_195, %dma_start3A_196] : memref<10000x128xf32, #tpu.memory_space<vmem_shared>> -> memref<640x128xf32, #tpu.memory_space<vmem_shared>>
          tpu.enqueue_dma source(%dma_start3A_197 : memref<640x128xf32, #tpu.memory_space<vmem_shared>>) target(%dma_start3A_194 : memref<640x128xf32, #tpu.memory_space<hbm>>) target_semaphore(%run_scoped3A_191 : memref<!tpu.dma_semaphore, #tpu.memory_space<semaphore_mem>>)
          %dma_wait3A_198 = arith.constant 9360 : i32
          %dma_wait3A_199 = arith.constant 0 : i32
          %dma_wait3A_200 = tpu.memref_slice %arg8[%dma_wait3A_198, %dma_wait3A_199] : memref<10000x128xf32, #tpu.memory_space<hbm>> -> memref<640x128xf32, #tpu.memory_space<hbm>>
          %dma_wait3A_201 = arith.constant 9360 : i32
          %dma_wait3A_202 = arith.constant 0 : i32
          %dma_wait3A_203 = tpu.memref_slice %arg13[%dma_wait3A_201, %dma_wait3A_202] : memref<10000x128xf32, #tpu.memory_space<vmem_shared>> -> memref<640x128xf32, #tpu.memory_space<vmem_shared>>
          tpu.wait_dma2 semaphore(%run_scoped3A_191 : memref<!tpu.dma_semaphore, #tpu.memory_space<semaphore_mem>>) src(%dma_wait3A_203 : memref<640x128xf32, #tpu.memory_space<vmem_shared>>) dst(%dma_wait3A_200 : memref<640x128xf32, #tpu.memory_space<hbm>>)
          tpu.yield
        }) : () -> ()
      } else {
      }
    } else {
    }
    return
  }
}

#map = affine_map<(d0, d1) -> (0, 0)>
#map1 = affine_map<(d0, d1) -> (0)>
module attributes {stable_mosaic.version = 14 : i64} {
  func.func @_agg(%arg0: i32, %arg1: i32, %arg2: memref<10000x128xf32, #tpu.memory_space<hbm>>, %arg3: memref<10000x128xf32, #tpu.memory_space<hbm>>, %arg4: memref<160000xi32, #tpu.memory_space<hbm>>, %arg5: memref<160000xi32, #tpu.memory_space<hbm>>, %arg6: memref<160000x256xf32, #tpu.memory_space<hbm>>, %arg7: memref<10000x128xf32, #tpu.memory_space<hbm>>, %arg8: memref<10000x128xf32, #tpu.memory_space<hbm>>, %arg9: memref<3x80xi32, #tpu.memory_space<vmem>>, %arg10: memref<3x80xi32, #tpu.memory_space<vmem>>, %arg11: memref<4x80xi32, #tpu.memory_space<vmem>>, %arg12: memref<4x80x128xf32, #tpu.memory_space<vmem>>, %arg13: memref<10000x128xf32, #tpu.memory_space<vmem_shared>>, %arg14: memref<3x!tpu.dma_semaphore, #tpu.memory_space<semaphore_mem>>, %arg15: memref<3x!tpu.dma_semaphore, #tpu.memory_space<semaphore_mem>>, %arg16: memref<4x!tpu.dma_semaphore, #tpu.memory_space<semaphore_mem>>, %arg17: memref<4x!tpu.dma_semaphore, #tpu.memory_space<semaphore_mem>>, %arg18: memref<4x!tpu.dma_semaphore, #tpu.memory_space<semaphore_mem>>) attributes {dimension_semantics = [#tpu.dimension_semantics<core_parallel>, #tpu.dimension_semantics<subcore_parallel>], iteration_bounds = array<i64: 2, 16>, scalar_prefetch = 0 : i64, scratch_operands = 10 : i64, tpu.core_type = #tpu.core_type<sc_vector_subcore>, window_params = [{transform_indices = #map}, {transform_indices = #map}, {transform_indices = #map1}, {transform_indices = #map1}, {transform_indices = #map}, {transform_indices = #map}, {transform_indices = #map}]} {
    %mul3A = arith.constant 10000 : i32
    %mul3A_0 = arith.muli %arg1, %mul3A : i32
    %run_scoped3A = arith.constant 0 : i32
    "tpu.region"() ({
      %run_scoped3A_182 = tpu.sem_alloc : memref<!tpu.dma_semaphore, #tpu.memory_space<semaphore_mem>>
      %dma_start3A_183 = arith.constant 0 : i32
      %dma_start3A_184 = tpu.memref_slice %arg9[%run_scoped3A, %dma_start3A_183] : memref<3x80xi32, #tpu.memory_space<vmem>> -> memref<1x80xi32, #tpu.memory_space<vmem>>
      %dma_start3A_185 = tpu.memref_squeeze %dma_start3A_184 : memref<1x80xi32, #tpu.memory_space<vmem>> -> memref<80xi32, #tpu.memory_space<vmem>>
      %dma_start3A_186 = tpu.memref_slice %arg4[%mul3A_0] : memref<160000xi32, #tpu.memory_space<hbm>> -> memref<80xi32, #tpu.memory_space<hbm>>
      %dma_start3A_187 = arith.constant 0 : i32
      %dma_start3A_188 = tpu.memref_slice %arg9[%run_scoped3A, %dma_start3A_187] : memref<3x80xi32, #tpu.memory_space<vmem>> -> memref<1x80xi32, #tpu.memory_space<vmem>>
      %dma_start3A_189 = tpu.memref_squeeze %dma_start3A_188 : memref<1x80xi32, #tpu.memory_space<vmem>> -> memref<80xi32, #tpu.memory_space<vmem>>
      %dma_start3A_190 = tpu.memref_slice %arg4[%mul3A_0] : memref<160000xi32, #tpu.memory_space<hbm>> -> memref<80xi32, #tpu.memory_space<hbm>>
      tpu.enqueue_dma source(%dma_start3A_190 : memref<80xi32, #tpu.memory_space<hbm>>) target(%dma_start3A_189 : memref<80xi32, #tpu.memory_space<vmem>>) target_semaphore(%run_scoped3A_182 : memref<!tpu.dma_semaphore, #tpu.memory_space<semaphore_mem>>)
      %dma_wait3A_191 = arith.constant 0 : i32
      %dma_wait3A_192 = tpu.memref_slice %arg9[%run_scoped3A, %dma_wait3A_191] : memref<3x80xi32, #tpu.memory_space<vmem>> -> memref<1x80xi32, #tpu.memory_space<vmem>>
      %dma_wait3A_193 = tpu.memref_squeeze %dma_wait3A_192 : memref<1x80xi32, #tpu.memory_space<vmem>> -> memref<80xi32, #tpu.memory_space<vmem>>
      %dma_wait3A_194 = tpu.memref_slice %arg4[%mul3A_0] : memref<160000xi32, #tpu.memory_space<hbm>> -> memref<80xi32, #tpu.memory_space<hbm>>
      %dma_wait3A_195 = arith.constant 0 : i32
      %dma_wait3A_196 = tpu.memref_slice %arg9[%run_scoped3A, %dma_wait3A_195] : memref<3x80xi32, #tpu.memory_space<vmem>> -> memref<1x80xi32, #tpu.memory_space<vmem>>
      %dma_wait3A_197 = tpu.memref_squeeze %dma_wait3A_196 : memref<1x80xi32, #tpu.memory_space<vmem>> -> memref<80xi32, #tpu.memory_space<vmem>>
      %dma_wait3A_198 = tpu.memref_slice %arg4[%mul3A_0] : memref<160000xi32, #tpu.memory_space<hbm>> -> memref<80xi32, #tpu.memory_space<hbm>>
      tpu.wait_dma2 semaphore(%run_scoped3A_182 : memref<!tpu.dma_semaphore, #tpu.memory_space<semaphore_mem>>) src(%dma_wait3A_198 : memref<80xi32, #tpu.memory_space<hbm>>) dst(%dma_wait3A_197 : memref<80xi32, #tpu.memory_space<vmem>>)
      tpu.yield
    }) : () -> ()
    %run_scoped3A_1 = arith.constant 0 : i32
    "tpu.region"() ({
      %run_scoped3A_182 = tpu.sem_alloc : memref<!tpu.dma_semaphore, #tpu.memory_space<semaphore_mem>>
      %dma_start3A_183 = arith.constant 0 : i32
      %dma_start3A_184 = tpu.memref_slice %arg10[%run_scoped3A_1, %dma_start3A_183] : memref<3x80xi32, #tpu.memory_space<vmem>> -> memref<1x80xi32, #tpu.memory_space<vmem>>
      %dma_start3A_185 = tpu.memref_squeeze %dma_start3A_184 : memref<1x80xi32, #tpu.memory_space<vmem>> -> memref<80xi32, #tpu.memory_space<vmem>>
      %dma_start3A_186 = tpu.memref_slice %arg5[%mul3A_0] : memref<160000xi32, #tpu.memory_space<hbm>> -> memref<80xi32, #tpu.memory_space<hbm>>
      %dma_start3A_187 = arith.constant 0 : i32
      %dma_start3A_188 = tpu.memref_slice %arg10[%run_scoped3A_1, %dma_start3A_187] : memref<3x80xi32, #tpu.memory_space<vmem>> -> memref<1x80xi32, #tpu.memory_space<vmem>>
      %dma_start3A_189 = tpu.memref_squeeze %dma_start3A_188 : memref<1x80xi32, #tpu.memory_space<vmem>> -> memref<80xi32, #tpu.memory_space<vmem>>
      %dma_start3A_190 = tpu.memref_slice %arg5[%mul3A_0] : memref<160000xi32, #tpu.memory_space<hbm>> -> memref<80xi32, #tpu.memory_space<hbm>>
      tpu.enqueue_dma source(%dma_start3A_190 : memref<80xi32, #tpu.memory_space<hbm>>) target(%dma_start3A_189 : memref<80xi32, #tpu.memory_space<vmem>>) target_semaphore(%run_scoped3A_182 : memref<!tpu.dma_semaphore, #tpu.memory_space<semaphore_mem>>)
      %dma_wait3A_191 = arith.constant 0 : i32
      %dma_wait3A_192 = tpu.memref_slice %arg10[%run_scoped3A_1, %dma_wait3A_191] : memref<3x80xi32, #tpu.memory_space<vmem>> -> memref<1x80xi32, #tpu.memory_space<vmem>>
      %dma_wait3A_193 = tpu.memref_squeeze %dma_wait3A_192 : memref<1x80xi32, #tpu.memory_space<vmem>> -> memref<80xi32, #tpu.memory_space<vmem>>
      %dma_wait3A_194 = tpu.memref_slice %arg5[%mul3A_0] : memref<160000xi32, #tpu.memory_space<hbm>> -> memref<80xi32, #tpu.memory_space<hbm>>
      %dma_wait3A_195 = arith.constant 0 : i32
      %dma_wait3A_196 = tpu.memref_slice %arg10[%run_scoped3A_1, %dma_wait3A_195] : memref<3x80xi32, #tpu.memory_space<vmem>> -> memref<1x80xi32, #tpu.memory_space<vmem>>
      %dma_wait3A_197 = tpu.memref_squeeze %dma_wait3A_196 : memref<1x80xi32, #tpu.memory_space<vmem>> -> memref<80xi32, #tpu.memory_space<vmem>>
      %dma_wait3A_198 = tpu.memref_slice %arg5[%mul3A_0] : memref<160000xi32, #tpu.memory_space<hbm>> -> memref<80xi32, #tpu.memory_space<hbm>>
      tpu.wait_dma2 semaphore(%run_scoped3A_182 : memref<!tpu.dma_semaphore, #tpu.memory_space<semaphore_mem>>) src(%dma_wait3A_198 : memref<80xi32, #tpu.memory_space<hbm>>) dst(%dma_wait3A_197 : memref<80xi32, #tpu.memory_space<vmem>>)
      tpu.yield
    }) : () -> ()
    %add3A = arith.constant 80 : i32
    %add3A_2 = arith.addi %mul3A_0, %add3A : i32
    %dma_start3A = arith.constant 1 : i32
    %dma_start3A_3 = arith.constant 1 : i32
    %dma_start3A_4 = arith.constant 0 : i32
    %dma_start3A_5 = tpu.memref_slice %arg9[%dma_start3A, %dma_start3A_4] : memref<3x80xi32, #tpu.memory_space<vmem>> -> memref<1x80xi32, #tpu.memory_space<vmem>>
    %dma_start3A_6 = tpu.memref_squeeze %dma_start3A_5 : memref<1x80xi32, #tpu.memory_space<vmem>> -> memref<80xi32, #tpu.memory_space<vmem>>
    %dma_start3A_7 = tpu.memref_slice %arg4[%add3A_2] : memref<160000xi32, #tpu.memory_space<hbm>> -> memref<80xi32, #tpu.memory_space<hbm>>
    %dma_start3A_8 = tpu.memref_slice %arg14[%dma_start3A_3] : memref<3x!tpu.dma_semaphore, #tpu.memory_space<semaphore_mem>> -> memref<1x!tpu.dma_semaphore, #tpu.memory_space<semaphore_mem>>
    %dma_start3A_9 = tpu.memref_squeeze %dma_start3A_8 : memref<1x!tpu.dma_semaphore, #tpu.memory_space<semaphore_mem>> -> memref<!tpu.dma_semaphore, #tpu.memory_space<semaphore_mem>>
    %dma_start3A_10 = arith.constant 0 : i32
    %dma_start3A_11 = tpu.memref_slice %arg9[%dma_start3A, %dma_start3A_10] : memref<3x80xi32, #tpu.memory_space<vmem>> -> memref<1x80xi32, #tpu.memory_space<vmem>>
    %dma_start3A_12 = tpu.memref_squeeze %dma_start3A_11 : memref<1x80xi32, #tpu.memory_space<vmem>> -> memref<80xi32, #tpu.memory_space<vmem>>
    %dma_start3A_13 = tpu.memref_slice %arg4[%add3A_2] : memref<160000xi32, #tpu.memory_space<hbm>> -> memref<80xi32, #tpu.memory_space<hbm>>
    tpu.enqueue_dma source(%dma_start3A_13 : memref<80xi32, #tpu.memory_space<hbm>>) target(%dma_start3A_12 : memref<80xi32, #tpu.memory_space<vmem>>) target_semaphore(%dma_start3A_9 : memref<!tpu.dma_semaphore, #tpu.memory_space<semaphore_mem>>)
    %dma_start3A_14 = arith.constant 1 : i32
    %dma_start3A_15 = arith.constant 1 : i32
    %dma_start3A_16 = arith.constant 0 : i32
    %dma_start3A_17 = tpu.memref_slice %arg10[%dma_start3A_14, %dma_start3A_16] : memref<3x80xi32, #tpu.memory_space<vmem>> -> memref<1x80xi32, #tpu.memory_space<vmem>>
    %dma_start3A_18 = tpu.memref_squeeze %dma_start3A_17 : memref<1x80xi32, #tpu.memory_space<vmem>> -> memref<80xi32, #tpu.memory_space<vmem>>
    %dma_start3A_19 = tpu.memref_slice %arg5[%add3A_2] : memref<160000xi32, #tpu.memory_space<hbm>> -> memref<80xi32, #tpu.memory_space<hbm>>
    %dma_start3A_20 = tpu.memref_slice %arg15[%dma_start3A_15] : memref<3x!tpu.dma_semaphore, #tpu.memory_space<semaphore_mem>> -> memref<1x!tpu.dma_semaphore, #tpu.memory_space<semaphore_mem>>
    %dma_start3A_21 = tpu.memref_squeeze %dma_start3A_20 : memref<1x!tpu.dma_semaphore, #tpu.memory_space<semaphore_mem>> -> memref<!tpu.dma_semaphore, #tpu.memory_space<semaphore_mem>>
    %dma_start3A_22 = arith.constant 0 : i32
    %dma_start3A_23 = tpu.memref_slice %arg10[%dma_start3A_14, %dma_start3A_22] : memref<3x80xi32, #tpu.memory_space<vmem>> -> memref<1x80xi32, #tpu.memory_space<vmem>>
    %dma_start3A_24 = tpu.memref_squeeze %dma_start3A_23 : memref<1x80xi32, #tpu.memory_space<vmem>> -> memref<80xi32, #tpu.memory_space<vmem>>
    %dma_start3A_25 = tpu.memref_slice %arg5[%add3A_2] : memref<160000xi32, #tpu.memory_space<hbm>> -> memref<80xi32, #tpu.memory_space<hbm>>
    tpu.enqueue_dma source(%dma_start3A_25 : memref<80xi32, #tpu.memory_space<hbm>>) target(%dma_start3A_24 : memref<80xi32, #tpu.memory_space<vmem>>) target_semaphore(%dma_start3A_21 : memref<!tpu.dma_semaphore, #tpu.memory_space<semaphore_mem>>)
    %add3A_26 = arith.constant 0 : i32
    %add3A_27 = arith.addi %mul3A_0, %add3A_26 : i32
    %eq3A = arith.constant 0 : i32
    %eq3A_28 = arith.cmpi eq, %arg0, %eq3A : i32
    %convert_element_type3A = arith.extui %eq3A_28 : i1 to i32
    %cond3A = arith.constant 0 : i32
    %cond3A_29 = arith.cmpi ne, %convert_element_type3A, %cond3A : i32
    scf.if %cond3A_29 {
      %dma_start3A_182 = arith.constant 0 : i32
      %dma_start3A_183 = arith.constant 0 : i32
      %dma_start3A_184 = arith.constant 0 : i32
      %dma_start3A_185 = arith.constant 0 : i32
      %dma_start3A_186 = tpu.memref_slice %arg12[%dma_start3A_182, %dma_start3A_184, %dma_start3A_185] : memref<4x80x128xf32, #tpu.memory_space<vmem>> -> memref<1x80x128xf32, #tpu.memory_space<vmem>>
      %dma_start3A_187 = tpu.memref_squeeze %dma_start3A_186 : memref<1x80x128xf32, #tpu.memory_space<vmem>> -> memref<80x128xf32, #tpu.memory_space<vmem>>
      %dma_start3A_188 = arith.constant 0 : i32
      %dma_start3A_189 = tpu.memref_slice %arg6[%add3A_27, %dma_start3A_188] : memref<160000x256xf32, #tpu.memory_space<hbm>> -> memref<80x128xf32, #tpu.memory_space<hbm>>
      %dma_start3A_190 = tpu.memref_slice %arg17[%dma_start3A_183] : memref<4x!tpu.dma_semaphore, #tpu.memory_space<semaphore_mem>> -> memref<1x!tpu.dma_semaphore, #tpu.memory_space<semaphore_mem>>
      %dma_start3A_191 = tpu.memref_squeeze %dma_start3A_190 : memref<1x!tpu.dma_semaphore, #tpu.memory_space<semaphore_mem>> -> memref<!tpu.dma_semaphore, #tpu.memory_space<semaphore_mem>>
      %dma_start3A_192 = arith.constant 0 : i32
      %dma_start3A_193 = arith.constant 0 : i32
      %dma_start3A_194 = tpu.memref_slice %arg12[%dma_start3A_182, %dma_start3A_192, %dma_start3A_193] : memref<4x80x128xf32, #tpu.memory_space<vmem>> -> memref<1x80x128xf32, #tpu.memory_space<vmem>>
      %dma_start3A_195 = tpu.memref_squeeze %dma_start3A_194 : memref<1x80x128xf32, #tpu.memory_space<vmem>> -> memref<80x128xf32, #tpu.memory_space<vmem>>
      %dma_start3A_196 = arith.constant 0 : i32
      %dma_start3A_197 = tpu.memref_slice %arg6[%add3A_27, %dma_start3A_196] : memref<160000x256xf32, #tpu.memory_space<hbm>> -> memref<80x128xf32, #tpu.memory_space<hbm>>
      tpu.enqueue_dma source(%dma_start3A_197 : memref<80x128xf32, #tpu.memory_space<hbm>>) target(%dma_start3A_195 : memref<80x128xf32, #tpu.memory_space<vmem>>) target_semaphore(%dma_start3A_191 : memref<!tpu.dma_semaphore, #tpu.memory_space<semaphore_mem>>)
    } else {
    }
    %eq3A_30 = arith.constant 1 : i32
    %eq3A_31 = arith.cmpi eq, %arg0, %eq3A_30 : i32
    %convert_element_type3A_32 = arith.extui %eq3A_31 : i1 to i32
    %cond3A_33 = arith.constant 0 : i32
    %cond3A_34 = arith.cmpi ne, %convert_element_type3A_32, %cond3A_33 : i32
    scf.if %cond3A_34 {
      %dma_start3A_182 = arith.constant 0 : i32
      %dma_start3A_183 = arith.constant 0 : i32
      %dma_start3A_184 = arith.constant 0 : i32
      %dma_start3A_185 = arith.constant 0 : i32
      %dma_start3A_186 = tpu.memref_slice %arg12[%dma_start3A_182, %dma_start3A_184, %dma_start3A_185] : memref<4x80x128xf32, #tpu.memory_space<vmem>> -> memref<1x80x128xf32, #tpu.memory_space<vmem>>
      %dma_start3A_187 = tpu.memref_squeeze %dma_start3A_186 : memref<1x80x128xf32, #tpu.memory_space<vmem>> -> memref<80x128xf32, #tpu.memory_space<vmem>>
      %dma_start3A_188 = arith.constant 128 : i32
      %dma_start3A_189 = tpu.memref_slice %arg6[%add3A_27, %dma_start3A_188] : memref<160000x256xf32, #tpu.memory_space<hbm>> -> memref<80x128xf32, #tpu.memory_space<hbm>>
      %dma_start3A_190 = tpu.memref_slice %arg17[%dma_start3A_183] : memref<4x!tpu.dma_semaphore, #tpu.memory_space<semaphore_mem>> -> memref<1x!tpu.dma_semaphore, #tpu.memory_space<semaphore_mem>>
      %dma_start3A_191 = tpu.memref_squeeze %dma_start3A_190 : memref<1x!tpu.dma_semaphore, #tpu.memory_space<semaphore_mem>> -> memref<!tpu.dma_semaphore, #tpu.memory_space<semaphore_mem>>
      %dma_start3A_192 = arith.constant 0 : i32
      %dma_start3A_193 = arith.constant 0 : i32
      %dma_start3A_194 = tpu.memref_slice %arg12[%dma_start3A_182, %dma_start3A_192, %dma_start3A_193] : memref<4x80x128xf32, #tpu.memory_space<vmem>> -> memref<1x80x128xf32, #tpu.memory_space<vmem>>
      %dma_start3A_195 = tpu.memref_squeeze %dma_start3A_194 : memref<1x80x128xf32, #tpu.memory_space<vmem>> -> memref<80x128xf32, #tpu.memory_space<vmem>>
      %dma_start3A_196 = arith.constant 128 : i32
      %dma_start3A_197 = tpu.memref_slice %arg6[%add3A_27, %dma_start3A_196] : memref<160000x256xf32, #tpu.memory_space<hbm>> -> memref<80x128xf32, #tpu.memory_space<hbm>>
      tpu.enqueue_dma source(%dma_start3A_197 : memref<80x128xf32, #tpu.memory_space<hbm>>) target(%dma_start3A_195 : memref<80x128xf32, #tpu.memory_space<vmem>>) target_semaphore(%dma_start3A_191 : memref<!tpu.dma_semaphore, #tpu.memory_space<semaphore_mem>>)
    } else {
    }
    %add3A_35 = arith.constant 80 : i32
    %add3A_36 = arith.addi %mul3A_0, %add3A_35 : i32
    %eq3A_37 = arith.constant 0 : i32
    %eq3A_38 = arith.cmpi eq, %arg0, %eq3A_37 : i32
    %convert_element_type3A_39 = arith.extui %eq3A_38 : i1 to i32
    %cond3A_40 = arith.constant 0 : i32
    %cond3A_41 = arith.cmpi ne, %convert_element_type3A_39, %cond3A_40 : i32
    scf.if %cond3A_41 {
      %dma_start3A_182 = arith.constant 1 : i32
      %dma_start3A_183 = arith.constant 1 : i32
      %dma_start3A_184 = arith.constant 0 : i32
      %dma_start3A_185 = arith.constant 0 : i32
      %dma_start3A_186 = tpu.memref_slice %arg12[%dma_start3A_182, %dma_start3A_184, %dma_start3A_185] : memref<4x80x128xf32, #tpu.memory_space<vmem>> -> memref<1x80x128xf32, #tpu.memory_space<vmem>>
      %dma_start3A_187 = tpu.memref_squeeze %dma_start3A_186 : memref<1x80x128xf32, #tpu.memory_space<vmem>> -> memref<80x128xf32, #tpu.memory_space<vmem>>
      %dma_start3A_188 = arith.constant 0 : i32
      %dma_start3A_189 = tpu.memref_slice %arg6[%add3A_36, %dma_start3A_188] : memref<160000x256xf32, #tpu.memory_space<hbm>> -> memref<80x128xf32, #tpu.memory_space<hbm>>
      %dma_start3A_190 = tpu.memref_slice %arg17[%dma_start3A_183] : memref<4x!tpu.dma_semaphore, #tpu.memory_space<semaphore_mem>> -> memref<1x!tpu.dma_semaphore, #tpu.memory_space<semaphore_mem>>
      %dma_start3A_191 = tpu.memref_squeeze %dma_start3A_190 : memref<1x!tpu.dma_semaphore, #tpu.memory_space<semaphore_mem>> -> memref<!tpu.dma_semaphore, #tpu.memory_space<semaphore_mem>>
      %dma_start3A_192 = arith.constant 0 : i32
      %dma_start3A_193 = arith.constant 0 : i32
      %dma_start3A_194 = tpu.memref_slice %arg12[%dma_start3A_182, %dma_start3A_192, %dma_start3A_193] : memref<4x80x128xf32, #tpu.memory_space<vmem>> -> memref<1x80x128xf32, #tpu.memory_space<vmem>>
      %dma_start3A_195 = tpu.memref_squeeze %dma_start3A_194 : memref<1x80x128xf32, #tpu.memory_space<vmem>> -> memref<80x128xf32, #tpu.memory_space<vmem>>
      %dma_start3A_196 = arith.constant 0 : i32
      %dma_start3A_197 = tpu.memref_slice %arg6[%add3A_36, %dma_start3A_196] : memref<160000x256xf32, #tpu.memory_space<hbm>> -> memref<80x128xf32, #tpu.memory_space<hbm>>
      tpu.enqueue_dma source(%dma_start3A_197 : memref<80x128xf32, #tpu.memory_space<hbm>>) target(%dma_start3A_195 : memref<80x128xf32, #tpu.memory_space<vmem>>) target_semaphore(%dma_start3A_191 : memref<!tpu.dma_semaphore, #tpu.memory_space<semaphore_mem>>)
    } else {
    }
    %eq3A_42 = arith.constant 1 : i32
    %eq3A_43 = arith.cmpi eq, %arg0, %eq3A_42 : i32
    %convert_element_type3A_44 = arith.extui %eq3A_43 : i1 to i32
    %cond3A_45 = arith.constant 0 : i32
    %cond3A_46 = arith.cmpi ne, %convert_element_type3A_44, %cond3A_45 : i32
    scf.if %cond3A_46 {
      %dma_start3A_182 = arith.constant 1 : i32
      %dma_start3A_183 = arith.constant 1 : i32
      %dma_start3A_184 = arith.constant 0 : i32
      %dma_start3A_185 = arith.constant 0 : i32
      %dma_start3A_186 = tpu.memref_slice %arg12[%dma_start3A_182, %dma_start3A_184, %dma_start3A_185] : memref<4x80x128xf32, #tpu.memory_space<vmem>> -> memref<1x80x128xf32, #tpu.memory_space<vmem>>
      %dma_start3A_187 = tpu.memref_squeeze %dma_start3A_186 : memref<1x80x128xf32, #tpu.memory_space<vmem>> -> memref<80x128xf32, #tpu.memory_space<vmem>>
      %dma_start3A_188 = arith.constant 128 : i32
      %dma_start3A_189 = tpu.memref_slice %arg6[%add3A_36, %dma_start3A_188] : memref<160000x256xf32, #tpu.memory_space<hbm>> -> memref<80x128xf32, #tpu.memory_space<hbm>>
      %dma_start3A_190 = tpu.memref_slice %arg17[%dma_start3A_183] : memref<4x!tpu.dma_semaphore, #tpu.memory_space<semaphore_mem>> -> memref<1x!tpu.dma_semaphore, #tpu.memory_space<semaphore_mem>>
      %dma_start3A_191 = tpu.memref_squeeze %dma_start3A_190 : memref<1x!tpu.dma_semaphore, #tpu.memory_space<semaphore_mem>> -> memref<!tpu.dma_semaphore, #tpu.memory_space<semaphore_mem>>
      %dma_start3A_192 = arith.constant 0 : i32
      %dma_start3A_193 = arith.constant 0 : i32
      %dma_start3A_194 = tpu.memref_slice %arg12[%dma_start3A_182, %dma_start3A_192, %dma_start3A_193] : memref<4x80x128xf32, #tpu.memory_space<vmem>> -> memref<1x80x128xf32, #tpu.memory_space<vmem>>
      %dma_start3A_195 = tpu.memref_squeeze %dma_start3A_194 : memref<1x80x128xf32, #tpu.memory_space<vmem>> -> memref<80x128xf32, #tpu.memory_space<vmem>>
      %dma_start3A_196 = arith.constant 128 : i32
      %dma_start3A_197 = tpu.memref_slice %arg6[%add3A_36, %dma_start3A_196] : memref<160000x256xf32, #tpu.memory_space<hbm>> -> memref<80x128xf32, #tpu.memory_space<hbm>>
      tpu.enqueue_dma source(%dma_start3A_197 : memref<80x128xf32, #tpu.memory_space<hbm>>) target(%dma_start3A_195 : memref<80x128xf32, #tpu.memory_space<vmem>>) target_semaphore(%dma_start3A_191 : memref<!tpu.dma_semaphore, #tpu.memory_space<semaphore_mem>>)
    } else {
    }
    %scan3A = arith.constant 0 : i32
    %scan3A_47 = arith.constant 0 : i32
    %scan3A_48 = arith.constant 80 : i32
    %scan3A_49 = arith.addi %scan3A_47, %scan3A_48 : i32
    %scan3A_50 = arith.constant 1 : i32
    scf.for %scan3A_182 = %scan3A_47 to %scan3A_49 step %scan3A_50  : i32 {
      %broadcast_in_dim3A = arith.constant 0.000000e+00 : f32
      %broadcast_in_dim3A_183 = vector.broadcast %broadcast_in_dim3A : f32 to vector<16xf32>
      %swap3A = arith.constant 3 : i32
      %swap3A_184 = arith.index_cast %swap3A : i32 to index
      %swap3A_185 = arith.index_cast %scan3A_182 : i32 to index
      %swap3A_186 = arith.constant 0 : index
      %swap3A_187 = tpu.vector_load %arg12[%swap3A_184, %swap3A_185, %swap3A_186] {strides = array<i32>} : memref<4x80x128xf32, #tpu.memory_space<vmem>>, vector<1x1x16xf32>,
      %swap3A_188 = vector.shape_cast %swap3A_187 : vector<1x1x16xf32> to vector<16xf32>
      %swap3A_189 = vector.shape_cast %broadcast_in_dim3A_183 : vector<16xf32> to vector<1x1x16xf32>
      tpu.vector_store %arg12[%swap3A_184, %swap3A_185, %swap3A_186], %swap3A_189 {strides = array<i32>} : memref<4x80x128xf32, #tpu.memory_space<vmem>>, vector<1x1x16xf32>,
      %broadcast_in_dim3A_190 = arith.constant 0.000000e+00 : f32
      %broadcast_in_dim3A_191 = vector.broadcast %broadcast_in_dim3A_190 : f32 to vector<16xf32>
      %swap3A_192 = arith.constant 3 : i32
      %swap3A_193 = arith.index_cast %swap3A_192 : i32 to index
      %swap3A_194 = arith.index_cast %scan3A_182 : i32 to index
      %swap3A_195 = arith.constant 16 : index
      %swap3A_196 = tpu.vector_load %arg12[%swap3A_193, %swap3A_194, %swap3A_195] {strides = array<i32>} : memref<4x80x128xf32, #tpu.memory_space<vmem>>, vector<1x1x16xf32>,
      %swap3A_197 = vector.shape_cast %swap3A_196 : vector<1x1x16xf32> to vector<16xf32>
      %swap3A_198 = vector.shape_cast %broadcast_in_dim3A_191 : vector<16xf32> to vector<1x1x16xf32>
      tpu.vector_store %arg12[%swap3A_193, %swap3A_194, %swap3A_195], %swap3A_198 {strides = array<i32>} : memref<4x80x128xf32, #tpu.memory_space<vmem>>, vector<1x1x16xf32>,
      %broadcast_in_dim3A_199 = arith.constant 0.000000e+00 : f32
      %broadcast_in_dim3A_200 = vector.broadcast %broadcast_in_dim3A_199 : f32 to vector<16xf32>
      %swap3A_201 = arith.constant 3 : i32
      %swap3A_202 = arith.index_cast %swap3A_201 : i32 to index
      %swap3A_203 = arith.index_cast %scan3A_182 : i32 to index
      %swap3A_204 = arith.constant 32 : index
      %swap3A_205 = tpu.vector_load %arg12[%swap3A_202, %swap3A_203, %swap3A_204] {strides = array<i32>} : memref<4x80x128xf32, #tpu.memory_space<vmem>>, vector<1x1x16xf32>,
      %swap3A_206 = vector.shape_cast %swap3A_205 : vector<1x1x16xf32> to vector<16xf32>
      %swap3A_207 = vector.shape_cast %broadcast_in_dim3A_200 : vector<16xf32> to vector<1x1x16xf32>
      tpu.vector_store %arg12[%swap3A_202, %swap3A_203, %swap3A_204], %swap3A_207 {strides = array<i32>} : memref<4x80x128xf32, #tpu.memory_space<vmem>>, vector<1x1x16xf32>,
      %broadcast_in_dim3A_208 = arith.constant 0.000000e+00 : f32
      %broadcast_in_dim3A_209 = vector.broadcast %broadcast_in_dim3A_208 : f32 to vector<16xf32>
      %swap3A_210 = arith.constant 3 : i32
      %swap3A_211 = arith.index_cast %swap3A_210 : i32 to index
      %swap3A_212 = arith.index_cast %scan3A_182 : i32 to index
      %swap3A_213 = arith.constant 48 : index
      %swap3A_214 = tpu.vector_load %arg12[%swap3A_211, %swap3A_212, %swap3A_213] {strides = array<i32>} : memref<4x80x128xf32, #tpu.memory_space<vmem>>, vector<1x1x16xf32>,
      %swap3A_215 = vector.shape_cast %swap3A_214 : vector<1x1x16xf32> to vector<16xf32>
      %swap3A_216 = vector.shape_cast %broadcast_in_dim3A_209 : vector<16xf32> to vector<1x1x16xf32>
      tpu.vector_store %arg12[%swap3A_211, %swap3A_212, %swap3A_213], %swap3A_216 {strides = array<i32>} : memref<4x80x128xf32, #tpu.memory_space<vmem>>, vector<1x1x16xf32>,
      %broadcast_in_dim3A_217 = arith.constant 0.000000e+00 : f32
      %broadcast_in_dim3A_218 = vector.broadcast %broadcast_in_dim3A_217 : f32 to vector<16xf32>
      %swap3A_219 = arith.constant 3 : i32
      %swap3A_220 = arith.index_cast %swap3A_219 : i32 to index
      %swap3A_221 = arith.index_cast %scan3A_182 : i32 to index
      %swap3A_222 = arith.constant 64 : index
      %swap3A_223 = tpu.vector_load %arg12[%swap3A_220, %swap3A_221, %swap3A_222] {strides = array<i32>} : memref<4x80x128xf32, #tpu.memory_space<vmem>>, vector<1x1x16xf32>,
      %swap3A_224 = vector.shape_cast %swap3A_223 : vector<1x1x16xf32> to vector<16xf32>
      %swap3A_225 = vector.shape_cast %broadcast_in_dim3A_218 : vector<16xf32> to vector<1x1x16xf32>
      tpu.vector_store %arg12[%swap3A_220, %swap3A_221, %swap3A_222], %swap3A_225 {strides = array<i32>} : memref<4x80x128xf32, #tpu.memory_space<vmem>>, vector<1x1x16xf32>,
      %broadcast_in_dim3A_226 = arith.constant 0.000000e+00 : f32
      %broadcast_in_dim3A_227 = vector.broadcast %broadcast_in_dim3A_226 : f32 to vector<16xf32>
      %swap3A_228 = arith.constant 3 : i32
      %swap3A_229 = arith.index_cast %swap3A_228 : i32 to index
      %swap3A_230 = arith.index_cast %scan3A_182 : i32 to index
      %swap3A_231 = arith.constant 80 : index
      %swap3A_232 = tpu.vector_load %arg12[%swap3A_229, %swap3A_230, %swap3A_231] {strides = array<i32>} : memref<4x80x128xf32, #tpu.memory_space<vmem>>, vector<1x1x16xf32>,
      %swap3A_233 = vector.shape_cast %swap3A_232 : vector<1x1x16xf32> to vector<16xf32>
      %swap3A_234 = vector.shape_cast %broadcast_in_dim3A_227 : vector<16xf32> to vector<1x1x16xf32>
      tpu.vector_store %arg12[%swap3A_229, %swap3A_230, %swap3A_231], %swap3A_234 {strides = array<i32>} : memref<4x80x128xf32, #tpu.memory_space<vmem>>, vector<1x1x16xf32>,
      %broadcast_in_dim3A_235 = arith.constant 0.000000e+00 : f32
      %broadcast_in_dim3A_236 = vector.broadcast %broadcast_in_dim3A_235 : f32 to vector<16xf32>
      %swap3A_237 = arith.constant 3 : i32
      %swap3A_238 = arith.index_cast %swap3A_237 : i32 to index
      %swap3A_239 = arith.index_cast %scan3A_182 : i32 to index
      %swap3A_240 = arith.constant 96 : index
      %swap3A_241 = tpu.vector_load %arg12[%swap3A_238, %swap3A_239, %swap3A_240] {strides = array<i32>} : memref<4x80x128xf32, #tpu.memory_space<vmem>>, vector<1x1x16xf32>,
      %swap3A_242 = vector.shape_cast %swap3A_241 : vector<1x1x16xf32> to vector<16xf32>
      %swap3A_243 = vector.shape_cast %broadcast_in_dim3A_236 : vector<16xf32> to vector<1x1x16xf32>
      tpu.vector_store %arg12[%swap3A_238, %swap3A_239, %swap3A_240], %swap3A_243 {strides = array<i32>} : memref<4x80x128xf32, #tpu.memory_space<vmem>>, vector<1x1x16xf32>,
      %broadcast_in_dim3A_244 = arith.constant 0.000000e+00 : f32
      %broadcast_in_dim3A_245 = vector.broadcast %broadcast_in_dim3A_244 : f32 to vector<16xf32>
      %swap3A_246 = arith.constant 3 : i32
      %swap3A_247 = arith.index_cast %swap3A_246 : i32 to index
      %swap3A_248 = arith.index_cast %scan3A_182 : i32 to index
      %swap3A_249 = arith.constant 112 : index
      %swap3A_250 = tpu.vector_load %arg12[%swap3A_247, %swap3A_248, %swap3A_249] {strides = array<i32>} : memref<4x80x128xf32, #tpu.memory_space<vmem>>, vector<1x1x16xf32>,
      %swap3A_251 = vector.shape_cast %swap3A_250 : vector<1x1x16xf32> to vector<16xf32>
      %swap3A_252 = vector.shape_cast %broadcast_in_dim3A_245 : vector<16xf32> to vector<1x1x16xf32>
      tpu.vector_store %arg12[%swap3A_247, %swap3A_248, %swap3A_249], %swap3A_252 {strides = array<i32>} : memref<4x80x128xf32, #tpu.memory_space<vmem>>, vector<1x1x16xf32>,
    }
    %scan3A_51 = arith.constant 80 : i32
    %mul3A_52 = arith.constant 625 : i32
    %mul3A_53 = arith.muli %arg1, %mul3A_52 : i32
    %add3A_54 = arith.constant 0 : i32
    %add3A_55 = arith.addi %mul3A_53, %add3A_54 : i32
    %run_scoped3A_56 = arith.constant 3 : i32
    "tpu.region"() ({
      %run_scoped3A_182 = tpu.sem_alloc : memref<!tpu.dma_semaphore, #tpu.memory_space<semaphore_mem>>
      %dma_start3A_183 = arith.constant 0 : i32
      %dma_start3A_184 = arith.constant 0 : i32
      %dma_start3A_185 = tpu.memref_slice %arg12[%run_scoped3A_56, %dma_start3A_183, %dma_start3A_184] : memref<4x80x128xf32, #tpu.memory_space<vmem>> -> memref<1x80x128xf32, #tpu.memory_space<vmem>>
      %dma_start3A_186 = tpu.memref_squeeze %dma_start3A_185 : memref<1x80x128xf32, #tpu.memory_space<vmem>> -> memref<80x128xf32, #tpu.memory_space<vmem>>
      %dma_start3A_187 = arith.constant 0 : i32
      %dma_start3A_188 = tpu.memref_slice %arg13[%add3A_55, %dma_start3A_187] : memref<10000x128xf32, #tpu.memory_space<vmem_shared>> -> memref<80x128xf32, #tpu.memory_space<vmem_shared>>
      %dma_start3A_189 = arith.constant 0 : i32
      %dma_start3A_190 = tpu.memref_slice %arg13[%add3A_55, %dma_start3A_189] : memref<10000x128xf32, #tpu.memory_space<vmem_shared>> -> memref<80x128xf32, #tpu.memory_space<vmem_shared>>
      %dma_start3A_191 = arith.constant 0 : i32
      %dma_start3A_192 = arith.constant 0 : i32
      %dma_start3A_193 = tpu.memref_slice %arg12[%run_scoped3A_56, %dma_start3A_191, %dma_start3A_192] : memref<4x80x128xf32, #tpu.memory_space<vmem>> -> memref<1x80x128xf32, #tpu.memory_space<vmem>>
      %dma_start3A_194 = tpu.memref_squeeze %dma_start3A_193 : memref<1x80x128xf32, #tpu.memory_space<vmem>> -> memref<80x128xf32, #tpu.memory_space<vmem>>
      tpu.enqueue_dma source(%dma_start3A_194 : memref<80x128xf32, #tpu.memory_space<vmem>>) target(%dma_start3A_190 : memref<80x128xf32, #tpu.memory_space<vmem_shared>>) target_semaphore(%run_scoped3A_182 : memref<!tpu.dma_semaphore, #tpu.memory_space<semaphore_mem>>)
      %dma_wait3A_195 = arith.constant 0 : i32
      %dma_wait3A_196 = arith.constant 0 : i32
      %dma_wait3A_197 = tpu.memref_slice %arg12[%run_scoped3A_56, %dma_wait3A_195, %dma_wait3A_196] : memref<4x80x128xf32, #tpu.memory_space<vmem>> -> memref<1x80x128xf32, #tpu.memory_space<vmem>>
      %dma_wait3A_198 = tpu.memref_squeeze %dma_wait3A_197 : memref<1x80x128xf32, #tpu.memory_space<vmem>> -> memref<80x128xf32, #tpu.memory_space<vmem>>
      %dma_wait3A_199 = arith.constant 0 : i32
      %dma_wait3A_200 = tpu.memref_slice %arg13[%add3A_55, %dma_wait3A_199] : memref<10000x128xf32, #tpu.memory_space<vmem_shared>> -> memref<80x128xf32, #tpu.memory_space<vmem_shared>>
      %dma_wait3A_201 = arith.constant 0 : i32
      %dma_wait3A_202 = tpu.memref_slice %arg13[%add3A_55, %dma_wait3A_201] : memref<10000x128xf32, #tpu.memory_space<vmem_shared>> -> memref<80x128xf32, #tpu.memory_space<vmem_shared>>
      %dma_wait3A_203 = arith.constant 0 : i32
      %dma_wait3A_204 = arith.constant 0 : i32
      %dma_wait3A_205 = tpu.memref_slice %arg12[%run_scoped3A_56, %dma_wait3A_203, %dma_wait3A_204] : memref<4x80x128xf32, #tpu.memory_space<vmem>> -> memref<1x80x128xf32, #tpu.memory_space<vmem>>
      %dma_wait3A_206 = tpu.memref_squeeze %dma_wait3A_205 : memref<1x80x128xf32, #tpu.memory_space<vmem>> -> memref<80x128xf32, #tpu.memory_space<vmem>>
      tpu.wait_dma2 semaphore(%run_scoped3A_182 : memref<!tpu.dma_semaphore, #tpu.memory_space<semaphore_mem>>) src(%dma_wait3A_206 : memref<80x128xf32, #tpu.memory_space<vmem>>) dst(%dma_wait3A_202 : memref<80x128xf32, #tpu.memory_space<vmem_shared>>)
      tpu.yield
    }) : () -> ()
    %add3A_57 = arith.constant 80 : i32
    %add3A_58 = arith.addi %mul3A_53, %add3A_57 : i32
    %run_scoped3A_59 = arith.constant 3 : i32
    "tpu.region"() ({
      %run_scoped3A_182 = tpu.sem_alloc : memref<!tpu.dma_semaphore, #tpu.memory_space<semaphore_mem>>
      %dma_start3A_183 = arith.constant 0 : i32
      %dma_start3A_184 = arith.constant 0 : i32
      %dma_start3A_185 = tpu.memref_slice %arg12[%run_scoped3A_59, %dma_start3A_183, %dma_start3A_184] : memref<4x80x128xf32, #tpu.memory_space<vmem>> -> memref<1x80x128xf32, #tpu.memory_space<vmem>>
      %dma_start3A_186 = tpu.memref_squeeze %dma_start3A_185 : memref<1x80x128xf32, #tpu.memory_space<vmem>> -> memref<80x128xf32, #tpu.memory_space<vmem>>
      %dma_start3A_187 = arith.constant 0 : i32
      %dma_start3A_188 = tpu.memref_slice %arg13[%add3A_58, %dma_start3A_187] : memref<10000x128xf32, #tpu.memory_space<vmem_shared>> -> memref<80x128xf32, #tpu.memory_space<vmem_shared>>
      %dma_start3A_189 = arith.constant 0 : i32
      %dma_start3A_190 = tpu.memref_slice %arg13[%add3A_58, %dma_start3A_189] : memref<10000x128xf32, #tpu.memory_space<vmem_shared>> -> memref<80x128xf32, #tpu.memory_space<vmem_shared>>
      %dma_start3A_191 = arith.constant 0 : i32
      %dma_start3A_192 = arith.constant 0 : i32
      %dma_start3A_193 = tpu.memref_slice %arg12[%run_scoped3A_59, %dma_start3A_191, %dma_start3A_192] : memref<4x80x128xf32, #tpu.memory_space<vmem>> -> memref<1x80x128xf32, #tpu.memory_space<vmem>>
      %dma_start3A_194 = tpu.memref_squeeze %dma_start3A_193 : memref<1x80x128xf32, #tpu.memory_space<vmem>> -> memref<80x128xf32, #tpu.memory_space<vmem>>
      tpu.enqueue_dma source(%dma_start3A_194 : memref<80x128xf32, #tpu.memory_space<vmem>>) target(%dma_start3A_190 : memref<80x128xf32, #tpu.memory_space<vmem_shared>>) target_semaphore(%run_scoped3A_182 : memref<!tpu.dma_semaphore, #tpu.memory_space<semaphore_mem>>)
      %dma_wait3A_195 = arith.constant 0 : i32
      %dma_wait3A_196 = arith.constant 0 : i32
      %dma_wait3A_197 = tpu.memref_slice %arg12[%run_scoped3A_59, %dma_wait3A_195, %dma_wait3A_196] : memref<4x80x128xf32, #tpu.memory_space<vmem>> -> memref<1x80x128xf32, #tpu.memory_space<vmem>>
      %dma_wait3A_198 = tpu.memref_squeeze %dma_wait3A_197 : memref<1x80x128xf32, #tpu.memory_space<vmem>> -> memref<80x128xf32, #tpu.memory_space<vmem>>
      %dma_wait3A_199 = arith.constant 0 : i32
      %dma_wait3A_200 = tpu.memref_slice %arg13[%add3A_58, %dma_wait3A_199] : memref<10000x128xf32, #tpu.memory_space<vmem_shared>> -> memref<80x128xf32, #tpu.memory_space<vmem_shared>>
      %dma_wait3A_201 = arith.constant 0 : i32
      %dma_wait3A_202 = tpu.memref_slice %arg13[%add3A_58, %dma_wait3A_201] : memref<10000x128xf32, #tpu.memory_space<vmem_shared>> -> memref<80x128xf32, #tpu.memory_space<vmem_shared>>
      %dma_wait3A_203 = arith.constant 0 : i32
      %dma_wait3A_204 = arith.constant 0 : i32
      %dma_wait3A_205 = tpu.memref_slice %arg12[%run_scoped3A_59, %dma_wait3A_203, %dma_wait3A_204] : memref<4x80x128xf32, #tpu.memory_space<vmem>> -> memref<1x80x128xf32, #tpu.memory_space<vmem>>
      %dma_wait3A_206 = tpu.memref_squeeze %dma_wait3A_205 : memref<1x80x128xf32, #tpu.memory_space<vmem>> -> memref<80x128xf32, #tpu.memory_space<vmem>>
      tpu.wait_dma2 semaphore(%run_scoped3A_182 : memref<!tpu.dma_semaphore, #tpu.memory_space<semaphore_mem>>) src(%dma_wait3A_206 : memref<80x128xf32, #tpu.memory_space<vmem>>) dst(%dma_wait3A_202 : memref<80x128xf32, #tpu.memory_space<vmem_shared>>)
      tpu.yield
    }) : () -> ()
    %add3A_60 = arith.constant 160 : i32
    %add3A_61 = arith.addi %mul3A_53, %add3A_60 : i32
    %run_scoped3A_62 = arith.constant 3 : i32
    "tpu.region"() ({
      %run_scoped3A_182 = tpu.sem_alloc : memref<!tpu.dma_semaphore, #tpu.memory_space<semaphore_mem>>
      %dma_start3A_183 = arith.constant 0 : i32
      %dma_start3A_184 = arith.constant 0 : i32
      %dma_start3A_185 = tpu.memref_slice %arg12[%run_scoped3A_62, %dma_start3A_183, %dma_start3A_184] : memref<4x80x128xf32, #tpu.memory_space<vmem>> -> memref<1x80x128xf32, #tpu.memory_space<vmem>>
      %dma_start3A_186 = tpu.memref_squeeze %dma_start3A_185 : memref<1x80x128xf32, #tpu.memory_space<vmem>> -> memref<80x128xf32, #tpu.memory_space<vmem>>
      %dma_start3A_187 = arith.constant 0 : i32
      %dma_start3A_188 = tpu.memref_slice %arg13[%add3A_61, %dma_start3A_187] : memref<10000x128xf32, #tpu.memory_space<vmem_shared>> -> memref<80x128xf32, #tpu.memory_space<vmem_shared>>
      %dma_start3A_189 = arith.constant 0 : i32
      %dma_start3A_190 = tpu.memref_slice %arg13[%add3A_61, %dma_start3A_189] : memref<10000x128xf32, #tpu.memory_space<vmem_shared>> -> memref<80x128xf32, #tpu.memory_space<vmem_shared>>
      %dma_start3A_191 = arith.constant 0 : i32
      %dma_start3A_192 = arith.constant 0 : i32
      %dma_start3A_193 = tpu.memref_slice %arg12[%run_scoped3A_62, %dma_start3A_191, %dma_start3A_192] : memref<4x80x128xf32, #tpu.memory_space<vmem>> -> memref<1x80x128xf32, #tpu.memory_space<vmem>>
      %dma_start3A_194 = tpu.memref_squeeze %dma_start3A_193 : memref<1x80x128xf32, #tpu.memory_space<vmem>> -> memref<80x128xf32, #tpu.memory_space<vmem>>
      tpu.enqueue_dma source(%dma_start3A_194 : memref<80x128xf32, #tpu.memory_space<vmem>>) target(%dma_start3A_190 : memref<80x128xf32, #tpu.memory_space<vmem_shared>>) target_semaphore(%run_scoped3A_182 : memref<!tpu.dma_semaphore, #tpu.memory_space<semaphore_mem>>)
      %dma_wait3A_195 = arith.constant 0 : i32
      %dma_wait3A_196 = arith.constant 0 : i32
      %dma_wait3A_197 = tpu.memref_slice %arg12[%run_scoped3A_62, %dma_wait3A_195, %dma_wait3A_196] : memref<4x80x128xf32, #tpu.memory_space<vmem>> -> memref<1x80x128xf32, #tpu.memory_space<vmem>>
      %dma_wait3A_198 = tpu.memref_squeeze %dma_wait3A_197 : memref<1x80x128xf32, #tpu.memory_space<vmem>> -> memref<80x128xf32, #tpu.memory_space<vmem>>
      %dma_wait3A_199 = arith.constant 0 : i32
      %dma_wait3A_200 = tpu.memref_slice %arg13[%add3A_61, %dma_wait3A_199] : memref<10000x128xf32, #tpu.memory_space<vmem_shared>> -> memref<80x128xf32, #tpu.memory_space<vmem_shared>>
      %dma_wait3A_201 = arith.constant 0 : i32
      %dma_wait3A_202 = tpu.memref_slice %arg13[%add3A_61, %dma_wait3A_201] : memref<10000x128xf32, #tpu.memory_space<vmem_shared>> -> memref<80x128xf32, #tpu.memory_space<vmem_shared>>
      %dma_wait3A_203 = arith.constant 0 : i32
      %dma_wait3A_204 = arith.constant 0 : i32
      %dma_wait3A_205 = tpu.memref_slice %arg12[%run_scoped3A_62, %dma_wait3A_203, %dma_wait3A_204] : memref<4x80x128xf32, #tpu.memory_space<vmem>> -> memref<1x80x128xf32, #tpu.memory_space<vmem>>
      %dma_wait3A_206 = tpu.memref_squeeze %dma_wait3A_205 : memref<1x80x128xf32, #tpu.memory_space<vmem>> -> memref<80x128xf32, #tpu.memory_space<vmem>>
      tpu.wait_dma2 semaphore(%run_scoped3A_182 : memref<!tpu.dma_semaphore, #tpu.memory_space<semaphore_mem>>) src(%dma_wait3A_206 : memref<80x128xf32, #tpu.memory_space<vmem>>) dst(%dma_wait3A_202 : memref<80x128xf32, #tpu.memory_space<vmem_shared>>)
      tpu.yield
    }) : () -> ()
    %add3A_63 = arith.constant 240 : i32
    %add3A_64 = arith.addi %mul3A_53, %add3A_63 : i32
    %run_scoped3A_65 = arith.constant 3 : i32
    "tpu.region"() ({
      %run_scoped3A_182 = tpu.sem_alloc : memref<!tpu.dma_semaphore, #tpu.memory_space<semaphore_mem>>
      %dma_start3A_183 = arith.constant 0 : i32
      %dma_start3A_184 = arith.constant 0 : i32
      %dma_start3A_185 = tpu.memref_slice %arg12[%run_scoped3A_65, %dma_start3A_183, %dma_start3A_184] : memref<4x80x128xf32, #tpu.memory_space<vmem>> -> memref<1x80x128xf32, #tpu.memory_space<vmem>>
      %dma_start3A_186 = tpu.memref_squeeze %dma_start3A_185 : memref<1x80x128xf32, #tpu.memory_space<vmem>> -> memref<80x128xf32, #tpu.memory_space<vmem>>
      %dma_start3A_187 = arith.constant 0 : i32
      %dma_start3A_188 = tpu.memref_slice %arg13[%add3A_64, %dma_start3A_187] : memref<10000x128xf32, #tpu.memory_space<vmem_shared>> -> memref<80x128xf32, #tpu.memory_space<vmem_shared>>
      %dma_start3A_189 = arith.constant 0 : i32
      %dma_start3A_190 = tpu.memref_slice %arg13[%add3A_64, %dma_start3A_189] : memref<10000x128xf32, #tpu.memory_space<vmem_shared>> -> memref<80x128xf32, #tpu.memory_space<vmem_shared>>
      %dma_start3A_191 = arith.constant 0 : i32
      %dma_start3A_192 = arith.constant 0 : i32
      %dma_start3A_193 = tpu.memref_slice %arg12[%run_scoped3A_65, %dma_start3A_191, %dma_start3A_192] : memref<4x80x128xf32, #tpu.memory_space<vmem>> -> memref<1x80x128xf32, #tpu.memory_space<vmem>>
      %dma_start3A_194 = tpu.memref_squeeze %dma_start3A_193 : memref<1x80x128xf32, #tpu.memory_space<vmem>> -> memref<80x128xf32, #tpu.memory_space<vmem>>
      tpu.enqueue_dma source(%dma_start3A_194 : memref<80x128xf32, #tpu.memory_space<vmem>>) target(%dma_start3A_190 : memref<80x128xf32, #tpu.memory_space<vmem_shared>>) target_semaphore(%run_scoped3A_182 : memref<!tpu.dma_semaphore, #tpu.memory_space<semaphore_mem>>)
      %dma_wait3A_195 = arith.constant 0 : i32
      %dma_wait3A_196 = arith.constant 0 : i32
      %dma_wait3A_197 = tpu.memref_slice %arg12[%run_scoped3A_65, %dma_wait3A_195, %dma_wait3A_196] : memref<4x80x128xf32, #tpu.memory_space<vmem>> -> memref<1x80x128xf32, #tpu.memory_space<vmem>>
      %dma_wait3A_198 = tpu.memref_squeeze %dma_wait3A_197 : memref<1x80x128xf32, #tpu.memory_space<vmem>> -> memref<80x128xf32, #tpu.memory_space<vmem>>
      %dma_wait3A_199 = arith.constant 0 : i32
      %dma_wait3A_200 = tpu.memref_slice %arg13[%add3A_64, %dma_wait3A_199] : memref<10000x128xf32, #tpu.memory_space<vmem_shared>> -> memref<80x128xf32, #tpu.memory_space<vmem_shared>>
      %dma_wait3A_201 = arith.constant 0 : i32
      %dma_wait3A_202 = tpu.memref_slice %arg13[%add3A_64, %dma_wait3A_201] : memref<10000x128xf32, #tpu.memory_space<vmem_shared>> -> memref<80x128xf32, #tpu.memory_space<vmem_shared>>
      %dma_wait3A_203 = arith.constant 0 : i32
      %dma_wait3A_204 = arith.constant 0 : i32
      %dma_wait3A_205 = tpu.memref_slice %arg12[%run_scoped3A_65, %dma_wait3A_203, %dma_wait3A_204] : memref<4x80x128xf32, #tpu.memory_space<vmem>> -> memref<1x80x128xf32, #tpu.memory_space<vmem>>
      %dma_wait3A_206 = tpu.memref_squeeze %dma_wait3A_205 : memref<1x80x128xf32, #tpu.memory_space<vmem>> -> memref<80x128xf32, #tpu.memory_space<vmem>>
      tpu.wait_dma2 semaphore(%run_scoped3A_182 : memref<!tpu.dma_semaphore, #tpu.memory_space<semaphore_mem>>) src(%dma_wait3A_206 : memref<80x128xf32, #tpu.memory_space<vmem>>) dst(%dma_wait3A_202 : memref<80x128xf32, #tpu.memory_space<vmem_shared>>)
      tpu.yield
    }) : () -> ()
    %add3A_66 = arith.constant 320 : i32
    %add3A_67 = arith.addi %mul3A_53, %add3A_66 : i32
    %run_scoped3A_68 = arith.constant 3 : i32
    "tpu.region"() ({
      %run_scoped3A_182 = tpu.sem_alloc : memref<!tpu.dma_semaphore, #tpu.memory_space<semaphore_mem>>
      %dma_start3A_183 = arith.constant 0 : i32
      %dma_start3A_184 = arith.constant 0 : i32
      %dma_start3A_185 = tpu.memref_slice %arg12[%run_scoped3A_68, %dma_start3A_183, %dma_start3A_184] : memref<4x80x128xf32, #tpu.memory_space<vmem>> -> memref<1x80x128xf32, #tpu.memory_space<vmem>>
      %dma_start3A_186 = tpu.memref_squeeze %dma_start3A_185 : memref<1x80x128xf32, #tpu.memory_space<vmem>> -> memref<80x128xf32, #tpu.memory_space<vmem>>
      %dma_start3A_187 = arith.constant 0 : i32
      %dma_start3A_188 = tpu.memref_slice %arg13[%add3A_67, %dma_start3A_187] : memref<10000x128xf32, #tpu.memory_space<vmem_shared>> -> memref<80x128xf32, #tpu.memory_space<vmem_shared>>
      %dma_start3A_189 = arith.constant 0 : i32
      %dma_start3A_190 = tpu.memref_slice %arg13[%add3A_67, %dma_start3A_189] : memref<10000x128xf32, #tpu.memory_space<vmem_shared>> -> memref<80x128xf32, #tpu.memory_space<vmem_shared>>
      %dma_start3A_191 = arith.constant 0 : i32
      %dma_start3A_192 = arith.constant 0 : i32
      %dma_start3A_193 = tpu.memref_slice %arg12[%run_scoped3A_68, %dma_start3A_191, %dma_start3A_192] : memref<4x80x128xf32, #tpu.memory_space<vmem>> -> memref<1x80x128xf32, #tpu.memory_space<vmem>>
      %dma_start3A_194 = tpu.memref_squeeze %dma_start3A_193 : memref<1x80x128xf32, #tpu.memory_space<vmem>> -> memref<80x128xf32, #tpu.memory_space<vmem>>
      tpu.enqueue_dma source(%dma_start3A_194 : memref<80x128xf32, #tpu.memory_space<vmem>>) target(%dma_start3A_190 : memref<80x128xf32, #tpu.memory_space<vmem_shared>>) target_semaphore(%run_scoped3A_182 : memref<!tpu.dma_semaphore, #tpu.memory_space<semaphore_mem>>)
      %dma_wait3A_195 = arith.constant 0 : i32
      %dma_wait3A_196 = arith.constant 0 : i32
      %dma_wait3A_197 = tpu.memref_slice %arg12[%run_scoped3A_68, %dma_wait3A_195, %dma_wait3A_196] : memref<4x80x128xf32, #tpu.memory_space<vmem>> -> memref<1x80x128xf32, #tpu.memory_space<vmem>>
      %dma_wait3A_198 = tpu.memref_squeeze %dma_wait3A_197 : memref<1x80x128xf32, #tpu.memory_space<vmem>> -> memref<80x128xf32, #tpu.memory_space<vmem>>
      %dma_wait3A_199 = arith.constant 0 : i32
      %dma_wait3A_200 = tpu.memref_slice %arg13[%add3A_67, %dma_wait3A_199] : memref<10000x128xf32, #tpu.memory_space<vmem_shared>> -> memref<80x128xf32, #tpu.memory_space<vmem_shared>>
      %dma_wait3A_201 = arith.constant 0 : i32
      %dma_wait3A_202 = tpu.memref_slice %arg13[%add3A_67, %dma_wait3A_201] : memref<10000x128xf32, #tpu.memory_space<vmem_shared>> -> memref<80x128xf32, #tpu.memory_space<vmem_shared>>
      %dma_wait3A_203 = arith.constant 0 : i32
      %dma_wait3A_204 = arith.constant 0 : i32
      %dma_wait3A_205 = tpu.memref_slice %arg12[%run_scoped3A_68, %dma_wait3A_203, %dma_wait3A_204] : memref<4x80x128xf32, #tpu.memory_space<vmem>> -> memref<1x80x128xf32, #tpu.memory_space<vmem>>
      %dma_wait3A_206 = tpu.memref_squeeze %dma_wait3A_205 : memref<1x80x128xf32, #tpu.memory_space<vmem>> -> memref<80x128xf32, #tpu.memory_space<vmem>>
      tpu.wait_dma2 semaphore(%run_scoped3A_182 : memref<!tpu.dma_semaphore, #tpu.memory_space<semaphore_mem>>) src(%dma_wait3A_206 : memref<80x128xf32, #tpu.memory_space<vmem>>) dst(%dma_wait3A_202 : memref<80x128xf32, #tpu.memory_space<vmem_shared>>)
      tpu.yield
    }) : () -> ()
    %add3A_69 = arith.constant 400 : i32
    %add3A_70 = arith.addi %mul3A_53, %add3A_69 : i32
    %run_scoped3A_71 = arith.constant 3 : i32
    "tpu.region"() ({
      %run_scoped3A_182 = tpu.sem_alloc : memref<!tpu.dma_semaphore, #tpu.memory_space<semaphore_mem>>
      %dma_start3A_183 = arith.constant 0 : i32
      %dma_start3A_184 = arith.constant 0 : i32
      %dma_start3A_185 = tpu.memref_slice %arg12[%run_scoped3A_71, %dma_start3A_183, %dma_start3A_184] : memref<4x80x128xf32, #tpu.memory_space<vmem>> -> memref<1x80x128xf32, #tpu.memory_space<vmem>>
      %dma_start3A_186 = tpu.memref_squeeze %dma_start3A_185 : memref<1x80x128xf32, #tpu.memory_space<vmem>> -> memref<80x128xf32, #tpu.memory_space<vmem>>
      %dma_start3A_187 = arith.constant 0 : i32
      %dma_start3A_188 = tpu.memref_slice %arg13[%add3A_70, %dma_start3A_187] : memref<10000x128xf32, #tpu.memory_space<vmem_shared>> -> memref<80x128xf32, #tpu.memory_space<vmem_shared>>
      %dma_start3A_189 = arith.constant 0 : i32
      %dma_start3A_190 = tpu.memref_slice %arg13[%add3A_70, %dma_start3A_189] : memref<10000x128xf32, #tpu.memory_space<vmem_shared>> -> memref<80x128xf32, #tpu.memory_space<vmem_shared>>
      %dma_start3A_191 = arith.constant 0 : i32
      %dma_start3A_192 = arith.constant 0 : i32
      %dma_start3A_193 = tpu.memref_slice %arg12[%run_scoped3A_71, %dma_start3A_191, %dma_start3A_192] : memref<4x80x128xf32, #tpu.memory_space<vmem>> -> memref<1x80x128xf32, #tpu.memory_space<vmem>>
      %dma_start3A_194 = tpu.memref_squeeze %dma_start3A_193 : memref<1x80x128xf32, #tpu.memory_space<vmem>> -> memref<80x128xf32, #tpu.memory_space<vmem>>
      tpu.enqueue_dma source(%dma_start3A_194 : memref<80x128xf32, #tpu.memory_space<vmem>>) target(%dma_start3A_190 : memref<80x128xf32, #tpu.memory_space<vmem_shared>>) target_semaphore(%run_scoped3A_182 : memref<!tpu.dma_semaphore, #tpu.memory_space<semaphore_mem>>)
      %dma_wait3A_195 = arith.constant 0 : i32
      %dma_wait3A_196 = arith.constant 0 : i32
      %dma_wait3A_197 = tpu.memref_slice %arg12[%run_scoped3A_71, %dma_wait3A_195, %dma_wait3A_196] : memref<4x80x128xf32, #tpu.memory_space<vmem>> -> memref<1x80x128xf32, #tpu.memory_space<vmem>>
      %dma_wait3A_198 = tpu.memref_squeeze %dma_wait3A_197 : memref<1x80x128xf32, #tpu.memory_space<vmem>> -> memref<80x128xf32, #tpu.memory_space<vmem>>
      %dma_wait3A_199 = arith.constant 0 : i32
      %dma_wait3A_200 = tpu.memref_slice %arg13[%add3A_70, %dma_wait3A_199] : memref<10000x128xf32, #tpu.memory_space<vmem_shared>> -> memref<80x128xf32, #tpu.memory_space<vmem_shared>>
      %dma_wait3A_201 = arith.constant 0 : i32
      %dma_wait3A_202 = tpu.memref_slice %arg13[%add3A_70, %dma_wait3A_201] : memref<10000x128xf32, #tpu.memory_space<vmem_shared>> -> memref<80x128xf32, #tpu.memory_space<vmem_shared>>
      %dma_wait3A_203 = arith.constant 0 : i32
      %dma_wait3A_204 = arith.constant 0 : i32
      %dma_wait3A_205 = tpu.memref_slice %arg12[%run_scoped3A_71, %dma_wait3A_203, %dma_wait3A_204] : memref<4x80x128xf32, #tpu.memory_space<vmem>> -> memref<1x80x128xf32, #tpu.memory_space<vmem>>
      %dma_wait3A_206 = tpu.memref_squeeze %dma_wait3A_205 : memref<1x80x128xf32, #tpu.memory_space<vmem>> -> memref<80x128xf32, #tpu.memory_space<vmem>>
      tpu.wait_dma2 semaphore(%run_scoped3A_182 : memref<!tpu.dma_semaphore, #tpu.memory_space<semaphore_mem>>) src(%dma_wait3A_206 : memref<80x128xf32, #tpu.memory_space<vmem>>) dst(%dma_wait3A_202 : memref<80x128xf32, #tpu.memory_space<vmem_shared>>)
      tpu.yield
    }) : () -> ()
    %add3A_72 = arith.constant 480 : i32
    %add3A_73 = arith.addi %mul3A_53, %add3A_72 : i32
    %run_scoped3A_74 = arith.constant 3 : i32
    "tpu.region"() ({
      %run_scoped3A_182 = tpu.sem_alloc : memref<!tpu.dma_semaphore, #tpu.memory_space<semaphore_mem>>
      %dma_start3A_183 = arith.constant 0 : i32
      %dma_start3A_184 = arith.constant 0 : i32
      %dma_start3A_185 = tpu.memref_slice %arg12[%run_scoped3A_74, %dma_start3A_183, %dma_start3A_184] : memref<4x80x128xf32, #tpu.memory_space<vmem>> -> memref<1x80x128xf32, #tpu.memory_space<vmem>>
      %dma_start3A_186 = tpu.memref_squeeze %dma_start3A_185 : memref<1x80x128xf32, #tpu.memory_space<vmem>> -> memref<80x128xf32, #tpu.memory_space<vmem>>
      %dma_start3A_187 = arith.constant 0 : i32
      %dma_start3A_188 = tpu.memref_slice %arg13[%add3A_73, %dma_start3A_187] : memref<10000x128xf32, #tpu.memory_space<vmem_shared>> -> memref<80x128xf32, #tpu.memory_space<vmem_shared>>
      %dma_start3A_189 = arith.constant 0 : i32
      %dma_start3A_190 = tpu.memref_slice %arg13[%add3A_73, %dma_start3A_189] : memref<10000x128xf32, #tpu.memory_space<vmem_shared>> -> memref<80x128xf32, #tpu.memory_space<vmem_shared>>
      %dma_start3A_191 = arith.constant 0 : i32
      %dma_start3A_192 = arith.constant 0 : i32
      %dma_start3A_193 = tpu.memref_slice %arg12[%run_scoped3A_74, %dma_start3A_191, %dma_start3A_192] : memref<4x80x128xf32, #tpu.memory_space<vmem>> -> memref<1x80x128xf32, #tpu.memory_space<vmem>>
      %dma_start3A_194 = tpu.memref_squeeze %dma_start3A_193 : memref<1x80x128xf32, #tpu.memory_space<vmem>> -> memref<80x128xf32, #tpu.memory_space<vmem>>
      tpu.enqueue_dma source(%dma_start3A_194 : memref<80x128xf32, #tpu.memory_space<vmem>>) target(%dma_start3A_190 : memref<80x128xf32, #tpu.memory_space<vmem_shared>>) target_semaphore(%run_scoped3A_182 : memref<!tpu.dma_semaphore, #tpu.memory_space<semaphore_mem>>)
      %dma_wait3A_195 = arith.constant 0 : i32
      %dma_wait3A_196 = arith.constant 0 : i32
      %dma_wait3A_197 = tpu.memref_slice %arg12[%run_scoped3A_74, %dma_wait3A_195, %dma_wait3A_196] : memref<4x80x128xf32, #tpu.memory_space<vmem>> -> memref<1x80x128xf32, #tpu.memory_space<vmem>>
      %dma_wait3A_198 = tpu.memref_squeeze %dma_wait3A_197 : memref<1x80x128xf32, #tpu.memory_space<vmem>> -> memref<80x128xf32, #tpu.memory_space<vmem>>
      %dma_wait3A_199 = arith.constant 0 : i32
      %dma_wait3A_200 = tpu.memref_slice %arg13[%add3A_73, %dma_wait3A_199] : memref<10000x128xf32, #tpu.memory_space<vmem_shared>> -> memref<80x128xf32, #tpu.memory_space<vmem_shared>>
      %dma_wait3A_201 = arith.constant 0 : i32
      %dma_wait3A_202 = tpu.memref_slice %arg13[%add3A_73, %dma_wait3A_201] : memref<10000x128xf32, #tpu.memory_space<vmem_shared>> -> memref<80x128xf32, #tpu.memory_space<vmem_shared>>
      %dma_wait3A_203 = arith.constant 0 : i32
      %dma_wait3A_204 = arith.constant 0 : i32
      %dma_wait3A_205 = tpu.memref_slice %arg12[%run_scoped3A_74, %dma_wait3A_203, %dma_wait3A_204] : memref<4x80x128xf32, #tpu.memory_space<vmem>> -> memref<1x80x128xf32, #tpu.memory_space<vmem>>
      %dma_wait3A_206 = tpu.memref_squeeze %dma_wait3A_205 : memref<1x80x128xf32, #tpu.memory_space<vmem>> -> memref<80x128xf32, #tpu.memory_space<vmem>>
      tpu.wait_dma2 semaphore(%run_scoped3A_182 : memref<!tpu.dma_semaphore, #tpu.memory_space<semaphore_mem>>) src(%dma_wait3A_206 : memref<80x128xf32, #tpu.memory_space<vmem>>) dst(%dma_wait3A_202 : memref<80x128xf32, #tpu.memory_space<vmem_shared>>)
      tpu.yield
    }) : () -> ()
    %add3A_75 = arith.constant 560 : i32
    %add3A_76 = arith.addi %mul3A_53, %add3A_75 : i32
    %run_scoped3A_77 = arith.constant 3 : i32
    "tpu.region"() ({
      %run_scoped3A_182 = tpu.sem_alloc : memref<!tpu.dma_semaphore, #tpu.memory_space<semaphore_mem>>
      %dma_start3A_183 = arith.constant 0 : i32
      %dma_start3A_184 = arith.constant 0 : i32
      %dma_start3A_185 = tpu.memref_slice %arg12[%run_scoped3A_77, %dma_start3A_183, %dma_start3A_184] : memref<4x80x128xf32, #tpu.memory_space<vmem>> -> memref<1x65x128xf32, #tpu.memory_space<vmem>>
      %dma_start3A_186 = tpu.memref_squeeze %dma_start3A_185 : memref<1x65x128xf32, #tpu.memory_space<vmem>> -> memref<65x128xf32, #tpu.memory_space<vmem>>
      %dma_start3A_187 = arith.constant 0 : i32
      %dma_start3A_188 = tpu.memref_slice %arg13[%add3A_76, %dma_start3A_187] : memref<10000x128xf32, #tpu.memory_space<vmem_shared>> -> memref<65x128xf32, #tpu.memory_space<vmem_shared>>
      %dma_start3A_189 = arith.constant 0 : i32
      %dma_start3A_190 = tpu.memref_slice %arg13[%add3A_76, %dma_start3A_189] : memref<10000x128xf32, #tpu.memory_space<vmem_shared>> -> memref<65x128xf32, #tpu.memory_space<vmem_shared>>
      %dma_start3A_191 = arith.constant 0 : i32
      %dma_start3A_192 = arith.constant 0 : i32
      %dma_start3A_193 = tpu.memref_slice %arg12[%run_scoped3A_77, %dma_start3A_191, %dma_start3A_192] : memref<4x80x128xf32, #tpu.memory_space<vmem>> -> memref<1x65x128xf32, #tpu.memory_space<vmem>>
      %dma_start3A_194 = tpu.memref_squeeze %dma_start3A_193 : memref<1x65x128xf32, #tpu.memory_space<vmem>> -> memref<65x128xf32, #tpu.memory_space<vmem>>
      tpu.enqueue_dma source(%dma_start3A_194 : memref<65x128xf32, #tpu.memory_space<vmem>>) target(%dma_start3A_190 : memref<65x128xf32, #tpu.memory_space<vmem_shared>>) target_semaphore(%run_scoped3A_182 : memref<!tpu.dma_semaphore, #tpu.memory_space<semaphore_mem>>)
      %dma_wait3A_195 = arith.constant 0 : i32
      %dma_wait3A_196 = arith.constant 0 : i32
      %dma_wait3A_197 = tpu.memref_slice %arg12[%run_scoped3A_77, %dma_wait3A_195, %dma_wait3A_196] : memref<4x80x128xf32, #tpu.memory_space<vmem>> -> memref<1x65x128xf32, #tpu.memory_space<vmem>>
      %dma_wait3A_198 = tpu.memref_squeeze %dma_wait3A_197 : memref<1x65x128xf32, #tpu.memory_space<vmem>> -> memref<65x128xf32, #tpu.memory_space<vmem>>
      %dma_wait3A_199 = arith.constant 0 : i32
      %dma_wait3A_200 = tpu.memref_slice %arg13[%add3A_76, %dma_wait3A_199] : memref<10000x128xf32, #tpu.memory_space<vmem_shared>> -> memref<65x128xf32, #tpu.memory_space<vmem_shared>>
      %dma_wait3A_201 = arith.constant 0 : i32
      %dma_wait3A_202 = tpu.memref_slice %arg13[%add3A_76, %dma_wait3A_201] : memref<10000x128xf32, #tpu.memory_space<vmem_shared>> -> memref<65x128xf32, #tpu.memory_space<vmem_shared>>
      %dma_wait3A_203 = arith.constant 0 : i32
      %dma_wait3A_204 = arith.constant 0 : i32
      %dma_wait3A_205 = tpu.memref_slice %arg12[%run_scoped3A_77, %dma_wait3A_203, %dma_wait3A_204] : memref<4x80x128xf32, #tpu.memory_space<vmem>> -> memref<1x65x128xf32, #tpu.memory_space<vmem>>
      %dma_wait3A_206 = tpu.memref_squeeze %dma_wait3A_205 : memref<1x65x128xf32, #tpu.memory_space<vmem>> -> memref<65x128xf32, #tpu.memory_space<vmem>>
      tpu.wait_dma2 semaphore(%run_scoped3A_182 : memref<!tpu.dma_semaphore, #tpu.memory_space<semaphore_mem>>) src(%dma_wait3A_206 : memref<65x128xf32, #tpu.memory_space<vmem>>) dst(%dma_wait3A_202 : memref<65x128xf32, #tpu.memory_space<vmem_shared>>)
      tpu.yield
    }) : () -> ()
    %dma_wait3A = arith.constant 0 : i32
    %dma_wait3A_78 = arith.constant 0 : i32
    %dma_wait3A_79 = arith.constant 0 : i32
    %dma_wait3A_80 = arith.constant 0 : i32
    %dma_wait3A_81 = tpu.memref_slice %arg12[%dma_wait3A, %dma_wait3A_79, %dma_wait3A_80] : memref<4x80x128xf32, #tpu.memory_space<vmem>> -> memref<1x80x128xf32, #tpu.memory_space<vmem>>
    %dma_wait3A_82 = tpu.memref_squeeze %dma_wait3A_81 : memref<1x80x128xf32, #tpu.memory_space<vmem>> -> memref<80x128xf32, #tpu.memory_space<vmem>>
    %dma_wait3A_83 = arith.constant 0 : i32
    %dma_wait3A_84 = arith.constant 0 : i32
    %dma_wait3A_85 = tpu.memref_slice %arg6[%dma_wait3A_83, %dma_wait3A_84] : memref<160000x256xf32, #tpu.memory_space<hbm>> -> memref<80x128xf32, #tpu.memory_space<hbm>>
    %dma_wait3A_86 = tpu.memref_slice %arg17[%dma_wait3A_78] : memref<4x!tpu.dma_semaphore, #tpu.memory_space<semaphore_mem>> -> memref<1x!tpu.dma_semaphore, #tpu.memory_space<semaphore_mem>>
    %dma_wait3A_87 = tpu.memref_squeeze %dma_wait3A_86 : memref<1x!tpu.dma_semaphore, #tpu.memory_space<semaphore_mem>> -> memref<!tpu.dma_semaphore, #tpu.memory_space<semaphore_mem>>
    %dma_wait3A_88 = arith.constant 0 : i32
    %dma_wait3A_89 = arith.constant 0 : i32
    %dma_wait3A_90 = tpu.memref_slice %arg12[%dma_wait3A, %dma_wait3A_88, %dma_wait3A_89] : memref<4x80x128xf32, #tpu.memory_space<vmem>> -> memref<1x80x128xf32, #tpu.memory_space<vmem>>
    %dma_wait3A_91 = tpu.memref_squeeze %dma_wait3A_90 : memref<1x80x128xf32, #tpu.memory_space<vmem>> -> memref<80x128xf32, #tpu.memory_space<vmem>>
    %dma_wait3A_92 = arith.constant 0 : i32
    %dma_wait3A_93 = arith.constant 0 : i32
    %dma_wait3A_94 = tpu.memref_slice %arg6[%dma_wait3A_92, %dma_wait3A_93] : memref<160000x256xf32, #tpu.memory_space<hbm>> -> memref<80x128xf32, #tpu.memory_space<hbm>>
    tpu.wait_dma2 semaphore(%dma_wait3A_87 : memref<!tpu.dma_semaphore, #tpu.memory_space<semaphore_mem>>) src(%dma_wait3A_94 : memref<80x128xf32, #tpu.memory_space<hbm>>) dst(%dma_wait3A_91 : memref<80x128xf32, #tpu.memory_space<vmem>>)
    %eq3A_95 = arith.constant 0 : i32
    %eq3A_96 = arith.cmpi eq, %arg0, %eq3A_95 : i32
    %convert_element_type3A_97 = arith.extui %eq3A_96 : i1 to i32
    %cond3A_98 = arith.constant 0 : i32
    %cond3A_99 = arith.cmpi ne, %convert_element_type3A_97, %cond3A_98 : i32
    scf.if %cond3A_99 {
      %dma_start3A_182 = arith.constant 0 : i32
      %dma_start3A_183 = arith.constant 0 : i32
      %dma_start3A_184 = arith.constant 0 : i32
      %dma_start3A_185 = arith.constant 0 : i32
      %dma_start3A_186 = arith.constant 0 : i32
      %dma_start3A_187 = tpu.memref_slice %arg12[%dma_start3A_183, %dma_start3A_185, %dma_start3A_186] : memref<4x80x128xf32, #tpu.memory_space<vmem>> -> memref<1x80x128xf32, #tpu.memory_space<vmem>>
      %dma_start3A_188 = tpu.memref_squeeze %dma_start3A_187 : memref<1x80x128xf32, #tpu.memory_space<vmem>> -> memref<80x128xf32, #tpu.memory_space<vmem>>
      %dma_start3A_189 = arith.constant 0 : i32
      %dma_start3A_190 = tpu.memref_slice %arg9[%dma_start3A_182, %dma_start3A_189] : memref<3x80xi32, #tpu.memory_space<vmem>> -> memref<1x80xi32, #tpu.memory_space<vmem>>
      %dma_start3A_191 = tpu.memref_squeeze %dma_start3A_190 : memref<1x80xi32, #tpu.memory_space<vmem>> -> memref<80xi32, #tpu.memory_space<vmem>>
      %dma_start3A_192 = arith.constant 0 : i32
      %dma_start3A_193 = arith.constant 0 : i32
      %dma_start3A_194 = tpu.memref_slice %arg2[%dma_start3A_192, %dma_start3A_193] : memref<10000x128xf32, #tpu.memory_space<hbm>> -> memref<10000x128xf32, #tpu.memory_space<hbm>>
      %dma_start3A_195 = tpu.memref_slice %arg16[%dma_start3A_184] : memref<4x!tpu.dma_semaphore, #tpu.memory_space<semaphore_mem>> -> memref<1x!tpu.dma_semaphore, #tpu.memory_space<semaphore_mem>>
      %dma_start3A_196 = tpu.memref_squeeze %dma_start3A_195 : memref<1x!tpu.dma_semaphore, #tpu.memory_space<semaphore_mem>> -> memref<!tpu.dma_semaphore, #tpu.memory_space<semaphore_mem>>
      tpu.enqueue_indirect_dma source(%dma_start3A_194 : memref<10000x128xf32, #tpu.memory_space<hbm>>) target(%dma_start3A_188 : memref<80x128xf32, #tpu.memory_space<vmem>>) offsets(%dma_start3A_191 : memref<80xi32, #tpu.memory_space<vmem>>) semaphore(%dma_start3A_196 : memref<!tpu.dma_semaphore, #tpu.memory_space<semaphore_mem>>) {add = true}
    } else {
    }
    %eq3A_100 = arith.constant 1 : i32
    %eq3A_101 = arith.cmpi eq, %arg0, %eq3A_100 : i32
    %convert_element_type3A_102 = arith.extui %eq3A_101 : i1 to i32
    %cond3A_103 = arith.constant 0 : i32
    %cond3A_104 = arith.cmpi ne, %convert_element_type3A_102, %cond3A_103 : i32
    scf.if %cond3A_104 {
      %dma_start3A_182 = arith.constant 0 : i32
      %dma_start3A_183 = arith.constant 0 : i32
      %dma_start3A_184 = arith.constant 0 : i32
      %dma_start3A_185 = arith.constant 0 : i32
      %dma_start3A_186 = arith.constant 0 : i32
      %dma_start3A_187 = tpu.memref_slice %arg12[%dma_start3A_183, %dma_start3A_185, %dma_start3A_186] : memref<4x80x128xf32, #tpu.memory_space<vmem>> -> memref<1x80x128xf32, #tpu.memory_space<vmem>>
      %dma_start3A_188 = tpu.memref_squeeze %dma_start3A_187 : memref<1x80x128xf32, #tpu.memory_space<vmem>> -> memref<80x128xf32, #tpu.memory_space<vmem>>
      %dma_start3A_189 = arith.constant 0 : i32
      %dma_start3A_190 = tpu.memref_slice %arg9[%dma_start3A_182, %dma_start3A_189] : memref<3x80xi32, #tpu.memory_space<vmem>> -> memref<1x80xi32, #tpu.memory_space<vmem>>
      %dma_start3A_191 = tpu.memref_squeeze %dma_start3A_190 : memref<1x80xi32, #tpu.memory_space<vmem>> -> memref<80xi32, #tpu.memory_space<vmem>>
      %dma_start3A_192 = arith.constant 0 : i32
      %dma_start3A_193 = arith.constant 0 : i32
      %dma_start3A_194 = tpu.memref_slice %arg3[%dma_start3A_192, %dma_start3A_193] : memref<10000x128xf32, #tpu.memory_space<hbm>> -> memref<10000x128xf32, #tpu.memory_space<hbm>>
      %dma_start3A_195 = tpu.memref_slice %arg16[%dma_start3A_184] : memref<4x!tpu.dma_semaphore, #tpu.memory_space<semaphore_mem>> -> memref<1x!tpu.dma_semaphore, #tpu.memory_space<semaphore_mem>>
      %dma_start3A_196 = tpu.memref_squeeze %dma_start3A_195 : memref<1x!tpu.dma_semaphore, #tpu.memory_space<semaphore_mem>> -> memref<!tpu.dma_semaphore, #tpu.memory_space<semaphore_mem>>
      tpu.enqueue_indirect_dma source(%dma_start3A_194 : memref<10000x128xf32, #tpu.memory_space<hbm>>) target(%dma_start3A_188 : memref<80x128xf32, #tpu.memory_space<vmem>>) offsets(%dma_start3A_191 : memref<80xi32, #tpu.memory_space<vmem>>) semaphore(%dma_start3A_196 : memref<!tpu.dma_semaphore, #tpu.memory_space<semaphore_mem>>) {add = true}
    } else {
    }
    %barrier3A = arith.constant 0 : index
    tpu.barrier barrier_id(%barrier3A)
    %scan3A_105 = arith.constant 0 : i32
    %scan3A_106 = arith.constant 0 : i32
    %scan3A_107 = arith.constant 125 : i32
    %scan3A_108 = arith.addi %scan3A_106, %scan3A_107 : i32
    %scan3A_109 = arith.constant 1 : i32
    scf.for %scan3A_182 = %scan3A_106 to %scan3A_108 step %scan3A_109  : i32 {
      %rem3A = arith.constant 3 : i32
      %rem3A_183 = arith.remsi %scan3A_182, %rem3A : i32
      %add3A_184 = arith.constant 1 : i32
      %add3A_185 = arith.addi %scan3A_182, %add3A_184 : i32
      %rem3A_186 = arith.constant 3 : i32
      %rem3A_187 = arith.remsi %add3A_185, %rem3A_186 : i32
      %add3A_188 = arith.constant 2 : i32
      %add3A_189 = arith.addi %scan3A_182, %add3A_188 : i32
      %rem3A_190 = arith.constant 3 : i32
      %rem3A_191 = arith.remsi %add3A_189, %rem3A_190 : i32
      %rem3A_192 = arith.constant 4 : i32
      %rem3A_193 = arith.remsi %scan3A_182, %rem3A_192 : i32
      %add3A_194 = arith.constant 1 : i32
      %add3A_195 = arith.addi %scan3A_182, %add3A_194 : i32
      %rem3A_196 = arith.constant 4 : i32
      %rem3A_197 = arith.remsi %add3A_195, %rem3A_196 : i32
      %add3A_198 = arith.constant 2 : i32
      %add3A_199 = arith.addi %scan3A_182, %add3A_198 : i32
      %rem3A_200 = arith.constant 4 : i32
      %rem3A_201 = arith.remsi %add3A_199, %rem3A_200 : i32
      %add3A_202 = arith.constant 2 : i32
      %add3A_203 = arith.addi %scan3A_182, %add3A_202 : i32
      %lt3A = arith.constant 125 : i32
      %lt3A_204 = arith.cmpi slt, %add3A_203, %lt3A : i32
      %convert_element_type3A_205 = arith.extui %lt3A_204 : i1 to i32
      %cond3A_206 = arith.constant 0 : i32
      %cond3A_207 = arith.cmpi ne, %convert_element_type3A_205, %cond3A_206 : i32
      scf.if %cond3A_207 {
        %ge3A = arith.constant 2 : i32
        %ge3A_284 = arith.cmpi sge, %scan3A_182, %ge3A : i32
        %convert_element_type3A_285 = arith.extui %ge3A_284 : i1 to i32
        %cond3A_286 = arith.constant 0 : i32
        %cond3A_287 = arith.cmpi ne, %convert_element_type3A_285, %cond3A_286 : i32
        scf.if %cond3A_287 {
          %dma_wait3A_328 = arith.constant 0 : i32
          %dma_wait3A_329 = arith.constant 0 : i32
          %dma_wait3A_330 = tpu.memref_slice %arg12[%rem3A_201, %dma_wait3A_328, %dma_wait3A_329] : memref<4x80x128xf32, #tpu.memory_space<vmem>> -> memref<1x80x128xf32, #tpu.memory_space<vmem>>
          %dma_wait3A_331 = tpu.memref_squeeze %dma_wait3A_330 : memref<1x80x128xf32, #tpu.memory_space<vmem>> -> memref<80x128xf32, #tpu.memory_space<vmem>>
          %dma_wait3A_332 = arith.constant 0 : i32
          %dma_wait3A_333 = tpu.memref_slice %arg11[%rem3A_201, %dma_wait3A_332] : memref<4x80xi32, #tpu.memory_space<vmem>> -> memref<1x80xi32, #tpu.memory_space<vmem>>
          %dma_wait3A_334 = tpu.memref_squeeze %dma_wait3A_333 : memref<1x80xi32, #tpu.memory_space<vmem>> -> memref<80xi32, #tpu.memory_space<vmem>>
          %dma_wait3A_335 = arith.constant 0 : i32
          %dma_wait3A_336 = arith.constant 0 : i32
          %dma_wait3A_337 = tpu.memref_slice %arg13[%dma_wait3A_335, %dma_wait3A_336] : memref<10000x128xf32, #tpu.memory_space<vmem_shared>> -> memref<10000x128xf32, #tpu.memory_space<vmem_shared>>
          %dma_wait3A_338 = tpu.memref_slice %arg18[%rem3A_201] : memref<4x!tpu.dma_semaphore, #tpu.memory_space<semaphore_mem>> -> memref<1x!tpu.dma_semaphore, #tpu.memory_space<semaphore_mem>>
          %dma_wait3A_339 = tpu.memref_squeeze %dma_wait3A_338 : memref<1x!tpu.dma_semaphore, #tpu.memory_space<semaphore_mem>> -> memref<!tpu.dma_semaphore, #tpu.memory_space<semaphore_mem>>
          tpu.wait_indirect_dma semaphore(%dma_wait3A_339 : memref<!tpu.dma_semaphore, #tpu.memory_space<semaphore_mem>>) src(%dma_wait3A_331 : memref<80x128xf32, #tpu.memory_space<vmem>>) dst(%dma_wait3A_337 : memref<10000x128xf32, #tpu.memory_space<vmem_shared>>)
        } else {
        }
        %add3A_288 = arith.constant 2 : i32
        %add3A_289 = arith.addi %scan3A_182, %add3A_288 : i32
        %mul3A_290 = arith.constant 80 : i32
        %mul3A_291 = arith.muli %add3A_289, %mul3A_290 : i32
        %add3A_292 = arith.addi %mul3A_0, %mul3A_291 : i32
        %eq3A_293 = arith.constant 0 : i32
        %eq3A_294 = arith.cmpi eq, %arg0, %eq3A_293 : i32
        %convert_element_type3A_295 = arith.extui %eq3A_294 : i1 to i32
        %cond3A_296 = arith.constant 0 : i32
        %cond3A_297 = arith.cmpi ne, %convert_element_type3A_295, %cond3A_296 : i32
        scf.if %cond3A_297 {
          %dma_start3A_328 = arith.constant 0 : i32
          %dma_start3A_329 = arith.constant 0 : i32
          %dma_start3A_330 = tpu.memref_slice %arg12[%rem3A_201, %dma_start3A_328, %dma_start3A_329] : memref<4x80x128xf32, #tpu.memory_space<vmem>> -> memref<1x80x128xf32, #tpu.memory_space<vmem>>
          %dma_start3A_331 = tpu.memref_squeeze %dma_start3A_330 : memref<1x80x128xf32, #tpu.memory_space<vmem>> -> memref<80x128xf32, #tpu.memory_space<vmem>>
          %dma_start3A_332 = arith.constant 0 : i32
          %dma_start3A_333 = tpu.memref_slice %arg6[%add3A_292, %dma_start3A_332] : memref<160000x256xf32, #tpu.memory_space<hbm>> -> memref<80x128xf32, #tpu.memory_space<hbm>>
          %dma_start3A_334 = tpu.memref_slice %arg17[%rem3A_201] : memref<4x!tpu.dma_semaphore, #tpu.memory_space<semaphore_mem>> -> memref<1x!tpu.dma_semaphore, #tpu.memory_space<semaphore_mem>>
          %dma_start3A_335 = tpu.memref_squeeze %dma_start3A_334 : memref<1x!tpu.dma_semaphore, #tpu.memory_space<semaphore_mem>> -> memref<!tpu.dma_semaphore, #tpu.memory_space<semaphore_mem>>
          %dma_start3A_336 = arith.constant 0 : i32
          %dma_start3A_337 = arith.constant 0 : i32
          %dma_start3A_338 = tpu.memref_slice %arg12[%rem3A_201, %dma_start3A_336, %dma_start3A_337] : memref<4x80x128xf32, #tpu.memory_space<vmem>> -> memref<1x80x128xf32, #tpu.memory_space<vmem>>
          %dma_start3A_339 = tpu.memref_squeeze %dma_start3A_338 : memref<1x80x128xf32, #tpu.memory_space<vmem>> -> memref<80x128xf32, #tpu.memory_space<vmem>>
          %dma_start3A_340 = arith.constant 0 : i32
          %dma_start3A_341 = tpu.memref_slice %arg6[%add3A_292, %dma_start3A_340] : memref<160000x256xf32, #tpu.memory_space<hbm>> -> memref<80x128xf32, #tpu.memory_space<hbm>>
          tpu.enqueue_dma source(%dma_start3A_341 : memref<80x128xf32, #tpu.memory_space<hbm>>) target(%dma_start3A_339 : memref<80x128xf32, #tpu.memory_space<vmem>>) target_semaphore(%dma_start3A_335 : memref<!tpu.dma_semaphore, #tpu.memory_space<semaphore_mem>>)
        } else {
        }
        %eq3A_298 = arith.constant 1 : i32
        %eq3A_299 = arith.cmpi eq, %arg0, %eq3A_298 : i32
        %convert_element_type3A_300 = arith.extui %eq3A_299 : i1 to i32
        %cond3A_301 = arith.constant 0 : i32
        %cond3A_302 = arith.cmpi ne, %convert_element_type3A_300, %cond3A_301 : i32
        scf.if %cond3A_302 {
          %dma_start3A_328 = arith.constant 0 : i32
          %dma_start3A_329 = arith.constant 0 : i32
          %dma_start3A_330 = tpu.memref_slice %arg12[%rem3A_201, %dma_start3A_328, %dma_start3A_329] : memref<4x80x128xf32, #tpu.memory_space<vmem>> -> memref<1x80x128xf32, #tpu.memory_space<vmem>>
          %dma_start3A_331 = tpu.memref_squeeze %dma_start3A_330 : memref<1x80x128xf32, #tpu.memory_space<vmem>> -> memref<80x128xf32, #tpu.memory_space<vmem>>
          %dma_start3A_332 = arith.constant 128 : i32
          %dma_start3A_333 = tpu.memref_slice %arg6[%add3A_292, %dma_start3A_332] : memref<160000x256xf32, #tpu.memory_space<hbm>> -> memref<80x128xf32, #tpu.memory_space<hbm>>
          %dma_start3A_334 = tpu.memref_slice %arg17[%rem3A_201] : memref<4x!tpu.dma_semaphore, #tpu.memory_space<semaphore_mem>> -> memref<1x!tpu.dma_semaphore, #tpu.memory_space<semaphore_mem>>
          %dma_start3A_335 = tpu.memref_squeeze %dma_start3A_334 : memref<1x!tpu.dma_semaphore, #tpu.memory_space<semaphore_mem>> -> memref<!tpu.dma_semaphore, #tpu.memory_space<semaphore_mem>>
          %dma_start3A_336 = arith.constant 0 : i32
          %dma_start3A_337 = arith.constant 0 : i32
          %dma_start3A_338 = tpu.memref_slice %arg12[%rem3A_201, %dma_start3A_336, %dma_start3A_337] : memref<4x80x128xf32, #tpu.memory_space<vmem>> -> memref<1x80x128xf32, #tpu.memory_space<vmem>>
          %dma_start3A_339 = tpu.memref_squeeze %dma_start3A_338 : memref<1x80x128xf32, #tpu.memory_space<vmem>> -> memref<80x128xf32, #tpu.memory_space<vmem>>
          %dma_start3A_340 = arith.constant 128 : i32
          %dma_start3A_341 = tpu.memref_slice %arg6[%add3A_292, %dma_start3A_340] : memref<160000x256xf32, #tpu.memory_space<hbm>> -> memref<80x128xf32, #tpu.memory_space<hbm>>
          tpu.enqueue_dma source(%dma_start3A_341 : memref<80x128xf32, #tpu.memory_space<hbm>>) target(%dma_start3A_339 : memref<80x128xf32, #tpu.memory_space<vmem>>) target_semaphore(%dma_start3A_335 : memref<!tpu.dma_semaphore, #tpu.memory_space<semaphore_mem>>)
        } else {
        }
        %add3A_303 = arith.constant 2 : i32
        %add3A_304 = arith.addi %scan3A_182, %add3A_303 : i32
        %mul3A_305 = arith.constant 80 : i32
        %mul3A_306 = arith.muli %add3A_304, %mul3A_305 : i32
        %add3A_307 = arith.addi %mul3A_0, %mul3A_306 : i32
        %dma_start3A_308 = arith.constant 0 : i32
        %dma_start3A_309 = tpu.memref_slice %arg9[%rem3A_191, %dma_start3A_308] : memref<3x80xi32, #tpu.memory_space<vmem>> -> memref<1x80xi32, #tpu.memory_space<vmem>>
        %dma_start3A_310 = tpu.memref_squeeze %dma_start3A_309 : memref<1x80xi32, #tpu.memory_space<vmem>> -> memref<80xi32, #tpu.memory_space<vmem>>
        %dma_start3A_311 = tpu.memref_slice %arg4[%add3A_307] : memref<160000xi32, #tpu.memory_space<hbm>> -> memref<80xi32, #tpu.memory_space<hbm>>
        %dma_start3A_312 = tpu.memref_slice %arg14[%rem3A_191] : memref<3x!tpu.dma_semaphore, #tpu.memory_space<semaphore_mem>> -> memref<1x!tpu.dma_semaphore, #tpu.memory_space<semaphore_mem>>
        %dma_start3A_313 = tpu.memref_squeeze %dma_start3A_312 : memref<1x!tpu.dma_semaphore, #tpu.memory_space<semaphore_mem>> -> memref<!tpu.dma_semaphore, #tpu.memory_space<semaphore_mem>>
        %dma_start3A_314 = arith.constant 0 : i32
        %dma_start3A_315 = tpu.memref_slice %arg9[%rem3A_191, %dma_start3A_314] : memref<3x80xi32, #tpu.memory_space<vmem>> -> memref<1x80xi32, #tpu.memory_space<vmem>>
        %dma_start3A_316 = tpu.memref_squeeze %dma_start3A_315 : memref<1x80xi32, #tpu.memory_space<vmem>> -> memref<80xi32, #tpu.memory_space<vmem>>
        %dma_start3A_317 = tpu.memref_slice %arg4[%add3A_307] : memref<160000xi32, #tpu.memory_space<hbm>> -> memref<80xi32, #tpu.memory_space<hbm>>
        tpu.enqueue_dma source(%dma_start3A_317 : memref<80xi32, #tpu.memory_space<hbm>>) target(%dma_start3A_316 : memref<80xi32, #tpu.memory_space<vmem>>) target_semaphore(%dma_start3A_313 : memref<!tpu.dma_semaphore, #tpu.memory_space<semaphore_mem>>)
        %dma_start3A_318 = arith.constant 0 : i32
        %dma_start3A_319 = tpu.memref_slice %arg10[%rem3A_191, %dma_start3A_318] : memref<3x80xi32, #tpu.memory_space<vmem>> -> memref<1x80xi32, #tpu.memory_space<vmem>>
        %dma_start3A_320 = tpu.memref_squeeze %dma_start3A_319 : memref<1x80xi32, #tpu.memory_space<vmem>> -> memref<80xi32, #tpu.memory_space<vmem>>
        %dma_start3A_321 = tpu.memref_slice %arg5[%add3A_307] : memref<160000xi32, #tpu.memory_space<hbm>> -> memref<80xi32, #tpu.memory_space<hbm>>
        %dma_start3A_322 = tpu.memref_slice %arg15[%rem3A_191] : memref<3x!tpu.dma_semaphore, #tpu.memory_space<semaphore_mem>> -> memref<1x!tpu.dma_semaphore, #tpu.memory_space<semaphore_mem>>
        %dma_start3A_323 = tpu.memref_squeeze %dma_start3A_322 : memref<1x!tpu.dma_semaphore, #tpu.memory_space<semaphore_mem>> -> memref<!tpu.dma_semaphore, #tpu.memory_space<semaphore_mem>>
        %dma_start3A_324 = arith.constant 0 : i32
        %dma_start3A_325 = tpu.memref_slice %arg10[%rem3A_191, %dma_start3A_324] : memref<3x80xi32, #tpu.memory_space<vmem>> -> memref<1x80xi32, #tpu.memory_space<vmem>>
        %dma_start3A_326 = tpu.memref_squeeze %dma_start3A_325 : memref<1x80xi32, #tpu.memory_space<vmem>> -> memref<80xi32, #tpu.memory_space<vmem>>
        %dma_start3A_327 = tpu.memref_slice %arg5[%add3A_307] : memref<160000xi32, #tpu.memory_space<hbm>> -> memref<80xi32, #tpu.memory_space<hbm>>
        tpu.enqueue_dma source(%dma_start3A_327 : memref<80xi32, #tpu.memory_space<hbm>>) target(%dma_start3A_326 : memref<80xi32, #tpu.memory_space<vmem>>) target_semaphore(%dma_start3A_323 : memref<!tpu.dma_semaphore, #tpu.memory_space<semaphore_mem>>)
      } else {
      }
      %add3A_208 = arith.constant 1 : i32
      %add3A_209 = arith.addi %scan3A_182, %add3A_208 : i32
      %lt3A_210 = arith.constant 125 : i32
      %lt3A_211 = arith.cmpi slt, %add3A_209, %lt3A_210 : i32
      %convert_element_type3A_212 = arith.extui %lt3A_211 : i1 to i32
      %cond3A_213 = arith.constant 0 : i32
      %cond3A_214 = arith.cmpi ne, %convert_element_type3A_212, %cond3A_213 : i32
      scf.if %cond3A_214 {
        %dma_wait3A_284 = arith.constant 0 : i32
        %dma_wait3A_285 = tpu.memref_slice %arg9[%rem3A_187, %dma_wait3A_284] : memref<3x80xi32, #tpu.memory_space<vmem>> -> memref<1x80xi32, #tpu.memory_space<vmem>>
        %dma_wait3A_286 = tpu.memref_squeeze %dma_wait3A_285 : memref<1x80xi32, #tpu.memory_space<vmem>> -> memref<80xi32, #tpu.memory_space<vmem>>
        %dma_wait3A_287 = arith.constant 0 : i32
        %dma_wait3A_288 = tpu.memref_slice %arg4[%dma_wait3A_287] : memref<160000xi32, #tpu.memory_space<hbm>> -> memref<80xi32, #tpu.memory_space<hbm>>
        %dma_wait3A_289 = tpu.memref_slice %arg14[%rem3A_187] : memref<3x!tpu.dma_semaphore, #tpu.memory_space<semaphore_mem>> -> memref<1x!tpu.dma_semaphore, #tpu.memory_space<semaphore_mem>>
        %dma_wait3A_290 = tpu.memref_squeeze %dma_wait3A_289 : memref<1x!tpu.dma_semaphore, #tpu.memory_space<semaphore_mem>> -> memref<!tpu.dma_semaphore, #tpu.memory_space<semaphore_mem>>
        %dma_wait3A_291 = arith.constant 0 : i32
        %dma_wait3A_292 = tpu.memref_slice %arg9[%rem3A_187, %dma_wait3A_291] : memref<3x80xi32, #tpu.memory_space<vmem>> -> memref<1x80xi32, #tpu.memory_space<vmem>>
        %dma_wait3A_293 = tpu.memref_squeeze %dma_wait3A_292 : memref<1x80xi32, #tpu.memory_space<vmem>> -> memref<80xi32, #tpu.memory_space<vmem>>
        %dma_wait3A_294 = arith.constant 0 : i32
        %dma_wait3A_295 = tpu.memref_slice %arg4[%dma_wait3A_294] : memref<160000xi32, #tpu.memory_space<hbm>> -> memref<80xi32, #tpu.memory_space<hbm>>
        tpu.wait_dma2 semaphore(%dma_wait3A_290 : memref<!tpu.dma_semaphore, #tpu.memory_space<semaphore_mem>>) src(%dma_wait3A_295 : memref<80xi32, #tpu.memory_space<hbm>>) dst(%dma_wait3A_293 : memref<80xi32, #tpu.memory_space<vmem>>)
        %dma_wait3A_296 = arith.constant 0 : i32
        %dma_wait3A_297 = tpu.memref_slice %arg10[%rem3A_187, %dma_wait3A_296] : memref<3x80xi32, #tpu.memory_space<vmem>> -> memref<1x80xi32, #tpu.memory_space<vmem>>
        %dma_wait3A_298 = tpu.memref_squeeze %dma_wait3A_297 : memref<1x80xi32, #tpu.memory_space<vmem>> -> memref<80xi32, #tpu.memory_space<vmem>>
        %dma_wait3A_299 = arith.constant 0 : i32
        %dma_wait3A_300 = tpu.memref_slice %arg5[%dma_wait3A_299] : memref<160000xi32, #tpu.memory_space<hbm>> -> memref<80xi32, #tpu.memory_space<hbm>>
        %dma_wait3A_301 = tpu.memref_slice %arg15[%rem3A_187] : memref<3x!tpu.dma_semaphore, #tpu.memory_space<semaphore_mem>> -> memref<1x!tpu.dma_semaphore, #tpu.memory_space<semaphore_mem>>
        %dma_wait3A_302 = tpu.memref_squeeze %dma_wait3A_301 : memref<1x!tpu.dma_semaphore, #tpu.memory_space<semaphore_mem>> -> memref<!tpu.dma_semaphore, #tpu.memory_space<semaphore_mem>>
        %dma_wait3A_303 = arith.constant 0 : i32
        %dma_wait3A_304 = tpu.memref_slice %arg10[%rem3A_187, %dma_wait3A_303] : memref<3x80xi32, #tpu.memory_space<vmem>> -> memref<1x80xi32, #tpu.memory_space<vmem>>
        %dma_wait3A_305 = tpu.memref_squeeze %dma_wait3A_304 : memref<1x80xi32, #tpu.memory_space<vmem>> -> memref<80xi32, #tpu.memory_space<vmem>>
        %dma_wait3A_306 = arith.constant 0 : i32
        %dma_wait3A_307 = tpu.memref_slice %arg5[%dma_wait3A_306] : memref<160000xi32, #tpu.memory_space<hbm>> -> memref<80xi32, #tpu.memory_space<hbm>>
        tpu.wait_dma2 semaphore(%dma_wait3A_302 : memref<!tpu.dma_semaphore, #tpu.memory_space<semaphore_mem>>) src(%dma_wait3A_307 : memref<80xi32, #tpu.memory_space<hbm>>) dst(%dma_wait3A_305 : memref<80xi32, #tpu.memory_space<vmem>>)
        %dma_wait3A_308 = arith.constant 0 : i32
        %dma_wait3A_309 = arith.constant 0 : i32
        %dma_wait3A_310 = tpu.memref_slice %arg12[%rem3A_197, %dma_wait3A_308, %dma_wait3A_309] : memref<4x80x128xf32, #tpu.memory_space<vmem>> -> memref<1x80x128xf32, #tpu.memory_space<vmem>>
        %dma_wait3A_311 = tpu.memref_squeeze %dma_wait3A_310 : memref<1x80x128xf32, #tpu.memory_space<vmem>> -> memref<80x128xf32, #tpu.memory_space<vmem>>
        %dma_wait3A_312 = arith.constant 0 : i32
        %dma_wait3A_313 = arith.constant 0 : i32
        %dma_wait3A_314 = tpu.memref_slice %arg6[%dma_wait3A_312, %dma_wait3A_313] : memref<160000x256xf32, #tpu.memory_space<hbm>> -> memref<80x128xf32, #tpu.memory_space<hbm>>
        %dma_wait3A_315 = tpu.memref_slice %arg17[%rem3A_197] : memref<4x!tpu.dma_semaphore, #tpu.memory_space<semaphore_mem>> -> memref<1x!tpu.dma_semaphore, #tpu.memory_space<semaphore_mem>>
        %dma_wait3A_316 = tpu.memref_squeeze %dma_wait3A_315 : memref<1x!tpu.dma_semaphore, #tpu.memory_space<semaphore_mem>> -> memref<!tpu.dma_semaphore, #tpu.memory_space<semaphore_mem>>
        %dma_wait3A_317 = arith.constant 0 : i32
        %dma_wait3A_318 = arith.constant 0 : i32
        %dma_wait3A_319 = tpu.memref_slice %arg12[%rem3A_197, %dma_wait3A_317, %dma_wait3A_318] : memref<4x80x128xf32, #tpu.memory_space<vmem>> -> memref<1x80x128xf32, #tpu.memory_space<vmem>>
        %dma_wait3A_320 = tpu.memref_squeeze %dma_wait3A_319 : memref<1x80x128xf32, #tpu.memory_space<vmem>> -> memref<80x128xf32, #tpu.memory_space<vmem>>
        %dma_wait3A_321 = arith.constant 0 : i32
        %dma_wait3A_322 = arith.constant 0 : i32
        %dma_wait3A_323 = tpu.memref_slice %arg6[%dma_wait3A_321, %dma_wait3A_322] : memref<160000x256xf32, #tpu.memory_space<hbm>> -> memref<80x128xf32, #tpu.memory_space<hbm>>
        tpu.wait_dma2 semaphore(%dma_wait3A_316 : memref<!tpu.dma_semaphore, #tpu.memory_space<semaphore_mem>>) src(%dma_wait3A_323 : memref<80x128xf32, #tpu.memory_space<hbm>>) dst(%dma_wait3A_320 : memref<80x128xf32, #tpu.memory_space<vmem>>)
        %eq3A_324 = arith.constant 0 : i32
        %eq3A_325 = arith.cmpi eq, %arg0, %eq3A_324 : i32
        %convert_element_type3A_326 = arith.extui %eq3A_325 : i1 to i32
        %cond3A_327 = arith.constant 0 : i32
        %cond3A_328 = arith.cmpi ne, %convert_element_type3A_326, %cond3A_327 : i32
        scf.if %cond3A_328 {
          %dma_start3A_334 = arith.constant 0 : i32
          %dma_start3A_335 = arith.constant 0 : i32
          %dma_start3A_336 = tpu.memref_slice %arg12[%rem3A_197, %dma_start3A_334, %dma_start3A_335] : memref<4x80x128xf32, #tpu.memory_space<vmem>> -> memref<1x80x128xf32, #tpu.memory_space<vmem>>
          %dma_start3A_337 = tpu.memref_squeeze %dma_start3A_336 : memref<1x80x128xf32, #tpu.memory_space<vmem>> -> memref<80x128xf32, #tpu.memory_space<vmem>>
          %dma_start3A_338 = arith.constant 0 : i32
          %dma_start3A_339 = tpu.memref_slice %arg9[%rem3A_187, %dma_start3A_338] : memref<3x80xi32, #tpu.memory_space<vmem>> -> memref<1x80xi32, #tpu.memory_space<vmem>>
          %dma_start3A_340 = tpu.memref_squeeze %dma_start3A_339 : memref<1x80xi32, #tpu.memory_space<vmem>> -> memref<80xi32, #tpu.memory_space<vmem>>
          %dma_start3A_341 = arith.constant 0 : i32
          %dma_start3A_342 = arith.constant 0 : i32
          %dma_start3A_343 = tpu.memref_slice %arg2[%dma_start3A_341, %dma_start3A_342] : memref<10000x128xf32, #tpu.memory_space<hbm>> -> memref<10000x128xf32, #tpu.memory_space<hbm>>
          %dma_start3A_344 = tpu.memref_slice %arg16[%rem3A_197] : memref<4x!tpu.dma_semaphore, #tpu.memory_space<semaphore_mem>> -> memref<1x!tpu.dma_semaphore, #tpu.memory_space<semaphore_mem>>
          %dma_start3A_345 = tpu.memref_squeeze %dma_start3A_344 : memref<1x!tpu.dma_semaphore, #tpu.memory_space<semaphore_mem>> -> memref<!tpu.dma_semaphore, #tpu.memory_space<semaphore_mem>>
          tpu.enqueue_indirect_dma source(%dma_start3A_343 : memref<10000x128xf32, #tpu.memory_space<hbm>>) target(%dma_start3A_337 : memref<80x128xf32, #tpu.memory_space<vmem>>) offsets(%dma_start3A_340 : memref<80xi32, #tpu.memory_space<vmem>>) semaphore(%dma_start3A_345 : memref<!tpu.dma_semaphore, #tpu.memory_space<semaphore_mem>>) {add = true}
        } else {
        }
        %eq3A_329 = arith.constant 1 : i32
        %eq3A_330 = arith.cmpi eq, %arg0, %eq3A_329 : i32
        %convert_element_type3A_331 = arith.extui %eq3A_330 : i1 to i32
        %cond3A_332 = arith.constant 0 : i32
        %cond3A_333 = arith.cmpi ne, %convert_element_type3A_331, %cond3A_332 : i32
        scf.if %cond3A_333 {
          %dma_start3A_334 = arith.constant 0 : i32
          %dma_start3A_335 = arith.constant 0 : i32
          %dma_start3A_336 = tpu.memref_slice %arg12[%rem3A_197, %dma_start3A_334, %dma_start3A_335] : memref<4x80x128xf32, #tpu.memory_space<vmem>> -> memref<1x80x128xf32, #tpu.memory_space<vmem>>
          %dma_start3A_337 = tpu.memref_squeeze %dma_start3A_336 : memref<1x80x128xf32, #tpu.memory_space<vmem>> -> memref<80x128xf32, #tpu.memory_space<vmem>>
          %dma_start3A_338 = arith.constant 0 : i32
          %dma_start3A_339 = tpu.memref_slice %arg9[%rem3A_187, %dma_start3A_338] : memref<3x80xi32, #tpu.memory_space<vmem>> -> memref<1x80xi32, #tpu.memory_space<vmem>>
          %dma_start3A_340 = tpu.memref_squeeze %dma_start3A_339 : memref<1x80xi32, #tpu.memory_space<vmem>> -> memref<80xi32, #tpu.memory_space<vmem>>
          %dma_start3A_341 = arith.constant 0 : i32
          %dma_start3A_342 = arith.constant 0 : i32
          %dma_start3A_343 = tpu.memref_slice %arg3[%dma_start3A_341, %dma_start3A_342] : memref<10000x128xf32, #tpu.memory_space<hbm>> -> memref<10000x128xf32, #tpu.memory_space<hbm>>
          %dma_start3A_344 = tpu.memref_slice %arg16[%rem3A_197] : memref<4x!tpu.dma_semaphore, #tpu.memory_space<semaphore_mem>> -> memref<1x!tpu.dma_semaphore, #tpu.memory_space<semaphore_mem>>
          %dma_start3A_345 = tpu.memref_squeeze %dma_start3A_344 : memref<1x!tpu.dma_semaphore, #tpu.memory_space<semaphore_mem>> -> memref<!tpu.dma_semaphore, #tpu.memory_space<semaphore_mem>>
          tpu.enqueue_indirect_dma source(%dma_start3A_343 : memref<10000x128xf32, #tpu.memory_space<hbm>>) target(%dma_start3A_337 : memref<80x128xf32, #tpu.memory_space<vmem>>) offsets(%dma_start3A_340 : memref<80xi32, #tpu.memory_space<vmem>>) semaphore(%dma_start3A_345 : memref<!tpu.dma_semaphore, #tpu.memory_space<semaphore_mem>>) {add = true}
        } else {
        }
      } else {
      }
      %dma_wait3A_215 = arith.constant 0 : i32
      %dma_wait3A_216 = arith.constant 0 : i32
      %dma_wait3A_217 = tpu.memref_slice %arg12[%rem3A_193, %dma_wait3A_215, %dma_wait3A_216] : memref<4x80x128xf32, #tpu.memory_space<vmem>> -> memref<1x80x128xf32, #tpu.memory_space<vmem>>
      %dma_wait3A_218 = tpu.memref_squeeze %dma_wait3A_217 : memref<1x80x128xf32, #tpu.memory_space<vmem>> -> memref<80x128xf32, #tpu.memory_space<vmem>>
      %dma_wait3A_219 = arith.constant 0 : i32
      %dma_wait3A_220 = tpu.memref_slice %arg9[%rem3A_183, %dma_wait3A_219] : memref<3x80xi32, #tpu.memory_space<vmem>> -> memref<1x80xi32, #tpu.memory_space<vmem>>
      %dma_wait3A_221 = tpu.memref_squeeze %dma_wait3A_220 : memref<1x80xi32, #tpu.memory_space<vmem>> -> memref<80xi32, #tpu.memory_space<vmem>>
      %dma_wait3A_222 = arith.constant 0 : i32
      %dma_wait3A_223 = arith.constant 0 : i32
      %dma_wait3A_224 = tpu.memref_slice %arg2[%dma_wait3A_222, %dma_wait3A_223] : memref<10000x128xf32, #tpu.memory_space<hbm>> -> memref<10000x128xf32, #tpu.memory_space<hbm>>
      %dma_wait3A_225 = tpu.memref_slice %arg16[%rem3A_193] : memref<4x!tpu.dma_semaphore, #tpu.memory_space<semaphore_mem>> -> memref<1x!tpu.dma_semaphore, #tpu.memory_space<semaphore_mem>>
      %dma_wait3A_226 = tpu.memref_squeeze %dma_wait3A_225 : memref<1x!tpu.dma_semaphore, #tpu.memory_space<semaphore_mem>> -> memref<!tpu.dma_semaphore, #tpu.memory_space<semaphore_mem>>
      tpu.wait_indirect_dma semaphore(%dma_wait3A_226 : memref<!tpu.dma_semaphore, #tpu.memory_space<semaphore_mem>>) src(%dma_wait3A_224 : memref<10000x128xf32, #tpu.memory_space<hbm>>) dst(%dma_wait3A_218 : memref<80x128xf32, #tpu.memory_space<vmem>>)
      %parallel_loop3A = arith.constant 0 : i32
      %parallel_loop3A_227 = arith.constant 80 : i32
      %parallel_loop3A_228 = arith.constant 1 : i32
      scf.for %parallel_loop3A_284 = %parallel_loop3A to %parallel_loop3A_227 step %parallel_loop3A_228  : i32 {
        %parallel_loop3A_285 = arith.index_cast %rem3A_193 : i32 to index
        %parallel_loop3A_286 = arith.index_cast %parallel_loop3A_284 : i32 to index
        %parallel_loop3A_287 = arith.constant 0 : index
        %parallel_loop3A_288 = tpu.vector_load %arg12[%parallel_loop3A_285, %parallel_loop3A_286, %parallel_loop3A_287] {strides = array<i32>} : memref<4x80x128xf32, #tpu.memory_space<vmem>>, vector<1x1x16xf32>,
        %parallel_loop3A_289 = vector.shape_cast %parallel_loop3A_288 : vector<1x1x16xf32> to vector<16xf32>
        %parallel_loop3A_290 = arith.constant 0.000000e+00 : f32
        %parallel_loop3A_291 = vector.broadcast %parallel_loop3A_290 : f32 to vector<16xf32>
        %parallel_loop3A_292 = arith.maximumf %parallel_loop3A_289, %parallel_loop3A_291 : vector<16xf32>
        %parallel_loop3A_293 = arith.index_cast %rem3A_193 : i32 to index
        %parallel_loop3A_294 = arith.index_cast %parallel_loop3A_284 : i32 to index
        %parallel_loop3A_295 = arith.constant 0 : index
        %parallel_loop3A_296 = tpu.vector_load %arg12[%parallel_loop3A_293, %parallel_loop3A_294, %parallel_loop3A_295] {strides = array<i32>} : memref<4x80x128xf32, #tpu.memory_space<vmem>>, vector<1x1x16xf32>,
        %parallel_loop3A_297 = vector.shape_cast %parallel_loop3A_296 : vector<1x1x16xf32> to vector<16xf32>
        %parallel_loop3A_298 = vector.shape_cast %parallel_loop3A_292 : vector<16xf32> to vector<1x1x16xf32>
        tpu.vector_store %arg12[%parallel_loop3A_293, %parallel_loop3A_294, %parallel_loop3A_295], %parallel_loop3A_298 {strides = array<i32>} : memref<4x80x128xf32, #tpu.memory_space<vmem>>, vector<1x1x16xf32>,
        %parallel_loop3A_299 = arith.index_cast %rem3A_193 : i32 to index
        %parallel_loop3A_300 = arith.index_cast %parallel_loop3A_284 : i32 to index
        %parallel_loop3A_301 = arith.constant 16 : index
        %parallel_loop3A_302 = tpu.vector_load %arg12[%parallel_loop3A_299, %parallel_loop3A_300, %parallel_loop3A_301] {strides = array<i32>} : memref<4x80x128xf32, #tpu.memory_space<vmem>>, vector<1x1x16xf32>,
        %parallel_loop3A_303 = vector.shape_cast %parallel_loop3A_302 : vector<1x1x16xf32> to vector<16xf32>
        %parallel_loop3A_304 = arith.constant 0.000000e+00 : f32
        %parallel_loop3A_305 = vector.broadcast %parallel_loop3A_304 : f32 to vector<16xf32>
        %parallel_loop3A_306 = arith.maximumf %parallel_loop3A_303, %parallel_loop3A_305 : vector<16xf32>
        %parallel_loop3A_307 = arith.index_cast %rem3A_193 : i32 to index
        %parallel_loop3A_308 = arith.index_cast %parallel_loop3A_284 : i32 to index
        %parallel_loop3A_309 = arith.constant 16 : index
        %parallel_loop3A_310 = tpu.vector_load %arg12[%parallel_loop3A_307, %parallel_loop3A_308, %parallel_loop3A_309] {strides = array<i32>} : memref<4x80x128xf32, #tpu.memory_space<vmem>>, vector<1x1x16xf32>,
        %parallel_loop3A_311 = vector.shape_cast %parallel_loop3A_310 : vector<1x1x16xf32> to vector<16xf32>
        %parallel_loop3A_312 = vector.shape_cast %parallel_loop3A_306 : vector<16xf32> to vector<1x1x16xf32>
        tpu.vector_store %arg12[%parallel_loop3A_307, %parallel_loop3A_308, %parallel_loop3A_309], %parallel_loop3A_312 {strides = array<i32>} : memref<4x80x128xf32, #tpu.memory_space<vmem>>, vector<1x1x16xf32>,
        %parallel_loop3A_313 = arith.index_cast %rem3A_193 : i32 to index
        %parallel_loop3A_314 = arith.index_cast %parallel_loop3A_284 : i32 to index
        %parallel_loop3A_315 = arith.constant 32 : index
        %parallel_loop3A_316 = tpu.vector_load %arg12[%parallel_loop3A_313, %parallel_loop3A_314, %parallel_loop3A_315] {strides = array<i32>} : memref<4x80x128xf32, #tpu.memory_space<vmem>>, vector<1x1x16xf32>,
        %parallel_loop3A_317 = vector.shape_cast %parallel_loop3A_316 : vector<1x1x16xf32> to vector<16xf32>
        %parallel_loop3A_318 = arith.constant 0.000000e+00 : f32
        %parallel_loop3A_319 = vector.broadcast %parallel_loop3A_318 : f32 to vector<16xf32>
        %parallel_loop3A_320 = arith.maximumf %parallel_loop3A_317, %parallel_loop3A_319 : vector<16xf32>
        %parallel_loop3A_321 = arith.index_cast %rem3A_193 : i32 to index
        %parallel_loop3A_322 = arith.index_cast %parallel_loop3A_284 : i32 to index
        %parallel_loop3A_323 = arith.constant 32 : index
        %parallel_loop3A_324 = tpu.vector_load %arg12[%parallel_loop3A_321, %parallel_loop3A_322, %parallel_loop3A_323] {strides = array<i32>} : memref<4x80x128xf32, #tpu.memory_space<vmem>>, vector<1x1x16xf32>,
        %parallel_loop3A_325 = vector.shape_cast %parallel_loop3A_324 : vector<1x1x16xf32> to vector<16xf32>
        %parallel_loop3A_326 = vector.shape_cast %parallel_loop3A_320 : vector<16xf32> to vector<1x1x16xf32>
        tpu.vector_store %arg12[%parallel_loop3A_321, %parallel_loop3A_322, %parallel_loop3A_323], %parallel_loop3A_326 {strides = array<i32>} : memref<4x80x128xf32, #tpu.memory_space<vmem>>, vector<1x1x16xf32>,
        %parallel_loop3A_327 = arith.index_cast %rem3A_193 : i32 to index
        %parallel_loop3A_328 = arith.index_cast %parallel_loop3A_284 : i32 to index
        %parallel_loop3A_329 = arith.constant 48 : index
        %parallel_loop3A_330 = tpu.vector_load %arg12[%parallel_loop3A_327, %parallel_loop3A_328, %parallel_loop3A_329] {strides = array<i32>} : memref<4x80x128xf32, #tpu.memory_space<vmem>>, vector<1x1x16xf32>,
        %parallel_loop3A_331 = vector.shape_cast %parallel_loop3A_330 : vector<1x1x16xf32> to vector<16xf32>
        %parallel_loop3A_332 = arith.constant 0.000000e+00 : f32
        %parallel_loop3A_333 = vector.broadcast %parallel_loop3A_332 : f32 to vector<16xf32>
        %parallel_loop3A_334 = arith.maximumf %parallel_loop3A_331, %parallel_loop3A_333 : vector<16xf32>
        %parallel_loop3A_335 = arith.index_cast %rem3A_193 : i32 to index
        %parallel_loop3A_336 = arith.index_cast %parallel_loop3A_284 : i32 to index
        %parallel_loop3A_337 = arith.constant 48 : index
        %parallel_loop3A_338 = tpu.vector_load %arg12[%parallel_loop3A_335, %parallel_loop3A_336, %parallel_loop3A_337] {strides = array<i32>} : memref<4x80x128xf32, #tpu.memory_space<vmem>>, vector<1x1x16xf32>,
        %parallel_loop3A_339 = vector.shape_cast %parallel_loop3A_338 : vector<1x1x16xf32> to vector<16xf32>
        %parallel_loop3A_340 = vector.shape_cast %parallel_loop3A_334 : vector<16xf32> to vector<1x1x16xf32>
        tpu.vector_store %arg12[%parallel_loop3A_335, %parallel_loop3A_336, %parallel_loop3A_337], %parallel_loop3A_340 {strides = array<i32>} : memref<4x80x128xf32, #tpu.memory_space<vmem>>, vector<1x1x16xf32>,
        %parallel_loop3A_341 = arith.index_cast %rem3A_193 : i32 to index
        %parallel_loop3A_342 = arith.index_cast %parallel_loop3A_284 : i32 to index
        %parallel_loop3A_343 = arith.constant 64 : index
        %parallel_loop3A_344 = tpu.vector_load %arg12[%parallel_loop3A_341, %parallel_loop3A_342, %parallel_loop3A_343] {strides = array<i32>} : memref<4x80x128xf32, #tpu.memory_space<vmem>>, vector<1x1x16xf32>,
        %parallel_loop3A_345 = vector.shape_cast %parallel_loop3A_344 : vector<1x1x16xf32> to vector<16xf32>
        %parallel_loop3A_346 = arith.constant 0.000000e+00 : f32
        %parallel_loop3A_347 = vector.broadcast %parallel_loop3A_346 : f32 to vector<16xf32>
        %parallel_loop3A_348 = arith.maximumf %parallel_loop3A_345, %parallel_loop3A_347 : vector<16xf32>
        %parallel_loop3A_349 = arith.index_cast %rem3A_193 : i32 to index
        %parallel_loop3A_350 = arith.index_cast %parallel_loop3A_284 : i32 to index
        %parallel_loop3A_351 = arith.constant 64 : index
        %parallel_loop3A_352 = tpu.vector_load %arg12[%parallel_loop3A_349, %parallel_loop3A_350, %parallel_loop3A_351] {strides = array<i32>} : memref<4x80x128xf32, #tpu.memory_space<vmem>>, vector<1x1x16xf32>,
        %parallel_loop3A_353 = vector.shape_cast %parallel_loop3A_352 : vector<1x1x16xf32> to vector<16xf32>
        %parallel_loop3A_354 = vector.shape_cast %parallel_loop3A_348 : vector<16xf32> to vector<1x1x16xf32>
        tpu.vector_store %arg12[%parallel_loop3A_349, %parallel_loop3A_350, %parallel_loop3A_351], %parallel_loop3A_354 {strides = array<i32>} : memref<4x80x128xf32, #tpu.memory_space<vmem>>, vector<1x1x16xf32>,
        %parallel_loop3A_355 = arith.index_cast %rem3A_193 : i32 to index
        %parallel_loop3A_356 = arith.index_cast %parallel_loop3A_284 : i32 to index
        %parallel_loop3A_357 = arith.constant 80 : index
        %parallel_loop3A_358 = tpu.vector_load %arg12[%parallel_loop3A_355, %parallel_loop3A_356, %parallel_loop3A_357] {strides = array<i32>} : memref<4x80x128xf32, #tpu.memory_space<vmem>>, vector<1x1x16xf32>,
        %parallel_loop3A_359 = vector.shape_cast %parallel_loop3A_358 : vector<1x1x16xf32> to vector<16xf32>
        %parallel_loop3A_360 = arith.constant 0.000000e+00 : f32
        %parallel_loop3A_361 = vector.broadcast %parallel_loop3A_360 : f32 to vector<16xf32>
        %parallel_loop3A_362 = arith.maximumf %parallel_loop3A_359, %parallel_loop3A_361 : vector<16xf32>
        %parallel_loop3A_363 = arith.index_cast %rem3A_193 : i32 to index
        %parallel_loop3A_364 = arith.index_cast %parallel_loop3A_284 : i32 to index
        %parallel_loop3A_365 = arith.constant 80 : index
        %parallel_loop3A_366 = tpu.vector_load %arg12[%parallel_loop3A_363, %parallel_loop3A_364, %parallel_loop3A_365] {strides = array<i32>} : memref<4x80x128xf32, #tpu.memory_space<vmem>>, vector<1x1x16xf32>,
        %parallel_loop3A_367 = vector.shape_cast %parallel_loop3A_366 : vector<1x1x16xf32> to vector<16xf32>
        %parallel_loop3A_368 = vector.shape_cast %parallel_loop3A_362 : vector<16xf32> to vector<1x1x16xf32>
        tpu.vector_store %arg12[%parallel_loop3A_363, %parallel_loop3A_364, %parallel_loop3A_365], %parallel_loop3A_368 {strides = array<i32>} : memref<4x80x128xf32, #tpu.memory_space<vmem>>, vector<1x1x16xf32>,
        %parallel_loop3A_369 = arith.index_cast %rem3A_193 : i32 to index
        %parallel_loop3A_370 = arith.index_cast %parallel_loop3A_284 : i32 to index
        %parallel_loop3A_371 = arith.constant 96 : index
        %parallel_loop3A_372 = tpu.vector_load %arg12[%parallel_loop3A_369, %parallel_loop3A_370, %parallel_loop3A_371] {strides = array<i32>} : memref<4x80x128xf32, #tpu.memory_space<vmem>>, vector<1x1x16xf32>,
        %parallel_loop3A_373 = vector.shape_cast %parallel_loop3A_372 : vector<1x1x16xf32> to vector<16xf32>
        %parallel_loop3A_374 = arith.constant 0.000000e+00 : f32
        %parallel_loop3A_375 = vector.broadcast %parallel_loop3A_374 : f32 to vector<16xf32>
        %parallel_loop3A_376 = arith.maximumf %parallel_loop3A_373, %parallel_loop3A_375 : vector<16xf32>
        %parallel_loop3A_377 = arith.index_cast %rem3A_193 : i32 to index
        %parallel_loop3A_378 = arith.index_cast %parallel_loop3A_284 : i32 to index
        %parallel_loop3A_379 = arith.constant 96 : index
        %parallel_loop3A_380 = tpu.vector_load %arg12[%parallel_loop3A_377, %parallel_loop3A_378, %parallel_loop3A_379] {strides = array<i32>} : memref<4x80x128xf32, #tpu.memory_space<vmem>>, vector<1x1x16xf32>,
        %parallel_loop3A_381 = vector.shape_cast %parallel_loop3A_380 : vector<1x1x16xf32> to vector<16xf32>
        %parallel_loop3A_382 = vector.shape_cast %parallel_loop3A_376 : vector<16xf32> to vector<1x1x16xf32>
        tpu.vector_store %arg12[%parallel_loop3A_377, %parallel_loop3A_378, %parallel_loop3A_379], %parallel_loop3A_382 {strides = array<i32>} : memref<4x80x128xf32, #tpu.memory_space<vmem>>, vector<1x1x16xf32>,
        %parallel_loop3A_383 = arith.index_cast %rem3A_193 : i32 to index
        %parallel_loop3A_384 = arith.index_cast %parallel_loop3A_284 : i32 to index
        %parallel_loop3A_385 = arith.constant 112 : index
        %parallel_loop3A_386 = tpu.vector_load %arg12[%parallel_loop3A_383, %parallel_loop3A_384, %parallel_loop3A_385] {strides = array<i32>} : memref<4x80x128xf32, #tpu.memory_space<vmem>>, vector<1x1x16xf32>,
        %parallel_loop3A_387 = vector.shape_cast %parallel_loop3A_386 : vector<1x1x16xf32> to vector<16xf32>
        %parallel_loop3A_388 = arith.constant 0.000000e+00 : f32
        %parallel_loop3A_389 = vector.broadcast %parallel_loop3A_388 : f32 to vector<16xf32>
        %parallel_loop3A_390 = arith.maximumf %parallel_loop3A_387, %parallel_loop3A_389 : vector<16xf32>
        %parallel_loop3A_391 = arith.index_cast %rem3A_193 : i32 to index
        %parallel_loop3A_392 = arith.index_cast %parallel_loop3A_284 : i32 to index
        %parallel_loop3A_393 = arith.constant 112 : index
        %parallel_loop3A_394 = tpu.vector_load %arg12[%parallel_loop3A_391, %parallel_loop3A_392, %parallel_loop3A_393] {strides = array<i32>} : memref<4x80x128xf32, #tpu.memory_space<vmem>>, vector<1x1x16xf32>,
        %parallel_loop3A_395 = vector.shape_cast %parallel_loop3A_394 : vector<1x1x16xf32> to vector<16xf32>
        %parallel_loop3A_396 = vector.shape_cast %parallel_loop3A_390 : vector<16xf32> to vector<1x1x16xf32>
        tpu.vector_store %arg12[%parallel_loop3A_391, %parallel_loop3A_392, %parallel_loop3A_393], %parallel_loop3A_396 {strides = array<i32>} : memref<4x80x128xf32, #tpu.memory_space<vmem>>, vector<1x1x16xf32>,
      } {sc.loop_unroll_factor = 8 : i64, sc.parallel_access}
      %get3A = arith.index_cast %rem3A_183 : i32 to index
      %get3A_229 = arith.constant 0 : index
      %get3A_230 = tpu.vector_load %arg10[%get3A, %get3A_229] {strides = array<i32>} : memref<3x80xi32, #tpu.memory_space<vmem>>, vector<1x16xi32>,
      %get3A_231 = vector.shape_cast %get3A_230 : vector<1x16xi32> to vector<16xi32>
      %swap3A = arith.index_cast %rem3A_193 : i32 to index
      %swap3A_232 = arith.constant 0 : index
      %swap3A_233 = tpu.vector_load %arg11[%swap3A, %swap3A_232] {strides = array<i32>} : memref<4x80xi32, #tpu.memory_space<vmem>>, vector<1x16xi32>,
      %swap3A_234 = vector.shape_cast %swap3A_233 : vector<1x16xi32> to vector<16xi32>
      %swap3A_235 = vector.shape_cast %get3A_231 : vector<16xi32> to vector<1x16xi32>
      tpu.vector_store %arg11[%swap3A, %swap3A_232], %swap3A_235 {strides = array<i32>} : memref<4x80xi32, #tpu.memory_space<vmem>>, vector<1x16xi32>,
      %get3A_236 = arith.index_cast %rem3A_183 : i32 to index
      %get3A_237 = arith.constant 16 : index
      %get3A_238 = tpu.vector_load %arg10[%get3A_236, %get3A_237] {strides = array<i32>} : memref<3x80xi32, #tpu.memory_space<vmem>>, vector<1x16xi32>,
      %get3A_239 = vector.shape_cast %get3A_238 : vector<1x16xi32> to vector<16xi32>
      %swap3A_240 = arith.index_cast %rem3A_193 : i32 to index
      %swap3A_241 = arith.constant 16 : index
      %swap3A_242 = tpu.vector_load %arg11[%swap3A_240, %swap3A_241] {strides = array<i32>} : memref<4x80xi32, #tpu.memory_space<vmem>>, vector<1x16xi32>,
      %swap3A_243 = vector.shape_cast %swap3A_242 : vector<1x16xi32> to vector<16xi32>
      %swap3A_244 = vector.shape_cast %get3A_239 : vector<16xi32> to vector<1x16xi32>
      tpu.vector_store %arg11[%swap3A_240, %swap3A_241], %swap3A_244 {strides = array<i32>} : memref<4x80xi32, #tpu.memory_space<vmem>>, vector<1x16xi32>,
      %get3A_245 = arith.index_cast %rem3A_183 : i32 to index
      %get3A_246 = arith.constant 32 : index
      %get3A_247 = tpu.vector_load %arg10[%get3A_245, %get3A_246] {strides = array<i32>} : memref<3x80xi32, #tpu.memory_space<vmem>>, vector<1x16xi32>,
      %get3A_248 = vector.shape_cast %get3A_247 : vector<1x16xi32> to vector<16xi32>
      %swap3A_249 = arith.index_cast %rem3A_193 : i32 to index
      %swap3A_250 = arith.constant 32 : index
      %swap3A_251 = tpu.vector_load %arg11[%swap3A_249, %swap3A_250] {strides = array<i32>} : memref<4x80xi32, #tpu.memory_space<vmem>>, vector<1x16xi32>,
      %swap3A_252 = vector.shape_cast %swap3A_251 : vector<1x16xi32> to vector<16xi32>
      %swap3A_253 = vector.shape_cast %get3A_248 : vector<16xi32> to vector<1x16xi32>
      tpu.vector_store %arg11[%swap3A_249, %swap3A_250], %swap3A_253 {strides = array<i32>} : memref<4x80xi32, #tpu.memory_space<vmem>>, vector<1x16xi32>,
      %get3A_254 = arith.index_cast %rem3A_183 : i32 to index
      %get3A_255 = arith.constant 48 : index
      %get3A_256 = tpu.vector_load %arg10[%get3A_254, %get3A_255] {strides = array<i32>} : memref<3x80xi32, #tpu.memory_space<vmem>>, vector<1x16xi32>,
      %get3A_257 = vector.shape_cast %get3A_256 : vector<1x16xi32> to vector<16xi32>
      %swap3A_258 = arith.index_cast %rem3A_193 : i32 to index
      %swap3A_259 = arith.constant 48 : index
      %swap3A_260 = tpu.vector_load %arg11[%swap3A_258, %swap3A_259] {strides = array<i32>} : memref<4x80xi32, #tpu.memory_space<vmem>>, vector<1x16xi32>,
      %swap3A_261 = vector.shape_cast %swap3A_260 : vector<1x16xi32> to vector<16xi32>
      %swap3A_262 = vector.shape_cast %get3A_257 : vector<16xi32> to vector<1x16xi32>
      tpu.vector_store %arg11[%swap3A_258, %swap3A_259], %swap3A_262 {strides = array<i32>} : memref<4x80xi32, #tpu.memory_space<vmem>>, vector<1x16xi32>,
      %get3A_263 = arith.index_cast %rem3A_183 : i32 to index
      %get3A_264 = arith.constant 64 : index
      %get3A_265 = tpu.vector_load %arg10[%get3A_263, %get3A_264] {strides = array<i32>} : memref<3x80xi32, #tpu.memory_space<vmem>>, vector<1x16xi32>,
      %get3A_266 = vector.shape_cast %get3A_265 : vector<1x16xi32> to vector<16xi32>
      %swap3A_267 = arith.index_cast %rem3A_193 : i32 to index
      %swap3A_268 = arith.constant 64 : index
      %swap3A_269 = tpu.vector_load %arg11[%swap3A_267, %swap3A_268] {strides = array<i32>} : memref<4x80xi32, #tpu.memory_space<vmem>>, vector<1x16xi32>,
      %swap3A_270 = vector.shape_cast %swap3A_269 : vector<1x16xi32> to vector<16xi32>
      %swap3A_271 = vector.shape_cast %get3A_266 : vector<16xi32> to vector<1x16xi32>
      tpu.vector_store %arg11[%swap3A_267, %swap3A_268], %swap3A_271 {strides = array<i32>} : memref<4x80xi32, #tpu.memory_space<vmem>>, vector<1x16xi32>,
      %dma_start3A_272 = arith.constant 0 : i32
      %dma_start3A_273 = arith.constant 0 : i32
      %dma_start3A_274 = tpu.memref_slice %arg12[%rem3A_193, %dma_start3A_272, %dma_start3A_273] : memref<4x80x128xf32, #tpu.memory_space<vmem>> -> memref<1x80x128xf32, #tpu.memory_space<vmem>>
      %dma_start3A_275 = tpu.memref_squeeze %dma_start3A_274 : memref<1x80x128xf32, #tpu.memory_space<vmem>> -> memref<80x128xf32, #tpu.memory_space<vmem>>
      %dma_start3A_276 = arith.constant 0 : i32
      %dma_start3A_277 = tpu.memref_slice %arg11[%rem3A_193, %dma_start3A_276] : memref<4x80xi32, #tpu.memory_space<vmem>> -> memref<1x80xi32, #tpu.memory_space<vmem>>
      %dma_start3A_278 = tpu.memref_squeeze %dma_start3A_277 : memref<1x80xi32, #tpu.memory_space<vmem>> -> memref<80xi32, #tpu.memory_space<vmem>>
      %dma_start3A_279 = arith.constant 0 : i32
      %dma_start3A_280 = arith.constant 0 : i32
      %dma_start3A_281 = tpu.memref_slice %arg13[%dma_start3A_279, %dma_start3A_280] : memref<10000x128xf32, #tpu.memory_space<vmem_shared>> -> memref<10000x128xf32, #tpu.memory_space<vmem_shared>>
      %dma_start3A_282 = tpu.memref_slice %arg18[%rem3A_193] : memref<4x!tpu.dma_semaphore, #tpu.memory_space<semaphore_mem>> -> memref<1x!tpu.dma_semaphore, #tpu.memory_space<semaphore_mem>>
      %dma_start3A_283 = tpu.memref_squeeze %dma_start3A_282 : memref<1x!tpu.dma_semaphore, #tpu.memory_space<semaphore_mem>> -> memref<!tpu.dma_semaphore, #tpu.memory_space<semaphore_mem>>
      tpu.enqueue_indirect_dma source(%dma_start3A_275 : memref<80x128xf32, #tpu.memory_space<vmem>>) target(%dma_start3A_281 : memref<10000x128xf32, #tpu.memory_space<vmem_shared>>) offsets(%dma_start3A_278 : memref<80xi32, #tpu.memory_space<vmem>>) semaphore(%dma_start3A_283 : memref<!tpu.dma_semaphore, #tpu.memory_space<semaphore_mem>>) {add = true}
    }
    %scan3A_110 = arith.constant 125 : i32
    %dma_wait3A_111 = arith.constant 0 : i32
    %dma_wait3A_112 = arith.constant 0 : i32
    %dma_wait3A_113 = arith.constant 0 : i32
    %dma_wait3A_114 = arith.constant 0 : i32
    %dma_wait3A_115 = arith.constant 0 : i32
    %dma_wait3A_116 = tpu.memref_slice %arg12[%dma_wait3A_111, %dma_wait3A_114, %dma_wait3A_115] : memref<4x80x128xf32, #tpu.memory_space<vmem>> -> memref<1x80x128xf32, #tpu.memory_space<vmem>>
    %dma_wait3A_117 = tpu.memref_squeeze %dma_wait3A_116 : memref<1x80x128xf32, #tpu.memory_space<vmem>> -> memref<80x128xf32, #tpu.memory_space<vmem>>
    %dma_wait3A_118 = arith.constant 0 : i32
    %dma_wait3A_119 = tpu.memref_slice %arg11[%dma_wait3A_112, %dma_wait3A_118] : memref<4x80xi32, #tpu.memory_space<vmem>> -> memref<1x80xi32, #tpu.memory_space<vmem>>
    %dma_wait3A_120 = tpu.memref_squeeze %dma_wait3A_119 : memref<1x80xi32, #tpu.memory_space<vmem>> -> memref<80xi32, #tpu.memory_space<vmem>>
    %dma_wait3A_121 = arith.constant 0 : i32
    %dma_wait3A_122 = arith.constant 0 : i32
    %dma_wait3A_123 = tpu.memref_slice %arg13[%dma_wait3A_121, %dma_wait3A_122] : memref<10000x128xf32, #tpu.memory_space<vmem_shared>> -> memref<10000x128xf32, #tpu.memory_space<vmem_shared>>
    %dma_wait3A_124 = tpu.memref_slice %arg18[%dma_wait3A_113] : memref<4x!tpu.dma_semaphore, #tpu.memory_space<semaphore_mem>> -> memref<1x!tpu.dma_semaphore, #tpu.memory_space<semaphore_mem>>
    %dma_wait3A_125 = tpu.memref_squeeze %dma_wait3A_124 : memref<1x!tpu.dma_semaphore, #tpu.memory_space<semaphore_mem>> -> memref<!tpu.dma_semaphore, #tpu.memory_space<semaphore_mem>>
    tpu.wait_indirect_dma semaphore(%dma_wait3A_125 : memref<!tpu.dma_semaphore, #tpu.memory_space<semaphore_mem>>) src(%dma_wait3A_117 : memref<80x128xf32, #tpu.memory_space<vmem>>) dst(%dma_wait3A_123 : memref<10000x128xf32, #tpu.memory_space<vmem_shared>>)
    %dma_wait3A_126 = arith.constant 1 : i32
    %dma_wait3A_127 = arith.constant 1 : i32
    %dma_wait3A_128 = arith.constant 1 : i32
    %dma_wait3A_129 = arith.constant 0 : i32
    %dma_wait3A_130 = arith.constant 0 : i32
    %dma_wait3A_131 = tpu.memref_slice %arg12[%dma_wait3A_126, %dma_wait3A_129, %dma_wait3A_130] : memref<4x80x128xf32, #tpu.memory_space<vmem>> -> memref<1x80x128xf32, #tpu.memory_space<vmem>>
    %dma_wait3A_132 = tpu.memref_squeeze %dma_wait3A_131 : memref<1x80x128xf32, #tpu.memory_space<vmem>> -> memref<80x128xf32, #tpu.memory_space<vmem>>
    %dma_wait3A_133 = arith.constant 0 : i32
    %dma_wait3A_134 = tpu.memref_slice %arg11[%dma_wait3A_127, %dma_wait3A_133] : memref<4x80xi32, #tpu.memory_space<vmem>> -> memref<1x80xi32, #tpu.memory_space<vmem>>
    %dma_wait3A_135 = tpu.memref_squeeze %dma_wait3A_134 : memref<1x80xi32, #tpu.memory_space<vmem>> -> memref<80xi32, #tpu.memory_space<vmem>>
    %dma_wait3A_136 = arith.constant 0 : i32
    %dma_wait3A_137 = arith.constant 0 : i32
    %dma_wait3A_138 = tpu.memref_slice %arg13[%dma_wait3A_136, %dma_wait3A_137] : memref<10000x128xf32, #tpu.memory_space<vmem_shared>> -> memref<10000x128xf32, #tpu.memory_space<vmem_shared>>
    %dma_wait3A_139 = tpu.memref_slice %arg18[%dma_wait3A_128] : memref<4x!tpu.dma_semaphore, #tpu.memory_space<semaphore_mem>> -> memref<1x!tpu.dma_semaphore, #tpu.memory_space<semaphore_mem>>
    %dma_wait3A_140 = tpu.memref_squeeze %dma_wait3A_139 : memref<1x!tpu.dma_semaphore, #tpu.memory_space<semaphore_mem>> -> memref<!tpu.dma_semaphore, #tpu.memory_space<semaphore_mem>>
    tpu.wait_indirect_dma semaphore(%dma_wait3A_140 : memref<!tpu.dma_semaphore, #tpu.memory_space<semaphore_mem>>) src(%dma_wait3A_132 : memref<80x128xf32, #tpu.memory_space<vmem>>) dst(%dma_wait3A_138 : memref<10000x128xf32, #tpu.memory_space<vmem_shared>>)
    %dma_wait3A_141 = arith.constant 2 : i32
    %dma_wait3A_142 = arith.constant 2 : i32
    %dma_wait3A_143 = arith.constant 2 : i32
    %dma_wait3A_144 = arith.constant 0 : i32
    %dma_wait3A_145 = arith.constant 0 : i32
    %dma_wait3A_146 = tpu.memref_slice %arg12[%dma_wait3A_141, %dma_wait3A_144, %dma_wait3A_145] : memref<4x80x128xf32, #tpu.memory_space<vmem>> -> memref<1x80x128xf32, #tpu.memory_space<vmem>>
    %dma_wait3A_147 = tpu.memref_squeeze %dma_wait3A_146 : memref<1x80x128xf32, #tpu.memory_space<vmem>> -> memref<80x128xf32, #tpu.memory_space<vmem>>
    %dma_wait3A_148 = arith.constant 0 : i32
    %dma_wait3A_149 = tpu.memref_slice %arg11[%dma_wait3A_142, %dma_wait3A_148] : memref<4x80xi32, #tpu.memory_space<vmem>> -> memref<1x80xi32, #tpu.memory_space<vmem>>
    %dma_wait3A_150 = tpu.memref_squeeze %dma_wait3A_149 : memref<1x80xi32, #tpu.memory_space<vmem>> -> memref<80xi32, #tpu.memory_space<vmem>>
    %dma_wait3A_151 = arith.constant 0 : i32
    %dma_wait3A_152 = arith.constant 0 : i32
    %dma_wait3A_153 = tpu.memref_slice %arg13[%dma_wait3A_151, %dma_wait3A_152] : memref<10000x128xf32, #tpu.memory_space<vmem_shared>> -> memref<10000x128xf32, #tpu.memory_space<vmem_shared>>
    %dma_wait3A_154 = tpu.memref_slice %arg18[%dma_wait3A_143] : memref<4x!tpu.dma_semaphore, #tpu.memory_space<semaphore_mem>> -> memref<1x!tpu.dma_semaphore, #tpu.memory_space<semaphore_mem>>
    %dma_wait3A_155 = tpu.memref_squeeze %dma_wait3A_154 : memref<1x!tpu.dma_semaphore, #tpu.memory_space<semaphore_mem>> -> memref<!tpu.dma_semaphore, #tpu.memory_space<semaphore_mem>>
    tpu.wait_indirect_dma semaphore(%dma_wait3A_155 : memref<!tpu.dma_semaphore, #tpu.memory_space<semaphore_mem>>) src(%dma_wait3A_147 : memref<80x128xf32, #tpu.memory_space<vmem>>) dst(%dma_wait3A_153 : memref<10000x128xf32, #tpu.memory_space<vmem_shared>>)
    %dma_wait3A_156 = arith.constant 3 : i32
    %dma_wait3A_157 = arith.constant 3 : i32
    %dma_wait3A_158 = arith.constant 3 : i32
    %dma_wait3A_159 = arith.constant 0 : i32
    %dma_wait3A_160 = arith.constant 0 : i32
    %dma_wait3A_161 = tpu.memref_slice %arg12[%dma_wait3A_156, %dma_wait3A_159, %dma_wait3A_160] : memref<4x80x128xf32, #tpu.memory_space<vmem>> -> memref<1x80x128xf32, #tpu.memory_space<vmem>>
    %dma_wait3A_162 = tpu.memref_squeeze %dma_wait3A_161 : memref<1x80x128xf32, #tpu.memory_space<vmem>> -> memref<80x128xf32, #tpu.memory_space<vmem>>
    %dma_wait3A_163 = arith.constant 0 : i32
    %dma_wait3A_164 = tpu.memref_slice %arg11[%dma_wait3A_157, %dma_wait3A_163] : memref<4x80xi32, #tpu.memory_space<vmem>> -> memref<1x80xi32, #tpu.memory_space<vmem>>
    %dma_wait3A_165 = tpu.memref_squeeze %dma_wait3A_164 : memref<1x80xi32, #tpu.memory_space<vmem>> -> memref<80xi32, #tpu.memory_space<vmem>>
    %dma_wait3A_166 = arith.constant 0 : i32
    %dma_wait3A_167 = arith.constant 0 : i32
    %dma_wait3A_168 = tpu.memref_slice %arg13[%dma_wait3A_166, %dma_wait3A_167] : memref<10000x128xf32, #tpu.memory_space<vmem_shared>> -> memref<10000x128xf32, #tpu.memory_space<vmem_shared>>
    %dma_wait3A_169 = tpu.memref_slice %arg18[%dma_wait3A_158] : memref<4x!tpu.dma_semaphore, #tpu.memory_space<semaphore_mem>> -> memref<1x!tpu.dma_semaphore, #tpu.memory_space<semaphore_mem>>
    %dma_wait3A_170 = tpu.memref_squeeze %dma_wait3A_169 : memref<1x!tpu.dma_semaphore, #tpu.memory_space<semaphore_mem>> -> memref<!tpu.dma_semaphore, #tpu.memory_space<semaphore_mem>>
    tpu.wait_indirect_dma semaphore(%dma_wait3A_170 : memref<!tpu.dma_semaphore, #tpu.memory_space<semaphore_mem>>) src(%dma_wait3A_162 : memref<80x128xf32, #tpu.memory_space<vmem>>) dst(%dma_wait3A_168 : memref<10000x128xf32, #tpu.memory_space<vmem_shared>>)
    %barrier3A_171 = arith.constant 0 : index
    tpu.barrier barrier_id(%barrier3A_171)
    %eq3A_172 = arith.constant 0 : i32
    %eq3A_173 = arith.cmpi eq, %arg0, %eq3A_172 : i32
    %convert_element_type3A_174 = arith.extui %eq3A_173 : i1 to i32
    %cond3A_175 = arith.constant 0 : i32
    %cond3A_176 = arith.cmpi ne, %convert_element_type3A_174, %cond3A_175 : i32
    scf.if %cond3A_176 {
      %lt3A = arith.constant 15 : i32
      %lt3A_182 = arith.cmpi slt, %arg1, %lt3A : i32
      %convert_element_type3A_183 = arith.extui %lt3A_182 : i1 to i32
      %cond3A_184 = arith.constant 0 : i32
      %cond3A_185 = arith.cmpi ne, %convert_element_type3A_183, %cond3A_184 : i32
      scf.if %cond3A_185 {
        %mul3A_191 = arith.constant 624 : i32
        %mul3A_192 = arith.muli %arg1, %mul3A_191 : i32
        "tpu.region"() ({
          %run_scoped3A_193 = tpu.sem_alloc : memref<!tpu.dma_semaphore, #tpu.memory_space<semaphore_mem>>
          %dma_start3A_194 = arith.constant 0 : i32
          %dma_start3A_195 = tpu.memref_slice %arg7[%mul3A_192, %dma_start3A_194] : memref<10000x128xf32, #tpu.memory_space<hbm>> -> memref<624x128xf32, #tpu.memory_space<hbm>>
          %dma_start3A_196 = arith.constant 0 : i32
          %dma_start3A_197 = tpu.memref_slice %arg13[%mul3A_192, %dma_start3A_196] : memref<10000x128xf32, #tpu.memory_space<vmem_shared>> -> memref<624x128xf32, #tpu.memory_space<vmem_shared>>
          tpu.enqueue_dma source(%dma_start3A_197 : memref<624x128xf32, #tpu.memory_space<vmem_shared>>) target(%dma_start3A_195 : memref<624x128xf32, #tpu.memory_space<hbm>>) target_semaphore(%run_scoped3A_193 : memref<!tpu.dma_semaphore, #tpu.memory_space<semaphore_mem>>)
          %dma_wait3A_198 = arith.constant 0 : i32
          %dma_wait3A_199 = tpu.memref_slice %arg7[%mul3A_192, %dma_wait3A_198] : memref<10000x128xf32, #tpu.memory_space<hbm>> -> memref<624x128xf32, #tpu.memory_space<hbm>>
          %dma_wait3A_200 = arith.constant 0 : i32
          %dma_wait3A_201 = tpu.memref_slice %arg13[%mul3A_192, %dma_wait3A_200] : memref<10000x128xf32, #tpu.memory_space<vmem_shared>> -> memref<624x128xf32, #tpu.memory_space<vmem_shared>>
          tpu.wait_dma2 semaphore(%run_scoped3A_193 : memref<!tpu.dma_semaphore, #tpu.memory_space<semaphore_mem>>) src(%dma_wait3A_201 : memref<624x128xf32, #tpu.memory_space<vmem_shared>>) dst(%dma_wait3A_199 : memref<624x128xf32, #tpu.memory_space<hbm>>)
          tpu.yield
        }) : () -> ()
      } else {
      }
      %eq3A_186 = arith.constant 15 : i32
      %eq3A_187 = arith.cmpi eq, %arg1, %eq3A_186 : i32
      %convert_element_type3A_188 = arith.extui %eq3A_187 : i1 to i32
      %cond3A_189 = arith.constant 0 : i32
      %cond3A_190 = arith.cmpi ne, %convert_element_type3A_188, %cond3A_189 : i32
      scf.if %cond3A_190 {
        "tpu.region"() ({
          %run_scoped3A_191 = tpu.sem_alloc : memref<!tpu.dma_semaphore, #tpu.memory_space<semaphore_mem>>
          %dma_start3A_192 = arith.constant 9360 : i32
          %dma_start3A_193 = arith.constant 0 : i32
          %dma_start3A_194 = tpu.memref_slice %arg7[%dma_start3A_192, %dma_start3A_193] : memref<10000x128xf32, #tpu.memory_space<hbm>> -> memref<640x128xf32, #tpu.memory_space<hbm>>
          %dma_start3A_195 = arith.constant 9360 : i32
          %dma_start3A_196 = arith.constant 0 : i32
          %dma_start3A_197 = tpu.memref_slice %arg13[%dma_start3A_195, %dma_start3A_196] : memref<10000x128xf32, #tpu.memory_space<vmem_shared>> -> memref<640x128xf32, #tpu.memory_space<vmem_shared>>
          tpu.enqueue_dma source(%dma_start3A_197 : memref<640x128xf32, #tpu.memory_space<vmem_shared>>) target(%dma_start3A_194 : memref<640x128xf32, #tpu.memory_space<hbm>>) target_semaphore(%run_scoped3A_191 : memref<!tpu.dma_semaphore, #tpu.memory_space<semaphore_mem>>)
          %dma_wait3A_198 = arith.constant 9360 : i32
          %dma_wait3A_199 = arith.constant 0 : i32
          %dma_wait3A_200 = tpu.memref_slice %arg7[%dma_wait3A_198, %dma_wait3A_199] : memref<10000x128xf32, #tpu.memory_space<hbm>> -> memref<640x128xf32, #tpu.memory_space<hbm>>
          %dma_wait3A_201 = arith.constant 9360 : i32
          %dma_wait3A_202 = arith.constant 0 : i32
          %dma_wait3A_203 = tpu.memref_slice %arg13[%dma_wait3A_201, %dma_wait3A_202] : memref<10000x128xf32, #tpu.memory_space<vmem_shared>> -> memref<640x128xf32, #tpu.memory_space<vmem_shared>>
          tpu.wait_dma2 semaphore(%run_scoped3A_191 : memref<!tpu.dma_semaphore, #tpu.memory_space<semaphore_mem>>) src(%dma_wait3A_203 : memref<640x128xf32, #tpu.memory_space<vmem_shared>>) dst(%dma_wait3A_200 : memref<640x128xf32, #tpu.memory_space<hbm>>)
          tpu.yield
        }) : () -> ()
      } else {
      }
    } else {
    }
    %eq3A_177 = arith.constant 1 : i32
    %eq3A_178 = arith.cmpi eq, %arg0, %eq3A_177 : i32
    %convert_element_type3A_179 = arith.extui %eq3A_178 : i1 to i32
    %cond3A_180 = arith.constant 0 : i32
    %cond3A_181 = arith.cmpi ne, %convert_element_type3A_179, %cond3A_180 : i32
    scf.if %cond3A_181 {
      %lt3A = arith.constant 15 : i32
      %lt3A_182 = arith.cmpi slt, %arg1, %lt3A : i32
      %convert_element_type3A_183 = arith.extui %lt3A_182 : i1 to i32
      %cond3A_184 = arith.constant 0 : i32
      %cond3A_185 = arith.cmpi ne, %convert_element_type3A_183, %cond3A_184 : i32
      scf.if %cond3A_185 {
        %mul3A_191 = arith.constant 624 : i32
        %mul3A_192 = arith.muli %arg1, %mul3A_191 : i32
        "tpu.region"() ({
          %run_scoped3A_193 = tpu.sem_alloc : memref<!tpu.dma_semaphore, #tpu.memory_space<semaphore_mem>>
          %dma_start3A_194 = arith.constant 0 : i32
          %dma_start3A_195 = tpu.memref_slice %arg8[%mul3A_192, %dma_start3A_194] : memref<10000x128xf32, #tpu.memory_space<hbm>> -> memref<624x128xf32, #tpu.memory_space<hbm>>
          %dma_start3A_196 = arith.constant 0 : i32
          %dma_start3A_197 = tpu.memref_slice %arg13[%mul3A_192, %dma_start3A_196] : memref<10000x128xf32, #tpu.memory_space<vmem_shared>> -> memref<624x128xf32, #tpu.memory_space<vmem_shared>>
          tpu.enqueue_dma source(%dma_start3A_197 : memref<624x128xf32, #tpu.memory_space<vmem_shared>>) target(%dma_start3A_195 : memref<624x128xf32, #tpu.memory_space<hbm>>) target_semaphore(%run_scoped3A_193 : memref<!tpu.dma_semaphore, #tpu.memory_space<semaphore_mem>>)
          %dma_wait3A_198 = arith.constant 0 : i32
          %dma_wait3A_199 = tpu.memref_slice %arg8[%mul3A_192, %dma_wait3A_198] : memref<10000x128xf32, #tpu.memory_space<hbm>> -> memref<624x128xf32, #tpu.memory_space<hbm>>
          %dma_wait3A_200 = arith.constant 0 : i32
          %dma_wait3A_201 = tpu.memref_slice %arg13[%mul3A_192, %dma_wait3A_200] : memref<10000x128xf32, #tpu.memory_space<vmem_shared>> -> memref<624x128xf32, #tpu.memory_space<vmem_shared>>
          tpu.wait_dma2 semaphore(%run_scoped3A_193 : memref<!tpu.dma_semaphore, #tpu.memory_space<semaphore_mem>>) src(%dma_wait3A_201 : memref<624x128xf32, #tpu.memory_space<vmem_shared>>) dst(%dma_wait3A_199 : memref<624x128xf32, #tpu.memory_space<hbm>>)
          tpu.yield
        }) : () -> ()
      } else {
      }
      %eq3A_186 = arith.constant 15 : i32
      %eq3A_187 = arith.cmpi eq, %arg1, %eq3A_186 : i32
      %convert_element_type3A_188 = arith.extui %eq3A_187 : i1 to i32
      %cond3A_189 = arith.constant 0 : i32
      %cond3A_190 = arith.cmpi ne, %convert_element_type3A_188, %cond3A_189 : i32
      scf.if %cond3A_190 {
        "tpu.region"() ({
          %run_scoped3A_191 = tpu.sem_alloc : memref<!tpu.dma_semaphore, #tpu.memory_space<semaphore_mem>>
          %dma_start3A_192 = arith.constant 9360 : i32
          %dma_start3A_193 = arith.constant 0 : i32
          %dma_start3A_194 = tpu.memref_slice %arg8[%dma_start3A_192, %dma_start3A_193] : memref<10000x128xf32, #tpu.memory_space<hbm>> -> memref<640x128xf32, #tpu.memory_space<hbm>>
          %dma_start3A_195 = arith.constant 9360 : i32
          %dma_start3A_196 = arith.constant 0 : i32
          %dma_start3A_197 = tpu.memref_slice %arg13[%dma_start3A_195, %dma_start3A_196] : memref<10000x128xf32, #tpu.memory_space<vmem_shared>> -> memref<640x128xf32, #tpu.memory_space<vmem_shared>>
          tpu.enqueue_dma source(%dma_start3A_197 : memref<640x128xf32, #tpu.memory_space<vmem_shared>>) target(%dma_start3A_194 : memref<640x128xf32, #tpu.memory_space<hbm>>) target_semaphore(%run_scoped3A_191 : memref<!tpu.dma_semaphore, #tpu.memory_space<semaphore_mem>>)
          %dma_wait3A_198 = arith.constant 9360 : i32
          %dma_wait3A_199 = arith.constant 0 : i32
          %dma_wait3A_200 = tpu.memref_slice %arg8[%dma_wait3A_198, %dma_wait3A_199] : memref<10000x128xf32, #tpu.memory_space<hbm>> -> memref<640x128xf32, #tpu.memory_space<hbm>>
          %dma_wait3A_201 = arith.constant 9360 : i32
          %dma_wait3A_202 = arith.constant 0 : i32
          %dma_wait3A_203 = tpu.memref_slice %arg13[%dma_wait3A_201, %dma_wait3A_202] : memref<10000x128xf32, #tpu.memory_space<vmem_shared>> -> memref<640x128xf32, #tpu.memory_space<vmem_shared>>
          tpu.wait_dma2 semaphore(%run_scoped3A_191 : memref<!tpu.dma_semaphore, #tpu.memory_space<semaphore_mem>>) src(%dma_wait3A_203 : memref<640x128xf32, #tpu.memory_space<vmem_shared>>) dst(%dma_wait3A_200 : memref<640x128xf32, #tpu.memory_space<hbm>>)
          tpu.yield
        }) : () -> ()
      } else {
      }
    } else {
    }
    return
  }
}

#map = affine_map<(d0, d1) -> (0, 0)>
#map1 = affine_map<(d0, d1) -> (0)>
module attributes {stable_mosaic.version = 14 : i64} {
  func.func @_pair_gather(%arg0: i32, %arg1: i32, %arg2: memref<10000x128xf32, #tpu.memory_space<hbm>>, %arg3: memref<10000x128xf32, #tpu.memory_space<hbm>>, %arg4: memref<8192xi32, #tpu.memory_space<hbm>>, %arg5: memref<8192x128xf32, #tpu.memory_space<hbm>>, %arg6: memref<8192x128xf32, #tpu.memory_space<hbm>>, %arg7: memref<256xi32, #tpu.memory_space<vmem>>, %arg8: memref<256x128xf32, #tpu.memory_space<vmem>>, %arg9: memref<256x128xf32, #tpu.memory_space<vmem>>, %arg10: memref<!tpu.dma_semaphore, #tpu.memory_space<semaphore_mem>>, %arg11: memref<!tpu.dma_semaphore, #tpu.memory_space<semaphore_mem>>) attributes {dimension_semantics = [#tpu.dimension_semantics<core_parallel>, #tpu.dimension_semantics<subcore_parallel>], iteration_bounds = array<i64: 2, 16>, scalar_prefetch = 0 : i64, scratch_operands = 5 : i64, tpu.core_type = #tpu.core_type<sc_vector_subcore>, window_params = [{transform_indices = #map}, {transform_indices = #map}, {transform_indices = #map1}, {transform_indices = #map}, {transform_indices = #map}]} {
    %mul3A = arith.constant 2 : i32
    %mul3A_0 = arith.muli %arg1, %mul3A : i32
    %add3A = arith.addi %mul3A_0, %arg0 : i32
    %mul3A_1 = arith.constant 256 : i32
    %mul3A_2 = arith.muli %add3A, %mul3A_1 : i32
    "tpu.region"() ({
      %run_scoped3A = tpu.sem_alloc : memref<!tpu.dma_semaphore, #tpu.memory_space<semaphore_mem>>
      %dma_start3A_13 = tpu.memref_slice %arg4[%mul3A_2] : memref<8192xi32, #tpu.memory_space<hbm>> -> memref<256xi32, #tpu.memory_space<hbm>>
      %dma_start3A_14 = tpu.memref_slice %arg4[%mul3A_2] : memref<8192xi32, #tpu.memory_space<hbm>> -> memref<256xi32, #tpu.memory_space<hbm>>
      tpu.enqueue_dma source(%dma_start3A_14 : memref<256xi32, #tpu.memory_space<hbm>>) target(%arg7 : memref<256xi32, #tpu.memory_space<vmem>>) target_semaphore(%run_scoped3A : memref<!tpu.dma_semaphore, #tpu.memory_space<semaphore_mem>>)
      %dma_wait3A_15 = tpu.memref_slice %arg4[%mul3A_2] : memref<8192xi32, #tpu.memory_space<hbm>> -> memref<256xi32, #tpu.memory_space<hbm>>
      %dma_wait3A_16 = tpu.memref_slice %arg4[%mul3A_2] : memref<8192xi32, #tpu.memory_space<hbm>> -> memref<256xi32, #tpu.memory_space<hbm>>
      tpu.wait_dma2 semaphore(%run_scoped3A : memref<!tpu.dma_semaphore, #tpu.memory_space<semaphore_mem>>) src(%dma_wait3A_16 : memref<256xi32, #tpu.memory_space<hbm>>) dst(%arg7 : memref<256xi32, #tpu.memory_space<vmem>>)
      tpu.yield
    }) : () -> ()
    %dma_start3A = arith.constant 0 : i32
    %dma_start3A_3 = arith.constant 0 : i32
    %dma_start3A_4 = tpu.memref_slice %arg2[%dma_start3A, %dma_start3A_3] : memref<10000x128xf32, #tpu.memory_space<hbm>> -> memref<10000x128xf32, #tpu.memory_space<hbm>>
    tpu.enqueue_indirect_dma source(%dma_start3A_4 : memref<10000x128xf32, #tpu.memory_space<hbm>>) target(%arg8 : memref<256x128xf32, #tpu.memory_space<vmem>>) offsets(%arg7 : memref<256xi32, #tpu.memory_space<vmem>>) semaphore(%arg10 : memref<!tpu.dma_semaphore, #tpu.memory_space<semaphore_mem>>)
    %dma_start3A_5 = arith.constant 0 : i32
    %dma_start3A_6 = arith.constant 0 : i32
    %dma_start3A_7 = tpu.memref_slice %arg3[%dma_start3A_5, %dma_start3A_6] : memref<10000x128xf32, #tpu.memory_space<hbm>> -> memref<10000x128xf32, #tpu.memory_space<hbm>>
    tpu.enqueue_indirect_dma source(%dma_start3A_7 : memref<10000x128xf32, #tpu.memory_space<hbm>>) target(%arg9 : memref<256x128xf32, #tpu.memory_space<vmem>>) offsets(%arg7 : memref<256xi32, #tpu.memory_space<vmem>>) semaphore(%arg11 : memref<!tpu.dma_semaphore, #tpu.memory_space<semaphore_mem>>)
    %dma_wait3A = arith.constant 0 : i32
    %dma_wait3A_8 = arith.constant 0 : i32
    %dma_wait3A_9 = tpu.memref_slice %arg2[%dma_wait3A, %dma_wait3A_8] : memref<10000x128xf32, #tpu.memory_space<hbm>> -> memref<10000x128xf32, #tpu.memory_space<hbm>>
    tpu.wait_indirect_dma semaphore(%arg10 : memref<!tpu.dma_semaphore, #tpu.memory_space<semaphore_mem>>) src(%dma_wait3A_9 : memref<10000x128xf32, #tpu.memory_space<hbm>>) dst(%arg8 : memref<256x128xf32, #tpu.memory_space<vmem>>)
    %dma_wait3A_10 = arith.constant 0 : i32
    %dma_wait3A_11 = arith.constant 0 : i32
    %dma_wait3A_12 = tpu.memref_slice %arg3[%dma_wait3A_10, %dma_wait3A_11] : memref<10000x128xf32, #tpu.memory_space<hbm>> -> memref<10000x128xf32, #tpu.memory_space<hbm>>
    tpu.wait_indirect_dma semaphore(%arg11 : memref<!tpu.dma_semaphore, #tpu.memory_space<semaphore_mem>>) src(%dma_wait3A_12 : memref<10000x128xf32, #tpu.memory_space<hbm>>) dst(%arg9 : memref<256x128xf32, #tpu.memory_space<vmem>>)
    "tpu.region"() ({
      %run_scoped3A = tpu.sem_alloc : memref<!tpu.dma_semaphore, #tpu.memory_space<semaphore_mem>>
      %dma_start3A_13 = arith.constant 0 : i32
      %dma_start3A_14 = tpu.memref_slice %arg5[%mul3A_2, %dma_start3A_13] : memref<8192x128xf32, #tpu.memory_space<hbm>> -> memref<256x128xf32, #tpu.memory_space<hbm>>
      %dma_start3A_15 = arith.constant 0 : i32
      %dma_start3A_16 = tpu.memref_slice %arg5[%mul3A_2, %dma_start3A_15] : memref<8192x128xf32, #tpu.memory_space<hbm>> -> memref<256x128xf32, #tpu.memory_space<hbm>>
      tpu.enqueue_dma source(%arg8 : memref<256x128xf32, #tpu.memory_space<vmem>>) target(%dma_start3A_16 : memref<256x128xf32, #tpu.memory_space<hbm>>) target_semaphore(%run_scoped3A : memref<!tpu.dma_semaphore, #tpu.memory_space<semaphore_mem>>)
      %dma_wait3A_17 = arith.constant 0 : i32
      %dma_wait3A_18 = tpu.memref_slice %arg5[%mul3A_2, %dma_wait3A_17] : memref<8192x128xf32, #tpu.memory_space<hbm>> -> memref<256x128xf32, #tpu.memory_space<hbm>>
      %dma_wait3A_19 = arith.constant 0 : i32
      %dma_wait3A_20 = tpu.memref_slice %arg5[%mul3A_2, %dma_wait3A_19] : memref<8192x128xf32, #tpu.memory_space<hbm>> -> memref<256x128xf32, #tpu.memory_space<hbm>>
      tpu.wait_dma2 semaphore(%run_scoped3A : memref<!tpu.dma_semaphore, #tpu.memory_space<semaphore_mem>>) src(%arg8 : memref<256x128xf32, #tpu.memory_space<vmem>>) dst(%dma_wait3A_20 : memref<256x128xf32, #tpu.memory_space<hbm>>)
      tpu.yield
    }) : () -> ()
    "tpu.region"() ({
      %run_scoped3A = tpu.sem_alloc : memref<!tpu.dma_semaphore, #tpu.memory_space<semaphore_mem>>
      %dma_start3A_13 = arith.constant 0 : i32
      %dma_start3A_14 = tpu.memref_slice %arg6[%mul3A_2, %dma_start3A_13] : memref<8192x128xf32, #tpu.memory_space<hbm>> -> memref<256x128xf32, #tpu.memory_space<hbm>>
      %dma_start3A_15 = arith.constant 0 : i32
      %dma_start3A_16 = tpu.memref_slice %arg6[%mul3A_2, %dma_start3A_15] : memref<8192x128xf32, #tpu.memory_space<hbm>> -> memref<256x128xf32, #tpu.memory_space<hbm>>
      tpu.enqueue_dma source(%arg9 : memref<256x128xf32, #tpu.memory_space<vmem>>) target(%dma_start3A_16 : memref<256x128xf32, #tpu.memory_space<hbm>>) target_semaphore(%run_scoped3A : memref<!tpu.dma_semaphore, #tpu.memory_space<semaphore_mem>>)
      %dma_wait3A_17 = arith.constant 0 : i32
      %dma_wait3A_18 = tpu.memref_slice %arg6[%mul3A_2, %dma_wait3A_17] : memref<8192x128xf32, #tpu.memory_space<hbm>> -> memref<256x128xf32, #tpu.memory_space<hbm>>
      %dma_wait3A_19 = arith.constant 0 : i32
      %dma_wait3A_20 = tpu.memref_slice %arg6[%mul3A_2, %dma_wait3A_19] : memref<8192x128xf32, #tpu.memory_space<hbm>> -> memref<256x128xf32, #tpu.memory_space<hbm>>
      tpu.wait_dma2 semaphore(%run_scoped3A : memref<!tpu.dma_semaphore, #tpu.memory_space<semaphore_mem>>) src(%arg9 : memref<256x128xf32, #tpu.memory_space<vmem>>) dst(%dma_wait3A_20 : memref<256x128xf32, #tpu.memory_space<hbm>>)
      tpu.yield
    }) : () -> ()
    return
  }
}

module attributes {stable_mosaic.version = 14 : i64} {
  func.func @_mlp_body(%arg0: i32, %arg1: memref<1x1xf32, #tpu.memory_space<smem>>, %arg2: memref<2000x128xf32, #tpu.memory_space<vmem>>, %arg3: memref<2000x128xf32, #tpu.memory_space<vmem>>, %arg4: memref<2000x128xf32, #tpu.memory_space<vmem>>, %arg5: memref<2000x128xf32, #tpu.memory_space<vmem>>, %arg6: memref<256x256xf32, #tpu.memory_space<vmem>>, %arg7: memref<1x256xf32, #tpu.memory_space<vmem>>, %arg8: memref<256x256xf32, #tpu.memory_space<vmem>>, %arg9: memref<1x256xf32, #tpu.memory_space<vmem>>, %arg10: memref<2000x128xf32, #tpu.memory_space<vmem>>, %arg11: memref<2000x128xf32, #tpu.memory_space<vmem>>) attributes {dimension_semantics = [#tpu.dimension_semantics<arbitrary>], iteration_bounds = array<i64: 5>, scalar_prefetch = 0 : i64, scratch_operands = 0 : i64, tpu.core_type = #tpu.core_type<tc>, window_params = [{transform_indices = @transform_0, window_bounds = array<i64: 1, 1>}, {transform_indices = @transform_1, window_bounds = array<i64: 2000, 128>}, {transform_indices = @transform_2, window_bounds = array<i64: 2000, 128>}, {transform_indices = @transform_3, window_bounds = array<i64: 2000, 128>}, {transform_indices = @transform_4, window_bounds = array<i64: 2000, 128>}, {pipeline_mode = #tpu.pipeline_mode<synchronous>, transform_indices = @transform_5, window_bounds = array<i64: 256, 256>}, {pipeline_mode = #tpu.pipeline_mode<synchronous>, transform_indices = @transform_6, window_bounds = array<i64: 1, 256>}, {pipeline_mode = #tpu.pipeline_mode<synchronous>, transform_indices = @transform_7, window_bounds = array<i64: 256, 256>}, {pipeline_mode = #tpu.pipeline_mode<synchronous>, transform_indices = @transform_8, window_bounds = array<i64: 1, 256>}, {transform_indices = @transform_9, window_bounds = array<i64: 2000, 128>}, {transform_indices = @transform_10, window_bounds = array<i64: 2000, 128>}]} {
    %get3A = arith.constant 0 : index
    %get3A_0 = arith.constant 0 : index
    %get3A_1 = vector.load %arg2[%get3A, %get3A_0] : memref<2000x128xf32, #tpu.memory_space<vmem>>, vector<2000x128xf32>
    %get3A_2 = arith.constant 0 : index
    %get3A_3 = arith.constant 0 : index
    %get3A_4 = vector.load %arg3[%get3A_2, %get3A_3] : memref<2000x128xf32, #tpu.memory_space<vmem>>, vector<2000x128xf32>
    %concatenate3A = tpu.concatenate %get3A_1, %get3A_4 in 1 : vector<2000x128xf32>, vector<2000x128xf32> -> vector<2000x256xf32>
    %get3A_5 = arith.constant 0 : index
    %get3A_6 = arith.constant 0 : index
    %get3A_7 = vector.load %arg4[%get3A_5, %get3A_6] : memref<2000x128xf32, #tpu.memory_space<vmem>>, vector<2000x128xf32>
    %get3A_8 = arith.constant 0 : index
    %get3A_9 = arith.constant 0 : index
    %get3A_10 = vector.load %arg5[%get3A_8, %get3A_9] : memref<2000x128xf32, #tpu.memory_space<vmem>>, vector<2000x128xf32>
    %concatenate3A_11 = tpu.concatenate %get3A_7, %get3A_10 in 1 : vector<2000x128xf32>, vector<2000x128xf32> -> vector<2000x256xf32>
    %get3A_12 = arith.constant 0 : index
    %get3A_13 = arith.constant 0 : index
    %get3A_14 = memref.load %arg1[%get3A_12, %get3A_13] : memref<1x1xf32, #tpu.memory_space<smem>>
    %add3A = arith.constant 1.000000e+00 : f32
    %add3A_15 = arith.addf %add3A, %get3A_14 : f32
    %mul3A = vector.broadcast %add3A_15 : f32 to vector<2000x256xf32>
    %mul3A_16 = arith.mulf %mul3A, %concatenate3A : vector<2000x256xf32>
    %add3A_17 = arith.addf %mul3A_16, %concatenate3A_11 : vector<2000x256xf32>
    %get3A_18 = arith.constant 0 : index
    %get3A_19 = arith.constant 0 : index
    %get3A_20 = vector.load %arg6[%get3A_18, %get3A_19] : memref<256x256xf32, #tpu.memory_space<vmem>>, vector<256x256xf32>
    %dot_general3A = arith.constant dense<0.000000e+00> : vector<2000x256xf32>
    %dot_general3A_21 = tpu.matmul %add3A_17, %get3A_20, %dot_general3A {dimension_numbers = #tpu.dot_dimension_numbers<[1], [0], [0], [1], [0, 0, 1, 1], [], []>, transpose_lhs_hint = false} : vector<2000x256xf32>, vector<256x256xf32>, vector<2000x256xf32> -> vector<2000x256xf32>
    %get3A_22 = arith.constant 0 : index
    %get3A_23 = arith.constant 0 : index
    %get3A_24 = vector.load %arg7[%get3A_22, %get3A_23] : memref<1x256xf32, #tpu.memory_space<vmem>>, vector<1x256xf32>
    %add3A_25 = vector.broadcast %get3A_24 : vector<1x256xf32> to vector<2000x256xf32>
    %add3A_26 = arith.addf %dot_general3A_21, %add3A_25 : vector<2000x256xf32>
    %max3A = arith.constant 0.000000e+00 : f32
    %max3A_27 = vector.broadcast %max3A : f32 to vector<2000x256xf32>
    %max3A_28 = arith.maximumf %add3A_26, %max3A_27 : vector<2000x256xf32>
    %get3A_29 = arith.constant 0 : index
    %get3A_30 = arith.constant 0 : index
    %get3A_31 = vector.load %arg8[%get3A_29, %get3A_30] : memref<256x256xf32, #tpu.memory_space<vmem>>, vector<256x256xf32>
    %dot_general3A_32 = arith.constant dense<0.000000e+00> : vector<2000x256xf32>
    %dot_general3A_33 = tpu.matmul %max3A_28, %get3A_31, %dot_general3A_32 {dimension_numbers = #tpu.dot_dimension_numbers<[1], [0], [0], [1], [0, 0, 1, 1], [], []>, transpose_lhs_hint = false} : vector<2000x256xf32>, vector<256x256xf32>, vector<2000x256xf32> -> vector<2000x256xf32>
    %get3A_34 = arith.constant 0 : index
    %get3A_35 = arith.constant 0 : index
    %get3A_36 = vector.load %arg9[%get3A_34, %get3A_35] : memref<1x256xf32, #tpu.memory_space<vmem>>, vector<1x256xf32>
    %add3A_37 = vector.broadcast %get3A_36 : vector<1x256xf32> to vector<2000x256xf32>
    %add3A_38 = arith.addf %dot_general3A_33, %add3A_37 : vector<2000x256xf32>
    %max3A_39 = arith.constant 0.000000e+00 : f32
    %max3A_40 = vector.broadcast %max3A_39 : f32 to vector<2000x256xf32>
    %max3A_41 = arith.maximumf %add3A_38, %max3A_40 : vector<2000x256xf32>
    %slice3A = vector.extract_strided_slice %max3A_41 {offsets = [0, 0], sizes = [2000, 128], strides = [1, 1]} : vector<2000x256xf32> to vector<2000x128xf32>
    %swap3A = arith.constant 0 : index
    %swap3A_42 = arith.constant 0 : index
    %swap3A_43 = vector.load %arg10[%swap3A, %swap3A_42] : memref<2000x128xf32, #tpu.memory_space<vmem>>, vector<2000x128xf32>
    tpu.vector_store %arg10[%swap3A, %swap3A_42], %slice3A {strides = array<i32>} : memref<2000x128xf32, #tpu.memory_space<vmem>>, vector<2000x128xf32>,
    %slice3A_44 = vector.extract_strided_slice %max3A_41 {offsets = [0, 128], sizes = [2000, 128], strides = [1, 1]} : vector<2000x256xf32> to vector<2000x128xf32>
    %swap3A_45 = arith.constant 0 : index
    %swap3A_46 = arith.constant 0 : index
    %swap3A_47 = vector.load %arg11[%swap3A_45, %swap3A_46] : memref<2000x128xf32, #tpu.memory_space<vmem>>, vector<2000x128xf32>
    tpu.vector_store %arg11[%swap3A_45, %swap3A_46], %slice3A_44 {strides = array<i32>} : memref<2000x128xf32, #tpu.memory_space<vmem>>, vector<2000x128xf32>,
    return
  }
  func.func @transform_0(%arg0: i32) -> (i32, i32) {
    %c0_i32 = arith.constant 0 : i32
    %c0_i32_0 = arith.constant 0 : i32
    %c0_i32_1 = arith.constant 0 : i32
    return %c0_i32, %c0_i32_0 : i32, i32
  }
  func.func @transform_1(%arg0: i32) -> (i32, i32) {
    %c0_i32 = arith.constant 0 : i32
    %c0_i32_0 = arith.constant 0 : i32
    return %arg0, %c0_i32 : i32, i32
  }
  func.func @transform_2(%arg0: i32) -> (i32, i32) {
    %c0_i32 = arith.constant 0 : i32
    %c0_i32_0 = arith.constant 0 : i32
    return %arg0, %c0_i32 : i32, i32
  }
  func.func @transform_3(%arg0: i32) -> (i32, i32) {
    %c0_i32 = arith.constant 0 : i32
    %c0_i32_0 = arith.constant 0 : i32
    return %arg0, %c0_i32 : i32, i32
  }
  func.func @transform_4(%arg0: i32) -> (i32, i32) {
    %c0_i32 = arith.constant 0 : i32
    %c0_i32_0 = arith.constant 0 : i32
    return %arg0, %c0_i32 : i32, i32
  }
  func.func @transform_5(%arg0: i32) -> (i32, i32) {
    %c0_i32 = arith.constant 0 : i32
    %c0_i32_0 = arith.constant 0 : i32
    %c0_i32_1 = arith.constant 0 : i32
    return %c0_i32, %c0_i32_0 : i32, i32
  }
  func.func @transform_6(%arg0: i32) -> (i32, i32) {
    %c0_i32 = arith.constant 0 : i32
    %c0_i32_0 = arith.constant 0 : i32
    %c0_i32_1 = arith.constant 0 : i32
    return %c0_i32, %c0_i32_0 : i32, i32
  }
  func.func @transform_7(%arg0: i32) -> (i32, i32) {
    %c0_i32 = arith.constant 0 : i32
    %c0_i32_0 = arith.constant 0 : i32
    %c0_i32_1 = arith.constant 0 : i32
    return %c0_i32, %c0_i32_0 : i32, i32
  }
  func.func @transform_8(%arg0: i32) -> (i32, i32) {
    %c0_i32 = arith.constant 0 : i32
    %c0_i32_0 = arith.constant 0 : i32
    %c0_i32_1 = arith.constant 0 : i32
    return %c0_i32, %c0_i32_0 : i32, i32
  }
  func.func @transform_9(%arg0: i32) -> (i32, i32) {
    %c0_i32 = arith.constant 0 : i32
    %c0_i32_0 = arith.constant 0 : i32
    return %arg0, %c0_i32 : i32, i32
  }
  func.func @transform_10(%arg0: i32) -> (i32, i32) {
    %c0_i32 = arith.constant 0 : i32
    %c0_i32_0 = arith.constant 0 : i32
    return %arg0, %c0_i32 : i32, i32
  }
}

module attributes {stable_mosaic.version = 14 : i64} {
  func.func @_mlp_body(%arg0: i32, %arg1: memref<1x1xf32, #tpu.memory_space<smem>>, %arg2: memref<2000x128xf32, #tpu.memory_space<vmem>>, %arg3: memref<2000x128xf32, #tpu.memory_space<vmem>>, %arg4: memref<2000x128xf32, #tpu.memory_space<vmem>>, %arg5: memref<2000x128xf32, #tpu.memory_space<vmem>>, %arg6: memref<256x256xf32, #tpu.memory_space<vmem>>, %arg7: memref<1x256xf32, #tpu.memory_space<vmem>>, %arg8: memref<256x256xf32, #tpu.memory_space<vmem>>, %arg9: memref<1x256xf32, #tpu.memory_space<vmem>>, %arg10: memref<2000x128xf32, #tpu.memory_space<vmem>>, %arg11: memref<2000x128xf32, #tpu.memory_space<vmem>>) attributes {dimension_semantics = [#tpu.dimension_semantics<arbitrary>], iteration_bounds = array<i64: 5>, scalar_prefetch = 0 : i64, scratch_operands = 0 : i64, tpu.core_type = #tpu.core_type<tc>, window_params = [{transform_indices = @transform_0, window_bounds = array<i64: 1, 1>}, {transform_indices = @transform_1, window_bounds = array<i64: 2000, 128>}, {transform_indices = @transform_2, window_bounds = array<i64: 2000, 128>}, {transform_indices = @transform_3, window_bounds = array<i64: 2000, 128>}, {transform_indices = @transform_4, window_bounds = array<i64: 2000, 128>}, {pipeline_mode = #tpu.pipeline_mode<synchronous>, transform_indices = @transform_5, window_bounds = array<i64: 256, 256>}, {pipeline_mode = #tpu.pipeline_mode<synchronous>, transform_indices = @transform_6, window_bounds = array<i64: 1, 256>}, {pipeline_mode = #tpu.pipeline_mode<synchronous>, transform_indices = @transform_7, window_bounds = array<i64: 256, 256>}, {pipeline_mode = #tpu.pipeline_mode<synchronous>, transform_indices = @transform_8, window_bounds = array<i64: 1, 256>}, {transform_indices = @transform_9, window_bounds = array<i64: 2000, 128>}, {transform_indices = @transform_10, window_bounds = array<i64: 2000, 128>}]} {
    %get3A = arith.constant 0 : index
    %get3A_0 = arith.constant 0 : index
    %get3A_1 = vector.load %arg2[%get3A, %get3A_0] : memref<2000x128xf32, #tpu.memory_space<vmem>>, vector<2000x128xf32>
    %get3A_2 = arith.constant 0 : index
    %get3A_3 = arith.constant 0 : index
    %get3A_4 = vector.load %arg3[%get3A_2, %get3A_3] : memref<2000x128xf32, #tpu.memory_space<vmem>>, vector<2000x128xf32>
    %concatenate3A = tpu.concatenate %get3A_1, %get3A_4 in 1 : vector<2000x128xf32>, vector<2000x128xf32> -> vector<2000x256xf32>
    %get3A_5 = arith.constant 0 : index
    %get3A_6 = arith.constant 0 : index
    %get3A_7 = vector.load %arg4[%get3A_5, %get3A_6] : memref<2000x128xf32, #tpu.memory_space<vmem>>, vector<2000x128xf32>
    %get3A_8 = arith.constant 0 : index
    %get3A_9 = arith.constant 0 : index
    %get3A_10 = vector.load %arg5[%get3A_8, %get3A_9] : memref<2000x128xf32, #tpu.memory_space<vmem>>, vector<2000x128xf32>
    %concatenate3A_11 = tpu.concatenate %get3A_7, %get3A_10 in 1 : vector<2000x128xf32>, vector<2000x128xf32> -> vector<2000x256xf32>
    %get3A_12 = arith.constant 0 : index
    %get3A_13 = arith.constant 0 : index
    %get3A_14 = memref.load %arg1[%get3A_12, %get3A_13] : memref<1x1xf32, #tpu.memory_space<smem>>
    %add3A = arith.constant 1.000000e+00 : f32
    %add3A_15 = arith.addf %add3A, %get3A_14 : f32
    %mul3A = vector.broadcast %add3A_15 : f32 to vector<2000x256xf32>
    %mul3A_16 = arith.mulf %mul3A, %concatenate3A : vector<2000x256xf32>
    %add3A_17 = arith.addf %mul3A_16, %concatenate3A_11 : vector<2000x256xf32>
    %get3A_18 = arith.constant 0 : index
    %get3A_19 = arith.constant 0 : index
    %get3A_20 = vector.load %arg6[%get3A_18, %get3A_19] : memref<256x256xf32, #tpu.memory_space<vmem>>, vector<256x256xf32>
    %dot_general3A = arith.constant dense<0.000000e+00> : vector<2000x256xf32>
    %dot_general3A_21 = tpu.matmul %add3A_17, %get3A_20, %dot_general3A {dimension_numbers = #tpu.dot_dimension_numbers<[1], [0], [0], [1], [0, 0, 1, 1], [], []>, transpose_lhs_hint = false} : vector<2000x256xf32>, vector<256x256xf32>, vector<2000x256xf32> -> vector<2000x256xf32>
    %get3A_22 = arith.constant 0 : index
    %get3A_23 = arith.constant 0 : index
    %get3A_24 = vector.load %arg7[%get3A_22, %get3A_23] : memref<1x256xf32, #tpu.memory_space<vmem>>, vector<1x256xf32>
    %add3A_25 = vector.broadcast %get3A_24 : vector<1x256xf32> to vector<2000x256xf32>
    %add3A_26 = arith.addf %dot_general3A_21, %add3A_25 : vector<2000x256xf32>
    %max3A = arith.constant 0.000000e+00 : f32
    %max3A_27 = vector.broadcast %max3A : f32 to vector<2000x256xf32>
    %max3A_28 = arith.maximumf %add3A_26, %max3A_27 : vector<2000x256xf32>
    %get3A_29 = arith.constant 0 : index
    %get3A_30 = arith.constant 0 : index
    %get3A_31 = vector.load %arg8[%get3A_29, %get3A_30] : memref<256x256xf32, #tpu.memory_space<vmem>>, vector<256x256xf32>
    %dot_general3A_32 = arith.constant dense<0.000000e+00> : vector<2000x256xf32>
    %dot_general3A_33 = tpu.matmul %max3A_28, %get3A_31, %dot_general3A_32 {dimension_numbers = #tpu.dot_dimension_numbers<[1], [0], [0], [1], [0, 0, 1, 1], [], []>, transpose_lhs_hint = false} : vector<2000x256xf32>, vector<256x256xf32>, vector<2000x256xf32> -> vector<2000x256xf32>
    %get3A_34 = arith.constant 0 : index
    %get3A_35 = arith.constant 0 : index
    %get3A_36 = vector.load %arg9[%get3A_34, %get3A_35] : memref<1x256xf32, #tpu.memory_space<vmem>>, vector<1x256xf32>
    %add3A_37 = vector.broadcast %get3A_36 : vector<1x256xf32> to vector<2000x256xf32>
    %add3A_38 = arith.addf %dot_general3A_33, %add3A_37 : vector<2000x256xf32>
    %slice3A = vector.extract_strided_slice %add3A_38 {offsets = [0, 0], sizes = [2000, 128], strides = [1, 1]} : vector<2000x256xf32> to vector<2000x128xf32>
    %swap3A = arith.constant 0 : index
    %swap3A_39 = arith.constant 0 : index
    %swap3A_40 = vector.load %arg10[%swap3A, %swap3A_39] : memref<2000x128xf32, #tpu.memory_space<vmem>>, vector<2000x128xf32>
    tpu.vector_store %arg10[%swap3A, %swap3A_39], %slice3A {strides = array<i32>} : memref<2000x128xf32, #tpu.memory_space<vmem>>, vector<2000x128xf32>,
    %slice3A_41 = vector.extract_strided_slice %add3A_38 {offsets = [0, 128], sizes = [2000, 128], strides = [1, 1]} : vector<2000x256xf32> to vector<2000x128xf32>
    %swap3A_42 = arith.constant 0 : index
    %swap3A_43 = arith.constant 0 : index
    %swap3A_44 = vector.load %arg11[%swap3A_42, %swap3A_43] : memref<2000x128xf32, #tpu.memory_space<vmem>>, vector<2000x128xf32>
    tpu.vector_store %arg11[%swap3A_42, %swap3A_43], %slice3A_41 {strides = array<i32>} : memref<2000x128xf32, #tpu.memory_space<vmem>>, vector<2000x128xf32>,
    return
  }
  func.func @transform_0(%arg0: i32) -> (i32, i32) {
    %c0_i32 = arith.constant 0 : i32
    %c0_i32_0 = arith.constant 0 : i32
    %c0_i32_1 = arith.constant 0 : i32
    return %c0_i32, %c0_i32_0 : i32, i32
  }
  func.func @transform_1(%arg0: i32) -> (i32, i32) {
    %c0_i32 = arith.constant 0 : i32
    %c0_i32_0 = arith.constant 0 : i32
    return %arg0, %c0_i32 : i32, i32
  }
  func.func @transform_2(%arg0: i32) -> (i32, i32) {
    %c0_i32 = arith.constant 0 : i32
    %c0_i32_0 = arith.constant 0 : i32
    return %arg0, %c0_i32 : i32, i32
  }
  func.func @transform_3(%arg0: i32) -> (i32, i32) {
    %c0_i32 = arith.constant 0 : i32
    %c0_i32_0 = arith.constant 0 : i32
    return %arg0, %c0_i32 : i32, i32
  }
  func.func @transform_4(%arg0: i32) -> (i32, i32) {
    %c0_i32 = arith.constant 0 : i32
    %c0_i32_0 = arith.constant 0 : i32
    return %arg0, %c0_i32 : i32, i32
  }
  func.func @transform_5(%arg0: i32) -> (i32, i32) {
    %c0_i32 = arith.constant 0 : i32
    %c0_i32_0 = arith.constant 0 : i32
    %c0_i32_1 = arith.constant 0 : i32
    return %c0_i32, %c0_i32_0 : i32, i32
  }
  func.func @transform_6(%arg0: i32) -> (i32, i32) {
    %c0_i32 = arith.constant 0 : i32
    %c0_i32_0 = arith.constant 0 : i32
    %c0_i32_1 = arith.constant 0 : i32
    return %c0_i32, %c0_i32_0 : i32, i32
  }
  func.func @transform_7(%arg0: i32) -> (i32, i32) {
    %c0_i32 = arith.constant 0 : i32
    %c0_i32_0 = arith.constant 0 : i32
    %c0_i32_1 = arith.constant 0 : i32
    return %c0_i32, %c0_i32_0 : i32, i32
  }
  func.func @transform_8(%arg0: i32) -> (i32, i32) {
    %c0_i32 = arith.constant 0 : i32
    %c0_i32_0 = arith.constant 0 : i32
    %c0_i32_1 = arith.constant 0 : i32
    return %c0_i32, %c0_i32_0 : i32, i32
  }
  func.func @transform_9(%arg0: i32) -> (i32, i32) {
    %c0_i32 = arith.constant 0 : i32
    %c0_i32_0 = arith.constant 0 : i32
    return %arg0, %c0_i32 : i32, i32
  }
  func.func @transform_10(%arg0: i32) -> (i32, i32) {
    %c0_i32 = arith.constant 0 : i32
    %c0_i32_0 = arith.constant 0 : i32
    return %arg0, %c0_i32 : i32, i32
  }
}

module attributes {stable_mosaic.version = 14 : i64} {
  func.func @_head_body(%arg0: memref<8192x128xf32, #tpu.memory_space<vmem>>, %arg1: memref<8192x128xf32, #tpu.memory_space<vmem>>, %arg2: memref<128x128xf32, #tpu.memory_space<vmem>>, %arg3: memref<128x128xf32, #tpu.memory_space<vmem>>, %arg4: memref<128x128xf32, #tpu.memory_space<vmem>>, %arg5: memref<128x128xf32, #tpu.memory_space<vmem>>, %arg6: memref<1x128xf32, #tpu.memory_space<vmem>>, %arg7: memref<4096x128xf32, #tpu.memory_space<vmem>>, %arg8: memref<4096x128xf32, #tpu.memory_space<vmem>>, %arg9: memref<1x1xf32, #tpu.memory_space<vmem>>) attributes {dimension_semantics = [], scalar_prefetch = 0 : i64, scratch_operands = 0 : i64, tpu.core_type = #tpu.core_type<tc>} {
    %get3A = arith.constant 0 : index
    %get3A_0 = arith.constant 0 : index
    %get3A_1 = vector.load %arg0[%get3A, %get3A_0] : memref<8192x128xf32, #tpu.memory_space<vmem>>, vector<4096x128xf32>
    %get3A_2 = arith.constant 0 : index
    %get3A_3 = arith.constant 0 : index
    %get3A_4 = vector.load %arg2[%get3A_2, %get3A_3] : memref<128x128xf32, #tpu.memory_space<vmem>>, vector<128x128xf32>
    %dot_general3A = arith.constant dense<0.000000e+00> : vector<4096x128xf32>
    %dot_general3A_5 = tpu.matmul %get3A_1, %get3A_4, %dot_general3A {dimension_numbers = #tpu.dot_dimension_numbers<[1], [0], [0], [1], [0, 0, 1, 1], [], []>, transpose_lhs_hint = false} : vector<4096x128xf32>, vector<128x128xf32>, vector<4096x128xf32> -> vector<4096x128xf32>
    %get3A_6 = arith.constant 0 : index
    %get3A_7 = arith.constant 0 : index
    %get3A_8 = vector.load %arg1[%get3A_6, %get3A_7] : memref<8192x128xf32, #tpu.memory_space<vmem>>, vector<4096x128xf32>
    %get3A_9 = arith.constant 0 : index
    %get3A_10 = arith.constant 0 : index
    %get3A_11 = vector.load %arg3[%get3A_9, %get3A_10] : memref<128x128xf32, #tpu.memory_space<vmem>>, vector<128x128xf32>
    %dot_general3A_12 = arith.constant dense<0.000000e+00> : vector<4096x128xf32>
    %dot_general3A_13 = tpu.matmul %get3A_8, %get3A_11, %dot_general3A_12 {dimension_numbers = #tpu.dot_dimension_numbers<[1], [0], [0], [1], [0, 0, 1, 1], [], []>, transpose_lhs_hint = false} : vector<4096x128xf32>, vector<128x128xf32>, vector<4096x128xf32> -> vector<4096x128xf32>
    %add3A = arith.addf %dot_general3A_5, %dot_general3A_13 : vector<4096x128xf32>
    %get3A_14 = arith.constant 4096 : index
    %get3A_15 = arith.constant 0 : index
    %get3A_16 = vector.load %arg0[%get3A_14, %get3A_15] : memref<8192x128xf32, #tpu.memory_space<vmem>>, vector<4096x128xf32>
    %get3A_17 = arith.constant 0 : index
    %get3A_18 = arith.constant 0 : index
    %get3A_19 = vector.load %arg4[%get3A_17, %get3A_18] : memref<128x128xf32, #tpu.memory_space<vmem>>, vector<128x128xf32>
    %dot_general3A_20 = arith.constant dense<0.000000e+00> : vector<4096x128xf32>
    %dot_general3A_21 = tpu.matmul %get3A_16, %get3A_19, %dot_general3A_20 {dimension_numbers = #tpu.dot_dimension_numbers<[1], [0], [0], [1], [0, 0, 1, 1], [], []>, transpose_lhs_hint = false} : vector<4096x128xf32>, vector<128x128xf32>, vector<4096x128xf32> -> vector<4096x128xf32>
    %add3A_22 = arith.addf %add3A, %dot_general3A_21 : vector<4096x128xf32>
    %get3A_23 = arith.constant 4096 : index
    %get3A_24 = arith.constant 0 : index
    %get3A_25 = vector.load %arg1[%get3A_23, %get3A_24] : memref<8192x128xf32, #tpu.memory_space<vmem>>, vector<4096x128xf32>
    %get3A_26 = arith.constant 0 : index
    %get3A_27 = arith.constant 0 : index
    %get3A_28 = vector.load %arg5[%get3A_26, %get3A_27] : memref<128x128xf32, #tpu.memory_space<vmem>>, vector<128x128xf32>
    %dot_general3A_29 = arith.constant dense<0.000000e+00> : vector<4096x128xf32>
    %dot_general3A_30 = tpu.matmul %get3A_25, %get3A_28, %dot_general3A_29 {dimension_numbers = #tpu.dot_dimension_numbers<[1], [0], [0], [1], [0, 0, 1, 1], [], []>, transpose_lhs_hint = false} : vector<4096x128xf32>, vector<128x128xf32>, vector<4096x128xf32> -> vector<4096x128xf32>
    %add3A_31 = arith.addf %add3A_22, %dot_general3A_30 : vector<4096x128xf32>
    %get3A_32 = arith.constant 0 : index
    %get3A_33 = arith.constant 0 : index
    %get3A_34 = vector.load %arg6[%get3A_32, %get3A_33] : memref<1x128xf32, #tpu.memory_space<vmem>>, vector<1x128xf32>
    %add3A_35 = vector.broadcast %get3A_34 : vector<1x128xf32> to vector<4096x128xf32>
    %add3A_36 = arith.addf %add3A_31, %add3A_35 : vector<4096x128xf32>
    %swap3A = arith.constant 0 : index
    %swap3A_37 = arith.constant 0 : index
    %swap3A_38 = vector.load %arg8[%swap3A, %swap3A_37] : memref<4096x128xf32, #tpu.memory_space<vmem>>, vector<4096x128xf32>
    tpu.vector_store %arg8[%swap3A, %swap3A_37], %add3A_36 {strides = array<i32>} : memref<4096x128xf32, #tpu.memory_space<vmem>>, vector<4096x128xf32>,
    %get3A_39 = arith.constant 0 : index
    %get3A_40 = arith.constant 0 : index
    %get3A_41 = vector.load %arg7[%get3A_39, %get3A_40] : memref<4096x128xf32, #tpu.memory_space<vmem>>, vector<4096x128xf32>
    %max3A = arith.constant 0.000000e+00 : f32
    %max3A_42 = vector.broadcast %max3A : f32 to vector<4096x128xf32>
    %max3A_43 = arith.maximumf %add3A_36, %max3A_42 : vector<4096x128xf32>
    %mul3A = arith.mulf %add3A_36, %get3A_41 : vector<4096x128xf32>
    %sub3A = arith.subf %max3A_43, %mul3A : vector<4096x128xf32>
    %abs3A = math.absf %add3A_36 : vector<4096x128xf32>
    %neg3A = arith.constant 0.000000e+00 : f32
    %neg3A_44 = vector.broadcast %neg3A : f32 to vector<4096x128xf32>
    %neg3A_45 = arith.subf %neg3A_44, %abs3A : vector<4096x128xf32>
    %exp3A = math.exp %neg3A_45 : vector<4096x128xf32>
    %log1p3A = math.log1p %exp3A : vector<4096x128xf32>
    %add3A_46 = arith.addf %sub3A, %log1p3A : vector<4096x128xf32>
    %iota3A = tpu.iota {dimensions = array<i32: 1>} : vector<4096x128xi32>
    %lt3A = arith.constant 7 : i32
    %lt3A_47 = vector.broadcast %lt3A : i32 to vector<4096x128xi32>
    %lt3A_48 = arith.cmpi slt, %iota3A, %lt3A_47 : vector<4096x128xi32>
    %jit3A = arith.constant 0.000000e+00 : f32
    %broadcast_in_dim3A = vector.broadcast %jit3A : f32 to vector<4096x128xf32>
    %select_n3A = arith.select %lt3A_48, %add3A_46, %broadcast_in_dim3A : vector<4096x128xi1>, vector<4096x128xf32>
    %reduce_sum3A = vector.shape_cast %select_n3A : vector<4096x128xf32> to vector<1x4096x128xf32>
    %reduce_sum3A_49 = arith.constant dense<0.000000e+00> : vector<1xf32>
    %reduce_sum3A_50 = vector.multi_reduction <add>, %reduce_sum3A, %reduce_sum3A_49 [1, 2] : vector<1x4096x128xf32> to vector<1xf32>
    %reduce_sum3A_51 = vector.shape_cast %reduce_sum3A_50 : vector<1xf32> to vector<1x1x1xf32>
    %reduce_sum3A_52 = vector.extract %reduce_sum3A_51[0, 0, 0] : f32 from vector<1x1x1xf32>
    %div3A = arith.constant 2.867200e+04 : f32
    %div3A_53 = arith.divf %reduce_sum3A_52, %div3A : f32
    %reshape3A = vector.broadcast %div3A_53 : f32 to vector<1x1xf32>
    %swap3A_54 = arith.constant 0 : index
    %swap3A_55 = arith.constant 0 : index
    %swap3A_56 = vector.load %arg9[%swap3A_54, %swap3A_55] : memref<1x1xf32, #tpu.memory_space<vmem>>, vector<1x1xf32>
    tpu.vector_store %arg9[%swap3A_54, %swap3A_55], %reshape3A {strides = array<i32>} : memref<1x1xf32, #tpu.memory_space<vmem>>, vector<1x1xf32>,
    return
  }
}

</mosaic_0001>

<sc_bundles>
// kernel: kernel.11.cloned.1.call-start
scs
__scs_entry_jumppad:
0x0: {  	(pc) =	sbr.rel $0x88, $3  }
0x1: {  	(tag) =	ssettag $0x0;
	lr =	simm.s32 $0x1  }
0x2: {  	[smem:$0x3F90] =	sst lr;
	_ =	strace $0xD0000000  }
0x3: {  	_ = 	snop  }
0x4: {  	_ = 	snop  }
0x5: {  	_ = 	snop  }
0x6: {  	_ = 	snop  }
0x7: {  	_ = 	snop  }
__scs_overlays_trampoline_lowered:
0x8: {  	[smem:$0x3F9F] =	sst s0  }
0x9: {  	[smem:$0x3FA0] =	sst s1  }
0xa: {  	[smem:$0x3FA1] =	sst s2  }
0xb: {  	[smem:$0x3FA2] =	sst s3  }
0xc: {  	[smem:$0x3FA3] =	sst s4  }
0xd: {  	[smem:$0x3FA4] =	sst s5  }
0xe: {  	[smem:$0x3FA5] =	sst s6  }
0xf: {  	[smem:$0x3FA6] =	sst s7  }
0x10: {  	[smem:$0x3FA7] =	sst s8  }
0x11: {  	[smem:$0x3FA8] =	sst s9;
	s0 =	simm.s32 @!p0 $0x0  }
0x12: {  	s1 =	sld [smem:$0x3F8E];
	s0 =	simm.s32 @p0 $0x1  }
0x13: {  	[smem:$0x3FA9] =	sst s0;
	s0 =	simm.s32 @!p1 $0x0  }
0x14: {  	s2 =	sld [smem:$0x3F8D];
	s0 =	simm.s32 @p1 $0x1  }
0x15: {  	[smem:$0x3FAA] =	sst s0;
	s0 =	simm.s32 @!p2 $0x0  }
0x16: {  	s3 =	sld [smem:$0x3FDB];
	s0 =	simm.s32 @p2 $0x1  }
0x17: {  	s4 =	simm.s32 $0x1BF5;
	[smem:$0x3FAC] =	sst s0  }
0x18: {  	s0 =	sld [smem:$0x3F8F];
	_ =	swait.ge [sflag:s4], $0x0  }
0x19: {  	s7 =	sld [smem:$0x3F90]  }
0x1a: {  	s8 =	sadd.s32 $0xFFFFE003, lr  }
0x1b: {  	s9 =	sadd.s32 $0xFFFFFEF7, lr;
	s5 =	simm.s32 $0xFFFFFFFF;
	p2 =	slt.u32 s8, $0xFFFFF086  }
0x1c: {  	p1 =	slt.u32 s9, $0xF7A;
	s5 =	simm.s32 @!p2 $0x0  }
0x1d: {  	s5 =	simm.s32 @p1 $0x1;
	p0 =	seq.s32 s7, s2  }
0x1e: {  	s7 =	smul.u32 @!p0 $0xF7A, s2;
	p2 =	seq.s32 @!p0 s5, $0x0  }
0x1f: {  	s9 =	smul.u32 $0xF7A, s1;
	s8 =	simm.s32 @!p0 $0x1BF5;
	p2 =	por !p2, p0  }
0x20: {  	[sflag:s8] =	ssyncset.s32 @!p0 $0xFFFFF086;
	s6 =	sadd.s32 @!p0 s3, s7;
	s7 =	simm.s32 @!p0 $0x108  }
0x21: {  	s3 =	sadd.s32 s3, s9;
	s6 =	sadd.s32 @!p0 $0x88, s6;
	s7 =	simm.s32 @p2 $0x1082  }
0x22: {  	[simem:s7], [sflag:s8] =	dma.local @!p0 [hbm:s6], $0xF7A  }
0x23: {  	s9 =	sor.u32 $0xD0000000, s2;
	s6 =	simm.s32 $0x108;
	_ =	swait.ge @!p0 [sflag:s8], $0x0  }
0x24: {  	s3 =	sadd.s32 $0x88, s3;
	s6 =	simm.s32 @!p1 $0x1082;
	[sflag:s4] =	ssyncset.s32 $0xFFFFF086  }
0x25: {  	[simem:s6], [sflag:s4] =	dma.local [hbm:s3], $0xF7A  }
0x26: {  	[smem:$0x3F90] =	sst s1;
	(tag) =	ssettag s2;
	_ =	strace s9  }
0x27: {  	s1 =	sld [smem:$0x3FA0]  }
0x28: {  	s2 =	sld [smem:$0x3FA1]  }
0x29: {  	s4 =	sld [smem:$0x3FA3]  }
0x2a: {  	p0 =	seq.s32 s5, $0x0;
	s5 =	sld [smem:$0x3FA4]  }
0x2b: {  	s6 =	sld [smem:$0x3FA5]  }
0x2c: {  	s7 =	sld [smem:$0x3FA6]  }
0x2d: {  	s3 =	simm.s32 $0x108;
	s8 =	sld [smem:$0x3FA7]  }
0x2e: {  	s3 =	simm.s32 @!p0 $0x1082;
	s9 =	sld [smem:$0x3FA8]  }
0x2f: {  	lr =	sadd.s32 s0, s3;
	s0 =	sld [smem:$0x3F9F]  }
0x30: {  	s3 =	sld [smem:$0x3FA2]  }
0x31: {  	[smem:$0x3FAB] =	sst s10  }
0x32: {  	s10 =	sld [smem:$0x3FA9];
	_ =	sdelay $0x3  }
0x33: {  	p0 =	seq.s32 s10, $0x1;
	s10 =	sld [smem:$0x3FAB];
	_ =	sdelay $0x3  }
0x34: {  	[smem:$0x3FAB] =	sst s10  }
0x35: {  	s10 =	sld [smem:$0x3FAA];
	_ =	sdelay $0x3  }
0x36: {  	p1 =	seq.s32 s10, $0x1;
	s10 =	sld [smem:$0x3FAB];
	_ =	sdelay $0x3  }
0x37: {  	[smem:$0x3FAB] =	sst s10  }
0x38: {  	s10 =	sld [smem:$0x3FAC]  }
0x39: {  	_ = 	snop;
	(pc) =	sbr.ind lr, $3  }
0x3a: {  	_ = 	snop  }
0x3b: {  	_ = 	snop  }
0x3c: {  	p2 =	seq.s32 s10, $0x1;
	s10 =	sld [smem:$0x3FAB]  }
0x3d: {  	_ =	shalt  }
0x3e: {  	_ =	shalt  }
0x3f: {  	_ =	shalt  }
0x40: {  	_ =	shalt  }
0x41: {  	_ =	shalt  }
0x42: {  	_ =	shalt  }
0x43: {  	_ =	shalt  }
0x44: {  	_ =	shalt  }
0x45: {  	_ =	shalt  }
0x46: {  	_ =	shalt  }
0x47: {  	_ =	shalt  }
0x48: {  	_ =	shalt  }
0x49: {  	_ =	shalt  }
0x4a: {  	_ =	shalt  }
0x4b: {  	_ =	shalt  }
0x4c: {  	_ =	shalt  }
0x4d: {  	_ =	shalt  }
0x4e: {  	_ =	shalt  }
0x4f: {  	_ =	shalt  }
0x50: {  	_ =	shalt  }
0x51: {  	_ =	shalt  }
0x52: {  	_ =	shalt  }
0x53: {  	_ =	shalt  }
0x54: {  	_ =	shalt  }
0x55: {  	_ =	shalt  }
0x56: {  	_ =	shalt  }
0x57: {  	_ =	shalt  }
0x58: {  	_ =	shalt  }
0x59: {  	_ =	shalt  }
0x5a: {  	_ =	shalt  }
0x5b: {  	_ =	shalt  }
0x5c: {  	_ =	shalt  }
0x5d: {  	_ =	shalt  }
0x5e: {  	_ =	shalt  }
0x5f: {  	_ =	shalt  }
0x60: {  	_ =	shalt  }
0x61: {  	_ =	shalt  }
0x62: {  	_ =	shalt  }
0x63: {  	_ =	shalt  }
0x64: {  	_ =	shalt  }
0x65: {  	_ =	shalt  }
0x66: {  	_ =	shalt  }
0x67: {  	_ =	shalt  }
0x68: {  	_ =	shalt  }
0x69: {  	_ =	shalt  }
0x6a: {  	_ =	shalt  }
0x6b: {  	_ =	shalt  }
0x6c: {  	_ =	shalt  }
0x6d: {  	_ =	shalt  }
0x6e: {  	_ =	shalt  }
0x6f: {  	_ =	shalt  }
0x70: {  	_ =	shalt  }
0x71: {  	_ =	shalt  }
0x72: {  	_ =	shalt  }
0x73: {  	_ =	shalt  }
0x74: {  	_ =	shalt  }
0x75: {  	_ =	shalt  }
0x76: {  	_ =	shalt  }
0x77: {  	_ =	shalt  }
0x78: {  	_ =	shalt  }
0x79: {  	_ =	shalt  }
0x7a: {  	_ =	shalt  }
0x7b: {  	_ =	shalt  }
0x7c: {  	_ =	shalt  }
0x7d: {  	_ =	shalt  }
0x7e: {  	_ =	shalt  }
0x7f: {  	_ =	shalt  }
0x80: {  	_ =	shalt  }
0x81: {  	_ =	shalt  }
0x82: {  	_ =	shalt  }
0x83: {  	_ =	shalt  }
0x84: {  	_ =	shalt  }
0x85: {  	_ =	shalt  }
0x86: {  	_ =	shalt  }
0x87: {  	_ =	shalt  }
.Lfunc_end0:
.L_simem_size_0:
called_computation.1_lowered:
.L_overlay_start_0:
0x88: {  	s2 =	sld [smem:$0x3FD9]  }
0x89: {  	s3 =	sld [smem:$0x3FFE];
	_ =	sdelay $0x1  }
0x8a: {  	s1 =	srdreg.scid  }
0x8b: {  	s0 =	sand.u32 $0x1, s1  }
0x8c: {  	s17 =	sshll.u32 s0, $0xA;
	s2 =	sadd.s32 s3, s2  }
0x8d: {  	s2 =	sadd.s32 s2, s17  }
0x8e: {  	[smem:$0x3FB7] =	sst s2  }
0x8f: {  	_ = 	snop  }
0x90: {  	s2 =	sld [smem:$0x3FC7];
	(tm) =	ssettm $0x1  }
0x91: {  	s18 =	sld [smem:$0x3FFB];
	_ =	sdelay $0x3  }
0x92: {  	_ =	strace s18  }
0x93: {  	s3 =	sld [smem:$0x3FFC];
	_ =	sdelay $0x3  }
0x94: {  	_ =	strace s3  }
0x95: {  	s3 =	sld [smem:$0x3FFD];
	_ =	sdelay $0x3  }
0x96: {  	_ =	strace s3  }
0x97: {  	_ =	strace $0x8FFFFFFF  }
0x98: {  	s19 =	sld [smem:$0x3FDB];
	_ =	sdelay $0x1  }
0x99: {  	s4 =	simm.s32 $_scs_section_size  }
0x9a: {  	s5 =	simm.s32 $_size__tile_overlayer_lowered;
	s6 =	simm.s32 $_tile_overlayer_lowered  }
0x9b: {  	s22 =	simm.s32 $0x1BFF;
	s21 =	sshll.u32 s6, $0x1;
	s3 =	sadd.s32 s4, s19  }
0x9c: {  	s7 =	simm.s32 $0x0;
	s20 =	sshll.u32 s5, $0x1;
	s5 =	sadd.s32 s21, s3  }
0x9d: {  	[timem:s7], [sflag:s22] =	dma.local [hbm:s5], s20  }
0x9e: {  	_ =	swait.ge [sflag:s22], s20  }
0x9f: {  	s4 =	ssub.s32 $0x0, s20;
	[sflag:s22] =	ssyncset.done $0x0  }
0xa0: {  	[sflag:s22] =	ssyncadd.s32 s4;
	_ =	sdelay $0x1  }
0xa1: {  	s23 =	simm.s32 $0x1B8B  }
0xa2: {  	_ =	swait.ge [sflag:s23], $0x1  }
0xa3: {  	[sflag:s23] =	ssyncset.done $0x0  }
0xa4: {  	s25 =	simm.s32 $0x1B8E;
	s24 =	sld [smem:$0x3FFE];
	[sflag:s23] =	ssyncadd.s32 $0xFFFFFFFF  }
0xa5: {  	s26 =	simm.s32 $execute0_lowered;
	[smem:$0x3FD2] =	sst s25  }
0xa6: {  	s5 =	sshll.u32 s26, $0x1;
	_ =	strace $0x80000049;
	[dreg:$0x1] =	wrdreg $0xFFFFFFFF  }
0xa7: {  	s28 =	simm.s32 $_size_execute0_lowered;
	s3 =	sadd.s32 s3, s5;
	[dreg:$0x0] =	wrdreg $0x0  }
0xa8: {  	s5 =	sshll.u32 s28, $0x1;
	[dreg:$0x2] =	wrdreg s3  }
0xa9: {  	[dreg:$0x3] =	wrdreg s5  }
0xaa: {  	[dreg:$0x4] =	wrdreg $0xC0  }
0xab: {  	_ =	task [dreg:s7], $0x5FFFF  }
0xac: {  	[dreg:$0x1] =	wrdreg $0xFFFFFFFF  }
0xad: {  	[dreg:$0x0] =	wrdreg $0x60  }
0xae: {  	[dreg:$0x2] =	wrdreg s24  }
0xaf: {  	[dreg:$0x3] =	wrdreg s2  }
0xb0: {  	[dreg:$0x4] =	wrdreg $0xA6000  }
0xb1: {  	[dreg:$0x5] =	wrdreg $0x9  }
0xb2: {  	_ =	task.clear_ibuf [dreg:s7], $0x6FFFF;
	_ =	strace $0x90000049  }
0xb3: {  	s29 =	simm.s32 $0x9;
	_ =	strace $0x8000004B  }
0xb4: {  	_ =	swait.ge [sflag:s29], $0x1  }
0xb5: {  	[sflag:s29] =	ssyncadd.s32 $0xFFFFFFFF  }
0xb6: {  	_ =	strace $0x9000004B  }
0xb7: {  	_ =	sfence  }
0xb8: {  	s30 =	sld [smem:$0x0];
	_ =	sdelay $0x2  }
0xb9: {  	s31 =	sshll.u32 s1, $0xD;
	s1 =	sshrl.u32 s1, $0x2  }
0xba: {  	s3 =	sand.u32 $0x4000, s31;
	s1 =	sadd.s32 s1, s30  }
0xbb: {  	s0 =	sor.u32 s3, s0;
	s1 =	sshll.u32 s1, $0x11  }
0xbc: {  	s0 =	sor.u32 s1, s0  }
0xbd: {  	s0 =	sadd.s32 $0x8F2B, s0  }
0xbe: {  	[sflag:s0] =	ssyncadd.remote.s32 $0x1  }
0xbf: {  	_ =	sfence.sel $0xFFFF  }
0xc0: {  	[dreg:$0x0] =	wrdreg $0xFFFFFFFF;
	(pc) =	sbr.abs _section_cstart, $3  }
0xc1: {  	[dreg:$0x1] =	wrdreg $0xFFFFFFFF  }
0xc2: {  	_ =	task.clear_ibuf [dreg:s7], $0x2FFFF;
	_ =	strace $0x9FFFFFFF  }
0xc3: {  	(tm) =	ssettm $0x7FFFFFFF  }
tec
execute0_lowered:
.L_overlay_start_1:
0x0: {  	(tag) =	ssettag $0x1  }
0x1: {  	s0 =	rddreg [dreg:$0x0]  }
0x2: {  	s7 =	rddreg [dreg:$0x1]  }
0x3: {  	s2 =	rddreg [dreg:$0x2];
	s3 =	simm.s32 $0x0;
	s1 =	stileid.u32  }
0x4: {  	s4 =	srdreg.scid;
	s31 =	simm.s32 $0x13;
	s8 =	smul.u32 $0x2700, s1  }
0x5: {  	[smem:$0x7FF] =	sst s3;
	s9 =	sand.u32 $0x1, s4;
	s4 =	smul.u32 $0x2710, s1  }
0x6: {  	s5 =	sadd.s32 $0x57800, s0;
	s6 =	sadd.s32 $0x52800, s0;
	s14 =	smul.u32 $0x4E200, s1  }
0x7: {  	s29 =	smul.u32 $0x4E000, s1;
	s22 =	sadd.s32 $0xA8300, s0;
	s30 =	sadd.s32 $0x124800, s2  }
0x8: {  	_ =	strace $0x8000004A;
	s10 =	ssub.s32 $0x2, s9;
	p0 =	seq.s32 s9, $0x0  }
0x9: {  	s20 =	sshll.u32 s9, $0x7;
	p3 =	sne.s32 s9, $0x0;
	[dreg:$0xd] =	wrdreg s22  }
0xa: {  	s22 =	simm.s32 $0x600;
	s9 =	simm.s32 $0x7E00;
	s11 =	sshrl.u32 s10, $0x1  }
0xb: {  	s8 =	sadd.s32 s8, s0;
	s23 =	sadd.s32 $0x50, s4;
	s12 =	sshrl.u32 s4, $0x3  }
0xc: {  	s26 =	sshrl.u32 s14, $0x2;
	p1 =	seq.s32 @p3 s1, $0xF;
	s15 =	sadd.s32 s5, s12  }
0xd: {  	p4 =	seq.s32 @!p3 s1, $0xF;
	s12 =	sadd.s32 s6, s12;
	[dreg:$0x4] =	wrdreg s15  }
0xe: {  	s10 =	ssub.s32 s10, s11;
	s21 =	sadd.s32 $0x83A00, s8;
	[dreg:$0x5] =	wrdreg s12  }
0xf: {  	s13 =	sshrl.u32 s23, $0x3;
	s8 =	sadd.s32 $0x5C800, s8;
	[dreg:$0xc] =	wrdreg s21  }
0x10: {  	s28 =	sshll.u32 s23, $0x5;
	s24 =	sadd.s32 s5, s13;
	[dreg:$0xe] =	wrdreg s8  }
0x11: {  	s11 =	sadd.s32 s26, s2;
	s25 =	sadd.s32 s6, s13;
	[dreg:$0x6] =	wrdreg s24  }
0x12: {  	p2 =	por !p4, p3;
	s16 =	sadd.s32 $0x2800, s11;
	[dreg:$0x7] =	wrdreg s25  }
0x13: {  	s17 =	sadd.s32 $0x5000, s11;
	s18 =	sadd.s32 $0x7800, s11;
	[dreg:$0x8] =	wrdreg s16  }
0x14: {  	s19 =	sadd.s32 $0xA000, s11;
	s12 =	sshrl.u32 s29, $0x2;
	[dreg:$0x9] =	wrdreg s17  }
0x15: {  	s23 =	smax.u32 s10, $0x1;
	s26 =	sadd.s32 $0xC800, s11;
	[dreg:$0xa] =	wrdreg s18  }
0x16: {  	s29 =	sadd.s32 $0x11800, s11;
	s10 =	simm.s32 $0xB;
	[dreg:$0xb] =	wrdreg s19  }
0x17: {  	s13 =	simm.s32 $0xF;
	s15 =	simm.s32 $0x11;
	[dreg:$0x10] =	wrdreg s23  }
0x18: {  	s16 =	sadd.s32 s12, s2;
	s17 =	sadd.s32 s20, s7;
	[dreg:$0x13] =	wrdreg s26  }
0x19: {  	s7 =	simm.s32 $0x4400;
	[dreg:$0x15] =	wrdreg s29;
	s12 =	simm.s32 $0x50  }
0x1a: {  	s18 =	simm.s32 $0x12;
	s19 =	simm.s32 $0x0;
	s7 =	simm.s32 @!p0 $0x2B600  }
0x1b: {  	s24 =	sadd.s32 s17, s14;
	s25 =	sadd.s32 s17, s28;
	p0 =	por !p1, !p3  }
0x1c: {  	p1 =	por p1, !p3;
	p3 =	por p4, p3;
	[dreg:$0x11] =	wrdreg s24  }
0x1d: {  	s28 =	sadd.s32 $0xF000, s11;
	s14 =	simm.s32 $0x10;
	[dreg:$0x12] =	wrdreg s25  }
0x1e: {  	s21 =	sadd.s32 s7, s0;
	s0 =	sadd.s32 $0x81100, s0;
	[dreg:$0x14] =	wrdreg s28  }
0x1f: {  	v0 =	vimm.f32 $0.0e+00;
	s7 =	simm.s32 $0x800;
	[dreg:$0xf] =	wrdreg s0;
	s0 =	simm.s32 $0x400  }
.LBB2_1:
0x20: {  	s1 =	rddreg [dreg:$0x4]  }
0x21: {  	[tilespmem:s3], [sflag:$0x13] =	stream.linear.gather [hbm4b:s1+s3], $0x50, $0x38;
	[tilespmem:$0x1DE80] =	vst v63  }
0x22: {  	_ =	swait.ge [sflag:s31], $0x50  }
0x23: {  	[sflag:s31] =	ssyncset.done $0x0  }
0x24: {  	s8 =	simm.s32 $0x200;
	s29 =	rddreg [dreg:$0x5];
	[sflag:s31] =	ssyncadd.s32 $0xFFFFFFB0  }
0x25: {  	[tilespmem:s8], [sflag:$0x13] =	stream.linear.gather [hbm4b:s29+s3], $0x50, $0x38;
	[tilespmem:$0x1DE80] =	vst v63  }
0x26: {  	_ =	swait.ge [sflag:s31], $0x50  }
0x27: {  	[sflag:s31] =	ssyncset.done $0x0  }
0x28: {  	s23 =	simm.s32 $0x80;
	s20 =	rddreg [dreg:$0x6];
	[sflag:s31] =	ssyncadd.s32 $0xFFFFFFB0  }
0x29: {  	[tilespmem:s23], [sflag:$0x2] =	stream.linear.gather [hbm4b:s20+s3], $0x50, $0x38;
	[tilespmem:$0x1DE80] =	vst v63  }
0x2a: {  	s25 =	simm.s32 $0x280;
	s24 =	rddreg [dreg:$0x7]  }
0x2b: {  	[tilespmem:s25], [sflag:$0x5] =	stream.linear.gather [hbm4b:s24+s3], $0x50, $0x38;
	[tilespmem:$0x1DE80] =	vst v63  }
0x2c: {  	s29 =	simm.s32 $0x2E00;
	s26 =	rddreg [dreg:$0x11]  }
0x2d: {  	[tilespmem:s22], [sflag:$0xB] =	stream.strided.gather [hbm4b:s26+s0], $0x2800, s7, s0, $0x38;
	[tilespmem:$0x1DE80] =	vst v63  }
0x2e: {  	s8 =	simm.s32 $0x0;
	s28 =	rddreg [dreg:$0x12];
	s20 =	simm.s32 $0x200  }
0x2f: {  	[tilespmem:s29], [sflag:$0xC] =	stream.strided.gather [hbm4b:s28+s0], $0x2800, s7, s0, $0x38;
	[tilespmem:$0x1DE80] =	vst v63  }
.LBB2_2:
0x30: {  	p4 =	sne.s32 s20, $0x9E00;
	[tilespmem:s8+$0x7E70] =	vst v0  }
0x31: {  	[tilespmem:s8+$0x7E00] =	vst v0  }
0x32: {  	[tilespmem:s8+$0x7E10] =	vst v0  }
.Ltmp0:
0x33: {  	[tilespmem:s8+$0x7E20] =	vst v0;
	(pc) =	sbr.rel @p4 .LBB2_2-.Ltmp0, $4  }
0x34: {  	[tilespmem:s8+$0x7E30] =	vst v0  }
0x35: {  	[tilespmem:s8+$0x7E40] =	vst v0  }
0x36: {  	[tilespmem:s8+$0x7E50] =	vst v0  }
0x37: {  	[tilespmem:s8+$0x7E60] =	vst v0;
	s8 =	sshra.s32 s20, $0x2;
	s20 =	sadd.s32 $0x200, s20  }
0x38: {  	[tilespmem:s8+$0x7E70] =	vst v0  }
0x39: {  	[tilespmem:s8+$0x7E00] =	vst v0  }
0x3a: {  	[tilespmem:s8+$0x7E10] =	vst v0  }
0x3b: {  	[tilespmem:s8+$0x7E20] =	vst v0  }
0x3c: {  	[tilespmem:s8+$0x7E30] =	vst v0  }
0x3d: {  	[tilespmem:s8+$0x7E40] =	vst v0  }
0x3e: {  	[tilespmem:s8+$0x7E50] =	vst v0  }
0x3f: {  	[tilespmem:s8+$0x7E60] =	vst v0  }
0x40: {  	[spmem:s11] =	stream.linear.scatter [tilespmem:s9], [sflag:$0x13], $0x2800, $0x38;
	[tilespmem:$0x1DE80] =	vst v63  }
0x41: {  	_ =	swait.ge [sflag:s31], $0x2800  }
0x42: {  	[sflag:s31] =	ssyncset.done $0x0  }
0x43: {  	s1 =	rddreg [dreg:$0x8];
	[sflag:s31] =	ssyncadd.s32 $0xFFFFD800  }
0x44: {  	[spmem:s1] =	stream.linear.scatter [tilespmem:s9], [sflag:$0x13], $0x2800, $0x38;
	[tilespmem:$0x1DE80] =	vst v63  }
0x45: {  	_ =	swait.ge [sflag:s31], $0x2800  }
0x46: {  	[sflag:s31] =	ssyncset.done $0x0  }
0x47: {  	s23 =	rddreg [dreg:$0x9];
	[sflag:s31] =	ssyncadd.s32 $0xFFFFD800  }
0x48: {  	[spmem:s23] =	stream.linear.scatter [tilespmem:s9], [sflag:$0x13], $0x2800, $0x38;
	[tilespmem:$0x1DE80] =	vst v63  }
0x49: {  	_ =	swait.ge [sflag:s31], $0x2800  }
0x4a: {  	[sflag:s31] =	ssyncset.done $0x0  }
0x4b: {  	s24 =	rddreg [dreg:$0xa];
	[sflag:s31] =	ssyncadd.s32 $0xFFFFD800  }
0x4c: {  	[spmem:s24] =	stream.linear.scatter [tilespmem:s9], [sflag:$0x13], $0x2800, $0x38;
	[tilespmem:$0x1DE80] =	vst v63  }
0x4d: {  	_ =	swait.ge [sflag:s31], $0x2800  }
0x4e: {  	[sflag:s31] =	ssyncset.done $0x0  }
0x4f: {  	s25 =	rddreg [dreg:$0xb];
	[sflag:s31] =	ssyncadd.s32 $0xFFFFD800  }
0x50: {  	[spmem:s25] =	stream.linear.scatter [tilespmem:s9], [sflag:$0x13], $0x2800, $0x38;
	[tilespmem:$0x1DE80] =	vst v63  }
0x51: {  	_ =	swait.ge [sflag:s31], $0x2800  }
0x52: {  	[sflag:s31] =	ssyncset.done $0x0  }
0x53: {  	s26 =	rddreg [dreg:$0x13];
	[sflag:s31] =	ssyncadd.s32 $0xFFFFD800  }
0x54: {  	[spmem:s26] =	stream.linear.scatter [tilespmem:s9], [sflag:$0x13], $0x2800, $0x38;
	[tilespmem:$0x1DE80] =	vst v63  }
0x55: {  	_ =	swait.ge [sflag:s31], $0x2800  }
0x56: {  	[sflag:s31] =	ssyncset.done $0x0  }
0x57: {  	s28 =	rddreg [dreg:$0x14];
	[sflag:s31] =	ssyncadd.s32 $0xFFFFD800  }
0x58: {  	[spmem:s28] =	stream.linear.scatter [tilespmem:s9], [sflag:$0x13], $0x2800, $0x38;
	[tilespmem:$0x1DE80] =	vst v63  }
0x59: {  	_ =	swait.ge [sflag:s31], $0x2800  }
0x5a: {  	[sflag:s31] =	ssyncset.done $0x0  }
0x5b: {  	s29 =	rddreg [dreg:$0x15];
	[sflag:s31] =	ssyncadd.s32 $0xFFFFD800  }
0x5c: {  	[spmem:s29] =	stream.linear.scatter [tilespmem:s9], [sflag:$0x13], $0x2080, $0x38;
	[tilespmem:$0x1DE80] =	vst v63  }
0x5d: {  	_ =	swait.ge [sflag:s31], $0x2080  }
0x5e: {  	[sflag:s31] =	ssyncset.done $0x0  }
0x5f: {  	[sflag:s31] =	ssyncadd.s32 $0xFFFFDF80  }
0x60: {  	_ =	swait.ge [sflag:s10], $0x2800  }
0x61: {  	[sflag:s10] =	ssyncset.done $0x0  }
0x62: {  	s8 =	simm.s32 $0x0;
	[sflag:s10] =	ssyncadd.s32 $0xFFFFD800  }
0x63: {  	[tilespmem:s22], [sflag:$0x7] =	stream.indirect.gather.add.f32 [hbm:s21], $0x80, s8, s12, $0xb8;
	[tilespmem:$0x1DE80] =	vst v63  }
0x64: {  	s20 =	simm.s32 $0x0;
	[bflag:$0x0] =	sbarrier.arrive $0xFFFF  }
.LBB2_4:
0x65: {  	p4 =	sgt.u32 s8, $0x7A  }
.Ltmp1:
0x66: {  	_ = 	snop;
	(pc) =	sbr.rel @p4 .LBB2_6-.Ltmp1, $2  }
0x67: {  	_ =	sdelay $0x2  }
0x68: {  	s25 =	smul.u32 $0xAB, s8;
	s22 =	sadd.s32 $0x1, s8  }
0x69: {  	_ = 	snop  }
0x6a: {  	s23 =	sadd.s32 $0x156, s25  }
0x6b: {  	s24 =	sadd.s32 $0x2, s8;
	s23 =	sshrl.u32 s23, $0x9  }
0x6c: {  	s29 =	smul.u32 $0x50, s24;
	s23 =	sand.u32 $0x7F, s23  }
0x6d: {  	p4 =	slt.u32 s8, $0x2;
	s26 =	sand.u32 $0x3, s24;
	s23 =	smul.u32 $0x3, s23  }
0x6e: {  	s28 =	sadd.s32 @!p4 $0xF, s26;
	s1 =	smul.u32 $0xA000, s26;
	s26 =	sadd.s32 $0xB, s26  }
0x6f: {  	_ =	swait.ge @!p4 [sflag:s28], $0x2800;
	s23 =	ssub.s32 s24, s23;
	s24 =	sadd.s32 s4, s29  }
0x70: {  	[sflag:s28] =	ssyncset.done @!p4 $0x0;
	s1 =	sshrl.u32 s1, $0x2;
	s29 =	sshll.u32 s24, $0x5  }
0x71: {  	[sflag:s28] =	ssyncadd.s32 @!p4 $0xFFFFD800;
	s1 =	sor.u32 $0x600, s1;
	s28 =	sadd.s32 s17, s29  }
0x72: {  	[tilespmem:s1], [sflag:s26] =	stream.strided.gather [hbm4b:s28+s0], $0x2800, s7, s0, $0x38;
	[tilespmem:$0x1DE80] =	vst v63  }
.Ltmp2:
0x73: {  	s1 =	sand.u32 $0xFF, s23;
	s23 =	sshrl.u32 s24, $0x3;
	(pc) =	sbr.rel .LBB2_7-.Ltmp2, $4  }
0x74: {  	s24 =	sshll.u32 s1, $0x7;
	s26 =	sadd.s32 $0x1, s1;
	s29 =	sadd.s32 s5, s23  }
0x75: {  	[tilespmem:s24], [sflag:s26] =	stream.linear.gather [hbm4b:s29+s3], $0x50, $0x38;
	[tilespmem:$0x1DE80] =	vst v63  }
0x76: {  	s1 =	sadd.s32 $0x4, s1;
	s23 =	sadd.s32 s6, s23;
	s24 =	sadd.s32 $0x200, s24  }
0x77: {  	[tilespmem:s24], [sflag:s1] =	stream.linear.gather [hbm4b:s23+s3], $0x50, $0x38;
	[tilespmem:$0x1DE80] =	vst v63  }
.LBB2_6:
0x78: {  	p4 =	seq.s32 s8, $0x7C  }
.Ltmp3:
0x79: {  	_ = 	snop;
	(pc) =	sbr.rel @p4 .LBB2_8-.Ltmp3, $1  }
0x7a: {  	_ =	sdelay $0x3  }
.LBB2_7:
0x7b: {  	s1 =	sadd.s32 $0xAB, s25  }
0x7c: {  	s1 =	sshrl.u32 s1, $0x9  }
0x7d: {  	s1 =	sand.u32 $0x7F, s1  }
0x7e: {  	s1 =	smul.u32 $0x3, s1;
	_ =	sdelay $0x1  }
0x7f: {  	s1 =	ssub.s32 s22, s1  }
0x80: {  	s1 =	sand.u32 $0xFF, s1  }
0x81: {  	s23 =	sadd.s32 $0x1, s1  }
0x82: {  	_ =	swait.ge [sflag:s23], $0x50  }
0x83: {  	[sflag:s23] =	ssyncset.done $0x0  }
0x84: {  	s26 =	sadd.s32 $0x4, s1;
	[sflag:s23] =	ssyncadd.s32 $0xFFFFFFB0  }
0x85: {  	_ =	swait.ge [sflag:s26], $0x50  }
0x86: {  	s24 =	sand.u32 $0x3, s22;
	[sflag:s26] =	ssyncset.done $0x0  }
0x87: {  	s28 =	sadd.s32 $0xB, s24;
	[sflag:s26] =	ssyncadd.s32 $0xFFFFFFB0;
	s26 =	smul.u32 $0xA000, s24  }
0x88: {  	_ =	swait.ge [sflag:s28], $0x2800  }
0x89: {  	s29 =	sadd.s32 $0x7, s24;
	s26 =	sshrl.u32 s26, $0x2;
	[sflag:s28] =	ssyncset.done $0x0  }
0x8a: {  	s1 =	sshll.u32 s1, $0x7;
	s26 =	sor.u32 $0x600, s26;
	[sflag:s28] =	ssyncadd.s32 $0xFFFFD800  }
0x8b: {  	[tilespmem:s26], [sflag:s29] =	stream.indirect.gather.add.f32 [hbm:s21], $0x80, s1, s12, $0xb8;
	[tilespmem:$0x1DE80] =	vst v63  }
.LBB2_8:
0x8c: {  	s1 =	sand.u32 $0x3, s20;
	s23 =	sand.u32 $0x3, s8  }
0x8d: {  	s1 =	smul.u32 $0xA000, s1;
	s26 =	sadd.s32 $0x7, s23  }
0x8e: {  	_ =	swait.ge [sflag:s26], $0x2800  }
0x8f: {  	s1 =	sshrl.u32 s1, $0x2;
	[sflag:s26] =	ssyncset.done $0x0  }
0x90: {  	s24 =	sadd.s32 $0x800, s1;
	[sflag:s26] =	ssyncadd.s32 $0xFFFFD800  }
0x91: {  	v1 =	vld [tilespmem:s24+$0xFFFFFE10]  }
0x92: {  	v2 =	vld [tilespmem:s24+$0xFFFFFE20]  }
0x93: {  	v7 =	vld [tilespmem:s24+$0x1F0]  }
0x94: {  	v3 =	vld [tilespmem:s24+$0xFFFFFE30]  }
0x95: {  	v9 =	vld [tilespmem:s24+$0xFFFFFE90]  }
0x96: {  	v10 =	vld [tilespmem:s24+$0xFFFFFEA0]  }
0x97: {  	v4 =	vld [tilespmem:s24+$0xFFFFFE40];
	v1 =	vmax.f32 v1, $0.0e+00  }
0x98: {  	v5 =	vld [tilespmem:s24+$0xFFFFFE50];
	v7 =	vmax.f32 v7, $0.0e+00;
	[tilespmem:s24+$0xFFFFFE10] =	vst v1  }
0x99: {  	v11 =	vld [tilespmem:s24+$0xFFFFFEB0];
	v2 =	vmax.f32 v2, $0.0e+00;
	[tilespmem:s24+$0x1F0] =	vst v7  }
0x9a: {  	v9 =	vmax.f32 v9, $0.0e+00;
	v1 =	vld [tilespmem:s24+$0xFFFFFE70];
	[tilespmem:s24+$0xFFFFFE20] =	vst v2  }
0x9b: {  	v10 =	vmax.f32 v10, $0.0e+00;
	v7 =	vld [tilespmem:s24+$0xFFFFFEC0];
	[tilespmem:s24+$0xFFFFFE90] =	vst v9  }
0x9c: {  	v8 =	vld [tilespmem:s24+$0xFFFFFE80];
	v2 =	vmax.f32 v3, $0.0e+00;
	[tilespmem:s24+$0xFFFFFEA0] =	vst v10  }
0x9d: {  	[tilespmem:s24+$0xFFFFFE30] =	vst v2;
	v2 =	vmax.f32 v4, $0.0e+00;
	v4 =	vld [tilespmem:s24+$0xFFFFFF00]  }
0x9e: {  	v56 =	vmax.f32 v11, $0.0e+00;
	[tilespmem:s24+$0xFFFFFE40] =	vst v2;
	v2 =	vmax.f32 v5, $0.0e+00;
	v5 =	vld [tilespmem:s24+$0xFFFFFF10]  }
0x9f: {  	[tilespmem:s24+$0xFFFFFEB0] =	vst v56;
	v1 =	vmax.f32 v1, $0.0e+00  }
0xa0: {  	v6 =	vld [tilespmem:s24+$0xFFFFFE60];
	v7 =	vmax.f32 v7, $0.0e+00;
	[tilespmem:s24+$0xFFFFFE70] =	vst v1  }
0xa1: {  	v3 =	vld [tilespmem:s24+$0xFFFFFED0];
	v1 =	vmax.f32 v8, $0.0e+00;
	[tilespmem:s24+$0xFFFFFEC0] =	vst v7  }
0xa2: {  	v7 =	vld [tilespmem:s24+$0xFFFFFF90];
	[tilespmem:s24+$0xFFFFFE80] =	vst v1;
	v1 =	vmax.f32 v4, $0.0e+00  }
0xa3: {  	v5 =	vmax.f32 v5, $0.0e+00;
	[tilespmem:s24+$0xFFFFFF00] =	vst v1;
	v1 =	vld [tilespmem:s24+$0xFFFFFEE0]  }
0xa4: {  	[tilespmem:s24+$0xFFFFFF10] =	vst v5;
	v5 =	vld [tilespmem:s24+$0xFFFFFEF0]  }
0xa5: {  	[tilespmem:s24+$0xFFFFFE50] =	vst v2;
	v2 =	vmax.f32 v6, $0.0e+00;
	v6 =	vld [tilespmem:s24+$0xFFFFFF20]  }
0xa6: {  	[tilespmem:s24+$0xFFFFFE60] =	vst v2;
	v2 =	vld [tilespmem:s24+$0xFFFFFF30];
	v3 =	vmax.f32 v3, $0.0e+00  }
0xa7: {  	v8 =	vld [tilespmem:s24+$0xFFFFFF40];
	[tilespmem:s24+$0xFFFFFED0] =	vst v3;
	v7 =	vmax.f32 v7, $0.0e+00  }
0xa8: {  	v4 =	vld [tilespmem:s24+$0xFFFFFF50];
	[tilespmem:s24+$0xFFFFFF90] =	vst v7;
	v1 =	vmax.f32 v1, $0.0e+00  }
0xa9: {  	v55 =	vld [tilespmem:s24+$0xFFFFFF60];
	[tilespmem:s24+$0xFFFFFEE0] =	vst v1;
	v1 =	vmax.f32 v5, $0.0e+00  }
0xaa: {  	v57 =	vld [tilespmem:s24+$0xFFFFFF70];
	[tilespmem:s24+$0xFFFFFEF0] =	vst v1;
	v1 =	vmax.f32 v6, $0.0e+00  }
0xab: {  	v58 =	vld [tilespmem:s24+$0xFFFFFF80];
	[tilespmem:s24+$0xFFFFFF20] =	vst v1;
	v1 =	vmax.f32 v2, $0.0e+00  }
0xac: {  	[tilespmem:s24+$0xFFFFFF30] =	vst v1;
	v1 =	vmax.f32 v8, $0.0e+00;
	v8 =	vld [tilespmem:s24+$0x0]  }
0xad: {  	[tilespmem:s24+$0xFFFFFF40] =	vst v1;
	v1 =	vmax.f32 v4, $0.0e+00;
	v4 =	vld [tilespmem:s24+$0x10]  }
0xae: {  	v3 =	vld [tilespmem:s24+$0xFFFFFFA0];
	[tilespmem:s24+$0xFFFFFF50] =	vst v1;
	v1 =	vmax.f32 v55, $0.0e+00  }
0xaf: {  	v5 =	vld [tilespmem:s24+$0xFFFFFFB0];
	[tilespmem:s24+$0xFFFFFF60] =	vst v1;
	v1 =	vmax.f32 v57, $0.0e+00  }
0xb0: {  	v6 =	vld [tilespmem:s24+$0xFFFFFFC0];
	[tilespmem:s24+$0xFFFFFF70] =	vst v1;
	v1 =	vmax.f32 v58, $0.0e+00  }
0xb1: {  	v2 =	vld [tilespmem:s24+$0xFFFFFFD0];
	[tilespmem:s24+$0xFFFFFF80] =	vst v1;
	v1 =	vmax.f32 v8, $0.0e+00  }
0xb2: {  	[tilespmem:s24+$0x0] =	vst v1;
	v1 =	vld [tilespmem:s24+$0xFFFFFFE0];
	v4 =	vmax.f32 v4, $0.0e+00  }
0xb3: {  	v3 =	vmax.f32 v3, $0.0e+00;
	[tilespmem:s24+$0x10] =	vst v4;
	v4 =	vld [tilespmem:s24+$0xFFFFFFF0]  }
0xb4: {  	v59 =	vld [tilespmem:s24+$0x20];
	[tilespmem:s24+$0xFFFFFFA0] =	vst v3;
	v3 =	vmax.f32 v5, $0.0e+00  }
0xb5: {  	[tilespmem:s24+$0xFFFFFFB0] =	vst v3;
	v3 =	vmax.f32 v6, $0.0e+00;
	v6 =	vld [tilespmem:s24+$0x80]  }
0xb6: {  	v60 =	vld [tilespmem:s24+$0x30];
	[tilespmem:s24+$0xFFFFFFC0] =	vst v3;
	v2 =	vmax.f32 v2, $0.0e+00  }
0xb7: {  	v3 =	vld [tilespmem:s24+$0x90];
	[tilespmem:s24+$0xFFFFFFD0] =	vst v2;
	v1 =	vmax.f32 v1, $0.0e+00  }
0xb8: {  	v61 =	vld [tilespmem:s24+$0x40];
	[tilespmem:s24+$0xFFFFFFE0] =	vst v1;
	v1 =	vmax.f32 v4, $0.0e+00  }
0xb9: {  	v8 =	vld [tilespmem:s24+$0x50];
	[tilespmem:s24+$0xFFFFFFF0] =	vst v1;
	v1 =	vmax.f32 v59, $0.0e+00  }
0xba: {  	v7 =	vld [tilespmem:s24+$0x60];
	[tilespmem:s24+$0x20] =	vst v1;
	v1 =	vmax.f32 v6, $0.0e+00  }
0xbb: {  	v5 =	vld [tilespmem:s24+$0x70];
	[tilespmem:s24+$0x80] =	vst v1;
	v1 =	vmax.f32 v60, $0.0e+00  }
0xbc: {  	v2 =	vld [tilespmem:s24+$0xA0];
	[tilespmem:s24+$0x30] =	vst v1;
	v1 =	vmax.f32 v3, $0.0e+00  }
0xbd: {  	v4 =	vld [tilespmem:s24+$0xB0];
	[tilespmem:s24+$0x90] =	vst v1;
	v1 =	vmax.f32 v61, $0.0e+00  }
0xbe: {  	v62 =	vld [tilespmem:s24+$0xC0];
	[tilespmem:s24+$0x40] =	vst v1;
	v1 =	vmax.f32 v8, $0.0e+00  }
0xbf: {  	[tilespmem:s24+$0x50] =	vst v1;
	v1 =	vmax.f32 v7, $0.0e+00;
	v7 =	vld [tilespmem:s24+$0x100]  }
0xc0: {  	v6 =	vld [tilespmem:s24+$0xD0];
	[tilespmem:s24+$0x60] =	vst v1;
	v1 =	vmax.f32 v5, $0.0e+00  }
0xc1: {  	v5 =	vld [tilespmem:s24+$0x110];
	[tilespmem:s24+$0x70] =	vst v1;
	v1 =	vmax.f32 v2, $0.0e+00  }
0xc2: {  	v3 =	vld [tilespmem:s24+$0xE0];
	[tilespmem:s24+$0xA0] =	vst v1;
	v1 =	vmax.f32 v4, $0.0e+00  }
0xc3: {  	v8 =	vld [tilespmem:s24+$0xF0];
	[tilespmem:s24+$0xB0] =	vst v1;
	v1 =	vmax.f32 v62, $0.0e+00  }
0xc4: {  	v2 =	vld [tilespmem:s24+$0x120];
	[tilespmem:s24+$0xC0] =	vst v1;
	v1 =	vmax.f32 v7, $0.0e+00  }
0xc5: {  	v7 =	vld [tilespmem:s24+$0x150];
	[tilespmem:s24+$0x100] =	vst v1;
	v1 =	vmax.f32 v6, $0.0e+00  }
0xc6: {  	v4 =	vld [tilespmem:s24+$0x130];
	[tilespmem:s24+$0xD0] =	vst v1;
	v1 =	vmax.f32 v5, $0.0e+00  }
0xc7: {  	v63 =	vld [tilespmem:s24+$0x140];
	[tilespmem:s24+$0x110] =	vst v1;
	v1 =	vmax.f32 v3, $0.0e+00  }
0xc8: {  	v6 =	vld [tilespmem:s24+$0x170];
	[tilespmem:s24+$0xE0] =	vst v1;
	v1 =	vmax.f32 v8, $0.0e+00  }
0xc9: {  	v5 =	vld [tilespmem:s24+$0x160];
	[tilespmem:s24+$0xF0] =	vst v1;
	v1 =	vmax.f32 v2, $0.0e+00  }
0xca: {  	v3 =	vld [tilespmem:s24+$0x180];
	v2 =	vmax.f32 v7, $0.0e+00;
	[tilespmem:s24+$0x120] =	vst v1  }
0xcb: {  	v1 =	vmax.f32 v4, $0.0e+00;
	v4 =	vld [tilespmem:s24+$0x190];
	[tilespmem:s24+$0x150] =	vst v2  }
0xcc: {  	s25 =	sshrl.u32 s25, $0x9;
	v8 =	vld [tilespmem:s24+$0x1A0];
	[tilespmem:s24+$0x130] =	vst v1;
	v1 =	vmax.f32 v63, $0.0e+00  }
0xcd: {  	s1 =	sand.u32 $0x7F, s25;
	s26 =	smul.u32 $0xA000, s23;
	v6 =	vmax.f32 v6, $0.0e+00;
	[tilespmem:s24+$0x140] =	vst v1;
	v1 =	vld [tilespmem:s24+$0x1B0]  }
0xce: {  	s1 =	smul.u32 $0x3, s1;
	v2 =	vld [tilespmem:s24+$0x1C0];
	v5 =	vmax.f32 v5, $0.0e+00;
	[tilespmem:s24+$0x170] =	vst v6  }
0xcf: {  	[tilespmem:s24+$0x160] =	vst v5;
	v5 =	vmax.f32 v3, $0.0e+00;
	v3 =	vld [tilespmem:s24+$0x1D0]  }
0xd0: {  	s28 =	sadd.s32 $0x400, s24;
	s29 =	sshrl.u32 s26, $0x2;
	s1 =	ssub.s32 s8, s1;
	[tilespmem:s24+$0x180] =	vst v5;
	v6 =	vmax.f32 v4, $0.0e+00;
	v4 =	vld [tilespmem:s24+$0x1E0]  }
0xd1: {  	s26 =	simm.s32 $0x0;
	s25 =	sor.u32 $0x600, s29;
	s8 =	sand.u32 $0xFF, s1;
	v5 =	vld [tilespmem:s24+$0xFFFFFE00];
	[tilespmem:s24+$0x190] =	vst v6;
	v6 =	vmax.f32 v8, $0.0e+00  }
.LBB2_9:
0xd2: {  	v7 =	vld [tilespmem:s28+$0x1F0];
	s26 =	sadd.s32 $0x8, s26;
	[tilespmem:s24+$0x1A0] =	vst v6;
	v1 =	vmax.f32 v1, $0.0e+00  }
0xd3: {  	v6 =	vld [tilespmem:s28+$0xFFFFFE10];
	p4 =	slt.u32 s26, $0x48;
	[tilespmem:s24+$0x1B0] =	vst v1;
	v1 =	vmax.f32 v2, $0.0e+00  }
0xd4: {  	v2 =	vld [tilespmem:s28+$0xFFFFFE20];
	[tilespmem:s24+$0x1C0] =	vst v1;
	v1 =	vmax.f32 v3, $0.0e+00  }
0xd5: {  	v3 =	vld [tilespmem:s28+$0xFFFFFE30];
	[tilespmem:s24+$0x1D0] =	vst v1;
	v1 =	vmax.f32 v4, $0.0e+00  }
0xd6: {  	v4 =	vld [tilespmem:s28+$0xFFFFFE40];
	v5 =	vmax.f32 v5, $0.0e+00;
	[tilespmem:s24+$0x1E0] =	vst v1  }
0xd7: {  	v1 =	vld [tilespmem:s28+$0xFFFFFE50];
	v7 =	vmax.f32 v7, $0.0e+00;
	[tilespmem:s24+$0xFFFFFE00] =	vst v5;
	s24 =	smov.u32 s28  }
0xd8: {  	v5 =	vmax.f32 v6, $0.0e+00;
	v6 =	vld [tilespmem:s28+$0xFFFFFE60];
	[tilespmem:s28+$0x1F0] =	vst v7  }
0xd9: {  	[tilespmem:s28+$0xFFFFFE10] =	vst v5;
	v2 =	vmax.f32 v2, $0.0e+00;
	v5 =	vld [tilespmem:s28+$0xFFFFFE70]  }
0xda: {  	[tilespmem:s28+$0xFFFFFE20] =	vst v2;
	v2 =	vmax.f32 v3, $0.0e+00;
	v3 =	vld [tilespmem:s28+$0xFFFFFE80]  }
0xdb: {  	[tilespmem:s28+$0xFFFFFE30] =	vst v2;
	v2 =	vmax.f32 v4, $0.0e+00;
	v4 =	vld [tilespmem:s28+$0xFFFFFE90]  }
0xdc: {  	[tilespmem:s28+$0xFFFFFE40] =	vst v2;
	v1 =	vmax.f32 v1, $0.0e+00;
	v2 =	vld [tilespmem:s28+$0xFFFFFEA0]  }
0xdd: {  	[tilespmem:s28+$0xFFFFFE50] =	vst v1;
	v1 =	vmax.f32 v6, $0.0e+00;
	v6 =	vld [tilespmem:s28+$0xFFFFFEB0]  }
0xde: {  	[tilespmem:s28+$0xFFFFFE60] =	vst v1;
	v1 =	vmax.f32 v5, $0.0e+00;
	v5 =	vld [tilespmem:s28+$0xFFFFFEC0]  }
0xdf: {  	[tilespmem:s28+$0xFFFFFE70] =	vst v1;
	v1 =	vmax.f32 v3, $0.0e+00;
	v3 =	vld [tilespmem:s28+$0xFFFFFED0]  }
0xe0: {  	[tilespmem:s28+$0xFFFFFE80] =	vst v1;
	v1 =	vmax.f32 v4, $0.0e+00;
	v4 =	vld [tilespmem:s28+$0xFFFFFEE0]  }
0xe1: {  	[tilespmem:s28+$0xFFFFFE90] =	vst v1;
	v1 =	vmax.f32 v2, $0.0e+00;
	v2 =	vld [tilespmem:s28+$0xFFFFFEF0]  }
0xe2: {  	[tilespmem:s28+$0xFFFFFEA0] =	vst v1;
	v1 =	vmax.f32 v6, $0.0e+00;
	v6 =	vld [tilespmem:s28+$0xFFFFFF00]  }
0xe3: {  	[tilespmem:s28+$0xFFFFFEB0] =	vst v1;
	v1 =	vmax.f32 v5, $0.0e+00;
	v5 =	vld [tilespmem:s28+$0xFFFFFF10]  }
0xe4: {  	[tilespmem:s28+$0xFFFFFEC0] =	vst v1;
	v1 =	vmax.f32 v3, $0.0e+00;
	v3 =	vld [tilespmem:s28+$0xFFFFFF20]  }
0xe5: {  	[tilespmem:s28+$0xFFFFFED0] =	vst v1;
	v1 =	vmax.f32 v4, $0.0e+00;
	v4 =	vld [tilespmem:s28+$0xFFFFFF30]  }
0xe6: {  	[tilespmem:s28+$0xFFFFFEE0] =	vst v1;
	v1 =	vmax.f32 v2, $0.0e+00;
	v2 =	vld [tilespmem:s28+$0xFFFFFF40]  }
0xe7: {  	[tilespmem:s28+$0xFFFFFEF0] =	vst v1;
	v1 =	vmax.f32 v6, $0.0e+00;
	v6 =	vld [tilespmem:s28+$0xFFFFFF50]  }
0xe8: {  	[tilespmem:s28+$0xFFFFFF00] =	vst v1;
	v1 =	vmax.f32 v5, $0.0e+00;
	v5 =	vld [tilespmem:s28+$0xFFFFFF60]  }
0xe9: {  	[tilespmem:s28+$0xFFFFFF10] =	vst v1;
	v1 =	vmax.f32 v3, $0.0e+00;
	v3 =	vld [tilespmem:s28+$0xFFFFFF70]  }
0xea: {  	[tilespmem:s28+$0xFFFFFF20] =	vst v1;
	v1 =	vmax.f32 v4, $0.0e+00;
	v4 =	vld [tilespmem:s28+$0xFFFFFF80]  }
0xeb: {  	[tilespmem:s28+$0xFFFFFF30] =	vst v1;
	v1 =	vmax.f32 v2, $0.0e+00;
	v2 =	vld [tilespmem:s28+$0xFFFFFF90]  }
0xec: {  	[tilespmem:s28+$0xFFFFFF40] =	vst v1;
	v1 =	vmax.f32 v6, $0.0e+00;
	v6 =	vld [tilespmem:s28+$0xFFFFFFA0]  }
0xed: {  	[tilespmem:s28+$0xFFFFFF50] =	vst v1;
	v1 =	vmax.f32 v5, $0.0e+00;
	v5 =	vld [tilespmem:s28+$0xFFFFFFB0]  }
0xee: {  	[tilespmem:s28+$0xFFFFFF60] =	vst v1;
	v1 =	vmax.f32 v3, $0.0e+00;
	v3 =	vld [tilespmem:s28+$0xFFFFFFC0]  }
0xef: {  	[tilespmem:s28+$0xFFFFFF70] =	vst v1;
	v1 =	vmax.f32 v4, $0.0e+00;
	v4 =	vld [tilespmem:s28+$0xFFFFFFD0]  }
0xf0: {  	[tilespmem:s28+$0xFFFFFF80] =	vst v1;
	v1 =	vmax.f32 v2, $0.0e+00;
	v2 =	vld [tilespmem:s28+$0xFFFFFFE0]  }
0xf1: {  	[tilespmem:s28+$0xFFFFFF90] =	vst v1;
	v1 =	vmax.f32 v6, $0.0e+00;
	v6 =	vld [tilespmem:s28+$0xFFFFFFF0]  }
0xf2: {  	[tilespmem:s28+$0xFFFFFFA0] =	vst v1;
	v1 =	vmax.f32 v5, $0.0e+00;
	v5 =	vld [tilespmem:s28+$0x0]  }
0xf3: {  	[tilespmem:s28+$0xFFFFFFB0] =	vst v1;
	v1 =	vmax.f32 v3, $0.0e+00;
	v3 =	vld [tilespmem:s28+$0x10]  }
0xf4: {  	[tilespmem:s28+$0xFFFFFFC0] =	vst v1;
	v1 =	vmax.f32 v4, $0.0e+00;
	v4 =	vld [tilespmem:s28+$0x20]  }
0xf5: {  	[tilespmem:s28+$0xFFFFFFD0] =	vst v1;
	v1 =	vmax.f32 v2, $0.0e+00;
	v2 =	vld [tilespmem:s28+$0x30]  }
0xf6: {  	[tilespmem:s28+$0xFFFFFFE0] =	vst v1;
	v1 =	vmax.f32 v6, $0.0e+00;
	v6 =	vld [tilespmem:s28+$0x40]  }
0xf7: {  	[tilespmem:s28+$0xFFFFFFF0] =	vst v1;
	v1 =	vmax.f32 v5, $0.0e+00;
	v5 =	vld [tilespmem:s28+$0x50]  }
0xf8: {  	[tilespmem:s28+$0x0] =	vst v1;
	v1 =	vmax.f32 v3, $0.0e+00;
	v3 =	vld [tilespmem:s28+$0x60]  }
0xf9: {  	[tilespmem:s28+$0x10] =	vst v1;
	v1 =	vmax.f32 v4, $0.0e+00;
	v4 =	vld [tilespmem:s28+$0x70]  }
0xfa: {  	[tilespmem:s28+$0x20] =	vst v1;
	v1 =	vmax.f32 v2, $0.0e+00;
	v2 =	vld [tilespmem:s28+$0x80]  }
0xfb: {  	[tilespmem:s28+$0x30] =	vst v1;
	v1 =	vmax.f32 v6, $0.0e+00;
	v6 =	vld [tilespmem:s28+$0x90]  }
0xfc: {  	[tilespmem:s28+$0x40] =	vst v1;
	v1 =	vmax.f32 v5, $0.0e+00;
	v5 =	vld [tilespmem:s28+$0xA0]  }
0xfd: {  	[tilespmem:s28+$0x50] =	vst v1;
	v1 =	vmax.f32 v3, $0.0e+00;
	v3 =	vld [tilespmem:s28+$0xB0]  }
0xfe: {  	[tilespmem:s28+$0x60] =	vst v1;
	v1 =	vmax.f32 v4, $0.0e+00;
	v4 =	vld [tilespmem:s28+$0xC0]  }
0xff: {  	[tilespmem:s28+$0x70] =	vst v1;
	v1 =	vmax.f32 v2, $0.0e+00;
	v2 =	vld [tilespmem:s28+$0xD0]  }
0x100: {  	[tilespmem:s28+$0x80] =	vst v1;
	v1 =	vmax.f32 v6, $0.0e+00;
	v6 =	vld [tilespmem:s28+$0xE0]  }
0x101: {  	[tilespmem:s28+$0x90] =	vst v1;
	v1 =	vmax.f32 v5, $0.0e+00;
	v5 =	vld [tilespmem:s28+$0xF0]  }
0x102: {  	[tilespmem:s28+$0xA0] =	vst v1;
	v1 =	vmax.f32 v3, $0.0e+00;
	v3 =	vld [tilespmem:s28+$0x100]  }
0x103: {  	[tilespmem:s28+$0xB0] =	vst v1;
	v1 =	vmax.f32 v4, $0.0e+00;
	v4 =	vld [tilespmem:s28+$0x110]  }
0x104: {  	[tilespmem:s28+$0xC0] =	vst v1;
	v1 =	vmax.f32 v2, $0.0e+00;
	v2 =	vld [tilespmem:s28+$0x120]  }
0x105: {  	[tilespmem:s28+$0xD0] =	vst v1;
	v1 =	vmax.f32 v6, $0.0e+00;
	v6 =	vld [tilespmem:s28+$0x130]  }
0x106: {  	[tilespmem:s28+$0xE0] =	vst v1;
	v1 =	vmax.f32 v5, $0.0e+00;
	v5 =	vld [tilespmem:s28+$0x140]  }
0x107: {  	[tilespmem:s28+$0xF0] =	vst v1;
	v1 =	vmax.f32 v3, $0.0e+00;
	v3 =	vld [tilespmem:s28+$0x150]  }
0x108: {  	[tilespmem:s28+$0x100] =	vst v1;
	v1 =	vmax.f32 v4, $0.0e+00;
	v4 =	vld [tilespmem:s28+$0x160]  }
0x109: {  	[tilespmem:s28+$0x110] =	vst v1;
	v1 =	vmax.f32 v2, $0.0e+00;
	v2 =	vld [tilespmem:s28+$0x170]  }
0x10a: {  	[tilespmem:s28+$0x120] =	vst v1;
	v1 =	vmax.f32 v6, $0.0e+00;
	v6 =	vld [tilespmem:s28+$0x180]  }
0x10b: {  	[tilespmem:s28+$0x130] =	vst v1;
	v1 =	vmax.f32 v5, $0.0e+00;
	v5 =	vld [tilespmem:s28+$0x190]  }
0x10c: {  	[tilespmem:s28+$0x140] =	vst v1;
	v1 =	vmax.f32 v3, $0.0e+00;
	v7 =	vld [tilespmem:s28+$0x1A0]  }
.Ltmp4:
0x10d: {  	[tilespmem:s28+$0x150] =	vst v1;
	v3 =	vmax.f32 v4, $0.0e+00;
	v1 =	vld [tilespmem:s28+$0x1B0];
	(pc) =	sbr.rel @p4 .LBB2_9-.Ltmp4, $4  }
0x10e: {  	[tilespmem:s28+$0x160] =	vst v3;
	v3 =	vmax.f32 v2, $0.0e+00;
	v2 =	vld [tilespmem:s28+$0x1C0]  }
0x10f: {  	[tilespmem:s28+$0x170] =	vst v3;
	v4 =	vmax.f32 v6, $0.0e+00;
	v3 =	vld [tilespmem:s28+$0x1D0]  }
0x110: {  	[tilespmem:s28+$0x180] =	vst v4;
	v6 =	vmax.f32 v5, $0.0e+00;
	v4 =	vld [tilespmem:s28+$0x1E0]  }
0x111: {  	s28 =	sadd.s32 $0x400, s28;
	v5 =	vld [tilespmem:s24+$0xFFFFFE00];
	[tilespmem:s24+$0x190] =	vst v6;
	v6 =	vmax.f32 v7, $0.0e+00  }
0x112: {  	[tilespmem:s24+$0x1A0] =	vst v6;
	v1 =	vmax.f32 v1, $0.0e+00  }
0x113: {  	[tilespmem:s24+$0x1B0] =	vst v1;
	v1 =	vmax.f32 v2, $0.0e+00  }
0x114: {  	[tilespmem:s24+$0x1C0] =	vst v1;
	v1 =	vmax.f32 v3, $0.0e+00  }
0x115: {  	[tilespmem:s24+$0x1D0] =	vst v1;
	v1 =	vmax.f32 v4, $0.0e+00  }
0x116: {  	v2 =	vmax.f32 v5, $0.0e+00;
	[tilespmem:s24+$0x1E0] =	vst v1  }
0x117: {  	s1 =	sshll.u32 s8, $0x7;
	[tilespmem:s24+$0xFFFFFE00] =	vst v2  }
0x118: {  	v1 =	vld [tilespmem:s1+$0x200];
	_ =	sdelay $0x3  }
0x119: {  	s26 =	sshll.u32 s23, $0x7  }
0x11a: {  	[tilespmem:s26+$0x400] =	vst v1  }
0x11b: {  	v1 =	vld [tilespmem:s1+$0x210];
	_ =	sdelay $0x4  }
0x11c: {  	[tilespmem:s26+$0x410] =	vst v1  }
0x11d: {  	v1 =	vld [tilespmem:s1+$0x220];
	_ =	sdelay $0x4  }
0x11e: {  	[tilespmem:s26+$0x420] =	vst v1  }
0x11f: {  	v1 =	vld [tilespmem:s1+$0x230];
	_ =	sdelay $0x4  }
0x120: {  	[tilespmem:s26+$0x430] =	vst v1  }
0x121: {  	v1 =	vld [tilespmem:s1+$0x240]  }
0x122: {  	p4 =	sne.s32 s22, $0x7D  }
.Ltmp5:
0x123: {  	_ = 	snop;
	(pc) =	sbr.rel @p4 .LBB2_4-.Ltmp5, $4  }
0x124: {  	_ = 	snop  }
0x125: {  	s29 =	sadd.s32 $0xF, s23  }
0x126: {  	s20 =	sadd.s32 $0x1, s20;
	s8 =	smov.u32 s22;
	s28 =	sor.u32 $0x400, s26;
	[tilespmem:s26+$0x440] =	vst v1  }
0x127: {  	[spmem:s2] =	stream.indirect.scatter.add.f32 [tilespmem:s25], [sflag:s29], $0x80, s28, s12, $0xb8;
	[tilespmem:$0x1DE80] =	vst v63  }
0x128: {  	_ =	swait.ge [sflag:s13], $0x2800  }
0x129: {  	[sflag:s13] =	ssyncset.done $0x0  }
0x12a: {  	[sflag:s13] =	ssyncadd.s32 $0xFFFFD800  }
0x12b: {  	_ =	swait.ge [sflag:s14], $0x2800  }
0x12c: {  	[sflag:s14] =	ssyncset.done $0x0  }
0x12d: {  	[sflag:s14] =	ssyncadd.s32 $0xFFFFD800  }
0x12e: {  	_ =	swait.ge [sflag:s15], $0x2800  }
0x12f: {  	[sflag:s15] =	ssyncset.done $0x0  }
0x130: {  	[sflag:s15] =	ssyncadd.s32 $0xFFFFD800  }
0x131: {  	_ =	swait.ge [sflag:s18], $0x2800  }
0x132: {  	[sflag:s18] =	ssyncset.done $0x0  }
0x133: {  	[sflag:s18] =	ssyncadd.s32 $0xFFFFD800  }
0x134: {  	[bflag:$0x0] =	sbarrier.arrive $0xFFFF  }
0x135: {  	s1 =	sshrl.u32 @!p0 s30, $0x3;
	s8 =	simm.s32 @!p0 $0x1FD3;
	s20 =	rddreg [dreg:$0xd]  }
0x136: {  	[hbm:s20], [sflag:s8] =	dma.local @!p0 [spmem:s1], $0x2800  }
0x137: {  	s1 =	simm.s32 @!p0 $0x13  }
0x138: {  	s22 =	stileid.u32;
	_ =	swait.ge @!p0 [sflag:s1], $0x2800  }
0x139: {  	s8 =	sshll.u32 @!p1 s22, $0x6;
	[sflag:s1] =	ssyncset.done @!p0 $0x0;
	s20 =	rddreg [dreg:$0xc]  }
0x13a: {  	[sflag:s1] =	ssyncadd.s32 @!p0 $0xFFFFD800;
	s1 =	sor.u32 @!p1 $0x1C13, s8;
	s8 =	sshrl.u32 @!p1 s16, $0x3  }
0x13b: {  	[hbm:s20], [sflag:s1] =	dma.local @!p1 [spmem:s8], $0x2700  }
0x13c: {  	s1 =	simm.s32 @!p1 $0x13  }
0x13d: {  	_ =	swait.ge @!p1 [sflag:s1], $0x2700  }
0x13e: {  	s8 =	simm.s32 @!p2 $0x1FD3;
	[sflag:s1] =	ssyncset.done @!p1 $0x0  }
0x13f: {  	s20 =	rddreg [dreg:$0xf];
	[sflag:s1] =	ssyncadd.s32 @!p1 $0xFFFFD900;
	s1 =	sshrl.u32 @!p2 s30, $0x3  }
0x140: {  	[hbm:s20], [sflag:s8] =	dma.local @!p2 [spmem:s1], $0x2800  }
0x141: {  	s1 =	simm.s32 @!p2 $0x13  }
0x142: {  	_ =	swait.ge @!p2 [sflag:s1], $0x2800  }
0x143: {  	s8 =	sshll.u32 @!p3 s22, $0x6;
	[sflag:s1] =	ssyncset.done @!p2 $0x0;
	s22 =	rddreg [dreg:$0xe]  }
0x144: {  	[sflag:s1] =	ssyncadd.s32 @!p2 $0xFFFFD800;
	s1 =	sor.u32 @!p3 $0x1C13, s8;
	s8 =	sshrl.u32 @!p3 s16, $0x3  }
0x145: {  	[hbm:s22], [sflag:s1] =	dma.local @!p3 [spmem:s8], $0x2700  }
0x146: {  	s1 =	simm.s32 @!p3 $0x13  }
0x147: {  	_ =	swait.ge @!p3 [sflag:s1], $0x2700  }
0x148: {  	s19 =	sadd.s32 $0x1, s19;
	s29 =	rddreg [dreg:$0x10]  }
0x149: {  	p4 =	sne.s32 s19, s29  }
.Ltmp6:
0x14a: {  	_ = 	snop;
	(pc) =	sbr.rel @p4 .LBB2_1-.Ltmp6, $3  }
0x14b: {  	_ =	sdelay $0x1  }
0x14c: {  	[sflag:s1] =	ssyncset.done @!p3 $0x0  }
0x14d: {  	s20 =	stileid.u32;
	s22 =	simm.s32 $0x600;
	[sflag:s1] =	ssyncadd.s32 @!p3 $0xFFFFD900  }
0x14e: {  	_ =	sfence.sel $0x180000  }
0x14f: {  	[bflag:$0x0] =	sbarrier.arrive $0xFFFF  }
0x150: {  	_ =	strace $0x9000004A  }
0x151: {  	[bflag:$0x2] =	sbarrier.arrive $0xFFFF  }
0x152: {  	p0 =	sne.s32 s20, $0x0;
	s0 =	rddreg [dreg:$0x3]  }
0x153: {  	s0 =	sadd.s32 @!p0 $0x100000, s0  }
0x154: {  	[sflag:s0] =	ssyncadd.tile.s32 @!p0 $0x1;
	_ =	shalt  }
.Lfunc_end2:
_tile_overlayer_lowered:
.L_overlay_start_2:
0x155: {  	(tag) =	ssettag $0x2  }
0x156: {  	s0 =	rddreg [dreg:$0x0];
	s2 =	stileid.u32  }
0x157: {  	s1 =	rddreg [dreg:$0x1];
	p0 =	sne.s32 s2, $0x0  }
0x158: {  	s3 =	rddreg [dreg:$0x2];
	[bflag:$0x3] =	sbarrier.arrive $0xFFFF;
	s2 =	simm.s32 @!p0 $0x1C13  }
0x159: {  	[timem:s3], [sflag:s2] =	dma.local @!p0 [hbm:s0], s1  }
0x15a: {  	s0 =	simm.s32 @!p0 $0x13  }
0x15b: {  	_ =	swait.ge @!p0 [sflag:s0], s1  }
0x15c: {  	s1 =	ssub.s32 @!p0 $0x0, s1;
	[sflag:s0] =	ssyncset.done @!p0 $0x0  }
0x15d: {  	[sflag:s0] =	ssyncadd.s32 @!p0 s1  }
0x15e: {  	[bflag:$0x3] =	sbarrier.arrive $0xFFFF  }
0x15f: {  	_ =	shalt  }

// kernel: kernel.14.cloned.1.call-start
scs
__scs_entry_jumppad:
0x0: {  	(pc) =	sbr.rel $0x88, $3  }
0x1: {  	(tag) =	ssettag $0x0;
	lr =	simm.s32 $0x1  }
0x2: {  	[smem:$0x3F90] =	sst lr;
	_ =	strace $0xD0000000  }
0x3: {  	_ = 	snop  }
0x4: {  	_ = 	snop  }
0x5: {  	_ = 	snop  }
0x6: {  	_ = 	snop  }
0x7: {  	_ = 	snop  }
__scs_overlays_trampoline_lowered:
0x8: {  	[smem:$0x3F9F] =	sst s0  }
0x9: {  	[smem:$0x3FA0] =	sst s1  }
0xa: {  	[smem:$0x3FA1] =	sst s2  }
0xb: {  	[smem:$0x3FA2] =	sst s3  }
0xc: {  	[smem:$0x3FA3] =	sst s4  }
0xd: {  	[smem:$0x3FA4] =	sst s5  }
0xe: {  	[smem:$0x3FA5] =	sst s6  }
0xf: {  	[smem:$0x3FA6] =	sst s7  }
0x10: {  	[smem:$0x3FA7] =	sst s8  }
0x11: {  	[smem:$0x3FA8] =	sst s9;
	s0 =	simm.s32 @!p0 $0x0  }
0x12: {  	s1 =	sld [smem:$0x3F8E];
	s0 =	simm.s32 @p0 $0x1  }
0x13: {  	[smem:$0x3FA9] =	sst s0;
	s0 =	simm.s32 @!p1 $0x0  }
0x14: {  	s2 =	sld [smem:$0x3F8D];
	s0 =	simm.s32 @p1 $0x1  }
0x15: {  	[smem:$0x3FAA] =	sst s0;
	s0 =	simm.s32 @!p2 $0x0  }
0x16: {  	s3 =	sld [smem:$0x3FDB];
	s0 =	simm.s32 @p2 $0x1  }
0x17: {  	s4 =	simm.s32 $0x1BF5;
	[smem:$0x3FAC] =	sst s0  }
0x18: {  	s0 =	sld [smem:$0x3F8F];
	_ =	swait.ge [sflag:s4], $0x0  }
0x19: {  	s7 =	sld [smem:$0x3F90]  }
0x1a: {  	s8 =	sadd.s32 $0xFFFFE003, lr  }
0x1b: {  	s9 =	sadd.s32 $0xFFFFFEF7, lr;
	s5 =	simm.s32 $0xFFFFFFFF;
	p2 =	slt.u32 s8, $0xFFFFF086  }
0x1c: {  	p1 =	slt.u32 s9, $0xF7A;
	s5 =	simm.s32 @!p2 $0x0  }
0x1d: {  	s5 =	simm.s32 @p1 $0x1;
	p0 =	seq.s32 s7, s2  }
0x1e: {  	s7 =	smul.u32 @!p0 $0xF7A, s2;
	p2 =	seq.s32 @!p0 s5, $0x0  }
0x1f: {  	s9 =	smul.u32 $0xF7A, s1;
	s8 =	simm.s32 @!p0 $0x1BF5;
	p2 =	por !p2, p0  }
0x20: {  	[sflag:s8] =	ssyncset.s32 @!p0 $0xFFFFF086;
	s6 =	sadd.s32 @!p0 s3, s7;
	s7 =	simm.s32 @!p0 $0x108  }
0x21: {  	s3 =	sadd.s32 s3, s9;
	s6 =	sadd.s32 @!p0 $0x88, s6;
	s7 =	simm.s32 @p2 $0x1082  }
0x22: {  	[simem:s7], [sflag:s8] =	dma.local @!p0 [hbm:s6], $0xF7A  }
0x23: {  	s9 =	sor.u32 $0xD0000000, s2;
	s6 =	simm.s32 $0x108;
	_ =	swait.ge @!p0 [sflag:s8], $0x0  }
0x24: {  	s3 =	sadd.s32 $0x88, s3;
	s6 =	simm.s32 @!p1 $0x1082;
	[sflag:s4] =	ssyncset.s32 $0xFFFFF086  }
0x25: {  	[simem:s6], [sflag:s4] =	dma.local [hbm:s3], $0xF7A  }
0x26: {  	[smem:$0x3F90] =	sst s1;
	(tag) =	ssettag s2;
	_ =	strace s9  }
0x27: {  	s1 =	sld [smem:$0x3FA0]  }
0x28: {  	s2 =	sld [smem:$0x3FA1]  }
0x29: {  	s4 =	sld [smem:$0x3FA3]  }
0x2a: {  	p0 =	seq.s32 s5, $0x0;
	s5 =	sld [smem:$0x3FA4]  }
0x2b: {  	s6 =	sld [smem:$0x3FA5]  }
0x2c: {  	s7 =	sld [smem:$0x3FA6]  }
0x2d: {  	s3 =	simm.s32 $0x108;
	s8 =	sld [smem:$0x3FA7]  }
0x2e: {  	s3 =	simm.s32 @!p0 $0x1082;
	s9 =	sld [smem:$0x3FA8]  }
0x2f: {  	lr =	sadd.s32 s0, s3;
	s0 =	sld [smem:$0x3F9F]  }
0x30: {  	s3 =	sld [smem:$0x3FA2]  }
0x31: {  	[smem:$0x3FAB] =	sst s10  }
0x32: {  	s10 =	sld [smem:$0x3FA9];
	_ =	sdelay $0x3  }
0x33: {  	p0 =	seq.s32 s10, $0x1;
	s10 =	sld [smem:$0x3FAB];
	_ =	sdelay $0x3  }
0x34: {  	[smem:$0x3FAB] =	sst s10  }
0x35: {  	s10 =	sld [smem:$0x3FAA];
	_ =	sdelay $0x3  }
0x36: {  	p1 =	seq.s32 s10, $0x1;
	s10 =	sld [smem:$0x3FAB];
	_ =	sdelay $0x3  }
0x37: {  	[smem:$0x3FAB] =	sst s10  }
0x38: {  	s10 =	sld [smem:$0x3FAC]  }
0x39: {  	_ = 	snop;
	(pc) =	sbr.ind lr, $3  }
0x3a: {  	_ = 	snop  }
0x3b: {  	_ = 	snop  }
0x3c: {  	p2 =	seq.s32 s10, $0x1;
	s10 =	sld [smem:$0x3FAB]  }
0x3d: {  	_ =	shalt  }
0x3e: {  	_ =	shalt  }
0x3f: {  	_ =	shalt  }
0x40: {  	_ =	shalt  }
0x41: {  	_ =	shalt  }
0x42: {  	_ =	shalt  }
0x43: {  	_ =	shalt  }
0x44: {  	_ =	shalt  }
0x45: {  	_ =	shalt  }
0x46: {  	_ =	shalt  }
0x47: {  	_ =	shalt  }
0x48: {  	_ =	shalt  }
0x49: {  	_ =	shalt  }
0x4a: {  	_ =	shalt  }
0x4b: {  	_ =	shalt  }
0x4c: {  	_ =	shalt  }
0x4d: {  	_ =	shalt  }
0x4e: {  	_ =	shalt  }
0x4f: {  	_ =	shalt  }
0x50: {  	_ =	shalt  }
0x51: {  	_ =	shalt  }
0x52: {  	_ =	shalt  }
0x53: {  	_ =	shalt  }
0x54: {  	_ =	shalt  }
0x55: {  	_ =	shalt  }
0x56: {  	_ =	shalt  }
0x57: {  	_ =	shalt  }
0x58: {  	_ =	shalt  }
0x59: {  	_ =	shalt  }
0x5a: {  	_ =	shalt  }
0x5b: {  	_ =	shalt  }
0x5c: {  	_ =	shalt  }
0x5d: {  	_ =	shalt  }
0x5e: {  	_ =	shalt  }
0x5f: {  	_ =	shalt  }
0x60: {  	_ =	shalt  }
0x61: {  	_ =	shalt  }
0x62: {  	_ =	shalt  }
0x63: {  	_ =	shalt  }
0x64: {  	_ =	shalt  }
0x65: {  	_ =	shalt  }
0x66: {  	_ =	shalt  }
0x67: {  	_ =	shalt  }
0x68: {  	_ =	shalt  }
0x69: {  	_ =	shalt  }
0x6a: {  	_ =	shalt  }
0x6b: {  	_ =	shalt  }
0x6c: {  	_ =	shalt  }
0x6d: {  	_ =	shalt  }
0x6e: {  	_ =	shalt  }
0x6f: {  	_ =	shalt  }
0x70: {  	_ =	shalt  }
0x71: {  	_ =	shalt  }
0x72: {  	_ =	shalt  }
0x73: {  	_ =	shalt  }
0x74: {  	_ =	shalt  }
0x75: {  	_ =	shalt  }
0x76: {  	_ =	shalt  }
0x77: {  	_ =	shalt  }
0x78: {  	_ =	shalt  }
0x79: {  	_ =	shalt  }
0x7a: {  	_ =	shalt  }
0x7b: {  	_ =	shalt  }
0x7c: {  	_ =	shalt  }
0x7d: {  	_ =	shalt  }
0x7e: {  	_ =	shalt  }
0x7f: {  	_ =	shalt  }
0x80: {  	_ =	shalt  }
0x81: {  	_ =	shalt  }
0x82: {  	_ =	shalt  }
0x83: {  	_ =	shalt  }
0x84: {  	_ =	shalt  }
0x85: {  	_ =	shalt  }
0x86: {  	_ =	shalt  }
0x87: {  	_ =	shalt  }
.Lfunc_end0:
.L_simem_size_0:
called_computation.2_lowered:
.L_overlay_start_0:
0x88: {  	s2 =	sld [smem:$0x3FD9]  }
0x89: {  	s3 =	sld [smem:$0x3FFE];
	_ =	sdelay $0x1  }
0x8a: {  	s1 =	srdreg.scid  }
0x8b: {  	s0 =	sand.u32 $0x1, s1  }
0x8c: {  	s14 =	sshll.u32 s0, $0xA;
	s2 =	sadd.s32 s3, s2  }
0x8d: {  	s2 =	sadd.s32 s2, s14  }
0x8e: {  	[smem:$0x3FB7] =	sst s2  }
0x8f: {  	_ = 	snop  }
0x90: {  	s2 =	sld [smem:$0x3FD0];
	_ =	sdelay $0x2  }
0x91: {  	s15 =	simm.s32 $0xA;
	s4 =	simm.s32 $0x10  }
0x92: {  	[smem:s4], [sflag:s15] =	dma.local [hbm:s2], $0x1  }
0x93: {  	_ =	swait.eq [sflag:s15], $0x1  }
0x94: {  	[sflag:s15] =	ssyncset.done $0x0  }
0x95: {  	[sflag:s15] =	ssyncadd.s32 $0xFFFFFFFF  }
0x96: {  	s16 =	sld [smem:$0x10];
	(tm) =	ssettm $0x1  }
0x97: {  	s17 =	sld [smem:$0x3FFB];
	_ =	sdelay $0x3  }
0x98: {  	_ =	strace s17  }
0x99: {  	s3 =	sld [smem:$0x3FFC];
	_ =	sdelay $0x3  }
0x9a: {  	_ =	strace s3  }
0x9b: {  	s3 =	sld [smem:$0x3FFD];
	_ =	sdelay $0x3  }
0x9c: {  	_ =	strace s3  }
0x9d: {  	_ =	strace $0x8FFFFFFF  }
0x9e: {  	s18 =	sld [smem:$0x3FDB];
	_ =	sdelay $0x1  }
0x9f: {  	s19 =	simm.s32 $_scs_section_size  }
0xa0: {  	s5 =	simm.s32 $_size__tile_overlayer_lowered;
	s6 =	simm.s32 $_tile_overlayer_lowered  }
0xa1: {  	s22 =	simm.s32 $0x1BFF;
	s21 =	sshll.u32 s6, $0x1;
	s3 =	sadd.s32 s19, s18  }
0xa2: {  	s7 =	simm.s32 $0x0;
	s20 =	sshll.u32 s5, $0x1;
	s5 =	sadd.s32 s21, s3  }
0xa3: {  	[timem:s7], [sflag:s22] =	dma.local [hbm:s5], s20  }
0xa4: {  	_ =	swait.ge [sflag:s22], s20  }
0xa5: {  	s4 =	ssub.s32 $0x0, s20;
	[sflag:s22] =	ssyncset.done $0x0  }
0xa6: {  	[sflag:s22] =	ssyncadd.s32 s4;
	_ =	sdelay $0x1  }
0xa7: {  	s23 =	simm.s32 $0x1B8B  }
0xa8: {  	_ =	swait.ge [sflag:s23], $0x1  }
0xa9: {  	[sflag:s23] =	ssyncset.done $0x0  }
0xaa: {  	s25 =	simm.s32 $0x1B8E;
	s24 =	sld [smem:$0x3FFE];
	[sflag:s23] =	ssyncadd.s32 $0xFFFFFFFF  }
0xab: {  	s26 =	simm.s32 $execute0_lowered;
	[smem:$0x3FD2] =	sst s25  }
0xac: {  	s5 =	sshll.u32 s26, $0x1;
	_ =	strace $0x8000004C;
	[dreg:$0x1] =	wrdreg $0xFFFFFFFF  }
0xad: {  	s28 =	simm.s32 $_size_execute0_lowered;
	s3 =	sadd.s32 s3, s5;
	[dreg:$0x0] =	wrdreg $0x0  }
0xae: {  	s5 =	sshll.u32 s28, $0x1;
	[dreg:$0x2] =	wrdreg s3  }
0xaf: {  	[dreg:$0x3] =	wrdreg s5  }
0xb0: {  	[dreg:$0x4] =	wrdreg $0xC0  }
0xb1: {  	_ =	task [dreg:s7], $0x5FFFF  }
0xb2: {  	[dreg:$0x1] =	wrdreg $0xFFFFFFFF  }
0xb3: {  	[dreg:$0x0] =	wrdreg $0x60  }
0xb4: {  	[dreg:$0x2] =	wrdreg s24  }
0xb5: {  	[dreg:$0x3] =	wrdreg s16  }
0xb6: {  	[dreg:$0x4] =	wrdreg $0x9  }
0xb7: {  	_ =	task.clear_ibuf [dreg:s7], $0x5FFFF;
	_ =	strace $0x9000004C  }
0xb8: {  	s29 =	simm.s32 $0x9;
	_ =	strace $0x8000004E  }
0xb9: {  	_ =	swait.ge [sflag:s29], $0x1  }
0xba: {  	[sflag:s29] =	ssyncadd.s32 $0xFFFFFFFF  }
0xbb: {  	_ =	strace $0x9000004E  }
0xbc: {  	_ =	sfence  }
0xbd: {  	s30 =	sld [smem:$0x0];
	_ =	sdelay $0x2  }
0xbe: {  	s31 =	sshll.u32 s1, $0xD;
	s1 =	sshrl.u32 s1, $0x2  }
0xbf: {  	s3 =	sand.u32 $0x4000, s31;
	s1 =	sadd.s32 s1, s30  }
0xc0: {  	s0 =	sor.u32 s3, s0;
	s1 =	sshll.u32 s1, $0x11  }
0xc1: {  	s0 =	sor.u32 s1, s0  }
0xc2: {  	s0 =	sadd.s32 $0x8F2B, s0  }
0xc3: {  	[sflag:s0] =	ssyncadd.remote.s32 $0x1  }
0xc4: {  	_ =	sfence.sel $0xFFFF  }
0xc5: {  	[dreg:$0x0] =	wrdreg $0xFFFFFFFF;
	(pc) =	sbr.abs _section_cstart, $3  }
0xc6: {  	[dreg:$0x1] =	wrdreg $0xFFFFFFFF  }
0xc7: {  	_ =	task.clear_ibuf [dreg:s7], $0x2FFFF;
	_ =	strace $0x9FFFFFFF  }
0xc8: {  	(tm) =	ssettm $0x7FFFFFFF  }
0xc9: {  	_ =	shalt  }
tec
execute0_lowered:
.L_overlay_start_1:
0x0: {  	(tag) =	ssettag $0x1  }
0x1: {  	s1 =	srdreg.scid  }
0x2: {  	s11 =	rddreg [dreg:$0x0];
	s0 =	stileid.u32;
	s12 =	sand.u32 $0x1, s1  }
0x3: {  	s3 =	rddreg [dreg:$0x1];
	s4 =	sshll.u32 s0, $0x9;
	s5 =	sshll.u32 s12, $0x8  }
0x4: {  	s2 =	simm.s32 $0x0;
	s1 =	rddreg [dreg:$0x2];
	s13 =	sor.u32 s5, s4  }
0x5: {  	[smem:$0x7FF] =	sst s2;
	s4 =	sshrl.u32 s13, $0x3  }
0x6: {  	_ =	strace $0x8000004D;
	s4 =	sadd.s32 s3, s4;
	s3 =	simm.s32 $0x3  }
0x7: {  	[tilespmem:s2], [sflag:$0x3] =	stream.linear.gather [hbm4b:s4+s2], $0x100, $0x38;
	[tilespmem:$0x10100] =	vst v63  }
0x8: {  	_ =	swait.ge [sflag:s3], $0x100  }
0x9: {  	[sflag:s3] =	ssyncset.done $0x0  }
0xa: {  	s6 =	simm.s32 $0x100;
	s5 =	sadd.s32 $0x4400, s11;
	[sflag:s3] =	ssyncadd.s32 $0xFFFFFF00  }
0xb: {  	[tilespmem:s6], [sflag:$0x1] =	stream.indirect.gather [hbm4b:s5+s6], $0x80, s2, s6, $0xb8;
	[tilespmem:$0x10100] =	vst v63  }
0xc: {  	s8 =	simm.s32 $0x8100;
	s9 =	simm.s32 $0x1;
	s7 =	sadd.s32 $0x2B600, s11  }
0xd: {  	[tilespmem:s8], [sflag:$0x2] =	stream.indirect.gather [hbm4b:s7+s6], $0x80, s2, s6, $0xb8;
	[tilespmem:$0x10100] =	vst v63  }
0xe: {  	_ =	swait.ge [sflag:s9], $0x8000  }
0xf: {  	[sflag:s9] =	ssyncset.done $0x0  }
0x10: {  	s10 =	simm.s32 $0x2;
	s12 =	ssub.s32 $0x2, s12;
	[sflag:s9] =	ssyncadd.s32 $0xFFFF8000  }
0x11: {  	s14 =	sshrl.u32 s12, $0x1;
	s13 =	sshll.u32 s13, $0x4;
	_ =	swait.ge [sflag:s10], $0x8000  }
0x12: {  	s14 =	ssub.s32 s12, s14;
	s13 =	sadd.s32 s13, s11;
	[sflag:s10] =	ssyncset.done $0x0  }
0x13: {  	s31 =	smax.u32 s14, $0x1;
	s11 =	sadd.s32 $0x52800, s13;
	[sflag:s10] =	ssyncadd.s32 $0xFFFF8000  }
0x14: {  	[hbm4b:s11+s2] =	stream.linear.scatter [tilespmem:s6], [sflag:$0x3], $0x8000, $0x38;
	[tilespmem:$0x10100] =	vst v63  }
0x15: {  	p0 =	sne.s32 s31, $0x1;
	_ =	swait.ge [sflag:s3], $0x8000  }
.Ltmp0:
0x16: {  	[sflag:s3] =	ssyncset.done $0x0;
	(pc) =	sbr.rel @!p0 .LBB2_2-.Ltmp0, $4  }
0x17: {  	s12 =	sadd.s32 $0x72800, s13;
	[sflag:s3] =	ssyncadd.s32 $0xFFFF8000  }
0x18: {  	[hbm4b:s12+s2] =	stream.linear.scatter [tilespmem:s8], [sflag:$0x3], $0x8000, $0x38;
	[tilespmem:$0x10100] =	vst v63  }
0x19: {  	_ =	swait.ge [sflag:s3], $0x8000  }
0x1a: {  	s13 =	sadd.s32 $0xFFFFFFFF, s31;
	[sflag:s3] =	ssyncset.done $0x0  }
.LBB2_1:
0x1b: {  	p0 =	sne.s32 s13, $0x1;
	s13 =	sadd.s32 $0xFFFFFFFF, s13;
	[sflag:s3] =	ssyncadd.s32 $0xFFFF8000  }
0x1c: {  	[tilespmem:s2], [sflag:$0x3] =	stream.linear.gather [hbm4b:s4+s2], $0x100, $0x38;
	[tilespmem:$0x10100] =	vst v63  }
0x1d: {  	_ =	swait.ge [sflag:s3], $0x100  }
0x1e: {  	[sflag:s3] =	ssyncset.done $0x0  }
0x1f: {  	[sflag:s3] =	ssyncadd.s32 $0xFFFFFF00  }
0x20: {  	[tilespmem:s6], [sflag:$0x1] =	stream.indirect.gather [hbm4b:s5+s6], $0x80, s2, s6, $0xb8;
	[tilespmem:$0x10100] =	vst v63  }
0x21: {  	_ = 	snop  }
0x22: {  	[tilespmem:s8], [sflag:$0x2] =	stream.indirect.gather [hbm4b:s7+s6], $0x80, s2, s6, $0xb8;
	[tilespmem:$0x10100] =	vst v63  }
0x23: {  	_ =	swait.ge [sflag:s9], $0x8000  }
0x24: {  	[sflag:s9] =	ssyncset.done $0x0  }
0x25: {  	[sflag:s9] =	ssyncadd.s32 $0xFFFF8000  }
0x26: {  	_ =	swait.ge [sflag:s10], $0x8000  }
0x27: {  	[sflag:s10] =	ssyncset.done $0x0  }
0x28: {  	[sflag:s10] =	ssyncadd.s32 $0xFFFF8000  }
0x29: {  	[hbm4b:s11+s2] =	stream.linear.scatter [tilespmem:s6], [sflag:$0x3], $0x8000, $0x38;
	[tilespmem:$0x10100] =	vst v63  }
0x2a: {  	_ =	swait.ge [sflag:s3], $0x8000  }
.Ltmp1:
0x2b: {  	[sflag:s3] =	ssyncset.done $0x0;
	(pc) =	sbr.rel @p0 .LBB2_1-.Ltmp1, $4  }
0x2c: {  	[sflag:s3] =	ssyncadd.s32 $0xFFFF8000  }
0x2d: {  	[hbm4b:s12+s2] =	stream.linear.scatter [tilespmem:s8], [sflag:$0x3], $0x8000, $0x38;
	[tilespmem:$0x10100] =	vst v63  }
0x2e: {  	_ =	swait.ge [sflag:s3], $0x8000  }
0x2f: {  	[sflag:s3] =	ssyncset.done $0x0  }
.LBB2_2:
0x30: {  	[sflag:s3] =	ssyncadd.s32 $0xFFFF8000  }
0x31: {  	_ =	sfence.sel $0x180000  }
0x32: {  	[bflag:$0x0] =	sbarrier.arrive $0xFFFF  }
0x33: {  	p0 =	sne.s32 s0, $0x0;
	_ =	strace $0x9000004D  }
0x34: {  	s0 =	sadd.s32 @!p0 $0x100000, s1;
	[bflag:$0x2] =	sbarrier.arrive $0xFFFF  }
0x35: {  	[sflag:s0] =	ssyncadd.tile.s32 @!p0 $0x1;
	_ =	shalt  }
.Lfunc_end2:
_tile_overlayer_lowered:
.L_overlay_start_2:
0x36: {  	(tag) =	ssettag $0x2  }
0x37: {  	s0 =	rddreg [dreg:$0x0];
	s2 =	stileid.u32  }
0x38: {  	s1 =	rddreg [dreg:$0x1];
	p0 =	sne.s32 s2, $0x0  }
0x39: {  	s3 =	rddreg [dreg:$0x2];
	[bflag:$0x3] =	sbarrier.arrive $0xFFFF;
	s2 =	simm.s32 @!p0 $0x1C03  }
0x3a: {  	[timem:s3], [sflag:s2] =	dma.local @!p0 [hbm:s0], s1  }
0x3b: {  	s0 =	simm.s32 @!p0 $0x3  }
0x3c: {  	_ =	swait.ge @!p0 [sflag:s0], s1  }
0x3d: {  	s1 =	ssub.s32 @!p0 $0x0, s1;
	[sflag:s0] =	ssyncset.done @!p0 $0x0  }
0x3e: {  	[sflag:s0] =	ssyncadd.s32 @!p0 s1  }
0x3f: {  	[bflag:$0x3] =	sbarrier.arrive $0xFFFF  }
0x40: {  	_ =	shalt  }

// kernel: kernel.8.cloned.1.call-start
scs
__scs_entry_jumppad:
0x0: {  	(pc) =	sbr.rel $0x88, $3  }
0x1: {  	(tag) =	ssettag $0x0;
	lr =	simm.s32 $0x1  }
0x2: {  	[smem:$0x3F90] =	sst lr;
	_ =	strace $0xD0000000  }
0x3: {  	_ = 	snop  }
0x4: {  	_ = 	snop  }
0x5: {  	_ = 	snop  }
0x6: {  	_ = 	snop  }
0x7: {  	_ = 	snop  }
__scs_overlays_trampoline_lowered:
0x8: {  	[smem:$0x3F9F] =	sst s0  }
0x9: {  	[smem:$0x3FA0] =	sst s1  }
0xa: {  	[smem:$0x3FA1] =	sst s2  }
0xb: {  	[smem:$0x3FA2] =	sst s3  }
0xc: {  	[smem:$0x3FA3] =	sst s4  }
0xd: {  	[smem:$0x3FA4] =	sst s5  }
0xe: {  	[smem:$0x3FA5] =	sst s6  }
0xf: {  	[smem:$0x3FA6] =	sst s7  }
0x10: {  	[smem:$0x3FA7] =	sst s8  }
0x11: {  	[smem:$0x3FA8] =	sst s9;
	s0 =	simm.s32 @!p0 $0x0  }
0x12: {  	s1 =	sld [smem:$0x3F8E];
	s0 =	simm.s32 @p0 $0x1  }
0x13: {  	[smem:$0x3FA9] =	sst s0;
	s0 =	simm.s32 @!p1 $0x0  }
0x14: {  	s2 =	sld [smem:$0x3F8D];
	s0 =	simm.s32 @p1 $0x1  }
0x15: {  	[smem:$0x3FAA] =	sst s0;
	s0 =	simm.s32 @!p2 $0x0  }
0x16: {  	s3 =	sld [smem:$0x3FDB];
	s0 =	simm.s32 @p2 $0x1  }
0x17: {  	s4 =	simm.s32 $0x1BF5;
	[smem:$0x3FAC] =	sst s0  }
0x18: {  	s0 =	sld [smem:$0x3F8F];
	_ =	swait.ge [sflag:s4], $0x0  }
0x19: {  	s7 =	sld [smem:$0x3F90]  }
0x1a: {  	s8 =	sadd.s32 $0xFFFFE003, lr  }
0x1b: {  	s9 =	sadd.s32 $0xFFFFFEF7, lr;
	s5 =	simm.s32 $0xFFFFFFFF;
	p2 =	slt.u32 s8, $0xFFFFF086  }
0x1c: {  	p1 =	slt.u32 s9, $0xF7A;
	s5 =	simm.s32 @!p2 $0x0  }
0x1d: {  	s5 =	simm.s32 @p1 $0x1;
	p0 =	seq.s32 s7, s2  }
0x1e: {  	s7 =	smul.u32 @!p0 $0xF7A, s2;
	p2 =	seq.s32 @!p0 s5, $0x0  }
0x1f: {  	s9 =	smul.u32 $0xF7A, s1;
	s8 =	simm.s32 @!p0 $0x1BF5;
	p2 =	por !p2, p0  }
0x20: {  	[sflag:s8] =	ssyncset.s32 @!p0 $0xFFFFF086;
	s6 =	sadd.s32 @!p0 s3, s7;
	s7 =	simm.s32 @!p0 $0x108  }
0x21: {  	s3 =	sadd.s32 s3, s9;
	s6 =	sadd.s32 @!p0 $0x88, s6;
	s7 =	simm.s32 @p2 $0x1082  }
0x22: {  	[simem:s7], [sflag:s8] =	dma.local @!p0 [hbm:s6], $0xF7A  }
0x23: {  	s9 =	sor.u32 $0xD0000000, s2;
	s6 =	simm.s32 $0x108;
	_ =	swait.ge @!p0 [sflag:s8], $0x0  }
0x24: {  	s3 =	sadd.s32 $0x88, s3;
	s6 =	simm.s32 @!p1 $0x1082;
	[sflag:s4] =	ssyncset.s32 $0xFFFFF086  }
0x25: {  	[simem:s6], [sflag:s4] =	dma.local [hbm:s3], $0xF7A  }
0x26: {  	[smem:$0x3F90] =	sst s1;
	(tag) =	ssettag s2;
	_ =	strace s9  }
0x27: {  	s1 =	sld [smem:$0x3FA0]  }
0x28: {  	s2 =	sld [smem:$0x3FA1]  }
0x29: {  	s4 =	sld [smem:$0x3FA3]  }
0x2a: {  	p0 =	seq.s32 s5, $0x0;
	s5 =	sld [smem:$0x3FA4]  }
0x2b: {  	s6 =	sld [smem:$0x3FA5]  }
0x2c: {  	s7 =	sld [smem:$0x3FA6]  }
0x2d: {  	s3 =	simm.s32 $0x108;
	s8 =	sld [smem:$0x3FA7]  }
0x2e: {  	s3 =	simm.s32 @!p0 $0x1082;
	s9 =	sld [smem:$0x3FA8]  }
0x2f: {  	lr =	sadd.s32 s0, s3;
	s0 =	sld [smem:$0x3F9F]  }
0x30: {  	s3 =	sld [smem:$0x3FA2]  }
0x31: {  	[smem:$0x3FAB] =	sst s10  }
0x32: {  	s10 =	sld [smem:$0x3FA9];
	_ =	sdelay $0x3  }
0x33: {  	p0 =	seq.s32 s10, $0x1;
	s10 =	sld [smem:$0x3FAB];
	_ =	sdelay $0x3  }
0x34: {  	[smem:$0x3FAB] =	sst s10  }
0x35: {  	s10 =	sld [smem:$0x3FAA];
	_ =	sdelay $0x3  }
0x36: {  	p1 =	seq.s32 s10, $0x1;
	s10 =	sld [smem:$0x3FAB];
	_ =	sdelay $0x3  }
0x37: {  	[smem:$0x3FAB] =	sst s10  }
0x38: {  	s10 =	sld [smem:$0x3FAC]  }
0x39: {  	_ = 	snop;
	(pc) =	sbr.ind lr, $3  }
0x3a: {  	_ = 	snop  }
0x3b: {  	_ = 	snop  }
0x3c: {  	p2 =	seq.s32 s10, $0x1;
	s10 =	sld [smem:$0x3FAB]  }
0x3d: {  	_ =	shalt  }
0x3e: {  	_ =	shalt  }
0x3f: {  	_ =	shalt  }
0x40: {  	_ =	shalt  }
0x41: {  	_ =	shalt  }
0x42: {  	_ =	shalt  }
0x43: {  	_ =	shalt  }
0x44: {  	_ =	shalt  }
0x45: {  	_ =	shalt  }
0x46: {  	_ =	shalt  }
0x47: {  	_ =	shalt  }
0x48: {  	_ =	shalt  }
0x49: {  	_ =	shalt  }
0x4a: {  	_ =	shalt  }
0x4b: {  	_ =	shalt  }
0x4c: {  	_ =	shalt  }
0x4d: {  	_ =	shalt  }
0x4e: {  	_ =	shalt  }
0x4f: {  	_ =	shalt  }
0x50: {  	_ =	shalt  }
0x51: {  	_ =	shalt  }
0x52: {  	_ =	shalt  }
0x53: {  	_ =	shalt  }
0x54: {  	_ =	shalt  }
0x55: {  	_ =	shalt  }
0x56: {  	_ =	shalt  }
0x57: {  	_ =	shalt  }
0x58: {  	_ =	shalt  }
0x59: {  	_ =	shalt  }
0x5a: {  	_ =	shalt  }
0x5b: {  	_ =	shalt  }
0x5c: {  	_ =	shalt  }
0x5d: {  	_ =	shalt  }
0x5e: {  	_ =	shalt  }
0x5f: {  	_ =	shalt  }
0x60: {  	_ =	shalt  }
0x61: {  	_ =	shalt  }
0x62: {  	_ =	shalt  }
0x63: {  	_ =	shalt  }
0x64: {  	_ =	shalt  }
0x65: {  	_ =	shalt  }
0x66: {  	_ =	shalt  }
0x67: {  	_ =	shalt  }
0x68: {  	_ =	shalt  }
0x69: {  	_ =	shalt  }
0x6a: {  	_ =	shalt  }
0x6b: {  	_ =	shalt  }
0x6c: {  	_ =	shalt  }
0x6d: {  	_ =	shalt  }
0x6e: {  	_ =	shalt  }
0x6f: {  	_ =	shalt  }
0x70: {  	_ =	shalt  }
0x71: {  	_ =	shalt  }
0x72: {  	_ =	shalt  }
0x73: {  	_ =	shalt  }
0x74: {  	_ =	shalt  }
0x75: {  	_ =	shalt  }
0x76: {  	_ =	shalt  }
0x77: {  	_ =	shalt  }
0x78: {  	_ =	shalt  }
0x79: {  	_ =	shalt  }
0x7a: {  	_ =	shalt  }
0x7b: {  	_ =	shalt  }
0x7c: {  	_ =	shalt  }
0x7d: {  	_ =	shalt  }
0x7e: {  	_ =	shalt  }
0x7f: {  	_ =	shalt  }
0x80: {  	_ =	shalt  }
0x81: {  	_ =	shalt  }
0x82: {  	_ =	shalt  }
0x83: {  	_ =	shalt  }
0x84: {  	_ =	shalt  }
0x85: {  	_ =	shalt  }
0x86: {  	_ =	shalt  }
0x87: {  	_ =	shalt  }
.Lfunc_end0:
.L_simem_size_0:
called_computation_lowered:
.L_overlay_start_0:
0x88: {  	s2 =	sld [smem:$0x3FD9]  }
0x89: {  	s3 =	sld [smem:$0x3FFE];
	_ =	sdelay $0x1  }
0x8a: {  	s1 =	srdreg.scid  }
0x8b: {  	s0 =	sand.u32 $0x1, s1  }
0x8c: {  	s17 =	sshll.u32 s0, $0xA;
	s2 =	sadd.s32 s3, s2  }
0x8d: {  	s2 =	sadd.s32 s2, s17  }
0x8e: {  	[smem:$0x3FB7] =	sst s2  }
0x8f: {  	_ = 	snop  }
0x90: {  	s2 =	sld [smem:$0x3FC7];
	(tm) =	ssettm $0x1  }
0x91: {  	s18 =	sld [smem:$0x3FFB];
	_ =	sdelay $0x3  }
0x92: {  	_ =	strace s18  }
0x93: {  	s3 =	sld [smem:$0x3FFC];
	_ =	sdelay $0x3  }
0x94: {  	_ =	strace s3  }
0x95: {  	s3 =	sld [smem:$0x3FFD];
	_ =	sdelay $0x3  }
0x96: {  	_ =	strace s3  }
0x97: {  	_ =	strace $0x8FFFFFFF  }
0x98: {  	s19 =	sld [smem:$0x3FDB];
	_ =	sdelay $0x1  }
0x99: {  	s4 =	simm.s32 $_scs_section_size  }
0x9a: {  	s5 =	simm.s32 $_size__tile_overlayer_lowered;
	s6 =	simm.s32 $_tile_overlayer_lowered  }
0x9b: {  	s22 =	simm.s32 $0x1BFF;
	s21 =	sshll.u32 s6, $0x1;
	s3 =	sadd.s32 s4, s19  }
0x9c: {  	s7 =	simm.s32 $0x0;
	s20 =	sshll.u32 s5, $0x1;
	s5 =	sadd.s32 s21, s3  }
0x9d: {  	[timem:s7], [sflag:s22] =	dma.local [hbm:s5], s20  }
0x9e: {  	_ =	swait.ge [sflag:s22], s20  }
0x9f: {  	s4 =	ssub.s32 $0x0, s20;
	[sflag:s22] =	ssyncset.done $0x0  }
0xa0: {  	[sflag:s22] =	ssyncadd.s32 s4;
	_ =	sdelay $0x1  }
0xa1: {  	s23 =	simm.s32 $0x1B8B  }
0xa2: {  	_ =	swait.ge [sflag:s23], $0x1  }
0xa3: {  	[sflag:s23] =	ssyncset.done $0x0  }
0xa4: {  	s25 =	simm.s32 $0x1B8E;
	s24 =	sld [smem:$0x3FFE];
	[sflag:s23] =	ssyncadd.s32 $0xFFFFFFFF  }
0xa5: {  	s26 =	simm.s32 $execute0_lowered;
	[smem:$0x3FD2] =	sst s25  }
0xa6: {  	s5 =	sshll.u32 s26, $0x1;
	_ =	strace $0x80000046;
	[dreg:$0x1] =	wrdreg $0xFFFFFFFF  }
0xa7: {  	s28 =	simm.s32 $_size_execute0_lowered;
	s3 =	sadd.s32 s3, s5;
	[dreg:$0x0] =	wrdreg $0x0  }
0xa8: {  	s5 =	sshll.u32 s28, $0x1;
	[dreg:$0x2] =	wrdreg s3  }
0xa9: {  	[dreg:$0x3] =	wrdreg s5  }
0xaa: {  	[dreg:$0x4] =	wrdreg $0xC0  }
0xab: {  	_ =	task [dreg:s7], $0x5FFFF  }
0xac: {  	[dreg:$0x1] =	wrdreg $0xFFFFFFFF  }
0xad: {  	[dreg:$0x0] =	wrdreg $0x60  }
0xae: {  	[dreg:$0x2] =	wrdreg s24  }
0xaf: {  	[dreg:$0x3] =	wrdreg s2  }
0xb0: {  	[dreg:$0x4] =	wrdreg $0xA6000  }
0xb1: {  	[dreg:$0x5] =	wrdreg $0x9  }
0xb2: {  	_ =	task.clear_ibuf [dreg:s7], $0x6FFFF;
	_ =	strace $0x90000046  }
0xb3: {  	s29 =	simm.s32 $0x9;
	_ =	strace $0x80000048  }
0xb4: {  	_ =	swait.ge [sflag:s29], $0x1  }
0xb5: {  	[sflag:s29] =	ssyncadd.s32 $0xFFFFFFFF  }
0xb6: {  	_ =	strace $0x90000048  }
0xb7: {  	_ =	sfence  }
0xb8: {  	s30 =	sld [smem:$0x0];
	_ =	sdelay $0x2  }
0xb9: {  	s31 =	sshll.u32 s1, $0xD;
	s1 =	sshrl.u32 s1, $0x2  }
0xba: {  	s3 =	sand.u32 $0x4000, s31;
	s1 =	sadd.s32 s1, s30  }
0xbb: {  	s0 =	sor.u32 s3, s0;
	s1 =	sshll.u32 s1, $0x11  }
0xbc: {  	s0 =	sor.u32 s1, s0  }
0xbd: {  	s0 =	sadd.s32 $0x8F2B, s0  }
0xbe: {  	[sflag:s0] =	ssyncadd.remote.s32 $0x1  }
0xbf: {  	_ =	sfence.sel $0xFFFF  }
0xc0: {  	[dreg:$0x0] =	wrdreg $0xFFFFFFFF;
	(pc) =	sbr.abs _section_cstart, $3  }
0xc1: {  	[dreg:$0x1] =	wrdreg $0xFFFFFFFF  }
0xc2: {  	_ =	task.clear_ibuf [dreg:s7], $0x2FFFF;
	_ =	strace $0x9FFFFFFF  }
0xc3: {  	(tm) =	ssettm $0x7FFFFFFF  }
tec
execute0_lowered:
.L_overlay_start_1:
0x0: {  	(tag) =	ssettag $0x1  }
0x1: {  	s0 =	rddreg [dreg:$0x0]  }
0x2: {  	s7 =	rddreg [dreg:$0x1]  }
0x3: {  	s2 =	rddreg [dreg:$0x2];
	s3 =	simm.s32 $0x0;
	s1 =	stileid.u32  }
0x4: {  	s4 =	srdreg.scid;
	s31 =	simm.s32 $0x13;
	s8 =	smul.u32 $0x2700, s1  }
0x5: {  	[smem:$0x7FF] =	sst s3;
	s9 =	sand.u32 $0x1, s4;
	s4 =	smul.u32 $0x2710, s1  }
0x6: {  	s5 =	sadd.s32 $0x57800, s0;
	s6 =	sadd.s32 $0x52800, s0;
	s14 =	smul.u32 $0x4E200, s1  }
0x7: {  	s29 =	smul.u32 $0x4E000, s1;
	s22 =	sadd.s32 $0xA8300, s0;
	s30 =	sadd.s32 $0x124800, s2  }
0x8: {  	_ =	strace $0x80000047;
	s10 =	ssub.s32 $0x2, s9;
	p0 =	seq.s32 s9, $0x0  }
0x9: {  	s20 =	sshll.u32 s9, $0x7;
	p3 =	sne.s32 s9, $0x0;
	[dreg:$0xd] =	wrdreg s22  }
0xa: {  	s22 =	simm.s32 $0x600;
	s9 =	simm.s32 $0x7E00;
	s11 =	sshrl.u32 s10, $0x1  }
0xb: {  	s8 =	sadd.s32 s8, s0;
	s23 =	sadd.s32 $0x50, s4;
	s12 =	sshrl.u32 s4, $0x3  }
0xc: {  	s26 =	sshrl.u32 s14, $0x2;
	p1 =	seq.s32 @p3 s1, $0xF;
	s15 =	sadd.s32 s5, s12  }
0xd: {  	p4 =	seq.s32 @!p3 s1, $0xF;
	s12 =	sadd.s32 s6, s12;
	[dreg:$0x4] =	wrdreg s15  }
0xe: {  	s10 =	ssub.s32 s10, s11;
	s21 =	sadd.s32 $0x83A00, s8;
	[dreg:$0x5] =	wrdreg s12  }
0xf: {  	s13 =	sshrl.u32 s23, $0x3;
	s8 =	sadd.s32 $0x5C800, s8;
	[dreg:$0xc] =	wrdreg s21  }
0x10: {  	s28 =	sshll.u32 s23, $0x5;
	s24 =	sadd.s32 s5, s13;
	[dreg:$0xe] =	wrdreg s8  }
0x11: {  	s11 =	sadd.s32 s26, s2;
	s25 =	sadd.s32 s6, s13;
	[dreg:$0x6] =	wrdreg s24  }
0x12: {  	p2 =	por !p4, p3;
	s16 =	sadd.s32 $0x2800, s11;
	[dreg:$0x7] =	wrdreg s25  }
0x13: {  	s17 =	sadd.s32 $0x5000, s11;
	s18 =	sadd.s32 $0x7800, s11;
	[dreg:$0x8] =	wrdreg s16  }
0x14: {  	s19 =	sadd.s32 $0xA000, s11;
	s12 =	sshrl.u32 s29, $0x2;
	[dreg:$0x9] =	wrdreg s17  }
0x15: {  	s23 =	smax.u32 s10, $0x1;
	s26 =	sadd.s32 $0xC800, s11;
	[dreg:$0xa] =	wrdreg s18  }
0x16: {  	s29 =	sadd.s32 $0x11800, s11;
	s10 =	simm.s32 $0xB;
	[dreg:$0xb] =	wrdreg s19  }
0x17: {  	s13 =	simm.s32 $0xF;
	s15 =	simm.s32 $0x11;
	[dreg:$0x10] =	wrdreg s23  }
0x18: {  	s16 =	sadd.s32 s12, s2;
	s17 =	sadd.s32 s20, s7;
	[dreg:$0x13] =	wrdreg s26  }
0x19: {  	s7 =	simm.s32 $0x4400;
	[dreg:$0x15] =	wrdreg s29;
	s12 =	simm.s32 $0x50  }
0x1a: {  	s18 =	simm.s32 $0x12;
	s19 =	simm.s32 $0x0;
	s7 =	simm.s32 @!p0 $0x2B600  }
0x1b: {  	s24 =	sadd.s32 s17, s14;
	s25 =	sadd.s32 s17, s28;
	p0 =	por !p1, !p3  }
0x1c: {  	p1 =	por p1, !p3;
	p3 =	por p4, p3;
	[dreg:$0x11] =	wrdreg s24  }
0x1d: {  	s28 =	sadd.s32 $0xF000, s11;
	s14 =	simm.s32 $0x10;
	[dreg:$0x12] =	wrdreg s25  }
0x1e: {  	s21 =	sadd.s32 s7, s0;
	s0 =	sadd.s32 $0x81100, s0;
	[dreg:$0x14] =	wrdreg s28  }
0x1f: {  	v0 =	vimm.f32 $0.0e+00;
	s7 =	simm.s32 $0x800;
	[dreg:$0xf] =	wrdreg s0;
	s0 =	simm.s32 $0x400  }
.LBB2_1:
0x20: {  	s1 =	rddreg [dreg:$0x4]  }
0x21: {  	[tilespmem:s3], [sflag:$0x13] =	stream.linear.gather [hbm4b:s1+s3], $0x50, $0x38;
	[tilespmem:$0x1DE80] =	vst v63  }
0x22: {  	_ =	swait.ge [sflag:s31], $0x50  }
0x23: {  	[sflag:s31] =	ssyncset.done $0x0  }
0x24: {  	s8 =	simm.s32 $0x200;
	s29 =	rddreg [dreg:$0x5];
	[sflag:s31] =	ssyncadd.s32 $0xFFFFFFB0  }
0x25: {  	[tilespmem:s8], [sflag:$0x13] =	stream.linear.gather [hbm4b:s29+s3], $0x50, $0x38;
	[tilespmem:$0x1DE80] =	vst v63  }
0x26: {  	_ =	swait.ge [sflag:s31], $0x50  }
0x27: {  	[sflag:s31] =	ssyncset.done $0x0  }
0x28: {  	s23 =	simm.s32 $0x80;
	s20 =	rddreg [dreg:$0x6];
	[sflag:s31] =	ssyncadd.s32 $0xFFFFFFB0  }
0x29: {  	[tilespmem:s23], [sflag:$0x2] =	stream.linear.gather [hbm4b:s20+s3], $0x50, $0x38;
	[tilespmem:$0x1DE80] =	vst v63  }
0x2a: {  	s25 =	simm.s32 $0x280;
	s24 =	rddreg [dreg:$0x7]  }
0x2b: {  	[tilespmem:s25], [sflag:$0x5] =	stream.linear.gather [hbm4b:s24+s3], $0x50, $0x38;
	[tilespmem:$0x1DE80] =	vst v63  }
0x2c: {  	s29 =	simm.s32 $0x2E00;
	s26 =	rddreg [dreg:$0x11]  }
0x2d: {  	[tilespmem:s22], [sflag:$0xB] =	stream.strided.gather [hbm4b:s26+s0], $0x2800, s7, s0, $0x38;
	[tilespmem:$0x1DE80] =	vst v63  }
0x2e: {  	s8 =	simm.s32 $0x0;
	s28 =	rddreg [dreg:$0x12];
	s20 =	simm.s32 $0x200  }
0x2f: {  	[tilespmem:s29], [sflag:$0xC] =	stream.strided.gather [hbm4b:s28+s0], $0x2800, s7, s0, $0x38;
	[tilespmem:$0x1DE80] =	vst v63  }
.LBB2_2:
0x30: {  	p4 =	sne.s32 s20, $0x9E00;
	[tilespmem:s8+$0x7E70] =	vst v0  }
0x31: {  	[tilespmem:s8+$0x7E00] =	vst v0  }
0x32: {  	[tilespmem:s8+$0x7E10] =	vst v0  }
.Ltmp0:
0x33: {  	[tilespmem:s8+$0x7E20] =	vst v0;
	(pc) =	sbr.rel @p4 .LBB2_2-.Ltmp0, $4  }
0x34: {  	[tilespmem:s8+$0x7E30] =	vst v0  }
0x35: {  	[tilespmem:s8+$0x7E40] =	vst v0  }
0x36: {  	[tilespmem:s8+$0x7E50] =	vst v0  }
0x37: {  	[tilespmem:s8+$0x7E60] =	vst v0;
	s8 =	sshra.s32 s20, $0x2;
	s20 =	sadd.s32 $0x200, s20  }
0x38: {  	[tilespmem:s8+$0x7E70] =	vst v0  }
0x39: {  	[tilespmem:s8+$0x7E00] =	vst v0  }
0x3a: {  	[tilespmem:s8+$0x7E10] =	vst v0  }
0x3b: {  	[tilespmem:s8+$0x7E20] =	vst v0  }
0x3c: {  	[tilespmem:s8+$0x7E30] =	vst v0  }
0x3d: {  	[tilespmem:s8+$0x7E40] =	vst v0  }
0x3e: {  	[tilespmem:s8+$0x7E50] =	vst v0  }
0x3f: {  	[tilespmem:s8+$0x7E60] =	vst v0  }
0x40: {  	[spmem:s11] =	stream.linear.scatter [tilespmem:s9], [sflag:$0x13], $0x2800, $0x38;
	[tilespmem:$0x1DE80] =	vst v63  }
0x41: {  	_ =	swait.ge [sflag:s31], $0x2800  }
0x42: {  	[sflag:s31] =	ssyncset.done $0x0  }
0x43: {  	s1 =	rddreg [dreg:$0x8];
	[sflag:s31] =	ssyncadd.s32 $0xFFFFD800  }
0x44: {  	[spmem:s1] =	stream.linear.scatter [tilespmem:s9], [sflag:$0x13], $0x2800, $0x38;
	[tilespmem:$0x1DE80] =	vst v63  }
0x45: {  	_ =	swait.ge [sflag:s31], $0x2800  }
0x46: {  	[sflag:s31] =	ssyncset.done $0x0  }
0x47: {  	s23 =	rddreg [dreg:$0x9];
	[sflag:s31] =	ssyncadd.s32 $0xFFFFD800  }
0x48: {  	[spmem:s23] =	stream.linear.scatter [tilespmem:s9], [sflag:$0x13], $0x2800, $0x38;
	[tilespmem:$0x1DE80] =	vst v63  }
0x49: {  	_ =	swait.ge [sflag:s31], $0x2800  }
0x4a: {  	[sflag:s31] =	ssyncset.done $0x0  }
0x4b: {  	s24 =	rddreg [dreg:$0xa];
	[sflag:s31] =	ssyncadd.s32 $0xFFFFD800  }
0x4c: {  	[spmem:s24] =	stream.linear.scatter [tilespmem:s9], [sflag:$0x13], $0x2800, $0x38;
	[tilespmem:$0x1DE80] =	vst v63  }
0x4d: {  	_ =	swait.ge [sflag:s31], $0x2800  }
0x4e: {  	[sflag:s31] =	ssyncset.done $0x0  }
0x4f: {  	s25 =	rddreg [dreg:$0xb];
	[sflag:s31] =	ssyncadd.s32 $0xFFFFD800  }
0x50: {  	[spmem:s25] =	stream.linear.scatter [tilespmem:s9], [sflag:$0x13], $0x2800, $0x38;
	[tilespmem:$0x1DE80] =	vst v63  }
0x51: {  	_ =	swait.ge [sflag:s31], $0x2800  }
0x52: {  	[sflag:s31] =	ssyncset.done $0x0  }
0x53: {  	s26 =	rddreg [dreg:$0x13];
	[sflag:s31] =	ssyncadd.s32 $0xFFFFD800  }
0x54: {  	[spmem:s26] =	stream.linear.scatter [tilespmem:s9], [sflag:$0x13], $0x2800, $0x38;
	[tilespmem:$0x1DE80] =	vst v63  }
0x55: {  	_ =	swait.ge [sflag:s31], $0x2800  }
0x56: {  	[sflag:s31] =	ssyncset.done $0x0  }
0x57: {  	s28 =	rddreg [dreg:$0x14];
	[sflag:s31] =	ssyncadd.s32 $0xFFFFD800  }
0x58: {  	[spmem:s28] =	stream.linear.scatter [tilespmem:s9], [sflag:$0x13], $0x2800, $0x38;
	[tilespmem:$0x1DE80] =	vst v63  }
0x59: {  	_ =	swait.ge [sflag:s31], $0x2800  }
0x5a: {  	[sflag:s31] =	ssyncset.done $0x0  }
0x5b: {  	s29 =	rddreg [dreg:$0x15];
	[sflag:s31] =	ssyncadd.s32 $0xFFFFD800  }
0x5c: {  	[spmem:s29] =	stream.linear.scatter [tilespmem:s9], [sflag:$0x13], $0x2080, $0x38;
	[tilespmem:$0x1DE80] =	vst v63  }
0x5d: {  	_ =	swait.ge [sflag:s31], $0x2080  }
0x5e: {  	[sflag:s31] =	ssyncset.done $0x0  }
0x5f: {  	[sflag:s31] =	ssyncadd.s32 $0xFFFFDF80  }
0x60: {  	_ =	swait.ge [sflag:s10], $0x2800  }
0x61: {  	[sflag:s10] =	ssyncset.done $0x0  }
0x62: {  	s8 =	simm.s32 $0x0;
	[sflag:s10] =	ssyncadd.s32 $0xFFFFD800  }
0x63: {  	[tilespmem:s22], [sflag:$0x7] =	stream.indirect.gather.add.f32 [hbm:s21], $0x80, s8, s12, $0xb8;
	[tilespmem:$0x1DE80] =	vst v63  }
0x64: {  	s20 =	simm.s32 $0x0;
	[bflag:$0x0] =	sbarrier.arrive $0xFFFF  }
.LBB2_4:
0x65: {  	p4 =	sgt.u32 s8, $0x7A  }
.Ltmp1:
0x66: {  	_ = 	snop;
	(pc) =	sbr.rel @p4 .LBB2_6-.Ltmp1, $2  }
0x67: {  	_ =	sdelay $0x2  }
0x68: {  	s25 =	smul.u32 $0xAB, s8;
	s22 =	sadd.s32 $0x1, s8  }
0x69: {  	_ = 	snop  }
0x6a: {  	s23 =	sadd.s32 $0x156, s25  }
0x6b: {  	s24 =	sadd.s32 $0x2, s8;
	s23 =	sshrl.u32 s23, $0x9  }
0x6c: {  	s29 =	smul.u32 $0x50, s24;
	s23 =	sand.u32 $0x7F, s23  }
0x6d: {  	p4 =	slt.u32 s8, $0x2;
	s26 =	sand.u32 $0x3, s24;
	s23 =	smul.u32 $0x3, s23  }
0x6e: {  	s28 =	sadd.s32 @!p4 $0xF, s26;
	s1 =	smul.u32 $0xA000, s26;
	s26 =	sadd.s32 $0xB, s26  }
0x6f: {  	_ =	swait.ge @!p4 [sflag:s28], $0x2800;
	s23 =	ssub.s32 s24, s23;
	s24 =	sadd.s32 s4, s29  }
0x70: {  	[sflag:s28] =	ssyncset.done @!p4 $0x0;
	s1 =	sshrl.u32 s1, $0x2;
	s29 =	sshll.u32 s24, $0x5  }
0x71: {  	[sflag:s28] =	ssyncadd.s32 @!p4 $0xFFFFD800;
	s1 =	sor.u32 $0x600, s1;
	s28 =	sadd.s32 s17, s29  }
0x72: {  	[tilespmem:s1], [sflag:s26] =	stream.strided.gather [hbm4b:s28+s0], $0x2800, s7, s0, $0x38;
	[tilespmem:$0x1DE80] =	vst v63  }
.Ltmp2:
0x73: {  	s1 =	sand.u32 $0xFF, s23;
	s23 =	sshrl.u32 s24, $0x3;
	(pc) =	sbr.rel .LBB2_7-.Ltmp2, $4  }
0x74: {  	s24 =	sshll.u32 s1, $0x7;
	s26 =	sadd.s32 $0x1, s1;
	s29 =	sadd.s32 s5, s23  }
0x75: {  	[tilespmem:s24], [sflag:s26] =	stream.linear.gather [hbm4b:s29+s3], $0x50, $0x38;
	[tilespmem:$0x1DE80] =	vst v63  }
0x76: {  	s1 =	sadd.s32 $0x4, s1;
	s23 =	sadd.s32 s6, s23;
	s24 =	sadd.s32 $0x200, s24  }
0x77: {  	[tilespmem:s24], [sflag:s1] =	stream.linear.gather [hbm4b:s23+s3], $0x50, $0x38;
	[tilespmem:$0x1DE80] =	vst v63  }
.LBB2_6:
0x78: {  	p4 =	seq.s32 s8, $0x7C  }
.Ltmp3:
0x79: {  	_ = 	snop;
	(pc) =	sbr.rel @p4 .LBB2_8-.Ltmp3, $1  }
0x7a: {  	_ =	sdelay $0x3  }
.LBB2_7:
0x7b: {  	s1 =	sadd.s32 $0xAB, s25  }
0x7c: {  	s1 =	sshrl.u32 s1, $0x9  }
0x7d: {  	s1 =	sand.u32 $0x7F, s1  }
0x7e: {  	s1 =	smul.u32 $0x3, s1;
	_ =	sdelay $0x1  }
0x7f: {  	s1 =	ssub.s32 s22, s1  }
0x80: {  	s1 =	sand.u32 $0xFF, s1  }
0x81: {  	s23 =	sadd.s32 $0x1, s1  }
0x82: {  	_ =	swait.ge [sflag:s23], $0x50  }
0x83: {  	[sflag:s23] =	ssyncset.done $0x0  }
0x84: {  	s26 =	sadd.s32 $0x4, s1;
	[sflag:s23] =	ssyncadd.s32 $0xFFFFFFB0  }
0x85: {  	_ =	swait.ge [sflag:s26], $0x50  }
0x86: {  	s24 =	sand.u32 $0x3, s22;
	[sflag:s26] =	ssyncset.done $0x0  }
0x87: {  	s28 =	sadd.s32 $0xB, s24;
	[sflag:s26] =	ssyncadd.s32 $0xFFFFFFB0;
	s26 =	smul.u32 $0xA000, s24  }
0x88: {  	_ =	swait.ge [sflag:s28], $0x2800  }
0x89: {  	s29 =	sadd.s32 $0x7, s24;
	s26 =	sshrl.u32 s26, $0x2;
	[sflag:s28] =	ssyncset.done $0x0  }
0x8a: {  	s1 =	sshll.u32 s1, $0x7;
	s26 =	sor.u32 $0x600, s26;
	[sflag:s28] =	ssyncadd.s32 $0xFFFFD800  }
0x8b: {  	[tilespmem:s26], [sflag:s29] =	stream.indirect.gather.add.f32 [hbm:s21], $0x80, s1, s12, $0xb8;
	[tilespmem:$0x1DE80] =	vst v63  }
.LBB2_8:
0x8c: {  	s1 =	sand.u32 $0x3, s20;
	s23 =	sand.u32 $0x3, s8  }
0x8d: {  	s1 =	smul.u32 $0xA000, s1;
	s26 =	sadd.s32 $0x7, s23  }
0x8e: {  	_ =	swait.ge [sflag:s26], $0x2800  }
0x8f: {  	s1 =	sshrl.u32 s1, $0x2;
	[sflag:s26] =	ssyncset.done $0x0  }
0x90: {  	s24 =	sadd.s32 $0x800, s1;
	[sflag:s26] =	ssyncadd.s32 $0xFFFFD800  }
0x91: {  	v1 =	vld [tilespmem:s24+$0xFFFFFE10]  }
0x92: {  	v2 =	vld [tilespmem:s24+$0xFFFFFE20]  }
0x93: {  	v7 =	vld [tilespmem:s24+$0x1F0]  }
0x94: {  	v3 =	vld [tilespmem:s24+$0xFFFFFE30]  }
0x95: {  	v9 =	vld [tilespmem:s24+$0xFFFFFE90]  }
0x96: {  	v10 =	vld [tilespmem:s24+$0xFFFFFEA0]  }
0x97: {  	v4 =	vld [tilespmem:s24+$0xFFFFFE40];
	v1 =	vmax.f32 v1, $0.0e+00  }
0x98: {  	v5 =	vld [tilespmem:s24+$0xFFFFFE50];
	v7 =	vmax.f32 v7, $0.0e+00;
	[tilespmem:s24+$0xFFFFFE10] =	vst v1  }
0x99: {  	v11 =	vld [tilespmem:s24+$0xFFFFFEB0];
	v2 =	vmax.f32 v2, $0.0e+00;
	[tilespmem:s24+$0x1F0] =	vst v7  }
0x9a: {  	v9 =	vmax.f32 v9, $0.0e+00;
	v1 =	vld [tilespmem:s24+$0xFFFFFE70];
	[tilespmem:s24+$0xFFFFFE20] =	vst v2  }
0x9b: {  	v10 =	vmax.f32 v10, $0.0e+00;
	v7 =	vld [tilespmem:s24+$0xFFFFFEC0];
	[tilespmem:s24+$0xFFFFFE90] =	vst v9  }
0x9c: {  	v8 =	vld [tilespmem:s24+$0xFFFFFE80];
	v2 =	vmax.f32 v3, $0.0e+00;
	[tilespmem:s24+$0xFFFFFEA0] =	vst v10  }
0x9d: {  	[tilespmem:s24+$0xFFFFFE30] =	vst v2;
	v2 =	vmax.f32 v4, $0.0e+00;
	v4 =	vld [tilespmem:s24+$0xFFFFFF00]  }
0x9e: {  	v56 =	vmax.f32 v11, $0.0e+00;
	[tilespmem:s24+$0xFFFFFE40] =	vst v2;
	v2 =	vmax.f32 v5, $0.0e+00;
	v5 =	vld [tilespmem:s24+$0xFFFFFF10]  }
0x9f: {  	[tilespmem:s24+$0xFFFFFEB0] =	vst v56;
	v1 =	vmax.f32 v1, $0.0e+00  }
0xa0: {  	v6 =	vld [tilespmem:s24+$0xFFFFFE60];
	v7 =	vmax.f32 v7, $0.0e+00;
	[tilespmem:s24+$0xFFFFFE70] =	vst v1  }
0xa1: {  	v3 =	vld [tilespmem:s24+$0xFFFFFED0];
	v1 =	vmax.f32 v8, $0.0e+00;
	[tilespmem:s24+$0xFFFFFEC0] =	vst v7  }
0xa2: {  	v7 =	vld [tilespmem:s24+$0xFFFFFF90];
	[tilespmem:s24+$0xFFFFFE80] =	vst v1;
	v1 =	vmax.f32 v4, $0.0e+00  }
0xa3: {  	v5 =	vmax.f32 v5, $0.0e+00;
	[tilespmem:s24+$0xFFFFFF00] =	vst v1;
	v1 =	vld [tilespmem:s24+$0xFFFFFEE0]  }
0xa4: {  	[tilespmem:s24+$0xFFFFFF10] =	vst v5;
	v5 =	vld [tilespmem:s24+$0xFFFFFEF0]  }
0xa5: {  	[tilespmem:s24+$0xFFFFFE50] =	vst v2;
	v2 =	vmax.f32 v6, $0.0e+00;
	v6 =	vld [tilespmem:s24+$0xFFFFFF20]  }
0xa6: {  	[tilespmem:s24+$0xFFFFFE60] =	vst v2;
	v2 =	vld [tilespmem:s24+$0xFFFFFF30];
	v3 =	vmax.f32 v3, $0.0e+00  }
0xa7: {  	v8 =	vld [tilespmem:s24+$0xFFFFFF40];
	[tilespmem:s24+$0xFFFFFED0] =	vst v3;
	v7 =	vmax.f32 v7, $0.0e+00  }
0xa8: {  	v4 =	vld [tilespmem:s24+$0xFFFFFF50];
	[tilespmem:s24+$0xFFFFFF90] =	vst v7;
	v1 =	vmax.f32 v1, $0.0e+00  }
0xa9: {  	v55 =	vld [tilespmem:s24+$0xFFFFFF60];
	[tilespmem:s24+$0xFFFFFEE0] =	vst v1;
	v1 =	vmax.f32 v5, $0.0e+00  }
0xaa: {  	v57 =	vld [tilespmem:s24+$0xFFFFFF70];
	[tilespmem:s24+$0xFFFFFEF0] =	vst v1;
	v1 =	vmax.f32 v6, $0.0e+00  }
0xab: {  	v58 =	vld [tilespmem:s24+$0xFFFFFF80];
	[tilespmem:s24+$0xFFFFFF20] =	vst v1;
	v1 =	vmax.f32 v2, $0.0e+00  }
0xac: {  	[tilespmem:s24+$0xFFFFFF30] =	vst v1;
	v1 =	vmax.f32 v8, $0.0e+00;
	v8 =	vld [tilespmem:s24+$0x0]  }
0xad: {  	[tilespmem:s24+$0xFFFFFF40] =	vst v1;
	v1 =	vmax.f32 v4, $0.0e+00;
	v4 =	vld [tilespmem:s24+$0x10]  }
0xae: {  	v3 =	vld [tilespmem:s24+$0xFFFFFFA0];
	[tilespmem:s24+$0xFFFFFF50] =	vst v1;
	v1 =	vmax.f32 v55, $0.0e+00  }
0xaf: {  	v5 =	vld [tilespmem:s24+$0xFFFFFFB0];
	[tilespmem:s24+$0xFFFFFF60] =	vst v1;
	v1 =	vmax.f32 v57, $0.0e+00  }
0xb0: {  	v6 =	vld [tilespmem:s24+$0xFFFFFFC0];
	[tilespmem:s24+$0xFFFFFF70] =	vst v1;
	v1 =	vmax.f32 v58, $0.0e+00  }
0xb1: {  	v2 =	vld [tilespmem:s24+$0xFFFFFFD0];
	[tilespmem:s24+$0xFFFFFF80] =	vst v1;
	v1 =	vmax.f32 v8, $0.0e+00  }
0xb2: {  	[tilespmem:s24+$0x0] =	vst v1;
	v1 =	vld [tilespmem:s24+$0xFFFFFFE0];
	v4 =	vmax.f32 v4, $0.0e+00  }
0xb3: {  	v3 =	vmax.f32 v3, $0.0e+00;
	[tilespmem:s24+$0x10] =	vst v4;
	v4 =	vld [tilespmem:s24+$0xFFFFFFF0]  }
0xb4: {  	v59 =	vld [tilespmem:s24+$0x20];
	[tilespmem:s24+$0xFFFFFFA0] =	vst v3;
	v3 =	vmax.f32 v5, $0.0e+00  }
0xb5: {  	[tilespmem:s24+$0xFFFFFFB0] =	vst v3;
	v3 =	vmax.f32 v6, $0.0e+00;
	v6 =	vld [tilespmem:s24+$0x80]  }
0xb6: {  	v60 =	vld [tilespmem:s24+$0x30];
	[tilespmem:s24+$0xFFFFFFC0] =	vst v3;
	v2 =	vmax.f32 v2, $0.0e+00  }
0xb7: {  	v3 =	vld [tilespmem:s24+$0x90];
	[tilespmem:s24+$0xFFFFFFD0] =	vst v2;
	v1 =	vmax.f32 v1, $0.0e+00  }
0xb8: {  	v61 =	vld [tilespmem:s24+$0x40];
	[tilespmem:s24+$0xFFFFFFE0] =	vst v1;
	v1 =	vmax.f32 v4, $0.0e+00  }
0xb9: {  	v8 =	vld [tilespmem:s24+$0x50];
	[tilespmem:s24+$0xFFFFFFF0] =	vst v1;
	v1 =	vmax.f32 v59, $0.0e+00  }
0xba: {  	v7 =	vld [tilespmem:s24+$0x60];
	[tilespmem:s24+$0x20] =	vst v1;
	v1 =	vmax.f32 v6, $0.0e+00  }
0xbb: {  	v5 =	vld [tilespmem:s24+$0x70];
	[tilespmem:s24+$0x80] =	vst v1;
	v1 =	vmax.f32 v60, $0.0e+00  }
0xbc: {  	v2 =	vld [tilespmem:s24+$0xA0];
	[tilespmem:s24+$0x30] =	vst v1;
	v1 =	vmax.f32 v3, $0.0e+00  }
0xbd: {  	v4 =	vld [tilespmem:s24+$0xB0];
	[tilespmem:s24+$0x90] =	vst v1;
	v1 =	vmax.f32 v61, $0.0e+00  }
0xbe: {  	v62 =	vld [tilespmem:s24+$0xC0];
	[tilespmem:s24+$0x40] =	vst v1;
	v1 =	vmax.f32 v8, $0.0e+00  }
0xbf: {  	[tilespmem:s24+$0x50] =	vst v1;
	v1 =	vmax.f32 v7, $0.0e+00;
	v7 =	vld [tilespmem:s24+$0x100]  }
0xc0: {  	v6 =	vld [tilespmem:s24+$0xD0];
	[tilespmem:s24+$0x60] =	vst v1;
	v1 =	vmax.f32 v5, $0.0e+00  }
0xc1: {  	v5 =	vld [tilespmem:s24+$0x110];
	[tilespmem:s24+$0x70] =	vst v1;
	v1 =	vmax.f32 v2, $0.0e+00  }
0xc2: {  	v3 =	vld [tilespmem:s24+$0xE0];
	[tilespmem:s24+$0xA0] =	vst v1;
	v1 =	vmax.f32 v4, $0.0e+00  }
0xc3: {  	v8 =	vld [tilespmem:s24+$0xF0];
	[tilespmem:s24+$0xB0] =	vst v1;
	v1 =	vmax.f32 v62, $0.0e+00  }
0xc4: {  	v2 =	vld [tilespmem:s24+$0x120];
	[tilespmem:s24+$0xC0] =	vst v1;
	v1 =	vmax.f32 v7, $0.0e+00  }
0xc5: {  	v7 =	vld [tilespmem:s24+$0x150];
	[tilespmem:s24+$0x100] =	vst v1;
	v1 =	vmax.f32 v6, $0.0e+00  }
0xc6: {  	v4 =	vld [tilespmem:s24+$0x130];
	[tilespmem:s24+$0xD0] =	vst v1;
	v1 =	vmax.f32 v5, $0.0e+00  }
0xc7: {  	v63 =	vld [tilespmem:s24+$0x140];
	[tilespmem:s24+$0x110] =	vst v1;
	v1 =	vmax.f32 v3, $0.0e+00  }
0xc8: {  	v6 =	vld [tilespmem:s24+$0x170];
	[tilespmem:s24+$0xE0] =	vst v1;
	v1 =	vmax.f32 v8, $0.0e+00  }
0xc9: {  	v5 =	vld [tilespmem:s24+$0x160];
	[tilespmem:s24+$0xF0] =	vst v1;
	v1 =	vmax.f32 v2, $0.0e+00  }
0xca: {  	v3 =	vld [tilespmem:s24+$0x180];
	v2 =	vmax.f32 v7, $0.0e+00;
	[tilespmem:s24+$0x120] =	vst v1  }
0xcb: {  	v1 =	vmax.f32 v4, $0.0e+00;
	v4 =	vld [tilespmem:s24+$0x190];
	[tilespmem:s24+$0x150] =	vst v2  }
0xcc: {  	s25 =	sshrl.u32 s25, $0x9;
	v8 =	vld [tilespmem:s24+$0x1A0];
	[tilespmem:s24+$0x130] =	vst v1;
	v1 =	vmax.f32 v63, $0.0e+00  }
0xcd: {  	s1 =	sand.u32 $0x7F, s25;
	s26 =	smul.u32 $0xA000, s23;
	v6 =	vmax.f32 v6, $0.0e+00;
	[tilespmem:s24+$0x140] =	vst v1;
	v1 =	vld [tilespmem:s24+$0x1B0]  }
0xce: {  	s1 =	smul.u32 $0x3, s1;
	v2 =	vld [tilespmem:s24+$0x1C0];
	v5 =	vmax.f32 v5, $0.0e+00;
	[tilespmem:s24+$0x170] =	vst v6  }
0xcf: {  	[tilespmem:s24+$0x160] =	vst v5;
	v5 =	vmax.f32 v3, $0.0e+00;
	v3 =	vld [tilespmem:s24+$0x1D0]  }
0xd0: {  	s28 =	sadd.s32 $0x400, s24;
	s29 =	sshrl.u32 s26, $0x2;
	s1 =	ssub.s32 s8, s1;
	[tilespmem:s24+$0x180] =	vst v5;
	v6 =	vmax.f32 v4, $0.0e+00;
	v4 =	vld [tilespmem:s24+$0x1E0]  }
0xd1: {  	s26 =	simm.s32 $0x0;
	s25 =	sor.u32 $0x600, s29;
	s8 =	sand.u32 $0xFF, s1;
	v5 =	vld [tilespmem:s24+$0xFFFFFE00];
	[tilespmem:s24+$0x190] =	vst v6;
	v6 =	vmax.f32 v8, $0.0e+00  }
.LBB2_9:
0xd2: {  	v7 =	vld [tilespmem:s28+$0x1F0];
	s26 =	sadd.s32 $0x8, s26;
	[tilespmem:s24+$0x1A0] =	vst v6;
	v1 =	vmax.f32 v1, $0.0e+00  }
0xd3: {  	v6 =	vld [tilespmem:s28+$0xFFFFFE10];
	p4 =	slt.u32 s26, $0x48;
	[tilespmem:s24+$0x1B0] =	vst v1;
	v1 =	vmax.f32 v2, $0.0e+00  }
0xd4: {  	v2 =	vld [tilespmem:s28+$0xFFFFFE20];
	[tilespmem:s24+$0x1C0] =	vst v1;
	v1 =	vmax.f32 v3, $0.0e+00  }
0xd5: {  	v3 =	vld [tilespmem:s28+$0xFFFFFE30];
	[tilespmem:s24+$0x1D0] =	vst v1;
	v1 =	vmax.f32 v4, $0.0e+00  }
0xd6: {  	v4 =	vld [tilespmem:s28+$0xFFFFFE40];
	v5 =	vmax.f32 v5, $0.0e+00;
	[tilespmem:s24+$0x1E0] =	vst v1  }
0xd7: {  	v1 =	vld [tilespmem:s28+$0xFFFFFE50];
	v7 =	vmax.f32 v7, $0.0e+00;
	[tilespmem:s24+$0xFFFFFE00] =	vst v5;
	s24 =	smov.u32 s28  }
0xd8: {  	v5 =	vmax.f32 v6, $0.0e+00;
	v6 =	vld [tilespmem:s28+$0xFFFFFE60];
	[tilespmem:s28+$0x1F0] =	vst v7  }
0xd9: {  	[tilespmem:s28+$0xFFFFFE10] =	vst v5;
	v2 =	vmax.f32 v2, $0.0e+00;
	v5 =	vld [tilespmem:s28+$0xFFFFFE70]  }
0xda: {  	[tilespmem:s28+$0xFFFFFE20] =	vst v2;
	v2 =	vmax.f32 v3, $0.0e+00;
	v3 =	vld [tilespmem:s28+$0xFFFFFE80]  }
0xdb: {  	[tilespmem:s28+$0xFFFFFE30] =	vst v2;
	v2 =	vmax.f32 v4, $0.0e+00;
	v4 =	vld [tilespmem:s28+$0xFFFFFE90]  }
0xdc: {  	[tilespmem:s28+$0xFFFFFE40] =	vst v2;
	v1 =	vmax.f32 v1, $0.0e+00;
	v2 =	vld [tilespmem:s28+$0xFFFFFEA0]  }
0xdd: {  	[tilespmem:s28+$0xFFFFFE50] =	vst v1;
	v1 =	vmax.f32 v6, $0.0e+00;
	v6 =	vld [tilespmem:s28+$0xFFFFFEB0]  }
0xde: {  	[tilespmem:s28+$0xFFFFFE60] =	vst v1;
	v1 =	vmax.f32 v5, $0.0e+00;
	v5 =	vld [tilespmem:s28+$0xFFFFFEC0]  }
0xdf: {  	[tilespmem:s28+$0xFFFFFE70] =	vst v1;
	v1 =	vmax.f32 v3, $0.0e+00;
	v3 =	vld [tilespmem:s28+$0xFFFFFED0]  }
0xe0: {  	[tilespmem:s28+$0xFFFFFE80] =	vst v1;
	v1 =	vmax.f32 v4, $0.0e+00;
	v4 =	vld [tilespmem:s28+$0xFFFFFEE0]  }
0xe1: {  	[tilespmem:s28+$0xFFFFFE90] =	vst v1;
	v1 =	vmax.f32 v2, $0.0e+00;
	v2 =	vld [tilespmem:s28+$0xFFFFFEF0]  }
0xe2: {  	[tilespmem:s28+$0xFFFFFEA0] =	vst v1;
	v1 =	vmax.f32 v6, $0.0e+00;
	v6 =	vld [tilespmem:s28+$0xFFFFFF00]  }
0xe3: {  	[tilespmem:s28+$0xFFFFFEB0] =	vst v1;
	v1 =	vmax.f32 v5, $0.0e+00;
	v5 =	vld [tilespmem:s28+$0xFFFFFF10]  }
0xe4: {  	[tilespmem:s28+$0xFFFFFEC0] =	vst v1;
	v1 =	vmax.f32 v3, $0.0e+00;
	v3 =	vld [tilespmem:s28+$0xFFFFFF20]  }
0xe5: {  	[tilespmem:s28+$0xFFFFFED0] =	vst v1;
	v1 =	vmax.f32 v4, $0.0e+00;
	v4 =	vld [tilespmem:s28+$0xFFFFFF30]  }
0xe6: {  	[tilespmem:s28+$0xFFFFFEE0] =	vst v1;
	v1 =	vmax.f32 v2, $0.0e+00;
	v2 =	vld [tilespmem:s28+$0xFFFFFF40]  }
0xe7: {  	[tilespmem:s28+$0xFFFFFEF0] =	vst v1;
	v1 =	vmax.f32 v6, $0.0e+00;
	v6 =	vld [tilespmem:s28+$0xFFFFFF50]  }
0xe8: {  	[tilespmem:s28+$0xFFFFFF00] =	vst v1;
	v1 =	vmax.f32 v5, $0.0e+00;
	v5 =	vld [tilespmem:s28+$0xFFFFFF60]  }
0xe9: {  	[tilespmem:s28+$0xFFFFFF10] =	vst v1;
	v1 =	vmax.f32 v3, $0.0e+00;
	v3 =	vld [tilespmem:s28+$0xFFFFFF70]  }
0xea: {  	[tilespmem:s28+$0xFFFFFF20] =	vst v1;
	v1 =	vmax.f32 v4, $0.0e+00;
	v4 =	vld [tilespmem:s28+$0xFFFFFF80]  }
0xeb: {  	[tilespmem:s28+$0xFFFFFF30] =	vst v1;
	v1 =	vmax.f32 v2, $0.0e+00;
	v2 =	vld [tilespmem:s28+$0xFFFFFF90]  }
0xec: {  	[tilespmem:s28+$0xFFFFFF40] =	vst v1;
	v1 =	vmax.f32 v6, $0.0e+00;
	v6 =	vld [tilespmem:s28+$0xFFFFFFA0]  }
0xed: {  	[tilespmem:s28+$0xFFFFFF50] =	vst v1;
	v1 =	vmax.f32 v5, $0.0e+00;
	v5 =	vld [tilespmem:s28+$0xFFFFFFB0]  }
0xee: {  	[tilespmem:s28+$0xFFFFFF60] =	vst v1;
	v1 =	vmax.f32 v3, $0.0e+00;
	v3 =	vld [tilespmem:s28+$0xFFFFFFC0]  }
0xef: {  	[tilespmem:s28+$0xFFFFFF70] =	vst v1;
	v1 =	vmax.f32 v4, $0.0e+00;
	v4 =	vld [tilespmem:s28+$0xFFFFFFD0]  }
0xf0: {  	[tilespmem:s28+$0xFFFFFF80] =	vst v1;
	v1 =	vmax.f32 v2, $0.0e+00;
	v2 =	vld [tilespmem:s28+$0xFFFFFFE0]  }
0xf1: {  	[tilespmem:s28+$0xFFFFFF90] =	vst v1;
	v1 =	vmax.f32 v6, $0.0e+00;
	v6 =	vld [tilespmem:s28+$0xFFFFFFF0]  }
0xf2: {  	[tilespmem:s28+$0xFFFFFFA0] =	vst v1;
	v1 =	vmax.f32 v5, $0.0e+00;
	v5 =	vld [tilespmem:s28+$0x0]  }
0xf3: {  	[tilespmem:s28+$0xFFFFFFB0] =	vst v1;
	v1 =	vmax.f32 v3, $0.0e+00;
	v3 =	vld [tilespmem:s28+$0x10]  }
0xf4: {  	[tilespmem:s28+$0xFFFFFFC0] =	vst v1;
	v1 =	vmax.f32 v4, $0.0e+00;
	v4 =	vld [tilespmem:s28+$0x20]  }
0xf5: {  	[tilespmem:s28+$0xFFFFFFD0] =	vst v1;
	v1 =	vmax.f32 v2, $0.0e+00;
	v2 =	vld [tilespmem:s28+$0x30]  }
0xf6: {  	[tilespmem:s28+$0xFFFFFFE0] =	vst v1;
	v1 =	vmax.f32 v6, $0.0e+00;
	v6 =	vld [tilespmem:s28+$0x40]  }
0xf7: {  	[tilespmem:s28+$0xFFFFFFF0] =	vst v1;
	v1 =	vmax.f32 v5, $0.0e+00;
	v5 =	vld [tilespmem:s28+$0x50]  }
0xf8: {  	[tilespmem:s28+$0x0] =	vst v1;
	v1 =	vmax.f32 v3, $0.0e+00;
	v3 =	vld [tilespmem:s28+$0x60]  }
0xf9: {  	[tilespmem:s28+$0x10] =	vst v1;
	v1 =	vmax.f32 v4, $0.0e+00;
	v4 =	vld [tilespmem:s28+$0x70]  }
0xfa: {  	[tilespmem:s28+$0x20] =	vst v1;
	v1 =	vmax.f32 v2, $0.0e+00;
	v2 =	vld [tilespmem:s28+$0x80]  }
0xfb: {  	[tilespmem:s28+$0x30] =	vst v1;
	v1 =	vmax.f32 v6, $0.0e+00;
	v6 =	vld [tilespmem:s28+$0x90]  }
0xfc: {  	[tilespmem:s28+$0x40] =	vst v1;
	v1 =	vmax.f32 v5, $0.0e+00;
	v5 =	vld [tilespmem:s28+$0xA0]  }
0xfd: {  	[tilespmem:s28+$0x50] =	vst v1;
	v1 =	vmax.f32 v3, $0.0e+00;
	v3 =	vld [tilespmem:s28+$0xB0]  }
0xfe: {  	[tilespmem:s28+$0x60] =	vst v1;
	v1 =	vmax.f32 v4, $0.0e+00;
	v4 =	vld [tilespmem:s28+$0xC0]  }
0xff: {  	[tilespmem:s28+$0x70] =	vst v1;
	v1 =	vmax.f32 v2, $0.0e+00;
	v2 =	vld [tilespmem:s28+$0xD0]  }
0x100: {  	[tilespmem:s28+$0x80] =	vst v1;
	v1 =	vmax.f32 v6, $0.0e+00;
	v6 =	vld [tilespmem:s28+$0xE0]  }
0x101: {  	[tilespmem:s28+$0x90] =	vst v1;
	v1 =	vmax.f32 v5, $0.0e+00;
	v5 =	vld [tilespmem:s28+$0xF0]  }
0x102: {  	[tilespmem:s28+$0xA0] =	vst v1;
	v1 =	vmax.f32 v3, $0.0e+00;
	v3 =	vld [tilespmem:s28+$0x100]  }
0x103: {  	[tilespmem:s28+$0xB0] =	vst v1;
	v1 =	vmax.f32 v4, $0.0e+00;
	v4 =	vld [tilespmem:s28+$0x110]  }
0x104: {  	[tilespmem:s28+$0xC0] =	vst v1;
	v1 =	vmax.f32 v2, $0.0e+00;
	v2 =	vld [tilespmem:s28+$0x120]  }
0x105: {  	[tilespmem:s28+$0xD0] =	vst v1;
	v1 =	vmax.f32 v6, $0.0e+00;
	v6 =	vld [tilespmem:s28+$0x130]  }
0x106: {  	[tilespmem:s28+$0xE0] =	vst v1;
	v1 =	vmax.f32 v5, $0.0e+00;
	v5 =	vld [tilespmem:s28+$0x140]  }
0x107: {  	[tilespmem:s28+$0xF0] =	vst v1;
	v1 =	vmax.f32 v3, $0.0e+00;
	v3 =	vld [tilespmem:s28+$0x150]  }
0x108: {  	[tilespmem:s28+$0x100] =	vst v1;
	v1 =	vmax.f32 v4, $0.0e+00;
	v4 =	vld [tilespmem:s28+$0x160]  }
0x109: {  	[tilespmem:s28+$0x110] =	vst v1;
	v1 =	vmax.f32 v2, $0.0e+00;
	v2 =	vld [tilespmem:s28+$0x170]  }
0x10a: {  	[tilespmem:s28+$0x120] =	vst v1;
	v1 =	vmax.f32 v6, $0.0e+00;
	v6 =	vld [tilespmem:s28+$0x180]  }
0x10b: {  	[tilespmem:s28+$0x130] =	vst v1;
	v1 =	vmax.f32 v5, $0.0e+00;
	v5 =	vld [tilespmem:s28+$0x190]  }
0x10c: {  	[tilespmem:s28+$0x140] =	vst v1;
	v1 =	vmax.f32 v3, $0.0e+00;
	v7 =	vld [tilespmem:s28+$0x1A0]  }
.Ltmp4:
0x10d: {  	[tilespmem:s28+$0x150] =	vst v1;
	v3 =	vmax.f32 v4, $0.0e+00;
	v1 =	vld [tilespmem:s28+$0x1B0];
	(pc) =	sbr.rel @p4 .LBB2_9-.Ltmp4, $4  }
0x10e: {  	[tilespmem:s28+$0x160] =	vst v3;
	v3 =	vmax.f32 v2, $0.0e+00;
	v2 =	vld [tilespmem:s28+$0x1C0]  }
0x10f: {  	[tilespmem:s28+$0x170] =	vst v3;
	v4 =	vmax.f32 v6, $0.0e+00;
	v3 =	vld [tilespmem:s28+$0x1D0]  }
0x110: {  	[tilespmem:s28+$0x180] =	vst v4;
	v6 =	vmax.f32 v5, $0.0e+00;
	v4 =	vld [tilespmem:s28+$0x1E0]  }
0x111: {  	s28 =	sadd.s32 $0x400, s28;
	v5 =	vld [tilespmem:s24+$0xFFFFFE00];
	[tilespmem:s24+$0x190] =	vst v6;
	v6 =	vmax.f32 v7, $0.0e+00  }
0x112: {  	[tilespmem:s24+$0x1A0] =	vst v6;
	v1 =	vmax.f32 v1, $0.0e+00  }
0x113: {  	[tilespmem:s24+$0x1B0] =	vst v1;
	v1 =	vmax.f32 v2, $0.0e+00  }
0x114: {  	[tilespmem:s24+$0x1C0] =	vst v1;
	v1 =	vmax.f32 v3, $0.0e+00  }
0x115: {  	[tilespmem:s24+$0x1D0] =	vst v1;
	v1 =	vmax.f32 v4, $0.0e+00  }
0x116: {  	v2 =	vmax.f32 v5, $0.0e+00;
	[tilespmem:s24+$0x1E0] =	vst v1  }
0x117: {  	s1 =	sshll.u32 s8, $0x7;
	[tilespmem:s24+$0xFFFFFE00] =	vst v2  }
0x118: {  	v1 =	vld [tilespmem:s1+$0x200];
	_ =	sdelay $0x3  }
0x119: {  	s26 =	sshll.u32 s23, $0x7  }
0x11a: {  	[tilespmem:s26+$0x400] =	vst v1  }
0x11b: {  	v1 =	vld [tilespmem:s1+$0x210];
	_ =	sdelay $0x4  }
0x11c: {  	[tilespmem:s26+$0x410] =	vst v1  }
0x11d: {  	v1 =	vld [tilespmem:s1+$0x220];
	_ =	sdelay $0x4  }
0x11e: {  	[tilespmem:s26+$0x420] =	vst v1  }
0x11f: {  	v1 =	vld [tilespmem:s1+$0x230];
	_ =	sdelay $0x4  }
0x120: {  	[tilespmem:s26+$0x430] =	vst v1  }
0x121: {  	v1 =	vld [tilespmem:s1+$0x240]  }
0x122: {  	p4 =	sne.s32 s22, $0x7D  }
.Ltmp5:
0x123: {  	_ = 	snop;
	(pc) =	sbr.rel @p4 .LBB2_4-.Ltmp5, $4  }
0x124: {  	_ = 	snop  }
0x125: {  	s29 =	sadd.s32 $0xF, s23  }
0x126: {  	s20 =	sadd.s32 $0x1, s20;
	s8 =	smov.u32 s22;
	s28 =	sor.u32 $0x400, s26;
	[tilespmem:s26+$0x440] =	vst v1  }
0x127: {  	[spmem:s2] =	stream.indirect.scatter.add.f32 [tilespmem:s25], [sflag:s29], $0x80, s28, s12, $0xb8;
	[tilespmem:$0x1DE80] =	vst v63  }
0x128: {  	_ =	swait.ge [sflag:s13], $0x2800  }
0x129: {  	[sflag:s13] =	ssyncset.done $0x0  }
0x12a: {  	[sflag:s13] =	ssyncadd.s32 $0xFFFFD800  }
0x12b: {  	_ =	swait.ge [sflag:s14], $0x2800  }
0x12c: {  	[sflag:s14] =	ssyncset.done $0x0  }
0x12d: {  	[sflag:s14] =	ssyncadd.s32 $0xFFFFD800  }
0x12e: {  	_ =	swait.ge [sflag:s15], $0x2800  }
0x12f: {  	[sflag:s15] =	ssyncset.done $0x0  }
0x130: {  	[sflag:s15] =	ssyncadd.s32 $0xFFFFD800  }
0x131: {  	_ =	swait.ge [sflag:s18], $0x2800  }
0x132: {  	[sflag:s18] =	ssyncset.done $0x0  }
0x133: {  	[sflag:s18] =	ssyncadd.s32 $0xFFFFD800  }
0x134: {  	[bflag:$0x0] =	sbarrier.arrive $0xFFFF  }
0x135: {  	s1 =	sshrl.u32 @!p0 s30, $0x3;
	s8 =	simm.s32 @!p0 $0x1FD3;
	s20 =	rddreg [dreg:$0xd]  }
0x136: {  	[hbm:s20], [sflag:s8] =	dma.local @!p0 [spmem:s1], $0x2800  }
0x137: {  	s1 =	simm.s32 @!p0 $0x13  }
0x138: {  	s22 =	stileid.u32;
	_ =	swait.ge @!p0 [sflag:s1], $0x2800  }
0x139: {  	s8 =	sshll.u32 @!p1 s22, $0x6;
	[sflag:s1] =	ssyncset.done @!p0 $0x0;
	s20 =	rddreg [dreg:$0xc]  }
0x13a: {  	[sflag:s1] =	ssyncadd.s32 @!p0 $0xFFFFD800;
	s1 =	sor.u32 @!p1 $0x1C13, s8;
	s8 =	sshrl.u32 @!p1 s16, $0x3  }
0x13b: {  	[hbm:s20], [sflag:s1] =	dma.local @!p1 [spmem:s8], $0x2700  }
0x13c: {  	s1 =	simm.s32 @!p1 $0x13  }
0x13d: {  	_ =	swait.ge @!p1 [sflag:s1], $0x2700  }
0x13e: {  	s8 =	simm.s32 @!p2 $0x1FD3;
	[sflag:s1] =	ssyncset.done @!p1 $0x0  }
0x13f: {  	s20 =	rddreg [dreg:$0xf];
	[sflag:s1] =	ssyncadd.s32 @!p1 $0xFFFFD900;
	s1 =	sshrl.u32 @!p2 s30, $0x3  }
0x140: {  	[hbm:s20], [sflag:s8] =	dma.local @!p2 [spmem:s1], $0x2800  }
0x141: {  	s1 =	simm.s32 @!p2 $0x13  }
0x142: {  	_ =	swait.ge @!p2 [sflag:s1], $0x2800  }
0x143: {  	s8 =	sshll.u32 @!p3 s22, $0x6;
	[sflag:s1] =	ssyncset.done @!p2 $0x0;
	s22 =	rddreg [dreg:$0xe]  }
0x144: {  	[sflag:s1] =	ssyncadd.s32 @!p2 $0xFFFFD800;
	s1 =	sor.u32 @!p3 $0x1C13, s8;
	s8 =	sshrl.u32 @!p3 s16, $0x3  }
0x145: {  	[hbm:s22], [sflag:s1] =	dma.local @!p3 [spmem:s8], $0x2700  }
0x146: {  	s1 =	simm.s32 @!p3 $0x13  }
0x147: {  	_ =	swait.ge @!p3 [sflag:s1], $0x2700  }
0x148: {  	s19 =	sadd.s32 $0x1, s19;
	s29 =	rddreg [dreg:$0x10]  }
0x149: {  	p4 =	sne.s32 s19, s29  }
.Ltmp6:
0x14a: {  	_ = 	snop;
	(pc) =	sbr.rel @p4 .LBB2_1-.Ltmp6, $3  }
0x14b: {  	_ =	sdelay $0x1  }
0x14c: {  	[sflag:s1] =	ssyncset.done @!p3 $0x0  }
0x14d: {  	s20 =	stileid.u32;
	s22 =	simm.s32 $0x600;
	[sflag:s1] =	ssyncadd.s32 @!p3 $0xFFFFD900  }
0x14e: {  	_ =	sfence.sel $0x180000  }
0x14f: {  	[bflag:$0x0] =	sbarrier.arrive $0xFFFF  }
0x150: {  	_ =	strace $0x90000047  }
0x151: {  	[bflag:$0x2] =	sbarrier.arrive $0xFFFF  }
0x152: {  	p0 =	sne.s32 s20, $0x0;
	s0 =	rddreg [dreg:$0x3]  }
0x153: {  	s0 =	sadd.s32 @!p0 $0x100000, s0  }
0x154: {  	[sflag:s0] =	ssyncadd.tile.s32 @!p0 $0x1;
	_ =	shalt  }
.Lfunc_end2:
_tile_overlayer_lowered:
.L_overlay_start_2:
0x155: {  	(tag) =	ssettag $0x2  }
0x156: {  	s0 =	rddreg [dreg:$0x0];
	s2 =	stileid.u32  }
0x157: {  	s1 =	rddreg [dreg:$0x1];
	p0 =	sne.s32 s2, $0x0  }
0x158: {  	s3 =	rddreg [dreg:$0x2];
	[bflag:$0x3] =	sbarrier.arrive $0xFFFF;
	s2 =	simm.s32 @!p0 $0x1C13  }
0x159: {  	[timem:s3], [sflag:s2] =	dma.local @!p0 [hbm:s0], s1  }
0x15a: {  	s0 =	simm.s32 @!p0 $0x13  }
0x15b: {  	_ =	swait.ge @!p0 [sflag:s0], s1  }
0x15c: {  	s1 =	ssub.s32 @!p0 $0x0, s1;
	[sflag:s0] =	ssyncset.done @!p0 $0x0  }
0x15d: {  	[sflag:s0] =	ssyncadd.s32 @!p0 s1  }
0x15e: {  	[bflag:$0x3] =	sbarrier.arrive $0xFFFF  }
0x15f: {  	_ =	shalt  }

</sc_bundles>
